<compile_context>
chip_gen: v7x
topology: tpu7x:2x2x1
jax: 0.10.2.dev20260603
libtpu: 0.0.44.dev20260713+nightly
codegen_flags: <defaults>
</compile_context>

<pallas_src>
import functools

import jax
import jax.numpy as jnp
from jax import lax
from jax.experimental import pallas as pl
from jax.experimental.pallas import tpu as pltpu
from jax.experimental.pallas import tpu_sc as plsc

NC = 2
NS = 16
NW = NC * NS

N = 10000
E = 320000
D = 128

T = E // NW
K = 40
R = T // K
NB = 6
HALVES = 5
HR = R // HALVES
NBLK = -(-HR // NB)
NP = 10240
ROWS_PER_TILE = NP // NS
ZR = 40
assert T == R * K and NP % NS == 0 and ZR <= K and ROWS_PER_TILE % ZR == 0
assert R % HALVES == 0 and HR >= NB and ROWS_PER_TILE % 8 == 0


def _sc_agg_body(src_hbm, dst_hbm, x_hbm, out_hbm,
                 src_v, dst_v, rows_big, *scr):
    bufs = tuple(rows_big.at[pl.ds(b * K, K)] for b in range(NB))
    acc = scr[0]
    gsems = scr[1:NB + 1]
    ssems = scr[NB + 1:]
    c = lax.axis_index("c")
    s = lax.axis_index("s")
    wid = s * NC + c

    ring = bufs[1:] + (bufs[0],)
    gring = gsems[1:] + (gsems[0],)
    sring = ssems[1:] + (ssems[0],)

    def gather(j, buf, sem):
        return pltpu.async_copy(x_hbm.at[src_v.at[j]], buf, sem)

    def gather_wait(buf, sem):
        pltpu.make_async_copy(x_hbm.at[src_v.at[0]], buf, sem).wait()

    def scat(j, buf, sem):
        return pltpu.async_copy(buf, acc.at[dst_v.at[j]], sem, add=True)

    def scat_wait(buf, sem):
        pltpu.make_async_copy(buf, acc.at[dst_v.at[0]], sem).wait()

    pltpu.sync_copy(src_hbm.at[wid, 0], src_v)
    pltpu.sync_copy(dst_hbm.at[wid, 0], dst_v)
    for b in range(NB - 1):
        gather(b, ring[b], gring[b])

    zeros16 = jnp.zeros((16,), jnp.float32)

    def zrow(i, carry):
        for cc in range(D // 16):
            bufs[0][i, pl.ds(cc * 16, 16)] = zeros16
        return carry

    lax.fori_loop(0, ZR, zrow, 0)

    def zcp(i, carry):
        pltpu.sync_copy(bufs[0].at[pl.ds(0, ZR)],
                        acc.at[pl.ds(s * ROWS_PER_TILE + i * ZR, ZR)])
        return carry

    lax.fori_loop(0, ROWS_PER_TILE // ZR, zcp, 0)
    gather(NB - 1, ring[NB - 1], gring[NB - 1])
    plsc.subcore_barrier()

    for h in range(HALVES):
        if h > 0:
            pltpu.sync_copy(src_hbm.at[wid, h], src_v)
            pltpu.sync_copy(dst_hbm.at[wid, h], dst_v)
            for b in range(NB):
                gather(b, ring[b], gring[b])

        def block(i, carry):
            base = NB * i
            for b in range(NB):
                j = base + b

                @pl.when(j < HR)
                def _(b=b, j=j):
                    gather_wait(ring[b], gring[b])
                    scat(j, ring[b], sring[b])

            for b in range(NB):
                nxt = base + NB + b

                @pl.when(nxt < HR)
                def _(b=b, nxt=nxt):
                    scat_wait(ring[b], sring[b])
                    gather(nxt, ring[b], gring[b])

            return carry

        lax.fori_loop(0, NBLK, block, 0)
        for b in range(NB):
            scat_wait(ring[b], sring[b])
    plsc.subcore_barrier()

    pltpu.sync_copy(
        acc.at[pl.ds(s * ROWS_PER_TILE, ROWS_PER_TILE)],
        out_hbm.at[c, pl.ds(s * ROWS_PER_TILE, ROWS_PER_TILE)],
    )


_sc_agg = functools.partial(
    pl.kernel,
    out_type=jax.ShapeDtypeStruct((NC, NP, D), jnp.float32),
    mesh=plsc.VectorSubcoreMesh(core_axis_name="c", subcore_axis_name="s"),
    scratch_types=(
        [pltpu.VMEM((HR, K), jnp.int32),
         pltpu.VMEM((HR, K), jnp.int32),
         pltpu.VMEM((NB * K, D), jnp.float32)]
        + [pltpu.VMEM_SHARED((NP, D), jnp.float32)]
        + [pltpu.SemaphoreType.DMA] * (2 * NB)
    ),
)(_sc_agg_body)


BN = 1000


def _mlp_body(p_ref, x_ref, sc_ref, w1_ref, b1_ref, w2_ref, b2_ref, o_ref):
    y = p_ref[0] + p_ref[1] + sc_ref[0, 0] * x_ref[...]
    h = jnp.dot(y, w1_ref[...], preferred_element_type=jnp.float32)
    h = jnp.maximum(h + b1_ref[...], 0.0)
    o = jnp.dot(h, w2_ref[...], preferred_element_type=jnp.float32)
    o_ref[...] = o + b2_ref[...]


def _mlp(partials, x, scale, W1, b1, W2, b2):
    grid = (N // BN,)
    return pl.pallas_call(
        _mlp_body,
        grid=grid,
        in_specs=[
            pl.BlockSpec((NC, BN, D), lambda i: (0, i, 0)),
            pl.BlockSpec((BN, D), lambda i: (i, 0)),
            pl.BlockSpec((1, 1), lambda i: (0, 0)),
            pl.BlockSpec((D, D), lambda i: (0, 0)),
            pl.BlockSpec((1, D), lambda i: (0, 0)),
            pl.BlockSpec((D, D), lambda i: (0, 0)),
            pl.BlockSpec((1, D), lambda i: (0, 0)),
        ],
        out_specs=pl.BlockSpec((BN, D), lambda i: (i, 0)),
        out_shape=jax.ShapeDtypeStruct((N, D), jnp.float32),
    )(partials, x, scale, W1, b1, W2, b2)


@jax.jit
def kernel(x, edge_index, W1, b1, W2, b2, eps):
    src = edge_index[0].reshape(NW, HALVES, HR, K)
    dst = edge_index[1].reshape(NW, HALVES, HR, K)
    partials = _sc_agg(src, dst, x)
    scale = (1.0 + eps[0]).reshape(1, 1)
    return _mlp(partials, x, scale, W1, b1.reshape(1, D), W2, b2.reshape(1, D))

# --- scband reference (transcript-rebuilt; emitter-appended) ---
"""Pipeline reference for scband-mklgin-26087631356380 (READ-ONLY COPY).

The authoritative reference and input builder live on the scoring server;
editing this copy changes nothing except your own understanding.
"""

import jax, jax.numpy as jnp
import numpy as np

N = 10000
E = 320000
D = 128

def setup_inputs(seed: int = 0) -> dict:
    key = jax.random.key(seed)
    k1, k2, k3, k4, k5, k6 = jax.random.split(key, 6)
    x = jax.random.normal(k1, (N, D), dtype=jnp.float32)
    edge_index = jax.random.randint(k2, (2, E), 0, N, dtype=jnp.int32)
    # GIN epilogue MLP (the `nn` module): Linear(D,D) -> ReLU -> Linear(D,D)
    W1 = jax.random.normal(k3, (D, D), dtype=jnp.float32) * (1.0 / np.sqrt(D))
    b1 = jnp.zeros((D,), dtype=jnp.float32)
    W2 = jax.random.normal(k4, (D, D), dtype=jnp.float32) * (1.0 / np.sqrt(D))
    b2 = jnp.zeros((D,), dtype=jnp.float32)
    # eps buffer (train_eps=False -> non-trainable constant)
    eps = jnp.zeros((1,), dtype=jnp.float32)
    return {"x": x, "edge_index": edge_index, "W1": W1, "b1": b1, "W2": W2, "b2": b2, "eps": eps}

def reference(x, edge_index, W1, b1, W2, b2, eps):
    # MKLGINAutograd.forward: y = A @ x + (1 + eps) * x
    # where A is the (unnormalized) adjacency matrix; A @ x is a sum over
    # neighbor features, implemented as gather(src) + scatter-add(dst).
    src = edge_index[0]
    dst = edge_index[1]
    gathered = jnp.take(x, src, axis=0)            # gather: x_j for each edge
    agg = jax.ops.segment_sum(gathered, dst, num_segments=N)  # scatter-add
    y = agg + (1.0 + eps[0]) * x
    # self.nn(y): MLP
    h = jnp.maximum(y @ W1 + b1, 0.0)
    out = h @ W2 + b2
    return out

if __name__ == "__main__":
    import jax
    _d = setup_inputs()
    print(jax.jit(kernel)(*tuple(_d.values())))

</pallas_src>

<mosaic_0001>
#map = affine_map<(d0, d1) -> (0, 0, 0, 0)>
#map1 = affine_map<(d0, d1) -> (0, 0)>
#map2 = affine_map<(d0, d1) -> (0, 0, 0)>
module attributes {stable_mosaic.version = 14 : i64} {
  func.func @_sc_agg_body(%arg0: i32, %arg1: i32, %arg2: memref<32x5x50x40xi32, #tpu.memory_space<hbm>>, %arg3: memref<32x5x50x40xi32, #tpu.memory_space<hbm>>, %arg4: memref<10000x128xf32, #tpu.memory_space<hbm>>, %arg5: memref<2x10240x128xf32, #tpu.memory_space<hbm>>, %arg6: memref<50x40xi32, #tpu.memory_space<vmem>>, %arg7: memref<50x40xi32, #tpu.memory_space<vmem>>, %arg8: memref<240x128xf32, #tpu.memory_space<vmem>>, %arg9: memref<10240x128xf32, #tpu.memory_space<vmem_shared>>, %arg10: memref<!tpu.dma_semaphore, #tpu.memory_space<semaphore_mem>>, %arg11: memref<!tpu.dma_semaphore, #tpu.memory_space<semaphore_mem>>, %arg12: memref<!tpu.dma_semaphore, #tpu.memory_space<semaphore_mem>>, %arg13: memref<!tpu.dma_semaphore, #tpu.memory_space<semaphore_mem>>, %arg14: memref<!tpu.dma_semaphore, #tpu.memory_space<semaphore_mem>>, %arg15: memref<!tpu.dma_semaphore, #tpu.memory_space<semaphore_mem>>, %arg16: memref<!tpu.dma_semaphore, #tpu.memory_space<semaphore_mem>>, %arg17: memref<!tpu.dma_semaphore, #tpu.memory_space<semaphore_mem>>, %arg18: memref<!tpu.dma_semaphore, #tpu.memory_space<semaphore_mem>>, %arg19: memref<!tpu.dma_semaphore, #tpu.memory_space<semaphore_mem>>, %arg20: memref<!tpu.dma_semaphore, #tpu.memory_space<semaphore_mem>>, %arg21: memref<!tpu.dma_semaphore, #tpu.memory_space<semaphore_mem>>) attributes {dimension_semantics = [#tpu.dimension_semantics<core_parallel>, #tpu.dimension_semantics<subcore_parallel>], iteration_bounds = array<i64: 2, 16>, scalar_prefetch = 0 : i64, scratch_operands = 16 : i64, tpu.core_type = #tpu.core_type<sc_vector_subcore>, window_params = [{transform_indices = #map}, {transform_indices = #map}, {transform_indices = #map1}, {transform_indices = #map2}]} {
    %mul3A = arith.constant 2 : i32
    %mul3A_0 = arith.muli %arg1, %mul3A : i32
    %add3A = arith.addi %mul3A_0, %arg0 : i32
    %run_scoped3A = arith.constant 0 : i32
    "tpu.region"() ({
      %run_scoped3A_655 = tpu.sem_alloc : memref<!tpu.dma_semaphore, #tpu.memory_space<semaphore_mem>>
      %dma_start3A_656 = arith.constant 0 : i32
      %dma_start3A_657 = arith.constant 0 : i32
      %dma_start3A_658 = tpu.memref_slice %arg2[%add3A, %run_scoped3A, %dma_start3A_656, %dma_start3A_657] : memref<32x5x50x40xi32, #tpu.memory_space<hbm>> -> memref<1x1x50x40xi32, #tpu.memory_space<hbm>>
      %dma_start3A_659 = tpu.memref_squeeze %dma_start3A_658 : memref<1x1x50x40xi32, #tpu.memory_space<hbm>> -> memref<50x40xi32, #tpu.memory_space<hbm>>
      %dma_start3A_660 = arith.constant 0 : i32
      %dma_start3A_661 = arith.constant 0 : i32
      %dma_start3A_662 = tpu.memref_slice %arg2[%add3A, %run_scoped3A, %dma_start3A_660, %dma_start3A_661] : memref<32x5x50x40xi32, #tpu.memory_space<hbm>> -> memref<1x1x50x40xi32, #tpu.memory_space<hbm>>
      %dma_start3A_663 = tpu.memref_squeeze %dma_start3A_662 : memref<1x1x50x40xi32, #tpu.memory_space<hbm>> -> memref<50x40xi32, #tpu.memory_space<hbm>>
      tpu.enqueue_dma source(%dma_start3A_663 : memref<50x40xi32, #tpu.memory_space<hbm>>) target(%arg6 : memref<50x40xi32, #tpu.memory_space<vmem>>) target_semaphore(%run_scoped3A_655 : memref<!tpu.dma_semaphore, #tpu.memory_space<semaphore_mem>>)
      %dma_wait3A_664 = arith.constant 0 : i32
      %dma_wait3A_665 = arith.constant 0 : i32
      %dma_wait3A_666 = tpu.memref_slice %arg2[%add3A, %run_scoped3A, %dma_wait3A_664, %dma_wait3A_665] : memref<32x5x50x40xi32, #tpu.memory_space<hbm>> -> memref<1x1x50x40xi32, #tpu.memory_space<hbm>>
      %dma_wait3A_667 = tpu.memref_squeeze %dma_wait3A_666 : memref<1x1x50x40xi32, #tpu.memory_space<hbm>> -> memref<50x40xi32, #tpu.memory_space<hbm>>
      %dma_wait3A_668 = arith.constant 0 : i32
      %dma_wait3A_669 = arith.constant 0 : i32
      %dma_wait3A_670 = tpu.memref_slice %arg2[%add3A, %run_scoped3A, %dma_wait3A_668, %dma_wait3A_669] : memref<32x5x50x40xi32, #tpu.memory_space<hbm>> -> memref<1x1x50x40xi32, #tpu.memory_space<hbm>>
      %dma_wait3A_671 = tpu.memref_squeeze %dma_wait3A_670 : memref<1x1x50x40xi32, #tpu.memory_space<hbm>> -> memref<50x40xi32, #tpu.memory_space<hbm>>
      tpu.wait_dma2 semaphore(%run_scoped3A_655 : memref<!tpu.dma_semaphore, #tpu.memory_space<semaphore_mem>>) src(%dma_wait3A_671 : memref<50x40xi32, #tpu.memory_space<hbm>>) dst(%arg6 : memref<50x40xi32, #tpu.memory_space<vmem>>)
      tpu.yield
    }) : () -> ()
    %run_scoped3A_1 = arith.constant 0 : i32
    "tpu.region"() ({
      %run_scoped3A_655 = tpu.sem_alloc : memref<!tpu.dma_semaphore, #tpu.memory_space<semaphore_mem>>
      %dma_start3A_656 = arith.constant 0 : i32
      %dma_start3A_657 = arith.constant 0 : i32
      %dma_start3A_658 = tpu.memref_slice %arg3[%add3A, %run_scoped3A_1, %dma_start3A_656, %dma_start3A_657] : memref<32x5x50x40xi32, #tpu.memory_space<hbm>> -> memref<1x1x50x40xi32, #tpu.memory_space<hbm>>
      %dma_start3A_659 = tpu.memref_squeeze %dma_start3A_658 : memref<1x1x50x40xi32, #tpu.memory_space<hbm>> -> memref<50x40xi32, #tpu.memory_space<hbm>>
      %dma_start3A_660 = arith.constant 0 : i32
      %dma_start3A_661 = arith.constant 0 : i32
      %dma_start3A_662 = tpu.memref_slice %arg3[%add3A, %run_scoped3A_1, %dma_start3A_660, %dma_start3A_661] : memref<32x5x50x40xi32, #tpu.memory_space<hbm>> -> memref<1x1x50x40xi32, #tpu.memory_space<hbm>>
      %dma_start3A_663 = tpu.memref_squeeze %dma_start3A_662 : memref<1x1x50x40xi32, #tpu.memory_space<hbm>> -> memref<50x40xi32, #tpu.memory_space<hbm>>
      tpu.enqueue_dma source(%dma_start3A_663 : memref<50x40xi32, #tpu.memory_space<hbm>>) target(%arg7 : memref<50x40xi32, #tpu.memory_space<vmem>>) target_semaphore(%run_scoped3A_655 : memref<!tpu.dma_semaphore, #tpu.memory_space<semaphore_mem>>)
      %dma_wait3A_664 = arith.constant 0 : i32
      %dma_wait3A_665 = arith.constant 0 : i32
      %dma_wait3A_666 = tpu.memref_slice %arg3[%add3A, %run_scoped3A_1, %dma_wait3A_664, %dma_wait3A_665] : memref<32x5x50x40xi32, #tpu.memory_space<hbm>> -> memref<1x1x50x40xi32, #tpu.memory_space<hbm>>
      %dma_wait3A_667 = tpu.memref_squeeze %dma_wait3A_666 : memref<1x1x50x40xi32, #tpu.memory_space<hbm>> -> memref<50x40xi32, #tpu.memory_space<hbm>>
      %dma_wait3A_668 = arith.constant 0 : i32
      %dma_wait3A_669 = arith.constant 0 : i32
      %dma_wait3A_670 = tpu.memref_slice %arg3[%add3A, %run_scoped3A_1, %dma_wait3A_668, %dma_wait3A_669] : memref<32x5x50x40xi32, #tpu.memory_space<hbm>> -> memref<1x1x50x40xi32, #tpu.memory_space<hbm>>
      %dma_wait3A_671 = tpu.memref_squeeze %dma_wait3A_670 : memref<1x1x50x40xi32, #tpu.memory_space<hbm>> -> memref<50x40xi32, #tpu.memory_space<hbm>>
      tpu.wait_dma2 semaphore(%run_scoped3A_655 : memref<!tpu.dma_semaphore, #tpu.memory_space<semaphore_mem>>) src(%dma_wait3A_671 : memref<50x40xi32, #tpu.memory_space<hbm>>) dst(%arg7 : memref<50x40xi32, #tpu.memory_space<vmem>>)
      tpu.yield
    }) : () -> ()
    %dma_start3A = arith.constant 0 : i32
    %dma_start3A_2 = arith.constant 40 : i32
    %dma_start3A_3 = arith.constant 0 : i32
    %dma_start3A_4 = tpu.memref_slice %arg8[%dma_start3A_2, %dma_start3A_3] : memref<240x128xf32, #tpu.memory_space<vmem>> -> memref<40x128xf32, #tpu.memory_space<vmem>>
    %dma_start3A_5 = arith.constant 0 : i32
    %dma_start3A_6 = tpu.memref_slice %arg6[%dma_start3A, %dma_start3A_5] : memref<50x40xi32, #tpu.memory_space<vmem>> -> memref<1x40xi32, #tpu.memory_space<vmem>>
    %dma_start3A_7 = tpu.memref_squeeze %dma_start3A_6 : memref<1x40xi32, #tpu.memory_space<vmem>> -> memref<40xi32, #tpu.memory_space<vmem>>
    %dma_start3A_8 = arith.constant 0 : i32
    %dma_start3A_9 = arith.constant 0 : i32
    %dma_start3A_10 = tpu.memref_slice %arg4[%dma_start3A_8, %dma_start3A_9] : memref<10000x128xf32, #tpu.memory_space<hbm>> -> memref<10000x128xf32, #tpu.memory_space<hbm>>
    tpu.enqueue_indirect_dma source(%dma_start3A_10 : memref<10000x128xf32, #tpu.memory_space<hbm>>) target(%dma_start3A_4 : memref<40x128xf32, #tpu.memory_space<vmem>>) offsets(%dma_start3A_7 : memref<40xi32, #tpu.memory_space<vmem>>) semaphore(%arg11 : memref<!tpu.dma_semaphore, #tpu.memory_space<semaphore_mem>>)
    %dma_start3A_11 = arith.constant 1 : i32
    %dma_start3A_12 = arith.constant 80 : i32
    %dma_start3A_13 = arith.constant 0 : i32
    %dma_start3A_14 = tpu.memref_slice %arg8[%dma_start3A_12, %dma_start3A_13] : memref<240x128xf32, #tpu.memory_space<vmem>> -> memref<40x128xf32, #tpu.memory_space<vmem>>
    %dma_start3A_15 = arith.constant 0 : i32
    %dma_start3A_16 = tpu.memref_slice %arg6[%dma_start3A_11, %dma_start3A_15] : memref<50x40xi32, #tpu.memory_space<vmem>> -> memref<1x40xi32, #tpu.memory_space<vmem>>
    %dma_start3A_17 = tpu.memref_squeeze %dma_start3A_16 : memref<1x40xi32, #tpu.memory_space<vmem>> -> memref<40xi32, #tpu.memory_space<vmem>>
    %dma_start3A_18 = arith.constant 0 : i32
    %dma_start3A_19 = arith.constant 0 : i32
    %dma_start3A_20 = tpu.memref_slice %arg4[%dma_start3A_18, %dma_start3A_19] : memref<10000x128xf32, #tpu.memory_space<hbm>> -> memref<10000x128xf32, #tpu.memory_space<hbm>>
    tpu.enqueue_indirect_dma source(%dma_start3A_20 : memref<10000x128xf32, #tpu.memory_space<hbm>>) target(%dma_start3A_14 : memref<40x128xf32, #tpu.memory_space<vmem>>) offsets(%dma_start3A_17 : memref<40xi32, #tpu.memory_space<vmem>>) semaphore(%arg12 : memref<!tpu.dma_semaphore, #tpu.memory_space<semaphore_mem>>)
    %dma_start3A_21 = arith.constant 2 : i32
    %dma_start3A_22 = arith.constant 120 : i32
    %dma_start3A_23 = arith.constant 0 : i32
    %dma_start3A_24 = tpu.memref_slice %arg8[%dma_start3A_22, %dma_start3A_23] : memref<240x128xf32, #tpu.memory_space<vmem>> -> memref<40x128xf32, #tpu.memory_space<vmem>>
    %dma_start3A_25 = arith.constant 0 : i32
    %dma_start3A_26 = tpu.memref_slice %arg6[%dma_start3A_21, %dma_start3A_25] : memref<50x40xi32, #tpu.memory_space<vmem>> -> memref<1x40xi32, #tpu.memory_space<vmem>>
    %dma_start3A_27 = tpu.memref_squeeze %dma_start3A_26 : memref<1x40xi32, #tpu.memory_space<vmem>> -> memref<40xi32, #tpu.memory_space<vmem>>
    %dma_start3A_28 = arith.constant 0 : i32
    %dma_start3A_29 = arith.constant 0 : i32
    %dma_start3A_30 = tpu.memref_slice %arg4[%dma_start3A_28, %dma_start3A_29] : memref<10000x128xf32, #tpu.memory_space<hbm>> -> memref<10000x128xf32, #tpu.memory_space<hbm>>
    tpu.enqueue_indirect_dma source(%dma_start3A_30 : memref<10000x128xf32, #tpu.memory_space<hbm>>) target(%dma_start3A_24 : memref<40x128xf32, #tpu.memory_space<vmem>>) offsets(%dma_start3A_27 : memref<40xi32, #tpu.memory_space<vmem>>) semaphore(%arg13 : memref<!tpu.dma_semaphore, #tpu.memory_space<semaphore_mem>>)
    %dma_start3A_31 = arith.constant 3 : i32
    %dma_start3A_32 = arith.constant 160 : i32
    %dma_start3A_33 = arith.constant 0 : i32
    %dma_start3A_34 = tpu.memref_slice %arg8[%dma_start3A_32, %dma_start3A_33] : memref<240x128xf32, #tpu.memory_space<vmem>> -> memref<40x128xf32, #tpu.memory_space<vmem>>
    %dma_start3A_35 = arith.constant 0 : i32
    %dma_start3A_36 = tpu.memref_slice %arg6[%dma_start3A_31, %dma_start3A_35] : memref<50x40xi32, #tpu.memory_space<vmem>> -> memref<1x40xi32, #tpu.memory_space<vmem>>
    %dma_start3A_37 = tpu.memref_squeeze %dma_start3A_36 : memref<1x40xi32, #tpu.memory_space<vmem>> -> memref<40xi32, #tpu.memory_space<vmem>>
    %dma_start3A_38 = arith.constant 0 : i32
    %dma_start3A_39 = arith.constant 0 : i32
    %dma_start3A_40 = tpu.memref_slice %arg4[%dma_start3A_38, %dma_start3A_39] : memref<10000x128xf32, #tpu.memory_space<hbm>> -> memref<10000x128xf32, #tpu.memory_space<hbm>>
    tpu.enqueue_indirect_dma source(%dma_start3A_40 : memref<10000x128xf32, #tpu.memory_space<hbm>>) target(%dma_start3A_34 : memref<40x128xf32, #tpu.memory_space<vmem>>) offsets(%dma_start3A_37 : memref<40xi32, #tpu.memory_space<vmem>>) semaphore(%arg14 : memref<!tpu.dma_semaphore, #tpu.memory_space<semaphore_mem>>)
    %dma_start3A_41 = arith.constant 4 : i32
    %dma_start3A_42 = arith.constant 200 : i32
    %dma_start3A_43 = arith.constant 0 : i32
    %dma_start3A_44 = tpu.memref_slice %arg8[%dma_start3A_42, %dma_start3A_43] : memref<240x128xf32, #tpu.memory_space<vmem>> -> memref<40x128xf32, #tpu.memory_space<vmem>>
    %dma_start3A_45 = arith.constant 0 : i32
    %dma_start3A_46 = tpu.memref_slice %arg6[%dma_start3A_41, %dma_start3A_45] : memref<50x40xi32, #tpu.memory_space<vmem>> -> memref<1x40xi32, #tpu.memory_space<vmem>>
    %dma_start3A_47 = tpu.memref_squeeze %dma_start3A_46 : memref<1x40xi32, #tpu.memory_space<vmem>> -> memref<40xi32, #tpu.memory_space<vmem>>
    %dma_start3A_48 = arith.constant 0 : i32
    %dma_start3A_49 = arith.constant 0 : i32
    %dma_start3A_50 = tpu.memref_slice %arg4[%dma_start3A_48, %dma_start3A_49] : memref<10000x128xf32, #tpu.memory_space<hbm>> -> memref<10000x128xf32, #tpu.memory_space<hbm>>
    tpu.enqueue_indirect_dma source(%dma_start3A_50 : memref<10000x128xf32, #tpu.memory_space<hbm>>) target(%dma_start3A_44 : memref<40x128xf32, #tpu.memory_space<vmem>>) offsets(%dma_start3A_47 : memref<40xi32, #tpu.memory_space<vmem>>) semaphore(%arg15 : memref<!tpu.dma_semaphore, #tpu.memory_space<semaphore_mem>>)
    %broadcast_in_dim3A = arith.constant 0.000000e+00 : f32
    %broadcast_in_dim3A_51 = vector.broadcast %broadcast_in_dim3A : f32 to vector<16xf32>
    %scan3A = arith.constant 0 : i32
    %scan3A_52 = arith.constant 0 : i32
    %scan3A_53 = arith.constant 40 : i32
    %scan3A_54 = arith.addi %scan3A_52, %scan3A_53 : i32
    %scan3A_55 = arith.constant 1 : i32
    scf.for %scan3A_655 = %scan3A_52 to %scan3A_54 step %scan3A_55  : i32 {
      %swap3A = arith.constant 0 : i32
      %swap3A_656 = arith.constant 0 : i32
      %swap3A_657 = tpu.memref_slice %arg8[%swap3A, %swap3A_656] : memref<240x128xf32, #tpu.memory_space<vmem>> -> memref<40x128xf32, #tpu.memory_space<vmem>>
      %swap3A_658 = arith.index_cast %scan3A_655 : i32 to index
      %swap3A_659 = arith.constant 0 : index
      %swap3A_660 = tpu.vector_load %swap3A_657[%swap3A_658, %swap3A_659] {strides = array<i32>} : memref<40x128xf32, #tpu.memory_space<vmem>>, vector<1x16xf32>,
      %swap3A_661 = vector.shape_cast %swap3A_660 : vector<1x16xf32> to vector<16xf32>
      %swap3A_662 = vector.shape_cast %broadcast_in_dim3A_51 : vector<16xf32> to vector<1x16xf32>
      tpu.vector_store %swap3A_657[%swap3A_658, %swap3A_659], %swap3A_662 {strides = array<i32>} : memref<40x128xf32, #tpu.memory_space<vmem>>, vector<1x16xf32>,
      %swap3A_663 = arith.constant 0 : i32
      %swap3A_664 = arith.constant 0 : i32
      %swap3A_665 = tpu.memref_slice %arg8[%swap3A_663, %swap3A_664] : memref<240x128xf32, #tpu.memory_space<vmem>> -> memref<40x128xf32, #tpu.memory_space<vmem>>
      %swap3A_666 = arith.index_cast %scan3A_655 : i32 to index
      %swap3A_667 = arith.constant 16 : index
      %swap3A_668 = tpu.vector_load %swap3A_665[%swap3A_666, %swap3A_667] {strides = array<i32>} : memref<40x128xf32, #tpu.memory_space<vmem>>, vector<1x16xf32>,
      %swap3A_669 = vector.shape_cast %swap3A_668 : vector<1x16xf32> to vector<16xf32>
      %swap3A_670 = vector.shape_cast %broadcast_in_dim3A_51 : vector<16xf32> to vector<1x16xf32>
      tpu.vector_store %swap3A_665[%swap3A_666, %swap3A_667], %swap3A_670 {strides = array<i32>} : memref<40x128xf32, #tpu.memory_space<vmem>>, vector<1x16xf32>,
      %swap3A_671 = arith.constant 0 : i32
      %swap3A_672 = arith.constant 0 : i32
      %swap3A_673 = tpu.memref_slice %arg8[%swap3A_671, %swap3A_672] : memref<240x128xf32, #tpu.memory_space<vmem>> -> memref<40x128xf32, #tpu.memory_space<vmem>>
      %swap3A_674 = arith.index_cast %scan3A_655 : i32 to index
      %swap3A_675 = arith.constant 32 : index
      %swap3A_676 = tpu.vector_load %swap3A_673[%swap3A_674, %swap3A_675] {strides = array<i32>} : memref<40x128xf32, #tpu.memory_space<vmem>>, vector<1x16xf32>,
      %swap3A_677 = vector.shape_cast %swap3A_676 : vector<1x16xf32> to vector<16xf32>
      %swap3A_678 = vector.shape_cast %broadcast_in_dim3A_51 : vector<16xf32> to vector<1x16xf32>
      tpu.vector_store %swap3A_673[%swap3A_674, %swap3A_675], %swap3A_678 {strides = array<i32>} : memref<40x128xf32, #tpu.memory_space<vmem>>, vector<1x16xf32>,
      %swap3A_679 = arith.constant 0 : i32
      %swap3A_680 = arith.constant 0 : i32
      %swap3A_681 = tpu.memref_slice %arg8[%swap3A_679, %swap3A_680] : memref<240x128xf32, #tpu.memory_space<vmem>> -> memref<40x128xf32, #tpu.memory_space<vmem>>
      %swap3A_682 = arith.index_cast %scan3A_655 : i32 to index
      %swap3A_683 = arith.constant 48 : index
      %swap3A_684 = tpu.vector_load %swap3A_681[%swap3A_682, %swap3A_683] {strides = array<i32>} : memref<40x128xf32, #tpu.memory_space<vmem>>, vector<1x16xf32>,
      %swap3A_685 = vector.shape_cast %swap3A_684 : vector<1x16xf32> to vector<16xf32>
      %swap3A_686 = vector.shape_cast %broadcast_in_dim3A_51 : vector<16xf32> to vector<1x16xf32>
      tpu.vector_store %swap3A_681[%swap3A_682, %swap3A_683], %swap3A_686 {strides = array<i32>} : memref<40x128xf32, #tpu.memory_space<vmem>>, vector<1x16xf32>,
      %swap3A_687 = arith.constant 0 : i32
      %swap3A_688 = arith.constant 0 : i32
      %swap3A_689 = tpu.memref_slice %arg8[%swap3A_687, %swap3A_688] : memref<240x128xf32, #tpu.memory_space<vmem>> -> memref<40x128xf32, #tpu.memory_space<vmem>>
      %swap3A_690 = arith.index_cast %scan3A_655 : i32 to index
      %swap3A_691 = arith.constant 64 : index
      %swap3A_692 = tpu.vector_load %swap3A_689[%swap3A_690, %swap3A_691] {strides = array<i32>} : memref<40x128xf32, #tpu.memory_space<vmem>>, vector<1x16xf32>,
      %swap3A_693 = vector.shape_cast %swap3A_692 : vector<1x16xf32> to vector<16xf32>
      %swap3A_694 = vector.shape_cast %broadcast_in_dim3A_51 : vector<16xf32> to vector<1x16xf32>
      tpu.vector_store %swap3A_689[%swap3A_690, %swap3A_691], %swap3A_694 {strides = array<i32>} : memref<40x128xf32, #tpu.memory_space<vmem>>, vector<1x16xf32>,
      %swap3A_695 = arith.constant 0 : i32
      %swap3A_696 = arith.constant 0 : i32
      %swap3A_697 = tpu.memref_slice %arg8[%swap3A_695, %swap3A_696] : memref<240x128xf32, #tpu.memory_space<vmem>> -> memref<40x128xf32, #tpu.memory_space<vmem>>
      %swap3A_698 = arith.index_cast %scan3A_655 : i32 to index
      %swap3A_699 = arith.constant 80 : index
      %swap3A_700 = tpu.vector_load %swap3A_697[%swap3A_698, %swap3A_699] {strides = array<i32>} : memref<40x128xf32, #tpu.memory_space<vmem>>, vector<1x16xf32>,
      %swap3A_701 = vector.shape_cast %swap3A_700 : vector<1x16xf32> to vector<16xf32>
      %swap3A_702 = vector.shape_cast %broadcast_in_dim3A_51 : vector<16xf32> to vector<1x16xf32>
      tpu.vector_store %swap3A_697[%swap3A_698, %swap3A_699], %swap3A_702 {strides = array<i32>} : memref<40x128xf32, #tpu.memory_space<vmem>>, vector<1x16xf32>,
      %swap3A_703 = arith.constant 0 : i32
      %swap3A_704 = arith.constant 0 : i32
      %swap3A_705 = tpu.memref_slice %arg8[%swap3A_703, %swap3A_704] : memref<240x128xf32, #tpu.memory_space<vmem>> -> memref<40x128xf32, #tpu.memory_space<vmem>>
      %swap3A_706 = arith.index_cast %scan3A_655 : i32 to index
      %swap3A_707 = arith.constant 96 : index
      %swap3A_708 = tpu.vector_load %swap3A_705[%swap3A_706, %swap3A_707] {strides = array<i32>} : memref<40x128xf32, #tpu.memory_space<vmem>>, vector<1x16xf32>,
      %swap3A_709 = vector.shape_cast %swap3A_708 : vector<1x16xf32> to vector<16xf32>
      %swap3A_710 = vector.shape_cast %broadcast_in_dim3A_51 : vector<16xf32> to vector<1x16xf32>
      tpu.vector_store %swap3A_705[%swap3A_706, %swap3A_707], %swap3A_710 {strides = array<i32>} : memref<40x128xf32, #tpu.memory_space<vmem>>, vector<1x16xf32>,
      %swap3A_711 = arith.constant 0 : i32
      %swap3A_712 = arith.constant 0 : i32
      %swap3A_713 = tpu.memref_slice %arg8[%swap3A_711, %swap3A_712] : memref<240x128xf32, #tpu.memory_space<vmem>> -> memref<40x128xf32, #tpu.memory_space<vmem>>
      %swap3A_714 = arith.index_cast %scan3A_655 : i32 to index
      %swap3A_715 = arith.constant 112 : index
      %swap3A_716 = tpu.vector_load %swap3A_713[%swap3A_714, %swap3A_715] {strides = array<i32>} : memref<40x128xf32, #tpu.memory_space<vmem>>, vector<1x16xf32>,
      %swap3A_717 = vector.shape_cast %swap3A_716 : vector<1x16xf32> to vector<16xf32>
      %swap3A_718 = vector.shape_cast %broadcast_in_dim3A_51 : vector<16xf32> to vector<1x16xf32>
      tpu.vector_store %swap3A_713[%swap3A_714, %swap3A_715], %swap3A_718 {strides = array<i32>} : memref<40x128xf32, #tpu.memory_space<vmem>>, vector<1x16xf32>,
    }
    %scan3A_56 = arith.constant 40 : i32
    %scan3A_57 = arith.constant 0 : i32
    %scan3A_58 = arith.constant 0 : i32
    %scan3A_59 = arith.constant 16 : i32
    %scan3A_60 = arith.addi %scan3A_58, %scan3A_59 : i32
    %scan3A_61 = arith.constant 1 : i32
    scf.for %scan3A_655 = %scan3A_58 to %scan3A_60 step %scan3A_61  : i32 {
      %mul3A_656 = arith.constant 640 : i32
      %mul3A_657 = arith.muli %arg1, %mul3A_656 : i32
      %mul3A_658 = arith.constant 40 : i32
      %mul3A_659 = arith.muli %scan3A_655, %mul3A_658 : i32
      %add3A_660 = arith.addi %mul3A_657, %mul3A_659 : i32
      "tpu.region"() ({
        %run_scoped3A_661 = tpu.sem_alloc : memref<!tpu.dma_semaphore, #tpu.memory_space<semaphore_mem>>
        %dma_start3A_662 = arith.constant 0 : i32
        %dma_start3A_663 = arith.constant 0 : i32
        %dma_start3A_664 = tpu.memref_slice %arg8[%dma_start3A_662, %dma_start3A_663] : memref<240x128xf32, #tpu.memory_space<vmem>> -> memref<40x128xf32, #tpu.memory_space<vmem>>
        %dma_start3A_665 = arith.constant 0 : i32
        %dma_start3A_666 = arith.constant 0 : i32
        %dma_start3A_667 = tpu.memref_slice %dma_start3A_664[%dma_start3A_665, %dma_start3A_666] : memref<40x128xf32, #tpu.memory_space<vmem>> -> memref<40x128xf32, #tpu.memory_space<vmem>>
        %dma_start3A_668 = arith.constant 0 : i32
        %dma_start3A_669 = tpu.memref_slice %arg9[%add3A_660, %dma_start3A_668] : memref<10240x128xf32, #tpu.memory_space<vmem_shared>> -> memref<40x128xf32, #tpu.memory_space<vmem_shared>>
        %dma_start3A_670 = arith.constant 0 : i32
        %dma_start3A_671 = tpu.memref_slice %arg9[%add3A_660, %dma_start3A_670] : memref<10240x128xf32, #tpu.memory_space<vmem_shared>> -> memref<40x128xf32, #tpu.memory_space<vmem_shared>>
        %dma_start3A_672 = arith.constant 0 : i32
        %dma_start3A_673 = arith.constant 0 : i32
        %dma_start3A_674 = tpu.memref_slice %arg8[%dma_start3A_672, %dma_start3A_673] : memref<240x128xf32, #tpu.memory_space<vmem>> -> memref<40x128xf32, #tpu.memory_space<vmem>>
        %dma_start3A_675 = arith.constant 0 : i32
        %dma_start3A_676 = arith.constant 0 : i32
        %dma_start3A_677 = tpu.memref_slice %dma_start3A_674[%dma_start3A_675, %dma_start3A_676] : memref<40x128xf32, #tpu.memory_space<vmem>> -> memref<40x128xf32, #tpu.memory_space<vmem>>
        tpu.enqueue_dma source(%dma_start3A_677 : memref<40x128xf32, #tpu.memory_space<vmem>>) target(%dma_start3A_671 : memref<40x128xf32, #tpu.memory_space<vmem_shared>>) target_semaphore(%run_scoped3A_661 : memref<!tpu.dma_semaphore, #tpu.memory_space<semaphore_mem>>)
        %dma_wait3A_678 = arith.constant 0 : i32
        %dma_wait3A_679 = arith.constant 0 : i32
        %dma_wait3A_680 = tpu.memref_slice %arg8[%dma_wait3A_678, %dma_wait3A_679] : memref<240x128xf32, #tpu.memory_space<vmem>> -> memref<40x128xf32, #tpu.memory_space<vmem>>
        %dma_wait3A_681 = arith.constant 0 : i32
        %dma_wait3A_682 = arith.constant 0 : i32
        %dma_wait3A_683 = tpu.memref_slice %dma_wait3A_680[%dma_wait3A_681, %dma_wait3A_682] : memref<40x128xf32, #tpu.memory_space<vmem>> -> memref<40x128xf32, #tpu.memory_space<vmem>>
        %dma_wait3A_684 = arith.constant 0 : i32
        %dma_wait3A_685 = tpu.memref_slice %arg9[%add3A_660, %dma_wait3A_684] : memref<10240x128xf32, #tpu.memory_space<vmem_shared>> -> memref<40x128xf32, #tpu.memory_space<vmem_shared>>
        %dma_wait3A_686 = arith.constant 0 : i32
        %dma_wait3A_687 = tpu.memref_slice %arg9[%add3A_660, %dma_wait3A_686] : memref<10240x128xf32, #tpu.memory_space<vmem_shared>> -> memref<40x128xf32, #tpu.memory_space<vmem_shared>>
        %dma_wait3A_688 = arith.constant 0 : i32
        %dma_wait3A_689 = arith.constant 0 : i32
        %dma_wait3A_690 = tpu.memref_slice %arg8[%dma_wait3A_688, %dma_wait3A_689] : memref<240x128xf32, #tpu.memory_space<vmem>> -> memref<40x128xf32, #tpu.memory_space<vmem>>
        %dma_wait3A_691 = arith.constant 0 : i32
        %dma_wait3A_692 = arith.constant 0 : i32
        %dma_wait3A_693 = tpu.memref_slice %dma_wait3A_690[%dma_wait3A_691, %dma_wait3A_692] : memref<40x128xf32, #tpu.memory_space<vmem>> -> memref<40x128xf32, #tpu.memory_space<vmem>>
        tpu.wait_dma2 semaphore(%run_scoped3A_661 : memref<!tpu.dma_semaphore, #tpu.memory_space<semaphore_mem>>) src(%dma_wait3A_693 : memref<40x128xf32, #tpu.memory_space<vmem>>) dst(%dma_wait3A_687 : memref<40x128xf32, #tpu.memory_space<vmem_shared>>)
        tpu.yield
      }) : () -> ()
    }
    %scan3A_62 = arith.constant 16 : i32
    %dma_start3A_63 = arith.constant 5 : i32
    %dma_start3A_64 = arith.constant 0 : i32
    %dma_start3A_65 = arith.constant 0 : i32
    %dma_start3A_66 = tpu.memref_slice %arg8[%dma_start3A_64, %dma_start3A_65] : memref<240x128xf32, #tpu.memory_space<vmem>> -> memref<40x128xf32, #tpu.memory_space<vmem>>
    %dma_start3A_67 = arith.constant 0 : i32
    %dma_start3A_68 = tpu.memref_slice %arg6[%dma_start3A_63, %dma_start3A_67] : memref<50x40xi32, #tpu.memory_space<vmem>> -> memref<1x40xi32, #tpu.memory_space<vmem>>
    %dma_start3A_69 = tpu.memref_squeeze %dma_start3A_68 : memref<1x40xi32, #tpu.memory_space<vmem>> -> memref<40xi32, #tpu.memory_space<vmem>>
    %dma_start3A_70 = arith.constant 0 : i32
    %dma_start3A_71 = arith.constant 0 : i32
    %dma_start3A_72 = tpu.memref_slice %arg4[%dma_start3A_70, %dma_start3A_71] : memref<10000x128xf32, #tpu.memory_space<hbm>> -> memref<10000x128xf32, #tpu.memory_space<hbm>>
    tpu.enqueue_indirect_dma source(%dma_start3A_72 : memref<10000x128xf32, #tpu.memory_space<hbm>>) target(%dma_start3A_66 : memref<40x128xf32, #tpu.memory_space<vmem>>) offsets(%dma_start3A_69 : memref<40xi32, #tpu.memory_space<vmem>>) semaphore(%arg10 : memref<!tpu.dma_semaphore, #tpu.memory_space<semaphore_mem>>)
    %barrier3A = arith.constant 0 : index
    tpu.barrier barrier_id(%barrier3A)
    %scan3A_73 = arith.constant 0 : i32
    %scan3A_74 = arith.constant 0 : i32
    %scan3A_75 = arith.constant 9 : i32
    %scan3A_76 = arith.addi %scan3A_74, %scan3A_75 : i32
    %scan3A_77 = arith.constant 1 : i32
    scf.for %scan3A_655 = %scan3A_74 to %scan3A_76 step %scan3A_77  : i32 {
      %mul3A_656 = arith.constant 6 : i32
      %mul3A_657 = arith.muli %mul3A_656, %scan3A_655 : i32
      %add3A_658 = arith.constant 0 : i32
      %add3A_659 = arith.addi %mul3A_657, %add3A_658 : i32
      %lt3A = arith.constant 50 : i32
      %lt3A_660 = arith.cmpi slt, %add3A_659, %lt3A : i32
      %convert_element_type3A = arith.extui %lt3A_660 : i1 to i32
      %cond3A = arith.constant 0 : i32
      %cond3A_661 = arith.cmpi ne, %convert_element_type3A, %cond3A : i32
      scf.if %cond3A_661 {
        %dma_wait3A_751 = arith.constant 0 : i32
        %dma_wait3A_752 = arith.constant 40 : i32
        %dma_wait3A_753 = arith.constant 0 : i32
        %dma_wait3A_754 = tpu.memref_slice %arg8[%dma_wait3A_752, %dma_wait3A_753] : memref<240x128xf32, #tpu.memory_space<vmem>> -> memref<40x128xf32, #tpu.memory_space<vmem>>
        %dma_wait3A_755 = arith.constant 0 : i32
        %dma_wait3A_756 = tpu.memref_slice %arg6[%dma_wait3A_751, %dma_wait3A_755] : memref<50x40xi32, #tpu.memory_space<vmem>> -> memref<1x40xi32, #tpu.memory_space<vmem>>
        %dma_wait3A_757 = tpu.memref_squeeze %dma_wait3A_756 : memref<1x40xi32, #tpu.memory_space<vmem>> -> memref<40xi32, #tpu.memory_space<vmem>>
        %dma_wait3A_758 = arith.constant 0 : i32
        %dma_wait3A_759 = arith.constant 0 : i32
        %dma_wait3A_760 = tpu.memref_slice %arg4[%dma_wait3A_758, %dma_wait3A_759] : memref<10000x128xf32, #tpu.memory_space<hbm>> -> memref<10000x128xf32, #tpu.memory_space<hbm>>
        tpu.wait_indirect_dma semaphore(%arg11 : memref<!tpu.dma_semaphore, #tpu.memory_space<semaphore_mem>>) src(%dma_wait3A_760 : memref<10000x128xf32, #tpu.memory_space<hbm>>) dst(%dma_wait3A_754 : memref<40x128xf32, #tpu.memory_space<vmem>>)
        %dma_start3A_761 = arith.constant 40 : i32
        %dma_start3A_762 = arith.constant 0 : i32
        %dma_start3A_763 = tpu.memref_slice %arg8[%dma_start3A_761, %dma_start3A_762] : memref<240x128xf32, #tpu.memory_space<vmem>> -> memref<40x128xf32, #tpu.memory_space<vmem>>
        %dma_start3A_764 = arith.constant 0 : i32
        %dma_start3A_765 = tpu.memref_slice %arg7[%add3A_659, %dma_start3A_764] : memref<50x40xi32, #tpu.memory_space<vmem>> -> memref<1x40xi32, #tpu.memory_space<vmem>>
        %dma_start3A_766 = tpu.memref_squeeze %dma_start3A_765 : memref<1x40xi32, #tpu.memory_space<vmem>> -> memref<40xi32, #tpu.memory_space<vmem>>
        %dma_start3A_767 = arith.constant 0 : i32
        %dma_start3A_768 = arith.constant 0 : i32
        %dma_start3A_769 = tpu.memref_slice %arg9[%dma_start3A_767, %dma_start3A_768] : memref<10240x128xf32, #tpu.memory_space<vmem_shared>> -> memref<10240x128xf32, #tpu.memory_space<vmem_shared>>
        tpu.enqueue_indirect_dma source(%dma_start3A_763 : memref<40x128xf32, #tpu.memory_space<vmem>>) target(%dma_start3A_769 : memref<10240x128xf32, #tpu.memory_space<vmem_shared>>) offsets(%dma_start3A_766 : memref<40xi32, #tpu.memory_space<vmem>>) semaphore(%arg17 : memref<!tpu.dma_semaphore, #tpu.memory_space<semaphore_mem>>) {add = true}
      } else {
      }
      %add3A_662 = arith.constant 1 : i32
      %add3A_663 = arith.addi %mul3A_657, %add3A_662 : i32
      %lt3A_664 = arith.constant 50 : i32
      %lt3A_665 = arith.cmpi slt, %add3A_663, %lt3A_664 : i32
      %convert_element_type3A_666 = arith.extui %lt3A_665 : i1 to i32
      %cond3A_667 = arith.constant 0 : i32
      %cond3A_668 = arith.cmpi ne, %convert_element_type3A_666, %cond3A_667 : i32
      scf.if %cond3A_668 {
        %dma_wait3A_751 = arith.constant 0 : i32
        %dma_wait3A_752 = arith.constant 80 : i32
        %dma_wait3A_753 = arith.constant 0 : i32
        %dma_wait3A_754 = tpu.memref_slice %arg8[%dma_wait3A_752, %dma_wait3A_753] : memref<240x128xf32, #tpu.memory_space<vmem>> -> memref<40x128xf32, #tpu.memory_space<vmem>>
        %dma_wait3A_755 = arith.constant 0 : i32
        %dma_wait3A_756 = tpu.memref_slice %arg6[%dma_wait3A_751, %dma_wait3A_755] : memref<50x40xi32, #tpu.memory_space<vmem>> -> memref<1x40xi32, #tpu.memory_space<vmem>>
        %dma_wait3A_757 = tpu.memref_squeeze %dma_wait3A_756 : memref<1x40xi32, #tpu.memory_space<vmem>> -> memref<40xi32, #tpu.memory_space<vmem>>
        %dma_wait3A_758 = arith.constant 0 : i32
        %dma_wait3A_759 = arith.constant 0 : i32
        %dma_wait3A_760 = tpu.memref_slice %arg4[%dma_wait3A_758, %dma_wait3A_759] : memref<10000x128xf32, #tpu.memory_space<hbm>> -> memref<10000x128xf32, #tpu.memory_space<hbm>>
        tpu.wait_indirect_dma semaphore(%arg12 : memref<!tpu.dma_semaphore, #tpu.memory_space<semaphore_mem>>) src(%dma_wait3A_760 : memref<10000x128xf32, #tpu.memory_space<hbm>>) dst(%dma_wait3A_754 : memref<40x128xf32, #tpu.memory_space<vmem>>)
        %dma_start3A_761 = arith.constant 80 : i32
        %dma_start3A_762 = arith.constant 0 : i32
        %dma_start3A_763 = tpu.memref_slice %arg8[%dma_start3A_761, %dma_start3A_762] : memref<240x128xf32, #tpu.memory_space<vmem>> -> memref<40x128xf32, #tpu.memory_space<vmem>>
        %dma_start3A_764 = arith.constant 0 : i32
        %dma_start3A_765 = tpu.memref_slice %arg7[%add3A_663, %dma_start3A_764] : memref<50x40xi32, #tpu.memory_space<vmem>> -> memref<1x40xi32, #tpu.memory_space<vmem>>
        %dma_start3A_766 = tpu.memref_squeeze %dma_start3A_765 : memref<1x40xi32, #tpu.memory_space<vmem>> -> memref<40xi32, #tpu.memory_space<vmem>>
        %dma_start3A_767 = arith.constant 0 : i32
        %dma_start3A_768 = arith.constant 0 : i32
        %dma_start3A_769 = tpu.memref_slice %arg9[%dma_start3A_767, %dma_start3A_768] : memref<10240x128xf32, #tpu.memory_space<vmem_shared>> -> memref<10240x128xf32, #tpu.memory_space<vmem_shared>>
        tpu.enqueue_indirect_dma source(%dma_start3A_763 : memref<40x128xf32, #tpu.memory_space<vmem>>) target(%dma_start3A_769 : memref<10240x128xf32, #tpu.memory_space<vmem_shared>>) offsets(%dma_start3A_766 : memref<40xi32, #tpu.memory_space<vmem>>) semaphore(%arg18 : memref<!tpu.dma_semaphore, #tpu.memory_space<semaphore_mem>>) {add = true}
      } else {
      }
      %add3A_669 = arith.constant 2 : i32
      %add3A_670 = arith.addi %mul3A_657, %add3A_669 : i32
      %lt3A_671 = arith.constant 50 : i32
      %lt3A_672 = arith.cmpi slt, %add3A_670, %lt3A_671 : i32
      %convert_element_type3A_673 = arith.extui %lt3A_672 : i1 to i32
      %cond3A_674 = arith.constant 0 : i32
      %cond3A_675 = arith.cmpi ne, %convert_element_type3A_673, %cond3A_674 : i32
      scf.if %cond3A_675 {
        %dma_wait3A_751 = arith.constant 0 : i32
        %dma_wait3A_752 = arith.constant 120 : i32
        %dma_wait3A_753 = arith.constant 0 : i32
        %dma_wait3A_754 = tpu.memref_slice %arg8[%dma_wait3A_752, %dma_wait3A_753] : memref<240x128xf32, #tpu.memory_space<vmem>> -> memref<40x128xf32, #tpu.memory_space<vmem>>
        %dma_wait3A_755 = arith.constant 0 : i32
        %dma_wait3A_756 = tpu.memref_slice %arg6[%dma_wait3A_751, %dma_wait3A_755] : memref<50x40xi32, #tpu.memory_space<vmem>> -> memref<1x40xi32, #tpu.memory_space<vmem>>
        %dma_wait3A_757 = tpu.memref_squeeze %dma_wait3A_756 : memref<1x40xi32, #tpu.memory_space<vmem>> -> memref<40xi32, #tpu.memory_space<vmem>>
        %dma_wait3A_758 = arith.constant 0 : i32
        %dma_wait3A_759 = arith.constant 0 : i32
        %dma_wait3A_760 = tpu.memref_slice %arg4[%dma_wait3A_758, %dma_wait3A_759] : memref<10000x128xf32, #tpu.memory_space<hbm>> -> memref<10000x128xf32, #tpu.memory_space<hbm>>
        tpu.wait_indirect_dma semaphore(%arg13 : memref<!tpu.dma_semaphore, #tpu.memory_space<semaphore_mem>>) src(%dma_wait3A_760 : memref<10000x128xf32, #tpu.memory_space<hbm>>) dst(%dma_wait3A_754 : memref<40x128xf32, #tpu.memory_space<vmem>>)
        %dma_start3A_761 = arith.constant 120 : i32
        %dma_start3A_762 = arith.constant 0 : i32
        %dma_start3A_763 = tpu.memref_slice %arg8[%dma_start3A_761, %dma_start3A_762] : memref<240x128xf32, #tpu.memory_space<vmem>> -> memref<40x128xf32, #tpu.memory_space<vmem>>
        %dma_start3A_764 = arith.constant 0 : i32
        %dma_start3A_765 = tpu.memref_slice %arg7[%add3A_670, %dma_start3A_764] : memref<50x40xi32, #tpu.memory_space<vmem>> -> memref<1x40xi32, #tpu.memory_space<vmem>>
        %dma_start3A_766 = tpu.memref_squeeze %dma_start3A_765 : memref<1x40xi32, #tpu.memory_space<vmem>> -> memref<40xi32, #tpu.memory_space<vmem>>
        %dma_start3A_767 = arith.constant 0 : i32
        %dma_start3A_768 = arith.constant 0 : i32
        %dma_start3A_769 = tpu.memref_slice %arg9[%dma_start3A_767, %dma_start3A_768] : memref<10240x128xf32, #tpu.memory_space<vmem_shared>> -> memref<10240x128xf32, #tpu.memory_space<vmem_shared>>
        tpu.enqueue_indirect_dma source(%dma_start3A_763 : memref<40x128xf32, #tpu.memory_space<vmem>>) target(%dma_start3A_769 : memref<10240x128xf32, #tpu.memory_space<vmem_shared>>) offsets(%dma_start3A_766 : memref<40xi32, #tpu.memory_space<vmem>>) semaphore(%arg19 : memref<!tpu.dma_semaphore, #tpu.memory_space<semaphore_mem>>) {add = true}
      } else {
      }
      %add3A_676 = arith.constant 3 : i32
      %add3A_677 = arith.addi %mul3A_657, %add3A_676 : i32
      %lt3A_678 = arith.constant 50 : i32
      %lt3A_679 = arith.cmpi slt, %add3A_677, %lt3A_678 : i32
      %convert_element_type3A_680 = arith.extui %lt3A_679 : i1 to i32
      %cond3A_681 = arith.constant 0 : i32
      %cond3A_682 = arith.cmpi ne, %convert_element_type3A_680, %cond3A_681 : i32
      scf.if %cond3A_682 {
        %dma_wait3A_751 = arith.constant 0 : i32
        %dma_wait3A_752 = arith.constant 160 : i32
        %dma_wait3A_753 = arith.constant 0 : i32
        %dma_wait3A_754 = tpu.memref_slice %arg8[%dma_wait3A_752, %dma_wait3A_753] : memref<240x128xf32, #tpu.memory_space<vmem>> -> memref<40x128xf32, #tpu.memory_space<vmem>>
        %dma_wait3A_755 = arith.constant 0 : i32
        %dma_wait3A_756 = tpu.memref_slice %arg6[%dma_wait3A_751, %dma_wait3A_755] : memref<50x40xi32, #tpu.memory_space<vmem>> -> memref<1x40xi32, #tpu.memory_space<vmem>>
        %dma_wait3A_757 = tpu.memref_squeeze %dma_wait3A_756 : memref<1x40xi32, #tpu.memory_space<vmem>> -> memref<40xi32, #tpu.memory_space<vmem>>
        %dma_wait3A_758 = arith.constant 0 : i32
        %dma_wait3A_759 = arith.constant 0 : i32
        %dma_wait3A_760 = tpu.memref_slice %arg4[%dma_wait3A_758, %dma_wait3A_759] : memref<10000x128xf32, #tpu.memory_space<hbm>> -> memref<10000x128xf32, #tpu.memory_space<hbm>>
        tpu.wait_indirect_dma semaphore(%arg14 : memref<!tpu.dma_semaphore, #tpu.memory_space<semaphore_mem>>) src(%dma_wait3A_760 : memref<10000x128xf32, #tpu.memory_space<hbm>>) dst(%dma_wait3A_754 : memref<40x128xf32, #tpu.memory_space<vmem>>)
        %dma_start3A_761 = arith.constant 160 : i32
        %dma_start3A_762 = arith.constant 0 : i32
        %dma_start3A_763 = tpu.memref_slice %arg8[%dma_start3A_761, %dma_start3A_762] : memref<240x128xf32, #tpu.memory_space<vmem>> -> memref<40x128xf32, #tpu.memory_space<vmem>>
        %dma_start3A_764 = arith.constant 0 : i32
        %dma_start3A_765 = tpu.memref_slice %arg7[%add3A_677, %dma_start3A_764] : memref<50x40xi32, #tpu.memory_space<vmem>> -> memref<1x40xi32, #tpu.memory_space<vmem>>
        %dma_start3A_766 = tpu.memref_squeeze %dma_start3A_765 : memref<1x40xi32, #tpu.memory_space<vmem>> -> memref<40xi32, #tpu.memory_space<vmem>>
        %dma_start3A_767 = arith.constant 0 : i32
        %dma_start3A_768 = arith.constant 0 : i32
        %dma_start3A_769 = tpu.memref_slice %arg9[%dma_start3A_767, %dma_start3A_768] : memref<10240x128xf32, #tpu.memory_space<vmem_shared>> -> memref<10240x128xf32, #tpu.memory_space<vmem_shared>>
        tpu.enqueue_indirect_dma source(%dma_start3A_763 : memref<40x128xf32, #tpu.memory_space<vmem>>) target(%dma_start3A_769 : memref<10240x128xf32, #tpu.memory_space<vmem_shared>>) offsets(%dma_start3A_766 : memref<40xi32, #tpu.memory_space<vmem>>) semaphore(%arg20 : memref<!tpu.dma_semaphore, #tpu.memory_space<semaphore_mem>>) {add = true}
      } else {
      }
      %add3A_683 = arith.constant 4 : i32
      %add3A_684 = arith.addi %mul3A_657, %add3A_683 : i32
      %lt3A_685 = arith.constant 50 : i32
      %lt3A_686 = arith.cmpi slt, %add3A_684, %lt3A_685 : i32
      %convert_element_type3A_687 = arith.extui %lt3A_686 : i1 to i32
      %cond3A_688 = arith.constant 0 : i32
      %cond3A_689 = arith.cmpi ne, %convert_element_type3A_687, %cond3A_688 : i32
      scf.if %cond3A_689 {
        %dma_wait3A_751 = arith.constant 0 : i32
        %dma_wait3A_752 = arith.constant 200 : i32
        %dma_wait3A_753 = arith.constant 0 : i32
        %dma_wait3A_754 = tpu.memref_slice %arg8[%dma_wait3A_752, %dma_wait3A_753] : memref<240x128xf32, #tpu.memory_space<vmem>> -> memref<40x128xf32, #tpu.memory_space<vmem>>
        %dma_wait3A_755 = arith.constant 0 : i32
        %dma_wait3A_756 = tpu.memref_slice %arg6[%dma_wait3A_751, %dma_wait3A_755] : memref<50x40xi32, #tpu.memory_space<vmem>> -> memref<1x40xi32, #tpu.memory_space<vmem>>
        %dma_wait3A_757 = tpu.memref_squeeze %dma_wait3A_756 : memref<1x40xi32, #tpu.memory_space<vmem>> -> memref<40xi32, #tpu.memory_space<vmem>>
        %dma_wait3A_758 = arith.constant 0 : i32
        %dma_wait3A_759 = arith.constant 0 : i32
        %dma_wait3A_760 = tpu.memref_slice %arg4[%dma_wait3A_758, %dma_wait3A_759] : memref<10000x128xf32, #tpu.memory_space<hbm>> -> memref<10000x128xf32, #tpu.memory_space<hbm>>
        tpu.wait_indirect_dma semaphore(%arg15 : memref<!tpu.dma_semaphore, #tpu.memory_space<semaphore_mem>>) src(%dma_wait3A_760 : memref<10000x128xf32, #tpu.memory_space<hbm>>) dst(%dma_wait3A_754 : memref<40x128xf32, #tpu.memory_space<vmem>>)
        %dma_start3A_761 = arith.constant 200 : i32
        %dma_start3A_762 = arith.constant 0 : i32
        %dma_start3A_763 = tpu.memref_slice %arg8[%dma_start3A_761, %dma_start3A_762] : memref<240x128xf32, #tpu.memory_space<vmem>> -> memref<40x128xf32, #tpu.memory_space<vmem>>
        %dma_start3A_764 = arith.constant 0 : i32
        %dma_start3A_765 = tpu.memref_slice %arg7[%add3A_684, %dma_start3A_764] : memref<50x40xi32, #tpu.memory_space<vmem>> -> memref<1x40xi32, #tpu.memory_space<vmem>>
        %dma_start3A_766 = tpu.memref_squeeze %dma_start3A_765 : memref<1x40xi32, #tpu.memory_space<vmem>> -> memref<40xi32, #tpu.memory_space<vmem>>
        %dma_start3A_767 = arith.constant 0 : i32
        %dma_start3A_768 = arith.constant 0 : i32
        %dma_start3A_769 = tpu.memref_slice %arg9[%dma_start3A_767, %dma_start3A_768] : memref<10240x128xf32, #tpu.memory_space<vmem_shared>> -> memref<10240x128xf32, #tpu.memory_space<vmem_shared>>
        tpu.enqueue_indirect_dma source(%dma_start3A_763 : memref<40x128xf32, #tpu.memory_space<vmem>>) target(%dma_start3A_769 : memref<10240x128xf32, #tpu.memory_space<vmem_shared>>) offsets(%dma_start3A_766 : memref<40xi32, #tpu.memory_space<vmem>>) semaphore(%arg21 : memref<!tpu.dma_semaphore, #tpu.memory_space<semaphore_mem>>) {add = true}
      } else {
      }
      %add3A_690 = arith.constant 5 : i32
      %add3A_691 = arith.addi %mul3A_657, %add3A_690 : i32
      %lt3A_692 = arith.constant 50 : i32
      %lt3A_693 = arith.cmpi slt, %add3A_691, %lt3A_692 : i32
      %convert_element_type3A_694 = arith.extui %lt3A_693 : i1 to i32
      %cond3A_695 = arith.constant 0 : i32
      %cond3A_696 = arith.cmpi ne, %convert_element_type3A_694, %cond3A_695 : i32
      scf.if %cond3A_696 {
        %dma_wait3A_751 = arith.constant 0 : i32
        %dma_wait3A_752 = arith.constant 0 : i32
        %dma_wait3A_753 = arith.constant 0 : i32
        %dma_wait3A_754 = tpu.memref_slice %arg8[%dma_wait3A_752, %dma_wait3A_753] : memref<240x128xf32, #tpu.memory_space<vmem>> -> memref<40x128xf32, #tpu.memory_space<vmem>>
        %dma_wait3A_755 = arith.constant 0 : i32
        %dma_wait3A_756 = tpu.memref_slice %arg6[%dma_wait3A_751, %dma_wait3A_755] : memref<50x40xi32, #tpu.memory_space<vmem>> -> memref<1x40xi32, #tpu.memory_space<vmem>>
        %dma_wait3A_757 = tpu.memref_squeeze %dma_wait3A_756 : memref<1x40xi32, #tpu.memory_space<vmem>> -> memref<40xi32, #tpu.memory_space<vmem>>
        %dma_wait3A_758 = arith.constant 0 : i32
        %dma_wait3A_759 = arith.constant 0 : i32
        %dma_wait3A_760 = tpu.memref_slice %arg4[%dma_wait3A_758, %dma_wait3A_759] : memref<10000x128xf32, #tpu.memory_space<hbm>> -> memref<10000x128xf32, #tpu.memory_space<hbm>>
        tpu.wait_indirect_dma semaphore(%arg10 : memref<!tpu.dma_semaphore, #tpu.memory_space<semaphore_mem>>) src(%dma_wait3A_760 : memref<10000x128xf32, #tpu.memory_space<hbm>>) dst(%dma_wait3A_754 : memref<40x128xf32, #tpu.memory_space<vmem>>)
        %dma_start3A_761 = arith.constant 0 : i32
        %dma_start3A_762 = arith.constant 0 : i32
        %dma_start3A_763 = tpu.memref_slice %arg8[%dma_start3A_761, %dma_start3A_762] : memref<240x128xf32, #tpu.memory_space<vmem>> -> memref<40x128xf32, #tpu.memory_space<vmem>>
        %dma_start3A_764 = arith.constant 0 : i32
        %dma_start3A_765 = tpu.memref_slice %arg7[%add3A_691, %dma_start3A_764] : memref<50x40xi32, #tpu.memory_space<vmem>> -> memref<1x40xi32, #tpu.memory_space<vmem>>
        %dma_start3A_766 = tpu.memref_squeeze %dma_start3A_765 : memref<1x40xi32, #tpu.memory_space<vmem>> -> memref<40xi32, #tpu.memory_space<vmem>>
        %dma_start3A_767 = arith.constant 0 : i32
        %dma_start3A_768 = arith.constant 0 : i32
        %dma_start3A_769 = tpu.memref_slice %arg9[%dma_start3A_767, %dma_start3A_768] : memref<10240x128xf32, #tpu.memory_space<vmem_shared>> -> memref<10240x128xf32, #tpu.memory_space<vmem_shared>>
        tpu.enqueue_indirect_dma source(%dma_start3A_763 : memref<40x128xf32, #tpu.memory_space<vmem>>) target(%dma_start3A_769 : memref<10240x128xf32, #tpu.memory_space<vmem_shared>>) offsets(%dma_start3A_766 : memref<40xi32, #tpu.memory_space<vmem>>) semaphore(%arg16 : memref<!tpu.dma_semaphore, #tpu.memory_space<semaphore_mem>>) {add = true}
      } else {
      }
      %add3A_697 = arith.constant 6 : i32
      %add3A_698 = arith.addi %mul3A_657, %add3A_697 : i32
      %add3A_699 = arith.constant 0 : i32
      %add3A_700 = arith.addi %add3A_698, %add3A_699 : i32
      %lt3A_701 = arith.constant 50 : i32
      %lt3A_702 = arith.cmpi slt, %add3A_700, %lt3A_701 : i32
      %convert_element_type3A_703 = arith.extui %lt3A_702 : i1 to i32
      %cond3A_704 = arith.constant 0 : i32
      %cond3A_705 = arith.cmpi ne, %convert_element_type3A_703, %cond3A_704 : i32
      scf.if %cond3A_705 {
        %dma_wait3A_751 = arith.constant 0 : i32
        %dma_wait3A_752 = arith.constant 40 : i32
        %dma_wait3A_753 = arith.constant 0 : i32
        %dma_wait3A_754 = tpu.memref_slice %arg8[%dma_wait3A_752, %dma_wait3A_753] : memref<240x128xf32, #tpu.memory_space<vmem>> -> memref<40x128xf32, #tpu.memory_space<vmem>>
        %dma_wait3A_755 = arith.constant 0 : i32
        %dma_wait3A_756 = tpu.memref_slice %arg7[%dma_wait3A_751, %dma_wait3A_755] : memref<50x40xi32, #tpu.memory_space<vmem>> -> memref<1x40xi32, #tpu.memory_space<vmem>>
        %dma_wait3A_757 = tpu.memref_squeeze %dma_wait3A_756 : memref<1x40xi32, #tpu.memory_space<vmem>> -> memref<40xi32, #tpu.memory_space<vmem>>
        %dma_wait3A_758 = arith.constant 0 : i32
        %dma_wait3A_759 = arith.constant 0 : i32
        %dma_wait3A_760 = tpu.memref_slice %arg9[%dma_wait3A_758, %dma_wait3A_759] : memref<10240x128xf32, #tpu.memory_space<vmem_shared>> -> memref<10240x128xf32, #tpu.memory_space<vmem_shared>>
        tpu.wait_indirect_dma semaphore(%arg17 : memref<!tpu.dma_semaphore, #tpu.memory_space<semaphore_mem>>) src(%dma_wait3A_754 : memref<40x128xf32, #tpu.memory_space<vmem>>) dst(%dma_wait3A_760 : memref<10240x128xf32, #tpu.memory_space<vmem_shared>>)
        %dma_start3A_761 = arith.constant 40 : i32
        %dma_start3A_762 = arith.constant 0 : i32
        %dma_start3A_763 = tpu.memref_slice %arg8[%dma_start3A_761, %dma_start3A_762] : memref<240x128xf32, #tpu.memory_space<vmem>> -> memref<40x128xf32, #tpu.memory_space<vmem>>
        %dma_start3A_764 = arith.constant 0 : i32
        %dma_start3A_765 = tpu.memref_slice %arg6[%add3A_700, %dma_start3A_764] : memref<50x40xi32, #tpu.memory_space<vmem>> -> memref<1x40xi32, #tpu.memory_space<vmem>>
        %dma_start3A_766 = tpu.memref_squeeze %dma_start3A_765 : memref<1x40xi32, #tpu.memory_space<vmem>> -> memref<40xi32, #tpu.memory_space<vmem>>
        %dma_start3A_767 = arith.constant 0 : i32
        %dma_start3A_768 = arith.constant 0 : i32
        %dma_start3A_769 = tpu.memref_slice %arg4[%dma_start3A_767, %dma_start3A_768] : memref<10000x128xf32, #tpu.memory_space<hbm>> -> memref<10000x128xf32, #tpu.memory_space<hbm>>
        tpu.enqueue_indirect_dma source(%dma_start3A_769 : memref<10000x128xf32, #tpu.memory_space<hbm>>) target(%dma_start3A_763 : memref<40x128xf32, #tpu.memory_space<vmem>>) offsets(%dma_start3A_766 : memref<40xi32, #tpu.memory_space<vmem>>) semaphore(%arg11 : memref<!tpu.dma_semaphore, #tpu.memory_space<semaphore_mem>>)
      } else {
      }
      %add3A_706 = arith.constant 6 : i32
      %add3A_707 = arith.addi %mul3A_657, %add3A_706 : i32
      %add3A_708 = arith.constant 1 : i32
      %add3A_709 = arith.addi %add3A_707, %add3A_708 : i32
      %lt3A_710 = arith.constant 50 : i32
      %lt3A_711 = arith.cmpi slt, %add3A_709, %lt3A_710 : i32
      %convert_element_type3A_712 = arith.extui %lt3A_711 : i1 to i32
      %cond3A_713 = arith.constant 0 : i32
      %cond3A_714 = arith.cmpi ne, %convert_element_type3A_712, %cond3A_713 : i32
      scf.if %cond3A_714 {
        %dma_wait3A_751 = arith.constant 0 : i32
        %dma_wait3A_752 = arith.constant 80 : i32
        %dma_wait3A_753 = arith.constant 0 : i32
        %dma_wait3A_754 = tpu.memref_slice %arg8[%dma_wait3A_752, %dma_wait3A_753] : memref<240x128xf32, #tpu.memory_space<vmem>> -> memref<40x128xf32, #tpu.memory_space<vmem>>
        %dma_wait3A_755 = arith.constant 0 : i32
        %dma_wait3A_756 = tpu.memref_slice %arg7[%dma_wait3A_751, %dma_wait3A_755] : memref<50x40xi32, #tpu.memory_space<vmem>> -> memref<1x40xi32, #tpu.memory_space<vmem>>
        %dma_wait3A_757 = tpu.memref_squeeze %dma_wait3A_756 : memref<1x40xi32, #tpu.memory_space<vmem>> -> memref<40xi32, #tpu.memory_space<vmem>>
        %dma_wait3A_758 = arith.constant 0 : i32
        %dma_wait3A_759 = arith.constant 0 : i32
        %dma_wait3A_760 = tpu.memref_slice %arg9[%dma_wait3A_758, %dma_wait3A_759] : memref<10240x128xf32, #tpu.memory_space<vmem_shared>> -> memref<10240x128xf32, #tpu.memory_space<vmem_shared>>
        tpu.wait_indirect_dma semaphore(%arg18 : memref<!tpu.dma_semaphore, #tpu.memory_space<semaphore_mem>>) src(%dma_wait3A_754 : memref<40x128xf32, #tpu.memory_space<vmem>>) dst(%dma_wait3A_760 : memref<10240x128xf32, #tpu.memory_space<vmem_shared>>)
        %dma_start3A_761 = arith.constant 80 : i32
        %dma_start3A_762 = arith.constant 0 : i32
        %dma_start3A_763 = tpu.memref_slice %arg8[%dma_start3A_761, %dma_start3A_762] : memref<240x128xf32, #tpu.memory_space<vmem>> -> memref<40x128xf32, #tpu.memory_space<vmem>>
        %dma_start3A_764 = arith.constant 0 : i32
        %dma_start3A_765 = tpu.memref_slice %arg6[%add3A_709, %dma_start3A_764] : memref<50x40xi32, #tpu.memory_space<vmem>> -> memref<1x40xi32, #tpu.memory_space<vmem>>
        %dma_start3A_766 = tpu.memref_squeeze %dma_start3A_765 : memref<1x40xi32, #tpu.memory_space<vmem>> -> memref<40xi32, #tpu.memory_space<vmem>>
        %dma_start3A_767 = arith.constant 0 : i32
        %dma_start3A_768 = arith.constant 0 : i32
        %dma_start3A_769 = tpu.memref_slice %arg4[%dma_start3A_767, %dma_start3A_768] : memref<10000x128xf32, #tpu.memory_space<hbm>> -> memref<10000x128xf32, #tpu.memory_space<hbm>>
        tpu.enqueue_indirect_dma source(%dma_start3A_769 : memref<10000x128xf32, #tpu.memory_space<hbm>>) target(%dma_start3A_763 : memref<40x128xf32, #tpu.memory_space<vmem>>) offsets(%dma_start3A_766 : memref<40xi32, #tpu.memory_space<vmem>>) semaphore(%arg12 : memref<!tpu.dma_semaphore, #tpu.memory_space<semaphore_mem>>)
      } else {
      }
      %add3A_715 = arith.constant 6 : i32
      %add3A_716 = arith.addi %mul3A_657, %add3A_715 : i32
      %add3A_717 = arith.constant 2 : i32
      %add3A_718 = arith.addi %add3A_716, %add3A_717 : i32
      %lt3A_719 = arith.constant 50 : i32
      %lt3A_720 = arith.cmpi slt, %add3A_718, %lt3A_719 : i32
      %convert_element_type3A_721 = arith.extui %lt3A_720 : i1 to i32
      %cond3A_722 = arith.constant 0 : i32
      %cond3A_723 = arith.cmpi ne, %convert_element_type3A_721, %cond3A_722 : i32
      scf.if %cond3A_723 {
        %dma_wait3A_751 = arith.constant 0 : i32
        %dma_wait3A_752 = arith.constant 120 : i32
        %dma_wait3A_753 = arith.constant 0 : i32
        %dma_wait3A_754 = tpu.memref_slice %arg8[%dma_wait3A_752, %dma_wait3A_753] : memref<240x128xf32, #tpu.memory_space<vmem>> -> memref<40x128xf32, #tpu.memory_space<vmem>>
        %dma_wait3A_755 = arith.constant 0 : i32
        %dma_wait3A_756 = tpu.memref_slice %arg7[%dma_wait3A_751, %dma_wait3A_755] : memref<50x40xi32, #tpu.memory_space<vmem>> -> memref<1x40xi32, #tpu.memory_space<vmem>>
        %dma_wait3A_757 = tpu.memref_squeeze %dma_wait3A_756 : memref<1x40xi32, #tpu.memory_space<vmem>> -> memref<40xi32, #tpu.memory_space<vmem>>
        %dma_wait3A_758 = arith.constant 0 : i32
        %dma_wait3A_759 = arith.constant 0 : i32
        %dma_wait3A_760 = tpu.memref_slice %arg9[%dma_wait3A_758, %dma_wait3A_759] : memref<10240x128xf32, #tpu.memory_space<vmem_shared>> -> memref<10240x128xf32, #tpu.memory_space<vmem_shared>>
        tpu.wait_indirect_dma semaphore(%arg19 : memref<!tpu.dma_semaphore, #tpu.memory_space<semaphore_mem>>) src(%dma_wait3A_754 : memref<40x128xf32, #tpu.memory_space<vmem>>) dst(%dma_wait3A_760 : memref<10240x128xf32, #tpu.memory_space<vmem_shared>>)
        %dma_start3A_761 = arith.constant 120 : i32
        %dma_start3A_762 = arith.constant 0 : i32
        %dma_start3A_763 = tpu.memref_slice %arg8[%dma_start3A_761, %dma_start3A_762] : memref<240x128xf32, #tpu.memory_space<vmem>> -> memref<40x128xf32, #tpu.memory_space<vmem>>
        %dma_start3A_764 = arith.constant 0 : i32
        %dma_start3A_765 = tpu.memref_slice %arg6[%add3A_718, %dma_start3A_764] : memref<50x40xi32, #tpu.memory_space<vmem>> -> memref<1x40xi32, #tpu.memory_space<vmem>>
        %dma_start3A_766 = tpu.memref_squeeze %dma_start3A_765 : memref<1x40xi32, #tpu.memory_space<vmem>> -> memref<40xi32, #tpu.memory_space<vmem>>
        %dma_start3A_767 = arith.constant 0 : i32
        %dma_start3A_768 = arith.constant 0 : i32
        %dma_start3A_769 = tpu.memref_slice %arg4[%dma_start3A_767, %dma_start3A_768] : memref<10000x128xf32, #tpu.memory_space<hbm>> -> memref<10000x128xf32, #tpu.memory_space<hbm>>
        tpu.enqueue_indirect_dma source(%dma_start3A_769 : memref<10000x128xf32, #tpu.memory_space<hbm>>) target(%dma_start3A_763 : memref<40x128xf32, #tpu.memory_space<vmem>>) offsets(%dma_start3A_766 : memref<40xi32, #tpu.memory_space<vmem>>) semaphore(%arg13 : memref<!tpu.dma_semaphore, #tpu.memory_space<semaphore_mem>>)
      } else {
      }
      %add3A_724 = arith.constant 6 : i32
      %add3A_725 = arith.addi %mul3A_657, %add3A_724 : i32
      %add3A_726 = arith.constant 3 : i32
      %add3A_727 = arith.addi %add3A_725, %add3A_726 : i32
      %lt3A_728 = arith.constant 50 : i32
      %lt3A_729 = arith.cmpi slt, %add3A_727, %lt3A_728 : i32
      %convert_element_type3A_730 = arith.extui %lt3A_729 : i1 to i32
      %cond3A_731 = arith.constant 0 : i32
      %cond3A_732 = arith.cmpi ne, %convert_element_type3A_730, %cond3A_731 : i32
      scf.if %cond3A_732 {
        %dma_wait3A_751 = arith.constant 0 : i32
        %dma_wait3A_752 = arith.constant 160 : i32
        %dma_wait3A_753 = arith.constant 0 : i32
        %dma_wait3A_754 = tpu.memref_slice %arg8[%dma_wait3A_752, %dma_wait3A_753] : memref<240x128xf32, #tpu.memory_space<vmem>> -> memref<40x128xf32, #tpu.memory_space<vmem>>
        %dma_wait3A_755 = arith.constant 0 : i32
        %dma_wait3A_756 = tpu.memref_slice %arg7[%dma_wait3A_751, %dma_wait3A_755] : memref<50x40xi32, #tpu.memory_space<vmem>> -> memref<1x40xi32, #tpu.memory_space<vmem>>
        %dma_wait3A_757 = tpu.memref_squeeze %dma_wait3A_756 : memref<1x40xi32, #tpu.memory_space<vmem>> -> memref<40xi32, #tpu.memory_space<vmem>>
        %dma_wait3A_758 = arith.constant 0 : i32
        %dma_wait3A_759 = arith.constant 0 : i32
        %dma_wait3A_760 = tpu.memref_slice %arg9[%dma_wait3A_758, %dma_wait3A_759] : memref<10240x128xf32, #tpu.memory_space<vmem_shared>> -> memref<10240x128xf32, #tpu.memory_space<vmem_shared>>
        tpu.wait_indirect_dma semaphore(%arg20 : memref<!tpu.dma_semaphore, #tpu.memory_space<semaphore_mem>>) src(%dma_wait3A_754 : memref<40x128xf32, #tpu.memory_space<vmem>>) dst(%dma_wait3A_760 : memref<10240x128xf32, #tpu.memory_space<vmem_shared>>)
        %dma_start3A_761 = arith.constant 160 : i32
        %dma_start3A_762 = arith.constant 0 : i32
        %dma_start3A_763 = tpu.memref_slice %arg8[%dma_start3A_761, %dma_start3A_762] : memref<240x128xf32, #tpu.memory_space<vmem>> -> memref<40x128xf32, #tpu.memory_space<vmem>>
        %dma_start3A_764 = arith.constant 0 : i32
        %dma_start3A_765 = tpu.memref_slice %arg6[%add3A_727, %dma_start3A_764] : memref<50x40xi32, #tpu.memory_space<vmem>> -> memref<1x40xi32, #tpu.memory_space<vmem>>
        %dma_start3A_766 = tpu.memref_squeeze %dma_start3A_765 : memref<1x40xi32, #tpu.memory_space<vmem>> -> memref<40xi32, #tpu.memory_space<vmem>>
        %dma_start3A_767 = arith.constant 0 : i32
        %dma_start3A_768 = arith.constant 0 : i32
        %dma_start3A_769 = tpu.memref_slice %arg4[%dma_start3A_767, %dma_start3A_768] : memref<10000x128xf32, #tpu.memory_space<hbm>> -> memref<10000x128xf32, #tpu.memory_space<hbm>>
        tpu.enqueue_indirect_dma source(%dma_start3A_769 : memref<10000x128xf32, #tpu.memory_space<hbm>>) target(%dma_start3A_763 : memref<40x128xf32, #tpu.memory_space<vmem>>) offsets(%dma_start3A_766 : memref<40xi32, #tpu.memory_space<vmem>>) semaphore(%arg14 : memref<!tpu.dma_semaphore, #tpu.memory_space<semaphore_mem>>)
      } else {
      }
      %add3A_733 = arith.constant 6 : i32
      %add3A_734 = arith.addi %mul3A_657, %add3A_733 : i32
      %add3A_735 = arith.constant 4 : i32
      %add3A_736 = arith.addi %add3A_734, %add3A_735 : i32
      %lt3A_737 = arith.constant 50 : i32
      %lt3A_738 = arith.cmpi slt, %add3A_736, %lt3A_737 : i32
      %convert_element_type3A_739 = arith.extui %lt3A_738 : i1 to i32
      %cond3A_740 = arith.constant 0 : i32
      %cond3A_741 = arith.cmpi ne, %convert_element_type3A_739, %cond3A_740 : i32
      scf.if %cond3A_741 {
        %dma_wait3A_751 = arith.constant 0 : i32
        %dma_wait3A_752 = arith.constant 200 : i32
        %dma_wait3A_753 = arith.constant 0 : i32
        %dma_wait3A_754 = tpu.memref_slice %arg8[%dma_wait3A_752, %dma_wait3A_753] : memref<240x128xf32, #tpu.memory_space<vmem>> -> memref<40x128xf32, #tpu.memory_space<vmem>>
        %dma_wait3A_755 = arith.constant 0 : i32
        %dma_wait3A_756 = tpu.memref_slice %arg7[%dma_wait3A_751, %dma_wait3A_755] : memref<50x40xi32, #tpu.memory_space<vmem>> -> memref<1x40xi32, #tpu.memory_space<vmem>>
        %dma_wait3A_757 = tpu.memref_squeeze %dma_wait3A_756 : memref<1x40xi32, #tpu.memory_space<vmem>> -> memref<40xi32, #tpu.memory_space<vmem>>
        %dma_wait3A_758 = arith.constant 0 : i32
        %dma_wait3A_759 = arith.constant 0 : i32
        %dma_wait3A_760 = tpu.memref_slice %arg9[%dma_wait3A_758, %dma_wait3A_759] : memref<10240x128xf32, #tpu.memory_space<vmem_shared>> -> memref<10240x128xf32, #tpu.memory_space<vmem_shared>>
        tpu.wait_indirect_dma semaphore(%arg21 : memref<!tpu.dma_semaphore, #tpu.memory_space<semaphore_mem>>) src(%dma_wait3A_754 : memref<40x128xf32, #tpu.memory_space<vmem>>) dst(%dma_wait3A_760 : memref<10240x128xf32, #tpu.memory_space<vmem_shared>>)
        %dma_start3A_761 = arith.constant 200 : i32
        %dma_start3A_762 = arith.constant 0 : i32
        %dma_start3A_763 = tpu.memref_slice %arg8[%dma_start3A_761, %dma_start3A_762] : memref<240x128xf32, #tpu.memory_space<vmem>> -> memref<40x128xf32, #tpu.memory_space<vmem>>
        %dma_start3A_764 = arith.constant 0 : i32
        %dma_start3A_765 = tpu.memref_slice %arg6[%add3A_736, %dma_start3A_764] : memref<50x40xi32, #tpu.memory_space<vmem>> -> memref<1x40xi32, #tpu.memory_space<vmem>>
        %dma_start3A_766 = tpu.memref_squeeze %dma_start3A_765 : memref<1x40xi32, #tpu.memory_space<vmem>> -> memref<40xi32, #tpu.memory_space<vmem>>
        %dma_start3A_767 = arith.constant 0 : i32
        %dma_start3A_768 = arith.constant 0 : i32
        %dma_start3A_769 = tpu.memref_slice %arg4[%dma_start3A_767, %dma_start3A_768] : memref<10000x128xf32, #tpu.memory_space<hbm>> -> memref<10000x128xf32, #tpu.memory_space<hbm>>
        tpu.enqueue_indirect_dma source(%dma_start3A_769 : memref<10000x128xf32, #tpu.memory_space<hbm>>) target(%dma_start3A_763 : memref<40x128xf32, #tpu.memory_space<vmem>>) offsets(%dma_start3A_766 : memref<40xi32, #tpu.memory_space<vmem>>) semaphore(%arg15 : memref<!tpu.dma_semaphore, #tpu.memory_space<semaphore_mem>>)
      } else {
      }
      %add3A_742 = arith.constant 6 : i32
      %add3A_743 = arith.addi %mul3A_657, %add3A_742 : i32
      %add3A_744 = arith.constant 5 : i32
      %add3A_745 = arith.addi %add3A_743, %add3A_744 : i32
      %lt3A_746 = arith.constant 50 : i32
      %lt3A_747 = arith.cmpi slt, %add3A_745, %lt3A_746 : i32
      %convert_element_type3A_748 = arith.extui %lt3A_747 : i1 to i32
      %cond3A_749 = arith.constant 0 : i32
      %cond3A_750 = arith.cmpi ne, %convert_element_type3A_748, %cond3A_749 : i32
      scf.if %cond3A_750 {
        %dma_wait3A_751 = arith.constant 0 : i32
        %dma_wait3A_752 = arith.constant 0 : i32
        %dma_wait3A_753 = arith.constant 0 : i32
        %dma_wait3A_754 = tpu.memref_slice %arg8[%dma_wait3A_752, %dma_wait3A_753] : memref<240x128xf32, #tpu.memory_space<vmem>> -> memref<40x128xf32, #tpu.memory_space<vmem>>
        %dma_wait3A_755 = arith.constant 0 : i32
        %dma_wait3A_756 = tpu.memref_slice %arg7[%dma_wait3A_751, %dma_wait3A_755] : memref<50x40xi32, #tpu.memory_space<vmem>> -> memref<1x40xi32, #tpu.memory_space<vmem>>
        %dma_wait3A_757 = tpu.memref_squeeze %dma_wait3A_756 : memref<1x40xi32, #tpu.memory_space<vmem>> -> memref<40xi32, #tpu.memory_space<vmem>>
        %dma_wait3A_758 = arith.constant 0 : i32
        %dma_wait3A_759 = arith.constant 0 : i32
        %dma_wait3A_760 = tpu.memref_slice %arg9[%dma_wait3A_758, %dma_wait3A_759] : memref<10240x128xf32, #tpu.memory_space<vmem_shared>> -> memref<10240x128xf32, #tpu.memory_space<vmem_shared>>
        tpu.wait_indirect_dma semaphore(%arg16 : memref<!tpu.dma_semaphore, #tpu.memory_space<semaphore_mem>>) src(%dma_wait3A_754 : memref<40x128xf32, #tpu.memory_space<vmem>>) dst(%dma_wait3A_760 : memref<10240x128xf32, #tpu.memory_space<vmem_shared>>)
        %dma_start3A_761 = arith.constant 0 : i32
        %dma_start3A_762 = arith.constant 0 : i32
        %dma_start3A_763 = tpu.memref_slice %arg8[%dma_start3A_761, %dma_start3A_762] : memref<240x128xf32, #tpu.memory_space<vmem>> -> memref<40x128xf32, #tpu.memory_space<vmem>>
        %dma_start3A_764 = arith.constant 0 : i32
        %dma_start3A_765 = tpu.memref_slice %arg6[%add3A_745, %dma_start3A_764] : memref<50x40xi32, #tpu.memory_space<vmem>> -> memref<1x40xi32, #tpu.memory_space<vmem>>
        %dma_start3A_766 = tpu.memref_squeeze %dma_start3A_765 : memref<1x40xi32, #tpu.memory_space<vmem>> -> memref<40xi32, #tpu.memory_space<vmem>>
        %dma_start3A_767 = arith.constant 0 : i32
        %dma_start3A_768 = arith.constant 0 : i32
        %dma_start3A_769 = tpu.memref_slice %arg4[%dma_start3A_767, %dma_start3A_768] : memref<10000x128xf32, #tpu.memory_space<hbm>> -> memref<10000x128xf32, #tpu.memory_space<hbm>>
        tpu.enqueue_indirect_dma source(%dma_start3A_769 : memref<10000x128xf32, #tpu.memory_space<hbm>>) target(%dma_start3A_763 : memref<40x128xf32, #tpu.memory_space<vmem>>) offsets(%dma_start3A_766 : memref<40xi32, #tpu.memory_space<vmem>>) semaphore(%arg10 : memref<!tpu.dma_semaphore, #tpu.memory_space<semaphore_mem>>)
      } else {
      }
    }
    %scan3A_78 = arith.constant 9 : i32
    %dma_wait3A = arith.constant 0 : i32
    %dma_wait3A_79 = arith.constant 40 : i32
    %dma_wait3A_80 = arith.constant 0 : i32
    %dma_wait3A_81 = tpu.memref_slice %arg8[%dma_wait3A_79, %dma_wait3A_80] : memref<240x128xf32, #tpu.memory_space<vmem>> -> memref<40x128xf32, #tpu.memory_space<vmem>>
    %dma_wait3A_82 = arith.constant 0 : i32
    %dma_wait3A_83 = tpu.memref_slice %arg7[%dma_wait3A, %dma_wait3A_82] : memref<50x40xi32, #tpu.memory_space<vmem>> -> memref<1x40xi32, #tpu.memory_space<vmem>>
    %dma_wait3A_84 = tpu.memref_squeeze %dma_wait3A_83 : memref<1x40xi32, #tpu.memory_space<vmem>> -> memref<40xi32, #tpu.memory_space<vmem>>
    %dma_wait3A_85 = arith.constant 0 : i32
    %dma_wait3A_86 = arith.constant 0 : i32
    %dma_wait3A_87 = tpu.memref_slice %arg9[%dma_wait3A_85, %dma_wait3A_86] : memref<10240x128xf32, #tpu.memory_space<vmem_shared>> -> memref<10240x128xf32, #tpu.memory_space<vmem_shared>>
    tpu.wait_indirect_dma semaphore(%arg17 : memref<!tpu.dma_semaphore, #tpu.memory_space<semaphore_mem>>) src(%dma_wait3A_81 : memref<40x128xf32, #tpu.memory_space<vmem>>) dst(%dma_wait3A_87 : memref<10240x128xf32, #tpu.memory_space<vmem_shared>>)
    %dma_wait3A_88 = arith.constant 0 : i32
    %dma_wait3A_89 = arith.constant 80 : i32
    %dma_wait3A_90 = arith.constant 0 : i32
    %dma_wait3A_91 = tpu.memref_slice %arg8[%dma_wait3A_89, %dma_wait3A_90] : memref<240x128xf32, #tpu.memory_space<vmem>> -> memref<40x128xf32, #tpu.memory_space<vmem>>
    %dma_wait3A_92 = arith.constant 0 : i32
    %dma_wait3A_93 = tpu.memref_slice %arg7[%dma_wait3A_88, %dma_wait3A_92] : memref<50x40xi32, #tpu.memory_space<vmem>> -> memref<1x40xi32, #tpu.memory_space<vmem>>
    %dma_wait3A_94 = tpu.memref_squeeze %dma_wait3A_93 : memref<1x40xi32, #tpu.memory_space<vmem>> -> memref<40xi32, #tpu.memory_space<vmem>>
    %dma_wait3A_95 = arith.constant 0 : i32
    %dma_wait3A_96 = arith.constant 0 : i32
    %dma_wait3A_97 = tpu.memref_slice %arg9[%dma_wait3A_95, %dma_wait3A_96] : memref<10240x128xf32, #tpu.memory_space<vmem_shared>> -> memref<10240x128xf32, #tpu.memory_space<vmem_shared>>
    tpu.wait_indirect_dma semaphore(%arg18 : memref<!tpu.dma_semaphore, #tpu.memory_space<semaphore_mem>>) src(%dma_wait3A_91 : memref<40x128xf32, #tpu.memory_space<vmem>>) dst(%dma_wait3A_97 : memref<10240x128xf32, #tpu.memory_space<vmem_shared>>)
    %dma_wait3A_98 = arith.constant 0 : i32
    %dma_wait3A_99 = arith.constant 120 : i32
    %dma_wait3A_100 = arith.constant 0 : i32
    %dma_wait3A_101 = tpu.memref_slice %arg8[%dma_wait3A_99, %dma_wait3A_100] : memref<240x128xf32, #tpu.memory_space<vmem>> -> memref<40x128xf32, #tpu.memory_space<vmem>>
    %dma_wait3A_102 = arith.constant 0 : i32
    %dma_wait3A_103 = tpu.memref_slice %arg7[%dma_wait3A_98, %dma_wait3A_102] : memref<50x40xi32, #tpu.memory_space<vmem>> -> memref<1x40xi32, #tpu.memory_space<vmem>>
    %dma_wait3A_104 = tpu.memref_squeeze %dma_wait3A_103 : memref<1x40xi32, #tpu.memory_space<vmem>> -> memref<40xi32, #tpu.memory_space<vmem>>
    %dma_wait3A_105 = arith.constant 0 : i32
    %dma_wait3A_106 = arith.constant 0 : i32
    %dma_wait3A_107 = tpu.memref_slice %arg9[%dma_wait3A_105, %dma_wait3A_106] : memref<10240x128xf32, #tpu.memory_space<vmem_shared>> -> memref<10240x128xf32, #tpu.memory_space<vmem_shared>>
    tpu.wait_indirect_dma semaphore(%arg19 : memref<!tpu.dma_semaphore, #tpu.memory_space<semaphore_mem>>) src(%dma_wait3A_101 : memref<40x128xf32, #tpu.memory_space<vmem>>) dst(%dma_wait3A_107 : memref<10240x128xf32, #tpu.memory_space<vmem_shared>>)
    %dma_wait3A_108 = arith.constant 0 : i32
    %dma_wait3A_109 = arith.constant 160 : i32
    %dma_wait3A_110 = arith.constant 0 : i32
    %dma_wait3A_111 = tpu.memref_slice %arg8[%dma_wait3A_109, %dma_wait3A_110] : memref<240x128xf32, #tpu.memory_space<vmem>> -> memref<40x128xf32, #tpu.memory_space<vmem>>
    %dma_wait3A_112 = arith.constant 0 : i32
    %dma_wait3A_113 = tpu.memref_slice %arg7[%dma_wait3A_108, %dma_wait3A_112] : memref<50x40xi32, #tpu.memory_space<vmem>> -> memref<1x40xi32, #tpu.memory_space<vmem>>
    %dma_wait3A_114 = tpu.memref_squeeze %dma_wait3A_113 : memref<1x40xi32, #tpu.memory_space<vmem>> -> memref<40xi32, #tpu.memory_space<vmem>>
    %dma_wait3A_115 = arith.constant 0 : i32
    %dma_wait3A_116 = arith.constant 0 : i32
    %dma_wait3A_117 = tpu.memref_slice %arg9[%dma_wait3A_115, %dma_wait3A_116] : memref<10240x128xf32, #tpu.memory_space<vmem_shared>> -> memref<10240x128xf32, #tpu.memory_space<vmem_shared>>
    tpu.wait_indirect_dma semaphore(%arg20 : memref<!tpu.dma_semaphore, #tpu.memory_space<semaphore_mem>>) src(%dma_wait3A_111 : memref<40x128xf32, #tpu.memory_space<vmem>>) dst(%dma_wait3A_117 : memref<10240x128xf32, #tpu.memory_space<vmem_shared>>)
    %dma_wait3A_118 = arith.constant 0 : i32
    %dma_wait3A_119 = arith.constant 200 : i32
    %dma_wait3A_120 = arith.constant 0 : i32
    %dma_wait3A_121 = tpu.memref_slice %arg8[%dma_wait3A_119, %dma_wait3A_120] : memref<240x128xf32, #tpu.memory_space<vmem>> -> memref<40x128xf32, #tpu.memory_space<vmem>>
    %dma_wait3A_122 = arith.constant 0 : i32
    %dma_wait3A_123 = tpu.memref_slice %arg7[%dma_wait3A_118, %dma_wait3A_122] : memref<50x40xi32, #tpu.memory_space<vmem>> -> memref<1x40xi32, #tpu.memory_space<vmem>>
    %dma_wait3A_124 = tpu.memref_squeeze %dma_wait3A_123 : memref<1x40xi32, #tpu.memory_space<vmem>> -> memref<40xi32, #tpu.memory_space<vmem>>
    %dma_wait3A_125 = arith.constant 0 : i32
    %dma_wait3A_126 = arith.constant 0 : i32
    %dma_wait3A_127 = tpu.memref_slice %arg9[%dma_wait3A_125, %dma_wait3A_126] : memref<10240x128xf32, #tpu.memory_space<vmem_shared>> -> memref<10240x128xf32, #tpu.memory_space<vmem_shared>>
    tpu.wait_indirect_dma semaphore(%arg21 : memref<!tpu.dma_semaphore, #tpu.memory_space<semaphore_mem>>) src(%dma_wait3A_121 : memref<40x128xf32, #tpu.memory_space<vmem>>) dst(%dma_wait3A_127 : memref<10240x128xf32, #tpu.memory_space<vmem_shared>>)
    %dma_wait3A_128 = arith.constant 0 : i32
    %dma_wait3A_129 = arith.constant 0 : i32
    %dma_wait3A_130 = arith.constant 0 : i32
    %dma_wait3A_131 = tpu.memref_slice %arg8[%dma_wait3A_129, %dma_wait3A_130] : memref<240x128xf32, #tpu.memory_space<vmem>> -> memref<40x128xf32, #tpu.memory_space<vmem>>
    %dma_wait3A_132 = arith.constant 0 : i32
    %dma_wait3A_133 = tpu.memref_slice %arg7[%dma_wait3A_128, %dma_wait3A_132] : memref<50x40xi32, #tpu.memory_space<vmem>> -> memref<1x40xi32, #tpu.memory_space<vmem>>
    %dma_wait3A_134 = tpu.memref_squeeze %dma_wait3A_133 : memref<1x40xi32, #tpu.memory_space<vmem>> -> memref<40xi32, #tpu.memory_space<vmem>>
    %dma_wait3A_135 = arith.constant 0 : i32
    %dma_wait3A_136 = arith.constant 0 : i32
    %dma_wait3A_137 = tpu.memref_slice %arg9[%dma_wait3A_135, %dma_wait3A_136] : memref<10240x128xf32, #tpu.memory_space<vmem_shared>> -> memref<10240x128xf32, #tpu.memory_space<vmem_shared>>
    tpu.wait_indirect_dma semaphore(%arg16 : memref<!tpu.dma_semaphore, #tpu.memory_space<semaphore_mem>>) src(%dma_wait3A_131 : memref<40x128xf32, #tpu.memory_space<vmem>>) dst(%dma_wait3A_137 : memref<10240x128xf32, #tpu.memory_space<vmem_shared>>)
    %run_scoped3A_138 = arith.constant 1 : i32
    "tpu.region"() ({
      %run_scoped3A_655 = tpu.sem_alloc : memref<!tpu.dma_semaphore, #tpu.memory_space<semaphore_mem>>
      %dma_start3A_656 = arith.constant 0 : i32
      %dma_start3A_657 = arith.constant 0 : i32
      %dma_start3A_658 = tpu.memref_slice %arg2[%add3A, %run_scoped3A_138, %dma_start3A_656, %dma_start3A_657] : memref<32x5x50x40xi32, #tpu.memory_space<hbm>> -> memref<1x1x50x40xi32, #tpu.memory_space<hbm>>
      %dma_start3A_659 = tpu.memref_squeeze %dma_start3A_658 : memref<1x1x50x40xi32, #tpu.memory_space<hbm>> -> memref<50x40xi32, #tpu.memory_space<hbm>>
      %dma_start3A_660 = arith.constant 0 : i32
      %dma_start3A_661 = arith.constant 0 : i32
      %dma_start3A_662 = tpu.memref_slice %arg2[%add3A, %run_scoped3A_138, %dma_start3A_660, %dma_start3A_661] : memref<32x5x50x40xi32, #tpu.memory_space<hbm>> -> memref<1x1x50x40xi32, #tpu.memory_space<hbm>>
      %dma_start3A_663 = tpu.memref_squeeze %dma_start3A_662 : memref<1x1x50x40xi32, #tpu.memory_space<hbm>> -> memref<50x40xi32, #tpu.memory_space<hbm>>
      tpu.enqueue_dma source(%dma_start3A_663 : memref<50x40xi32, #tpu.memory_space<hbm>>) target(%arg6 : memref<50x40xi32, #tpu.memory_space<vmem>>) target_semaphore(%run_scoped3A_655 : memref<!tpu.dma_semaphore, #tpu.memory_space<semaphore_mem>>)
      %dma_wait3A_664 = arith.constant 0 : i32
      %dma_wait3A_665 = arith.constant 0 : i32
      %dma_wait3A_666 = tpu.memref_slice %arg2[%add3A, %run_scoped3A_138, %dma_wait3A_664, %dma_wait3A_665] : memref<32x5x50x40xi32, #tpu.memory_space<hbm>> -> memref<1x1x50x40xi32, #tpu.memory_space<hbm>>
      %dma_wait3A_667 = tpu.memref_squeeze %dma_wait3A_666 : memref<1x1x50x40xi32, #tpu.memory_space<hbm>> -> memref<50x40xi32, #tpu.memory_space<hbm>>
      %dma_wait3A_668 = arith.constant 0 : i32
      %dma_wait3A_669 = arith.constant 0 : i32
      %dma_wait3A_670 = tpu.memref_slice %arg2[%add3A, %run_scoped3A_138, %dma_wait3A_668, %dma_wait3A_669] : memref<32x5x50x40xi32, #tpu.memory_space<hbm>> -> memref<1x1x50x40xi32, #tpu.memory_space<hbm>>
      %dma_wait3A_671 = tpu.memref_squeeze %dma_wait3A_670 : memref<1x1x50x40xi32, #tpu.memory_space<hbm>> -> memref<50x40xi32, #tpu.memory_space<hbm>>
      tpu.wait_dma2 semaphore(%run_scoped3A_655 : memref<!tpu.dma_semaphore, #tpu.memory_space<semaphore_mem>>) src(%dma_wait3A_671 : memref<50x40xi32, #tpu.memory_space<hbm>>) dst(%arg6 : memref<50x40xi32, #tpu.memory_space<vmem>>)
      tpu.yield
    }) : () -> ()
    %run_scoped3A_139 = arith.constant 1 : i32
    "tpu.region"() ({
      %run_scoped3A_655 = tpu.sem_alloc : memref<!tpu.dma_semaphore, #tpu.memory_space<semaphore_mem>>
      %dma_start3A_656 = arith.constant 0 : i32
      %dma_start3A_657 = arith.constant 0 : i32
      %dma_start3A_658 = tpu.memref_slice %arg3[%add3A, %run_scoped3A_139, %dma_start3A_656, %dma_start3A_657] : memref<32x5x50x40xi32, #tpu.memory_space<hbm>> -> memref<1x1x50x40xi32, #tpu.memory_space<hbm>>
      %dma_start3A_659 = tpu.memref_squeeze %dma_start3A_658 : memref<1x1x50x40xi32, #tpu.memory_space<hbm>> -> memref<50x40xi32, #tpu.memory_space<hbm>>
      %dma_start3A_660 = arith.constant 0 : i32
      %dma_start3A_661 = arith.constant 0 : i32
      %dma_start3A_662 = tpu.memref_slice %arg3[%add3A, %run_scoped3A_139, %dma_start3A_660, %dma_start3A_661] : memref<32x5x50x40xi32, #tpu.memory_space<hbm>> -> memref<1x1x50x40xi32, #tpu.memory_space<hbm>>
      %dma_start3A_663 = tpu.memref_squeeze %dma_start3A_662 : memref<1x1x50x40xi32, #tpu.memory_space<hbm>> -> memref<50x40xi32, #tpu.memory_space<hbm>>
      tpu.enqueue_dma source(%dma_start3A_663 : memref<50x40xi32, #tpu.memory_space<hbm>>) target(%arg7 : memref<50x40xi32, #tpu.memory_space<vmem>>) target_semaphore(%run_scoped3A_655 : memref<!tpu.dma_semaphore, #tpu.memory_space<semaphore_mem>>)
      %dma_wait3A_664 = arith.constant 0 : i32
      %dma_wait3A_665 = arith.constant 0 : i32
      %dma_wait3A_666 = tpu.memref_slice %arg3[%add3A, %run_scoped3A_139, %dma_wait3A_664, %dma_wait3A_665] : memref<32x5x50x40xi32, #tpu.memory_space<hbm>> -> memref<1x1x50x40xi32, #tpu.memory_space<hbm>>
      %dma_wait3A_667 = tpu.memref_squeeze %dma_wait3A_666 : memref<1x1x50x40xi32, #tpu.memory_space<hbm>> -> memref<50x40xi32, #tpu.memory_space<hbm>>
      %dma_wait3A_668 = arith.constant 0 : i32
      %dma_wait3A_669 = arith.constant 0 : i32
      %dma_wait3A_670 = tpu.memref_slice %arg3[%add3A, %run_scoped3A_139, %dma_wait3A_668, %dma_wait3A_669] : memref<32x5x50x40xi32, #tpu.memory_space<hbm>> -> memref<1x1x50x40xi32, #tpu.memory_space<hbm>>
      %dma_wait3A_671 = tpu.memref_squeeze %dma_wait3A_670 : memref<1x1x50x40xi32, #tpu.memory_space<hbm>> -> memref<50x40xi32, #tpu.memory_space<hbm>>
      tpu.wait_dma2 semaphore(%run_scoped3A_655 : memref<!tpu.dma_semaphore, #tpu.memory_space<semaphore_mem>>) src(%dma_wait3A_671 : memref<50x40xi32, #tpu.memory_space<hbm>>) dst(%arg7 : memref<50x40xi32, #tpu.memory_space<vmem>>)
      tpu.yield
    }) : () -> ()
    %dma_start3A_140 = arith.constant 0 : i32
    %dma_start3A_141 = arith.constant 40 : i32
    %dma_start3A_142 = arith.constant 0 : i32
    %dma_start3A_143 = tpu.memref_slice %arg8[%dma_start3A_141, %dma_start3A_142] : memref<240x128xf32, #tpu.memory_space<vmem>> -> memref<40x128xf32, #tpu.memory_space<vmem>>
    %dma_start3A_144 = arith.constant 0 : i32
    %dma_start3A_145 = tpu.memref_slice %arg6[%dma_start3A_140, %dma_start3A_144] : memref<50x40xi32, #tpu.memory_space<vmem>> -> memref<1x40xi32, #tpu.memory_space<vmem>>
    %dma_start3A_146 = tpu.memref_squeeze %dma_start3A_145 : memref<1x40xi32, #tpu.memory_space<vmem>> -> memref<40xi32, #tpu.memory_space<vmem>>
    %dma_start3A_147 = arith.constant 0 : i32
    %dma_start3A_148 = arith.constant 0 : i32
    %dma_start3A_149 = tpu.memref_slice %arg4[%dma_start3A_147, %dma_start3A_148] : memref<10000x128xf32, #tpu.memory_space<hbm>> -> memref<10000x128xf32, #tpu.memory_space<hbm>>
    tpu.enqueue_indirect_dma source(%dma_start3A_149 : memref<10000x128xf32, #tpu.memory_space<hbm>>) target(%dma_start3A_143 : memref<40x128xf32, #tpu.memory_space<vmem>>) offsets(%dma_start3A_146 : memref<40xi32, #tpu.memory_space<vmem>>) semaphore(%arg11 : memref<!tpu.dma_semaphore, #tpu.memory_space<semaphore_mem>>)
    %dma_start3A_150 = arith.constant 1 : i32
    %dma_start3A_151 = arith.constant 80 : i32
    %dma_start3A_152 = arith.constant 0 : i32
    %dma_start3A_153 = tpu.memref_slice %arg8[%dma_start3A_151, %dma_start3A_152] : memref<240x128xf32, #tpu.memory_space<vmem>> -> memref<40x128xf32, #tpu.memory_space<vmem>>
    %dma_start3A_154 = arith.constant 0 : i32
    %dma_start3A_155 = tpu.memref_slice %arg6[%dma_start3A_150, %dma_start3A_154] : memref<50x40xi32, #tpu.memory_space<vmem>> -> memref<1x40xi32, #tpu.memory_space<vmem>>
    %dma_start3A_156 = tpu.memref_squeeze %dma_start3A_155 : memref<1x40xi32, #tpu.memory_space<vmem>> -> memref<40xi32, #tpu.memory_space<vmem>>
    %dma_start3A_157 = arith.constant 0 : i32
    %dma_start3A_158 = arith.constant 0 : i32
    %dma_start3A_159 = tpu.memref_slice %arg4[%dma_start3A_157, %dma_start3A_158] : memref<10000x128xf32, #tpu.memory_space<hbm>> -> memref<10000x128xf32, #tpu.memory_space<hbm>>
    tpu.enqueue_indirect_dma source(%dma_start3A_159 : memref<10000x128xf32, #tpu.memory_space<hbm>>) target(%dma_start3A_153 : memref<40x128xf32, #tpu.memory_space<vmem>>) offsets(%dma_start3A_156 : memref<40xi32, #tpu.memory_space<vmem>>) semaphore(%arg12 : memref<!tpu.dma_semaphore, #tpu.memory_space<semaphore_mem>>)
    %dma_start3A_160 = arith.constant 2 : i32
    %dma_start3A_161 = arith.constant 120 : i32
    %dma_start3A_162 = arith.constant 0 : i32
    %dma_start3A_163 = tpu.memref_slice %arg8[%dma_start3A_161, %dma_start3A_162] : memref<240x128xf32, #tpu.memory_space<vmem>> -> memref<40x128xf32, #tpu.memory_space<vmem>>
    %dma_start3A_164 = arith.constant 0 : i32
    %dma_start3A_165 = tpu.memref_slice %arg6[%dma_start3A_160, %dma_start3A_164] : memref<50x40xi32, #tpu.memory_space<vmem>> -> memref<1x40xi32, #tpu.memory_space<vmem>>
    %dma_start3A_166 = tpu.memref_squeeze %dma_start3A_165 : memref<1x40xi32, #tpu.memory_space<vmem>> -> memref<40xi32, #tpu.memory_space<vmem>>
    %dma_start3A_167 = arith.constant 0 : i32
    %dma_start3A_168 = arith.constant 0 : i32
    %dma_start3A_169 = tpu.memref_slice %arg4[%dma_start3A_167, %dma_start3A_168] : memref<10000x128xf32, #tpu.memory_space<hbm>> -> memref<10000x128xf32, #tpu.memory_space<hbm>>
    tpu.enqueue_indirect_dma source(%dma_start3A_169 : memref<10000x128xf32, #tpu.memory_space<hbm>>) target(%dma_start3A_163 : memref<40x128xf32, #tpu.memory_space<vmem>>) offsets(%dma_start3A_166 : memref<40xi32, #tpu.memory_space<vmem>>) semaphore(%arg13 : memref<!tpu.dma_semaphore, #tpu.memory_space<semaphore_mem>>)
    %dma_start3A_170 = arith.constant 3 : i32
    %dma_start3A_171 = arith.constant 160 : i32
    %dma_start3A_172 = arith.constant 0 : i32
    %dma_start3A_173 = tpu.memref_slice %arg8[%dma_start3A_171, %dma_start3A_172] : memref<240x128xf32, #tpu.memory_space<vmem>> -> memref<40x128xf32, #tpu.memory_space<vmem>>
    %dma_start3A_174 = arith.constant 0 : i32
    %dma_start3A_175 = tpu.memref_slice %arg6[%dma_start3A_170, %dma_start3A_174] : memref<50x40xi32, #tpu.memory_space<vmem>> -> memref<1x40xi32, #tpu.memory_space<vmem>>
    %dma_start3A_176 = tpu.memref_squeeze %dma_start3A_175 : memref<1x40xi32, #tpu.memory_space<vmem>> -> memref<40xi32, #tpu.memory_space<vmem>>
    %dma_start3A_177 = arith.constant 0 : i32
    %dma_start3A_178 = arith.constant 0 : i32
    %dma_start3A_179 = tpu.memref_slice %arg4[%dma_start3A_177, %dma_start3A_178] : memref<10000x128xf32, #tpu.memory_space<hbm>> -> memref<10000x128xf32, #tpu.memory_space<hbm>>
    tpu.enqueue_indirect_dma source(%dma_start3A_179 : memref<10000x128xf32, #tpu.memory_space<hbm>>) target(%dma_start3A_173 : memref<40x128xf32, #tpu.memory_space<vmem>>) offsets(%dma_start3A_176 : memref<40xi32, #tpu.memory_space<vmem>>) semaphore(%arg14 : memref<!tpu.dma_semaphore, #tpu.memory_space<semaphore_mem>>)
    %dma_start3A_180 = arith.constant 4 : i32
    %dma_start3A_181 = arith.constant 200 : i32
    %dma_start3A_182 = arith.constant 0 : i32
    %dma_start3A_183 = tpu.memref_slice %arg8[%dma_start3A_181, %dma_start3A_182] : memref<240x128xf32, #tpu.memory_space<vmem>> -> memref<40x128xf32, #tpu.memory_space<vmem>>
    %dma_start3A_184 = arith.constant 0 : i32
    %dma_start3A_185 = tpu.memref_slice %arg6[%dma_start3A_180, %dma_start3A_184] : memref<50x40xi32, #tpu.memory_space<vmem>> -> memref<1x40xi32, #tpu.memory_space<vmem>>
    %dma_start3A_186 = tpu.memref_squeeze %dma_start3A_185 : memref<1x40xi32, #tpu.memory_space<vmem>> -> memref<40xi32, #tpu.memory_space<vmem>>
    %dma_start3A_187 = arith.constant 0 : i32
    %dma_start3A_188 = arith.constant 0 : i32
    %dma_start3A_189 = tpu.memref_slice %arg4[%dma_start3A_187, %dma_start3A_188] : memref<10000x128xf32, #tpu.memory_space<hbm>> -> memref<10000x128xf32, #tpu.memory_space<hbm>>
    tpu.enqueue_indirect_dma source(%dma_start3A_189 : memref<10000x128xf32, #tpu.memory_space<hbm>>) target(%dma_start3A_183 : memref<40x128xf32, #tpu.memory_space<vmem>>) offsets(%dma_start3A_186 : memref<40xi32, #tpu.memory_space<vmem>>) semaphore(%arg15 : memref<!tpu.dma_semaphore, #tpu.memory_space<semaphore_mem>>)
    %dma_start3A_190 = arith.constant 5 : i32
    %dma_start3A_191 = arith.constant 0 : i32
    %dma_start3A_192 = arith.constant 0 : i32
    %dma_start3A_193 = tpu.memref_slice %arg8[%dma_start3A_191, %dma_start3A_192] : memref<240x128xf32, #tpu.memory_space<vmem>> -> memref<40x128xf32, #tpu.memory_space<vmem>>
    %dma_start3A_194 = arith.constant 0 : i32
    %dma_start3A_195 = tpu.memref_slice %arg6[%dma_start3A_190, %dma_start3A_194] : memref<50x40xi32, #tpu.memory_space<vmem>> -> memref<1x40xi32, #tpu.memory_space<vmem>>
    %dma_start3A_196 = tpu.memref_squeeze %dma_start3A_195 : memref<1x40xi32, #tpu.memory_space<vmem>> -> memref<40xi32, #tpu.memory_space<vmem>>
    %dma_start3A_197 = arith.constant 0 : i32
    %dma_start3A_198 = arith.constant 0 : i32
    %dma_start3A_199 = tpu.memref_slice %arg4[%dma_start3A_197, %dma_start3A_198] : memref<10000x128xf32, #tpu.memory_space<hbm>> -> memref<10000x128xf32, #tpu.memory_space<hbm>>
    tpu.enqueue_indirect_dma source(%dma_start3A_199 : memref<10000x128xf32, #tpu.memory_space<hbm>>) target(%dma_start3A_193 : memref<40x128xf32, #tpu.memory_space<vmem>>) offsets(%dma_start3A_196 : memref<40xi32, #tpu.memory_space<vmem>>) semaphore(%arg10 : memref<!tpu.dma_semaphore, #tpu.memory_space<semaphore_mem>>)
    %scan3A_200 = arith.constant 0 : i32
    %scan3A_201 = arith.constant 0 : i32
    %scan3A_202 = arith.constant 9 : i32
    %scan3A_203 = arith.addi %scan3A_201, %scan3A_202 : i32
    %scan3A_204 = arith.constant 1 : i32
    scf.for %scan3A_655 = %scan3A_201 to %scan3A_203 step %scan3A_204  : i32 {
      %mul3A_656 = arith.constant 6 : i32
      %mul3A_657 = arith.muli %mul3A_656, %scan3A_655 : i32
      %add3A_658 = arith.constant 0 : i32
      %add3A_659 = arith.addi %mul3A_657, %add3A_658 : i32
      %lt3A = arith.constant 50 : i32
      %lt3A_660 = arith.cmpi slt, %add3A_659, %lt3A : i32
      %convert_element_type3A = arith.extui %lt3A_660 : i1 to i32
      %cond3A = arith.constant 0 : i32
      %cond3A_661 = arith.cmpi ne, %convert_element_type3A, %cond3A : i32
      scf.if %cond3A_661 {
        %dma_wait3A_751 = arith.constant 0 : i32
        %dma_wait3A_752 = arith.constant 40 : i32
        %dma_wait3A_753 = arith.constant 0 : i32
        %dma_wait3A_754 = tpu.memref_slice %arg8[%dma_wait3A_752, %dma_wait3A_753] : memref<240x128xf32, #tpu.memory_space<vmem>> -> memref<40x128xf32, #tpu.memory_space<vmem>>
        %dma_wait3A_755 = arith.constant 0 : i32
        %dma_wait3A_756 = tpu.memref_slice %arg6[%dma_wait3A_751, %dma_wait3A_755] : memref<50x40xi32, #tpu.memory_space<vmem>> -> memref<1x40xi32, #tpu.memory_space<vmem>>
        %dma_wait3A_757 = tpu.memref_squeeze %dma_wait3A_756 : memref<1x40xi32, #tpu.memory_space<vmem>> -> memref<40xi32, #tpu.memory_space<vmem>>
        %dma_wait3A_758 = arith.constant 0 : i32
        %dma_wait3A_759 = arith.constant 0 : i32
        %dma_wait3A_760 = tpu.memref_slice %arg4[%dma_wait3A_758, %dma_wait3A_759] : memref<10000x128xf32, #tpu.memory_space<hbm>> -> memref<10000x128xf32, #tpu.memory_space<hbm>>
        tpu.wait_indirect_dma semaphore(%arg11 : memref<!tpu.dma_semaphore, #tpu.memory_space<semaphore_mem>>) src(%dma_wait3A_760 : memref<10000x128xf32, #tpu.memory_space<hbm>>) dst(%dma_wait3A_754 : memref<40x128xf32, #tpu.memory_space<vmem>>)
        %dma_start3A_761 = arith.constant 40 : i32
        %dma_start3A_762 = arith.constant 0 : i32
        %dma_start3A_763 = tpu.memref_slice %arg8[%dma_start3A_761, %dma_start3A_762] : memref<240x128xf32, #tpu.memory_space<vmem>> -> memref<40x128xf32, #tpu.memory_space<vmem>>
        %dma_start3A_764 = arith.constant 0 : i32
        %dma_start3A_765 = tpu.memref_slice %arg7[%add3A_659, %dma_start3A_764] : memref<50x40xi32, #tpu.memory_space<vmem>> -> memref<1x40xi32, #tpu.memory_space<vmem>>
        %dma_start3A_766 = tpu.memref_squeeze %dma_start3A_765 : memref<1x40xi32, #tpu.memory_space<vmem>> -> memref<40xi32, #tpu.memory_space<vmem>>
        %dma_start3A_767 = arith.constant 0 : i32
        %dma_start3A_768 = arith.constant 0 : i32
        %dma_start3A_769 = tpu.memref_slice %arg9[%dma_start3A_767, %dma_start3A_768] : memref<10240x128xf32, #tpu.memory_space<vmem_shared>> -> memref<10240x128xf32, #tpu.memory_space<vmem_shared>>
        tpu.enqueue_indirect_dma source(%dma_start3A_763 : memref<40x128xf32, #tpu.memory_space<vmem>>) target(%dma_start3A_769 : memref<10240x128xf32, #tpu.memory_space<vmem_shared>>) offsets(%dma_start3A_766 : memref<40xi32, #tpu.memory_space<vmem>>) semaphore(%arg17 : memref<!tpu.dma_semaphore, #tpu.memory_space<semaphore_mem>>) {add = true}
      } else {
      }
      %add3A_662 = arith.constant 1 : i32
      %add3A_663 = arith.addi %mul3A_657, %add3A_662 : i32
      %lt3A_664 = arith.constant 50 : i32
      %lt3A_665 = arith.cmpi slt, %add3A_663, %lt3A_664 : i32
      %convert_element_type3A_666 = arith.extui %lt3A_665 : i1 to i32
      %cond3A_667 = arith.constant 0 : i32
      %cond3A_668 = arith.cmpi ne, %convert_element_type3A_666, %cond3A_667 : i32
      scf.if %cond3A_668 {
        %dma_wait3A_751 = arith.constant 0 : i32
        %dma_wait3A_752 = arith.constant 80 : i32
        %dma_wait3A_753 = arith.constant 0 : i32
        %dma_wait3A_754 = tpu.memref_slice %arg8[%dma_wait3A_752, %dma_wait3A_753] : memref<240x128xf32, #tpu.memory_space<vmem>> -> memref<40x128xf32, #tpu.memory_space<vmem>>
        %dma_wait3A_755 = arith.constant 0 : i32
        %dma_wait3A_756 = tpu.memref_slice %arg6[%dma_wait3A_751, %dma_wait3A_755] : memref<50x40xi32, #tpu.memory_space<vmem>> -> memref<1x40xi32, #tpu.memory_space<vmem>>
        %dma_wait3A_757 = tpu.memref_squeeze %dma_wait3A_756 : memref<1x40xi32, #tpu.memory_space<vmem>> -> memref<40xi32, #tpu.memory_space<vmem>>
        %dma_wait3A_758 = arith.constant 0 : i32
        %dma_wait3A_759 = arith.constant 0 : i32
        %dma_wait3A_760 = tpu.memref_slice %arg4[%dma_wait3A_758, %dma_wait3A_759] : memref<10000x128xf32, #tpu.memory_space<hbm>> -> memref<10000x128xf32, #tpu.memory_space<hbm>>
        tpu.wait_indirect_dma semaphore(%arg12 : memref<!tpu.dma_semaphore, #tpu.memory_space<semaphore_mem>>) src(%dma_wait3A_760 : memref<10000x128xf32, #tpu.memory_space<hbm>>) dst(%dma_wait3A_754 : memref<40x128xf32, #tpu.memory_space<vmem>>)
        %dma_start3A_761 = arith.constant 80 : i32
        %dma_start3A_762 = arith.constant 0 : i32
        %dma_start3A_763 = tpu.memref_slice %arg8[%dma_start3A_761, %dma_start3A_762] : memref<240x128xf32, #tpu.memory_space<vmem>> -> memref<40x128xf32, #tpu.memory_space<vmem>>
        %dma_start3A_764 = arith.constant 0 : i32
        %dma_start3A_765 = tpu.memref_slice %arg7[%add3A_663, %dma_start3A_764] : memref<50x40xi32, #tpu.memory_space<vmem>> -> memref<1x40xi32, #tpu.memory_space<vmem>>
        %dma_start3A_766 = tpu.memref_squeeze %dma_start3A_765 : memref<1x40xi32, #tpu.memory_space<vmem>> -> memref<40xi32, #tpu.memory_space<vmem>>
        %dma_start3A_767 = arith.constant 0 : i32
        %dma_start3A_768 = arith.constant 0 : i32
        %dma_start3A_769 = tpu.memref_slice %arg9[%dma_start3A_767, %dma_start3A_768] : memref<10240x128xf32, #tpu.memory_space<vmem_shared>> -> memref<10240x128xf32, #tpu.memory_space<vmem_shared>>
        tpu.enqueue_indirect_dma source(%dma_start3A_763 : memref<40x128xf32, #tpu.memory_space<vmem>>) target(%dma_start3A_769 : memref<10240x128xf32, #tpu.memory_space<vmem_shared>>) offsets(%dma_start3A_766 : memref<40xi32, #tpu.memory_space<vmem>>) semaphore(%arg18 : memref<!tpu.dma_semaphore, #tpu.memory_space<semaphore_mem>>) {add = true}
      } else {
      }
      %add3A_669 = arith.constant 2 : i32
      %add3A_670 = arith.addi %mul3A_657, %add3A_669 : i32
      %lt3A_671 = arith.constant 50 : i32
      %lt3A_672 = arith.cmpi slt, %add3A_670, %lt3A_671 : i32
      %convert_element_type3A_673 = arith.extui %lt3A_672 : i1 to i32
      %cond3A_674 = arith.constant 0 : i32
      %cond3A_675 = arith.cmpi ne, %convert_element_type3A_673, %cond3A_674 : i32
      scf.if %cond3A_675 {
        %dma_wait3A_751 = arith.constant 0 : i32
        %dma_wait3A_752 = arith.constant 120 : i32
        %dma_wait3A_753 = arith.constant 0 : i32
        %dma_wait3A_754 = tpu.memref_slice %arg8[%dma_wait3A_752, %dma_wait3A_753] : memref<240x128xf32, #tpu.memory_space<vmem>> -> memref<40x128xf32, #tpu.memory_space<vmem>>
        %dma_wait3A_755 = arith.constant 0 : i32
        %dma_wait3A_756 = tpu.memref_slice %arg6[%dma_wait3A_751, %dma_wait3A_755] : memref<50x40xi32, #tpu.memory_space<vmem>> -> memref<1x40xi32, #tpu.memory_space<vmem>>
        %dma_wait3A_757 = tpu.memref_squeeze %dma_wait3A_756 : memref<1x40xi32, #tpu.memory_space<vmem>> -> memref<40xi32, #tpu.memory_space<vmem>>
        %dma_wait3A_758 = arith.constant 0 : i32
        %dma_wait3A_759 = arith.constant 0 : i32
        %dma_wait3A_760 = tpu.memref_slice %arg4[%dma_wait3A_758, %dma_wait3A_759] : memref<10000x128xf32, #tpu.memory_space<hbm>> -> memref<10000x128xf32, #tpu.memory_space<hbm>>
        tpu.wait_indirect_dma semaphore(%arg13 : memref<!tpu.dma_semaphore, #tpu.memory_space<semaphore_mem>>) src(%dma_wait3A_760 : memref<10000x128xf32, #tpu.memory_space<hbm>>) dst(%dma_wait3A_754 : memref<40x128xf32, #tpu.memory_space<vmem>>)
        %dma_start3A_761 = arith.constant 120 : i32
        %dma_start3A_762 = arith.constant 0 : i32
        %dma_start3A_763 = tpu.memref_slice %arg8[%dma_start3A_761, %dma_start3A_762] : memref<240x128xf32, #tpu.memory_space<vmem>> -> memref<40x128xf32, #tpu.memory_space<vmem>>
        %dma_start3A_764 = arith.constant 0 : i32
        %dma_start3A_765 = tpu.memref_slice %arg7[%add3A_670, %dma_start3A_764] : memref<50x40xi32, #tpu.memory_space<vmem>> -> memref<1x40xi32, #tpu.memory_space<vmem>>
        %dma_start3A_766 = tpu.memref_squeeze %dma_start3A_765 : memref<1x40xi32, #tpu.memory_space<vmem>> -> memref<40xi32, #tpu.memory_space<vmem>>
        %dma_start3A_767 = arith.constant 0 : i32
        %dma_start3A_768 = arith.constant 0 : i32
        %dma_start3A_769 = tpu.memref_slice %arg9[%dma_start3A_767, %dma_start3A_768] : memref<10240x128xf32, #tpu.memory_space<vmem_shared>> -> memref<10240x128xf32, #tpu.memory_space<vmem_shared>>
        tpu.enqueue_indirect_dma source(%dma_start3A_763 : memref<40x128xf32, #tpu.memory_space<vmem>>) target(%dma_start3A_769 : memref<10240x128xf32, #tpu.memory_space<vmem_shared>>) offsets(%dma_start3A_766 : memref<40xi32, #tpu.memory_space<vmem>>) semaphore(%arg19 : memref<!tpu.dma_semaphore, #tpu.memory_space<semaphore_mem>>) {add = true}
      } else {
      }
      %add3A_676 = arith.constant 3 : i32
      %add3A_677 = arith.addi %mul3A_657, %add3A_676 : i32
      %lt3A_678 = arith.constant 50 : i32
      %lt3A_679 = arith.cmpi slt, %add3A_677, %lt3A_678 : i32
      %convert_element_type3A_680 = arith.extui %lt3A_679 : i1 to i32
      %cond3A_681 = arith.constant 0 : i32
      %cond3A_682 = arith.cmpi ne, %convert_element_type3A_680, %cond3A_681 : i32
      scf.if %cond3A_682 {
        %dma_wait3A_751 = arith.constant 0 : i32
        %dma_wait3A_752 = arith.constant 160 : i32
        %dma_wait3A_753 = arith.constant 0 : i32
        %dma_wait3A_754 = tpu.memref_slice %arg8[%dma_wait3A_752, %dma_wait3A_753] : memref<240x128xf32, #tpu.memory_space<vmem>> -> memref<40x128xf32, #tpu.memory_space<vmem>>
        %dma_wait3A_755 = arith.constant 0 : i32
        %dma_wait3A_756 = tpu.memref_slice %arg6[%dma_wait3A_751, %dma_wait3A_755] : memref<50x40xi32, #tpu.memory_space<vmem>> -> memref<1x40xi32, #tpu.memory_space<vmem>>
        %dma_wait3A_757 = tpu.memref_squeeze %dma_wait3A_756 : memref<1x40xi32, #tpu.memory_space<vmem>> -> memref<40xi32, #tpu.memory_space<vmem>>
        %dma_wait3A_758 = arith.constant 0 : i32
        %dma_wait3A_759 = arith.constant 0 : i32
        %dma_wait3A_760 = tpu.memref_slice %arg4[%dma_wait3A_758, %dma_wait3A_759] : memref<10000x128xf32, #tpu.memory_space<hbm>> -> memref<10000x128xf32, #tpu.memory_space<hbm>>
        tpu.wait_indirect_dma semaphore(%arg14 : memref<!tpu.dma_semaphore, #tpu.memory_space<semaphore_mem>>) src(%dma_wait3A_760 : memref<10000x128xf32, #tpu.memory_space<hbm>>) dst(%dma_wait3A_754 : memref<40x128xf32, #tpu.memory_space<vmem>>)
        %dma_start3A_761 = arith.constant 160 : i32
        %dma_start3A_762 = arith.constant 0 : i32
        %dma_start3A_763 = tpu.memref_slice %arg8[%dma_start3A_761, %dma_start3A_762] : memref<240x128xf32, #tpu.memory_space<vmem>> -> memref<40x128xf32, #tpu.memory_space<vmem>>
        %dma_start3A_764 = arith.constant 0 : i32
        %dma_start3A_765 = tpu.memref_slice %arg7[%add3A_677, %dma_start3A_764] : memref<50x40xi32, #tpu.memory_space<vmem>> -> memref<1x40xi32, #tpu.memory_space<vmem>>
        %dma_start3A_766 = tpu.memref_squeeze %dma_start3A_765 : memref<1x40xi32, #tpu.memory_space<vmem>> -> memref<40xi32, #tpu.memory_space<vmem>>
        %dma_start3A_767 = arith.constant 0 : i32
        %dma_start3A_768 = arith.constant 0 : i32
        %dma_start3A_769 = tpu.memref_slice %arg9[%dma_start3A_767, %dma_start3A_768] : memref<10240x128xf32, #tpu.memory_space<vmem_shared>> -> memref<10240x128xf32, #tpu.memory_space<vmem_shared>>
        tpu.enqueue_indirect_dma source(%dma_start3A_763 : memref<40x128xf32, #tpu.memory_space<vmem>>) target(%dma_start3A_769 : memref<10240x128xf32, #tpu.memory_space<vmem_shared>>) offsets(%dma_start3A_766 : memref<40xi32, #tpu.memory_space<vmem>>) semaphore(%arg20 : memref<!tpu.dma_semaphore, #tpu.memory_space<semaphore_mem>>) {add = true}
      } else {
      }
      %add3A_683 = arith.constant 4 : i32
      %add3A_684 = arith.addi %mul3A_657, %add3A_683 : i32
      %lt3A_685 = arith.constant 50 : i32
      %lt3A_686 = arith.cmpi slt, %add3A_684, %lt3A_685 : i32
      %convert_element_type3A_687 = arith.extui %lt3A_686 : i1 to i32
      %cond3A_688 = arith.constant 0 : i32
      %cond3A_689 = arith.cmpi ne, %convert_element_type3A_687, %cond3A_688 : i32
      scf.if %cond3A_689 {
        %dma_wait3A_751 = arith.constant 0 : i32
        %dma_wait3A_752 = arith.constant 200 : i32
        %dma_wait3A_753 = arith.constant 0 : i32
        %dma_wait3A_754 = tpu.memref_slice %arg8[%dma_wait3A_752, %dma_wait3A_753] : memref<240x128xf32, #tpu.memory_space<vmem>> -> memref<40x128xf32, #tpu.memory_space<vmem>>
        %dma_wait3A_755 = arith.constant 0 : i32
        %dma_wait3A_756 = tpu.memref_slice %arg6[%dma_wait3A_751, %dma_wait3A_755] : memref<50x40xi32, #tpu.memory_space<vmem>> -> memref<1x40xi32, #tpu.memory_space<vmem>>
        %dma_wait3A_757 = tpu.memref_squeeze %dma_wait3A_756 : memref<1x40xi32, #tpu.memory_space<vmem>> -> memref<40xi32, #tpu.memory_space<vmem>>
        %dma_wait3A_758 = arith.constant 0 : i32
        %dma_wait3A_759 = arith.constant 0 : i32
        %dma_wait3A_760 = tpu.memref_slice %arg4[%dma_wait3A_758, %dma_wait3A_759] : memref<10000x128xf32, #tpu.memory_space<hbm>> -> memref<10000x128xf32, #tpu.memory_space<hbm>>
        tpu.wait_indirect_dma semaphore(%arg15 : memref<!tpu.dma_semaphore, #tpu.memory_space<semaphore_mem>>) src(%dma_wait3A_760 : memref<10000x128xf32, #tpu.memory_space<hbm>>) dst(%dma_wait3A_754 : memref<40x128xf32, #tpu.memory_space<vmem>>)
        %dma_start3A_761 = arith.constant 200 : i32
        %dma_start3A_762 = arith.constant 0 : i32
        %dma_start3A_763 = tpu.memref_slice %arg8[%dma_start3A_761, %dma_start3A_762] : memref<240x128xf32, #tpu.memory_space<vmem>> -> memref<40x128xf32, #tpu.memory_space<vmem>>
        %dma_start3A_764 = arith.constant 0 : i32
        %dma_start3A_765 = tpu.memref_slice %arg7[%add3A_684, %dma_start3A_764] : memref<50x40xi32, #tpu.memory_space<vmem>> -> memref<1x40xi32, #tpu.memory_space<vmem>>
        %dma_start3A_766 = tpu.memref_squeeze %dma_start3A_765 : memref<1x40xi32, #tpu.memory_space<vmem>> -> memref<40xi32, #tpu.memory_space<vmem>>
        %dma_start3A_767 = arith.constant 0 : i32
        %dma_start3A_768 = arith.constant 0 : i32
        %dma_start3A_769 = tpu.memref_slice %arg9[%dma_start3A_767, %dma_start3A_768] : memref<10240x128xf32, #tpu.memory_space<vmem_shared>> -> memref<10240x128xf32, #tpu.memory_space<vmem_shared>>
        tpu.enqueue_indirect_dma source(%dma_start3A_763 : memref<40x128xf32, #tpu.memory_space<vmem>>) target(%dma_start3A_769 : memref<10240x128xf32, #tpu.memory_space<vmem_shared>>) offsets(%dma_start3A_766 : memref<40xi32, #tpu.memory_space<vmem>>) semaphore(%arg21 : memref<!tpu.dma_semaphore, #tpu.memory_space<semaphore_mem>>) {add = true}
      } else {
      }
      %add3A_690 = arith.constant 5 : i32
      %add3A_691 = arith.addi %mul3A_657, %add3A_690 : i32
      %lt3A_692 = arith.constant 50 : i32
      %lt3A_693 = arith.cmpi slt, %add3A_691, %lt3A_692 : i32
      %convert_element_type3A_694 = arith.extui %lt3A_693 : i1 to i32
      %cond3A_695 = arith.constant 0 : i32
      %cond3A_696 = arith.cmpi ne, %convert_element_type3A_694, %cond3A_695 : i32
      scf.if %cond3A_696 {
        %dma_wait3A_751 = arith.constant 0 : i32
        %dma_wait3A_752 = arith.constant 0 : i32
        %dma_wait3A_753 = arith.constant 0 : i32
        %dma_wait3A_754 = tpu.memref_slice %arg8[%dma_wait3A_752, %dma_wait3A_753] : memref<240x128xf32, #tpu.memory_space<vmem>> -> memref<40x128xf32, #tpu.memory_space<vmem>>
        %dma_wait3A_755 = arith.constant 0 : i32
        %dma_wait3A_756 = tpu.memref_slice %arg6[%dma_wait3A_751, %dma_wait3A_755] : memref<50x40xi32, #tpu.memory_space<vmem>> -> memref<1x40xi32, #tpu.memory_space<vmem>>
        %dma_wait3A_757 = tpu.memref_squeeze %dma_wait3A_756 : memref<1x40xi32, #tpu.memory_space<vmem>> -> memref<40xi32, #tpu.memory_space<vmem>>
        %dma_wait3A_758 = arith.constant 0 : i32
        %dma_wait3A_759 = arith.constant 0 : i32
        %dma_wait3A_760 = tpu.memref_slice %arg4[%dma_wait3A_758, %dma_wait3A_759] : memref<10000x128xf32, #tpu.memory_space<hbm>> -> memref<10000x128xf32, #tpu.memory_space<hbm>>
        tpu.wait_indirect_dma semaphore(%arg10 : memref<!tpu.dma_semaphore, #tpu.memory_space<semaphore_mem>>) src(%dma_wait3A_760 : memref<10000x128xf32, #tpu.memory_space<hbm>>) dst(%dma_wait3A_754 : memref<40x128xf32, #tpu.memory_space<vmem>>)
        %dma_start3A_761 = arith.constant 0 : i32
        %dma_start3A_762 = arith.constant 0 : i32
        %dma_start3A_763 = tpu.memref_slice %arg8[%dma_start3A_761, %dma_start3A_762] : memref<240x128xf32, #tpu.memory_space<vmem>> -> memref<40x128xf32, #tpu.memory_space<vmem>>
        %dma_start3A_764 = arith.constant 0 : i32
        %dma_start3A_765 = tpu.memref_slice %arg7[%add3A_691, %dma_start3A_764] : memref<50x40xi32, #tpu.memory_space<vmem>> -> memref<1x40xi32, #tpu.memory_space<vmem>>
        %dma_start3A_766 = tpu.memref_squeeze %dma_start3A_765 : memref<1x40xi32, #tpu.memory_space<vmem>> -> memref<40xi32, #tpu.memory_space<vmem>>
        %dma_start3A_767 = arith.constant 0 : i32
        %dma_start3A_768 = arith.constant 0 : i32
        %dma_start3A_769 = tpu.memref_slice %arg9[%dma_start3A_767, %dma_start3A_768] : memref<10240x128xf32, #tpu.memory_space<vmem_shared>> -> memref<10240x128xf32, #tpu.memory_space<vmem_shared>>
        tpu.enqueue_indirect_dma source(%dma_start3A_763 : memref<40x128xf32, #tpu.memory_space<vmem>>) target(%dma_start3A_769 : memref<10240x128xf32, #tpu.memory_space<vmem_shared>>) offsets(%dma_start3A_766 : memref<40xi32, #tpu.memory_space<vmem>>) semaphore(%arg16 : memref<!tpu.dma_semaphore, #tpu.memory_space<semaphore_mem>>) {add = true}
      } else {
      }
      %add3A_697 = arith.constant 6 : i32
      %add3A_698 = arith.addi %mul3A_657, %add3A_697 : i32
      %add3A_699 = arith.constant 0 : i32
      %add3A_700 = arith.addi %add3A_698, %add3A_699 : i32
      %lt3A_701 = arith.constant 50 : i32
      %lt3A_702 = arith.cmpi slt, %add3A_700, %lt3A_701 : i32
      %convert_element_type3A_703 = arith.extui %lt3A_702 : i1 to i32
      %cond3A_704 = arith.constant 0 : i32
      %cond3A_705 = arith.cmpi ne, %convert_element_type3A_703, %cond3A_704 : i32
      scf.if %cond3A_705 {
        %dma_wait3A_751 = arith.constant 0 : i32
        %dma_wait3A_752 = arith.constant 40 : i32
        %dma_wait3A_753 = arith.constant 0 : i32
        %dma_wait3A_754 = tpu.memref_slice %arg8[%dma_wait3A_752, %dma_wait3A_753] : memref<240x128xf32, #tpu.memory_space<vmem>> -> memref<40x128xf32, #tpu.memory_space<vmem>>
        %dma_wait3A_755 = arith.constant 0 : i32
        %dma_wait3A_756 = tpu.memref_slice %arg7[%dma_wait3A_751, %dma_wait3A_755] : memref<50x40xi32, #tpu.memory_space<vmem>> -> memref<1x40xi32, #tpu.memory_space<vmem>>
        %dma_wait3A_757 = tpu.memref_squeeze %dma_wait3A_756 : memref<1x40xi32, #tpu.memory_space<vmem>> -> memref<40xi32, #tpu.memory_space<vmem>>
        %dma_wait3A_758 = arith.constant 0 : i32
        %dma_wait3A_759 = arith.constant 0 : i32
        %dma_wait3A_760 = tpu.memref_slice %arg9[%dma_wait3A_758, %dma_wait3A_759] : memref<10240x128xf32, #tpu.memory_space<vmem_shared>> -> memref<10240x128xf32, #tpu.memory_space<vmem_shared>>
        tpu.wait_indirect_dma semaphore(%arg17 : memref<!tpu.dma_semaphore, #tpu.memory_space<semaphore_mem>>) src(%dma_wait3A_754 : memref<40x128xf32, #tpu.memory_space<vmem>>) dst(%dma_wait3A_760 : memref<10240x128xf32, #tpu.memory_space<vmem_shared>>)
        %dma_start3A_761 = arith.constant 40 : i32
        %dma_start3A_762 = arith.constant 0 : i32
        %dma_start3A_763 = tpu.memref_slice %arg8[%dma_start3A_761, %dma_start3A_762] : memref<240x128xf32, #tpu.memory_space<vmem>> -> memref<40x128xf32, #tpu.memory_space<vmem>>
        %dma_start3A_764 = arith.constant 0 : i32
        %dma_start3A_765 = tpu.memref_slice %arg6[%add3A_700, %dma_start3A_764] : memref<50x40xi32, #tpu.memory_space<vmem>> -> memref<1x40xi32, #tpu.memory_space<vmem>>
        %dma_start3A_766 = tpu.memref_squeeze %dma_start3A_765 : memref<1x40xi32, #tpu.memory_space<vmem>> -> memref<40xi32, #tpu.memory_space<vmem>>
        %dma_start3A_767 = arith.constant 0 : i32
        %dma_start3A_768 = arith.constant 0 : i32
        %dma_start3A_769 = tpu.memref_slice %arg4[%dma_start3A_767, %dma_start3A_768] : memref<10000x128xf32, #tpu.memory_space<hbm>> -> memref<10000x128xf32, #tpu.memory_space<hbm>>
        tpu.enqueue_indirect_dma source(%dma_start3A_769 : memref<10000x128xf32, #tpu.memory_space<hbm>>) target(%dma_start3A_763 : memref<40x128xf32, #tpu.memory_space<vmem>>) offsets(%dma_start3A_766 : memref<40xi32, #tpu.memory_space<vmem>>) semaphore(%arg11 : memref<!tpu.dma_semaphore, #tpu.memory_space<semaphore_mem>>)
      } else {
      }
      %add3A_706 = arith.constant 6 : i32
      %add3A_707 = arith.addi %mul3A_657, %add3A_706 : i32
      %add3A_708 = arith.constant 1 : i32
      %add3A_709 = arith.addi %add3A_707, %add3A_708 : i32
      %lt3A_710 = arith.constant 50 : i32
      %lt3A_711 = arith.cmpi slt, %add3A_709, %lt3A_710 : i32
      %convert_element_type3A_712 = arith.extui %lt3A_711 : i1 to i32
      %cond3A_713 = arith.constant 0 : i32
      %cond3A_714 = arith.cmpi ne, %convert_element_type3A_712, %cond3A_713 : i32
      scf.if %cond3A_714 {
        %dma_wait3A_751 = arith.constant 0 : i32
        %dma_wait3A_752 = arith.constant 80 : i32
        %dma_wait3A_753 = arith.constant 0 : i32
        %dma_wait3A_754 = tpu.memref_slice %arg8[%dma_wait3A_752, %dma_wait3A_753] : memref<240x128xf32, #tpu.memory_space<vmem>> -> memref<40x128xf32, #tpu.memory_space<vmem>>
        %dma_wait3A_755 = arith.constant 0 : i32
        %dma_wait3A_756 = tpu.memref_slice %arg7[%dma_wait3A_751, %dma_wait3A_755] : memref<50x40xi32, #tpu.memory_space<vmem>> -> memref<1x40xi32, #tpu.memory_space<vmem>>
        %dma_wait3A_757 = tpu.memref_squeeze %dma_wait3A_756 : memref<1x40xi32, #tpu.memory_space<vmem>> -> memref<40xi32, #tpu.memory_space<vmem>>
        %dma_wait3A_758 = arith.constant 0 : i32
        %dma_wait3A_759 = arith.constant 0 : i32
        %dma_wait3A_760 = tpu.memref_slice %arg9[%dma_wait3A_758, %dma_wait3A_759] : memref<10240x128xf32, #tpu.memory_space<vmem_shared>> -> memref<10240x128xf32, #tpu.memory_space<vmem_shared>>
        tpu.wait_indirect_dma semaphore(%arg18 : memref<!tpu.dma_semaphore, #tpu.memory_space<semaphore_mem>>) src(%dma_wait3A_754 : memref<40x128xf32, #tpu.memory_space<vmem>>) dst(%dma_wait3A_760 : memref<10240x128xf32, #tpu.memory_space<vmem_shared>>)
        %dma_start3A_761 = arith.constant 80 : i32
        %dma_start3A_762 = arith.constant 0 : i32
        %dma_start3A_763 = tpu.memref_slice %arg8[%dma_start3A_761, %dma_start3A_762] : memref<240x128xf32, #tpu.memory_space<vmem>> -> memref<40x128xf32, #tpu.memory_space<vmem>>
        %dma_start3A_764 = arith.constant 0 : i32
        %dma_start3A_765 = tpu.memref_slice %arg6[%add3A_709, %dma_start3A_764] : memref<50x40xi32, #tpu.memory_space<vmem>> -> memref<1x40xi32, #tpu.memory_space<vmem>>
        %dma_start3A_766 = tpu.memref_squeeze %dma_start3A_765 : memref<1x40xi32, #tpu.memory_space<vmem>> -> memref<40xi32, #tpu.memory_space<vmem>>
        %dma_start3A_767 = arith.constant 0 : i32
        %dma_start3A_768 = arith.constant 0 : i32
        %dma_start3A_769 = tpu.memref_slice %arg4[%dma_start3A_767, %dma_start3A_768] : memref<10000x128xf32, #tpu.memory_space<hbm>> -> memref<10000x128xf32, #tpu.memory_space<hbm>>
        tpu.enqueue_indirect_dma source(%dma_start3A_769 : memref<10000x128xf32, #tpu.memory_space<hbm>>) target(%dma_start3A_763 : memref<40x128xf32, #tpu.memory_space<vmem>>) offsets(%dma_start3A_766 : memref<40xi32, #tpu.memory_space<vmem>>) semaphore(%arg12 : memref<!tpu.dma_semaphore, #tpu.memory_space<semaphore_mem>>)
      } else {
      }
      %add3A_715 = arith.constant 6 : i32
      %add3A_716 = arith.addi %mul3A_657, %add3A_715 : i32
      %add3A_717 = arith.constant 2 : i32
      %add3A_718 = arith.addi %add3A_716, %add3A_717 : i32
      %lt3A_719 = arith.constant 50 : i32
      %lt3A_720 = arith.cmpi slt, %add3A_718, %lt3A_719 : i32
      %convert_element_type3A_721 = arith.extui %lt3A_720 : i1 to i32
      %cond3A_722 = arith.constant 0 : i32
      %cond3A_723 = arith.cmpi ne, %convert_element_type3A_721, %cond3A_722 : i32
      scf.if %cond3A_723 {
        %dma_wait3A_751 = arith.constant 0 : i32
        %dma_wait3A_752 = arith.constant 120 : i32
        %dma_wait3A_753 = arith.constant 0 : i32
        %dma_wait3A_754 = tpu.memref_slice %arg8[%dma_wait3A_752, %dma_wait3A_753] : memref<240x128xf32, #tpu.memory_space<vmem>> -> memref<40x128xf32, #tpu.memory_space<vmem>>
        %dma_wait3A_755 = arith.constant 0 : i32
        %dma_wait3A_756 = tpu.memref_slice %arg7[%dma_wait3A_751, %dma_wait3A_755] : memref<50x40xi32, #tpu.memory_space<vmem>> -> memref<1x40xi32, #tpu.memory_space<vmem>>
        %dma_wait3A_757 = tpu.memref_squeeze %dma_wait3A_756 : memref<1x40xi32, #tpu.memory_space<vmem>> -> memref<40xi32, #tpu.memory_space<vmem>>
        %dma_wait3A_758 = arith.constant 0 : i32
        %dma_wait3A_759 = arith.constant 0 : i32
        %dma_wait3A_760 = tpu.memref_slice %arg9[%dma_wait3A_758, %dma_wait3A_759] : memref<10240x128xf32, #tpu.memory_space<vmem_shared>> -> memref<10240x128xf32, #tpu.memory_space<vmem_shared>>
        tpu.wait_indirect_dma semaphore(%arg19 : memref<!tpu.dma_semaphore, #tpu.memory_space<semaphore_mem>>) src(%dma_wait3A_754 : memref<40x128xf32, #tpu.memory_space<vmem>>) dst(%dma_wait3A_760 : memref<10240x128xf32, #tpu.memory_space<vmem_shared>>)
        %dma_start3A_761 = arith.constant 120 : i32
        %dma_start3A_762 = arith.constant 0 : i32
        %dma_start3A_763 = tpu.memref_slice %arg8[%dma_start3A_761, %dma_start3A_762] : memref<240x128xf32, #tpu.memory_space<vmem>> -> memref<40x128xf32, #tpu.memory_space<vmem>>
        %dma_start3A_764 = arith.constant 0 : i32
        %dma_start3A_765 = tpu.memref_slice %arg6[%add3A_718, %dma_start3A_764] : memref<50x40xi32, #tpu.memory_space<vmem>> -> memref<1x40xi32, #tpu.memory_space<vmem>>
        %dma_start3A_766 = tpu.memref_squeeze %dma_start3A_765 : memref<1x40xi32, #tpu.memory_space<vmem>> -> memref<40xi32, #tpu.memory_space<vmem>>
        %dma_start3A_767 = arith.constant 0 : i32
        %dma_start3A_768 = arith.constant 0 : i32
        %dma_start3A_769 = tpu.memref_slice %arg4[%dma_start3A_767, %dma_start3A_768] : memref<10000x128xf32, #tpu.memory_space<hbm>> -> memref<10000x128xf32, #tpu.memory_space<hbm>>
        tpu.enqueue_indirect_dma source(%dma_start3A_769 : memref<10000x128xf32, #tpu.memory_space<hbm>>) target(%dma_start3A_763 : memref<40x128xf32, #tpu.memory_space<vmem>>) offsets(%dma_start3A_766 : memref<40xi32, #tpu.memory_space<vmem>>) semaphore(%arg13 : memref<!tpu.dma_semaphore, #tpu.memory_space<semaphore_mem>>)
      } else {
      }
      %add3A_724 = arith.constant 6 : i32
      %add3A_725 = arith.addi %mul3A_657, %add3A_724 : i32
      %add3A_726 = arith.constant 3 : i32
      %add3A_727 = arith.addi %add3A_725, %add3A_726 : i32
      %lt3A_728 = arith.constant 50 : i32
      %lt3A_729 = arith.cmpi slt, %add3A_727, %lt3A_728 : i32
      %convert_element_type3A_730 = arith.extui %lt3A_729 : i1 to i32
      %cond3A_731 = arith.constant 0 : i32
      %cond3A_732 = arith.cmpi ne, %convert_element_type3A_730, %cond3A_731 : i32
      scf.if %cond3A_732 {
        %dma_wait3A_751 = arith.constant 0 : i32
        %dma_wait3A_752 = arith.constant 160 : i32
        %dma_wait3A_753 = arith.constant 0 : i32
        %dma_wait3A_754 = tpu.memref_slice %arg8[%dma_wait3A_752, %dma_wait3A_753] : memref<240x128xf32, #tpu.memory_space<vmem>> -> memref<40x128xf32, #tpu.memory_space<vmem>>
        %dma_wait3A_755 = arith.constant 0 : i32
        %dma_wait3A_756 = tpu.memref_slice %arg7[%dma_wait3A_751, %dma_wait3A_755] : memref<50x40xi32, #tpu.memory_space<vmem>> -> memref<1x40xi32, #tpu.memory_space<vmem>>
        %dma_wait3A_757 = tpu.memref_squeeze %dma_wait3A_756 : memref<1x40xi32, #tpu.memory_space<vmem>> -> memref<40xi32, #tpu.memory_space<vmem>>
        %dma_wait3A_758 = arith.constant 0 : i32
        %dma_wait3A_759 = arith.constant 0 : i32
        %dma_wait3A_760 = tpu.memref_slice %arg9[%dma_wait3A_758, %dma_wait3A_759] : memref<10240x128xf32, #tpu.memory_space<vmem_shared>> -> memref<10240x128xf32, #tpu.memory_space<vmem_shared>>
        tpu.wait_indirect_dma semaphore(%arg20 : memref<!tpu.dma_semaphore, #tpu.memory_space<semaphore_mem>>) src(%dma_wait3A_754 : memref<40x128xf32, #tpu.memory_space<vmem>>) dst(%dma_wait3A_760 : memref<10240x128xf32, #tpu.memory_space<vmem_shared>>)
        %dma_start3A_761 = arith.constant 160 : i32
        %dma_start3A_762 = arith.constant 0 : i32
        %dma_start3A_763 = tpu.memref_slice %arg8[%dma_start3A_761, %dma_start3A_762] : memref<240x128xf32, #tpu.memory_space<vmem>> -> memref<40x128xf32, #tpu.memory_space<vmem>>
        %dma_start3A_764 = arith.constant 0 : i32
        %dma_start3A_765 = tpu.memref_slice %arg6[%add3A_727, %dma_start3A_764] : memref<50x40xi32, #tpu.memory_space<vmem>> -> memref<1x40xi32, #tpu.memory_space<vmem>>
        %dma_start3A_766 = tpu.memref_squeeze %dma_start3A_765 : memref<1x40xi32, #tpu.memory_space<vmem>> -> memref<40xi32, #tpu.memory_space<vmem>>
        %dma_start3A_767 = arith.constant 0 : i32
        %dma_start3A_768 = arith.constant 0 : i32
        %dma_start3A_769 = tpu.memref_slice %arg4[%dma_start3A_767, %dma_start3A_768] : memref<10000x128xf32, #tpu.memory_space<hbm>> -> memref<10000x128xf32, #tpu.memory_space<hbm>>
        tpu.enqueue_indirect_dma source(%dma_start3A_769 : memref<10000x128xf32, #tpu.memory_space<hbm>>) target(%dma_start3A_763 : memref<40x128xf32, #tpu.memory_space<vmem>>) offsets(%dma_start3A_766 : memref<40xi32, #tpu.memory_space<vmem>>) semaphore(%arg14 : memref<!tpu.dma_semaphore, #tpu.memory_space<semaphore_mem>>)
      } else {
      }
      %add3A_733 = arith.constant 6 : i32
      %add3A_734 = arith.addi %mul3A_657, %add3A_733 : i32
      %add3A_735 = arith.constant 4 : i32
      %add3A_736 = arith.addi %add3A_734, %add3A_735 : i32
      %lt3A_737 = arith.constant 50 : i32
      %lt3A_738 = arith.cmpi slt, %add3A_736, %lt3A_737 : i32
      %convert_element_type3A_739 = arith.extui %lt3A_738 : i1 to i32
      %cond3A_740 = arith.constant 0 : i32
      %cond3A_741 = arith.cmpi ne, %convert_element_type3A_739, %cond3A_740 : i32
      scf.if %cond3A_741 {
        %dma_wait3A_751 = arith.constant 0 : i32
        %dma_wait3A_752 = arith.constant 200 : i32
        %dma_wait3A_753 = arith.constant 0 : i32
        %dma_wait3A_754 = tpu.memref_slice %arg8[%dma_wait3A_752, %dma_wait3A_753] : memref<240x128xf32, #tpu.memory_space<vmem>> -> memref<40x128xf32, #tpu.memory_space<vmem>>
        %dma_wait3A_755 = arith.constant 0 : i32
        %dma_wait3A_756 = tpu.memref_slice %arg7[%dma_wait3A_751, %dma_wait3A_755] : memref<50x40xi32, #tpu.memory_space<vmem>> -> memref<1x40xi32, #tpu.memory_space<vmem>>
        %dma_wait3A_757 = tpu.memref_squeeze %dma_wait3A_756 : memref<1x40xi32, #tpu.memory_space<vmem>> -> memref<40xi32, #tpu.memory_space<vmem>>
        %dma_wait3A_758 = arith.constant 0 : i32
        %dma_wait3A_759 = arith.constant 0 : i32
        %dma_wait3A_760 = tpu.memref_slice %arg9[%dma_wait3A_758, %dma_wait3A_759] : memref<10240x128xf32, #tpu.memory_space<vmem_shared>> -> memref<10240x128xf32, #tpu.memory_space<vmem_shared>>
        tpu.wait_indirect_dma semaphore(%arg21 : memref<!tpu.dma_semaphore, #tpu.memory_space<semaphore_mem>>) src(%dma_wait3A_754 : memref<40x128xf32, #tpu.memory_space<vmem>>) dst(%dma_wait3A_760 : memref<10240x128xf32, #tpu.memory_space<vmem_shared>>)
        %dma_start3A_761 = arith.constant 200 : i32
        %dma_start3A_762 = arith.constant 0 : i32
        %dma_start3A_763 = tpu.memref_slice %arg8[%dma_start3A_761, %dma_start3A_762] : memref<240x128xf32, #tpu.memory_space<vmem>> -> memref<40x128xf32, #tpu.memory_space<vmem>>
        %dma_start3A_764 = arith.constant 0 : i32
        %dma_start3A_765 = tpu.memref_slice %arg6[%add3A_736, %dma_start3A_764] : memref<50x40xi32, #tpu.memory_space<vmem>> -> memref<1x40xi32, #tpu.memory_space<vmem>>
        %dma_start3A_766 = tpu.memref_squeeze %dma_start3A_765 : memref<1x40xi32, #tpu.memory_space<vmem>> -> memref<40xi32, #tpu.memory_space<vmem>>
        %dma_start3A_767 = arith.constant 0 : i32
        %dma_start3A_768 = arith.constant 0 : i32
        %dma_start3A_769 = tpu.memref_slice %arg4[%dma_start3A_767, %dma_start3A_768] : memref<10000x128xf32, #tpu.memory_space<hbm>> -> memref<10000x128xf32, #tpu.memory_space<hbm>>
        tpu.enqueue_indirect_dma source(%dma_start3A_769 : memref<10000x128xf32, #tpu.memory_space<hbm>>) target(%dma_start3A_763 : memref<40x128xf32, #tpu.memory_space<vmem>>) offsets(%dma_start3A_766 : memref<40xi32, #tpu.memory_space<vmem>>) semaphore(%arg15 : memref<!tpu.dma_semaphore, #tpu.memory_space<semaphore_mem>>)
      } else {
      }
      %add3A_742 = arith.constant 6 : i32
      %add3A_743 = arith.addi %mul3A_657, %add3A_742 : i32
      %add3A_744 = arith.constant 5 : i32
      %add3A_745 = arith.addi %add3A_743, %add3A_744 : i32
      %lt3A_746 = arith.constant 50 : i32
      %lt3A_747 = arith.cmpi slt, %add3A_745, %lt3A_746 : i32
      %convert_element_type3A_748 = arith.extui %lt3A_747 : i1 to i32
      %cond3A_749 = arith.constant 0 : i32
      %cond3A_750 = arith.cmpi ne, %convert_element_type3A_748, %cond3A_749 : i32
      scf.if %cond3A_750 {
        %dma_wait3A_751 = arith.constant 0 : i32
        %dma_wait3A_752 = arith.constant 0 : i32
        %dma_wait3A_753 = arith.constant 0 : i32
        %dma_wait3A_754 = tpu.memref_slice %arg8[%dma_wait3A_752, %dma_wait3A_753] : memref<240x128xf32, #tpu.memory_space<vmem>> -> memref<40x128xf32, #tpu.memory_space<vmem>>
        %dma_wait3A_755 = arith.constant 0 : i32
        %dma_wait3A_756 = tpu.memref_slice %arg7[%dma_wait3A_751, %dma_wait3A_755] : memref<50x40xi32, #tpu.memory_space<vmem>> -> memref<1x40xi32, #tpu.memory_space<vmem>>
        %dma_wait3A_757 = tpu.memref_squeeze %dma_wait3A_756 : memref<1x40xi32, #tpu.memory_space<vmem>> -> memref<40xi32, #tpu.memory_space<vmem>>
        %dma_wait3A_758 = arith.constant 0 : i32
        %dma_wait3A_759 = arith.constant 0 : i32
        %dma_wait3A_760 = tpu.memref_slice %arg9[%dma_wait3A_758, %dma_wait3A_759] : memref<10240x128xf32, #tpu.memory_space<vmem_shared>> -> memref<10240x128xf32, #tpu.memory_space<vmem_shared>>
        tpu.wait_indirect_dma semaphore(%arg16 : memref<!tpu.dma_semaphore, #tpu.memory_space<semaphore_mem>>) src(%dma_wait3A_754 : memref<40x128xf32, #tpu.memory_space<vmem>>) dst(%dma_wait3A_760 : memref<10240x128xf32, #tpu.memory_space<vmem_shared>>)
        %dma_start3A_761 = arith.constant 0 : i32
        %dma_start3A_762 = arith.constant 0 : i32
        %dma_start3A_763 = tpu.memref_slice %arg8[%dma_start3A_761, %dma_start3A_762] : memref<240x128xf32, #tpu.memory_space<vmem>> -> memref<40x128xf32, #tpu.memory_space<vmem>>
        %dma_start3A_764 = arith.constant 0 : i32
        %dma_start3A_765 = tpu.memref_slice %arg6[%add3A_745, %dma_start3A_764] : memref<50x40xi32, #tpu.memory_space<vmem>> -> memref<1x40xi32, #tpu.memory_space<vmem>>
        %dma_start3A_766 = tpu.memref_squeeze %dma_start3A_765 : memref<1x40xi32, #tpu.memory_space<vmem>> -> memref<40xi32, #tpu.memory_space<vmem>>
        %dma_start3A_767 = arith.constant 0 : i32
        %dma_start3A_768 = arith.constant 0 : i32
        %dma_start3A_769 = tpu.memref_slice %arg4[%dma_start3A_767, %dma_start3A_768] : memref<10000x128xf32, #tpu.memory_space<hbm>> -> memref<10000x128xf32, #tpu.memory_space<hbm>>
        tpu.enqueue_indirect_dma source(%dma_start3A_769 : memref<10000x128xf32, #tpu.memory_space<hbm>>) target(%dma_start3A_763 : memref<40x128xf32, #tpu.memory_space<vmem>>) offsets(%dma_start3A_766 : memref<40xi32, #tpu.memory_space<vmem>>) semaphore(%arg10 : memref<!tpu.dma_semaphore, #tpu.memory_space<semaphore_mem>>)
      } else {
      }
    }
    %scan3A_205 = arith.constant 9 : i32
    %dma_wait3A_206 = arith.constant 0 : i32
    %dma_wait3A_207 = arith.constant 40 : i32
    %dma_wait3A_208 = arith.constant 0 : i32
    %dma_wait3A_209 = tpu.memref_slice %arg8[%dma_wait3A_207, %dma_wait3A_208] : memref<240x128xf32, #tpu.memory_space<vmem>> -> memref<40x128xf32, #tpu.memory_space<vmem>>
    %dma_wait3A_210 = arith.constant 0 : i32
    %dma_wait3A_211 = tpu.memref_slice %arg7[%dma_wait3A_206, %dma_wait3A_210] : memref<50x40xi32, #tpu.memory_space<vmem>> -> memref<1x40xi32, #tpu.memory_space<vmem>>
    %dma_wait3A_212 = tpu.memref_squeeze %dma_wait3A_211 : memref<1x40xi32, #tpu.memory_space<vmem>> -> memref<40xi32, #tpu.memory_space<vmem>>
    %dma_wait3A_213 = arith.constant 0 : i32
    %dma_wait3A_214 = arith.constant 0 : i32
    %dma_wait3A_215 = tpu.memref_slice %arg9[%dma_wait3A_213, %dma_wait3A_214] : memref<10240x128xf32, #tpu.memory_space<vmem_shared>> -> memref<10240x128xf32, #tpu.memory_space<vmem_shared>>
    tpu.wait_indirect_dma semaphore(%arg17 : memref<!tpu.dma_semaphore, #tpu.memory_space<semaphore_mem>>) src(%dma_wait3A_209 : memref<40x128xf32, #tpu.memory_space<vmem>>) dst(%dma_wait3A_215 : memref<10240x128xf32, #tpu.memory_space<vmem_shared>>)
    %dma_wait3A_216 = arith.constant 0 : i32
    %dma_wait3A_217 = arith.constant 80 : i32
    %dma_wait3A_218 = arith.constant 0 : i32
    %dma_wait3A_219 = tpu.memref_slice %arg8[%dma_wait3A_217, %dma_wait3A_218] : memref<240x128xf32, #tpu.memory_space<vmem>> -> memref<40x128xf32, #tpu.memory_space<vmem>>
    %dma_wait3A_220 = arith.constant 0 : i32
    %dma_wait3A_221 = tpu.memref_slice %arg7[%dma_wait3A_216, %dma_wait3A_220] : memref<50x40xi32, #tpu.memory_space<vmem>> -> memref<1x40xi32, #tpu.memory_space<vmem>>
    %dma_wait3A_222 = tpu.memref_squeeze %dma_wait3A_221 : memref<1x40xi32, #tpu.memory_space<vmem>> -> memref<40xi32, #tpu.memory_space<vmem>>
    %dma_wait3A_223 = arith.constant 0 : i32
    %dma_wait3A_224 = arith.constant 0 : i32
    %dma_wait3A_225 = tpu.memref_slice %arg9[%dma_wait3A_223, %dma_wait3A_224] : memref<10240x128xf32, #tpu.memory_space<vmem_shared>> -> memref<10240x128xf32, #tpu.memory_space<vmem_shared>>
    tpu.wait_indirect_dma semaphore(%arg18 : memref<!tpu.dma_semaphore, #tpu.memory_space<semaphore_mem>>) src(%dma_wait3A_219 : memref<40x128xf32, #tpu.memory_space<vmem>>) dst(%dma_wait3A_225 : memref<10240x128xf32, #tpu.memory_space<vmem_shared>>)
    %dma_wait3A_226 = arith.constant 0 : i32
    %dma_wait3A_227 = arith.constant 120 : i32
    %dma_wait3A_228 = arith.constant 0 : i32
    %dma_wait3A_229 = tpu.memref_slice %arg8[%dma_wait3A_227, %dma_wait3A_228] : memref<240x128xf32, #tpu.memory_space<vmem>> -> memref<40x128xf32, #tpu.memory_space<vmem>>
    %dma_wait3A_230 = arith.constant 0 : i32
    %dma_wait3A_231 = tpu.memref_slice %arg7[%dma_wait3A_226, %dma_wait3A_230] : memref<50x40xi32, #tpu.memory_space<vmem>> -> memref<1x40xi32, #tpu.memory_space<vmem>>
    %dma_wait3A_232 = tpu.memref_squeeze %dma_wait3A_231 : memref<1x40xi32, #tpu.memory_space<vmem>> -> memref<40xi32, #tpu.memory_space<vmem>>
    %dma_wait3A_233 = arith.constant 0 : i32
    %dma_wait3A_234 = arith.constant 0 : i32
    %dma_wait3A_235 = tpu.memref_slice %arg9[%dma_wait3A_233, %dma_wait3A_234] : memref<10240x128xf32, #tpu.memory_space<vmem_shared>> -> memref<10240x128xf32, #tpu.memory_space<vmem_shared>>
    tpu.wait_indirect_dma semaphore(%arg19 : memref<!tpu.dma_semaphore, #tpu.memory_space<semaphore_mem>>) src(%dma_wait3A_229 : memref<40x128xf32, #tpu.memory_space<vmem>>) dst(%dma_wait3A_235 : memref<10240x128xf32, #tpu.memory_space<vmem_shared>>)
    %dma_wait3A_236 = arith.constant 0 : i32
    %dma_wait3A_237 = arith.constant 160 : i32
    %dma_wait3A_238 = arith.constant 0 : i32
    %dma_wait3A_239 = tpu.memref_slice %arg8[%dma_wait3A_237, %dma_wait3A_238] : memref<240x128xf32, #tpu.memory_space<vmem>> -> memref<40x128xf32, #tpu.memory_space<vmem>>
    %dma_wait3A_240 = arith.constant 0 : i32
    %dma_wait3A_241 = tpu.memref_slice %arg7[%dma_wait3A_236, %dma_wait3A_240] : memref<50x40xi32, #tpu.memory_space<vmem>> -> memref<1x40xi32, #tpu.memory_space<vmem>>
    %dma_wait3A_242 = tpu.memref_squeeze %dma_wait3A_241 : memref<1x40xi32, #tpu.memory_space<vmem>> -> memref<40xi32, #tpu.memory_space<vmem>>
    %dma_wait3A_243 = arith.constant 0 : i32
    %dma_wait3A_244 = arith.constant 0 : i32
    %dma_wait3A_245 = tpu.memref_slice %arg9[%dma_wait3A_243, %dma_wait3A_244] : memref<10240x128xf32, #tpu.memory_space<vmem_shared>> -> memref<10240x128xf32, #tpu.memory_space<vmem_shared>>
    tpu.wait_indirect_dma semaphore(%arg20 : memref<!tpu.dma_semaphore, #tpu.memory_space<semaphore_mem>>) src(%dma_wait3A_239 : memref<40x128xf32, #tpu.memory_space<vmem>>) dst(%dma_wait3A_245 : memref<10240x128xf32, #tpu.memory_space<vmem_shared>>)
    %dma_wait3A_246 = arith.constant 0 : i32
    %dma_wait3A_247 = arith.constant 200 : i32
    %dma_wait3A_248 = arith.constant 0 : i32
    %dma_wait3A_249 = tpu.memref_slice %arg8[%dma_wait3A_247, %dma_wait3A_248] : memref<240x128xf32, #tpu.memory_space<vmem>> -> memref<40x128xf32, #tpu.memory_space<vmem>>
    %dma_wait3A_250 = arith.constant 0 : i32
    %dma_wait3A_251 = tpu.memref_slice %arg7[%dma_wait3A_246, %dma_wait3A_250] : memref<50x40xi32, #tpu.memory_space<vmem>> -> memref<1x40xi32, #tpu.memory_space<vmem>>
    %dma_wait3A_252 = tpu.memref_squeeze %dma_wait3A_251 : memref<1x40xi32, #tpu.memory_space<vmem>> -> memref<40xi32, #tpu.memory_space<vmem>>
    %dma_wait3A_253 = arith.constant 0 : i32
    %dma_wait3A_254 = arith.constant 0 : i32
    %dma_wait3A_255 = tpu.memref_slice %arg9[%dma_wait3A_253, %dma_wait3A_254] : memref<10240x128xf32, #tpu.memory_space<vmem_shared>> -> memref<10240x128xf32, #tpu.memory_space<vmem_shared>>
    tpu.wait_indirect_dma semaphore(%arg21 : memref<!tpu.dma_semaphore, #tpu.memory_space<semaphore_mem>>) src(%dma_wait3A_249 : memref<40x128xf32, #tpu.memory_space<vmem>>) dst(%dma_wait3A_255 : memref<10240x128xf32, #tpu.memory_space<vmem_shared>>)
    %dma_wait3A_256 = arith.constant 0 : i32
    %dma_wait3A_257 = arith.constant 0 : i32
    %dma_wait3A_258 = arith.constant 0 : i32
    %dma_wait3A_259 = tpu.memref_slice %arg8[%dma_wait3A_257, %dma_wait3A_258] : memref<240x128xf32, #tpu.memory_space<vmem>> -> memref<40x128xf32, #tpu.memory_space<vmem>>
    %dma_wait3A_260 = arith.constant 0 : i32
    %dma_wait3A_261 = tpu.memref_slice %arg7[%dma_wait3A_256, %dma_wait3A_260] : memref<50x40xi32, #tpu.memory_space<vmem>> -> memref<1x40xi32, #tpu.memory_space<vmem>>
    %dma_wait3A_262 = tpu.memref_squeeze %dma_wait3A_261 : memref<1x40xi32, #tpu.memory_space<vmem>> -> memref<40xi32, #tpu.memory_space<vmem>>
    %dma_wait3A_263 = arith.constant 0 : i32
    %dma_wait3A_264 = arith.constant 0 : i32
    %dma_wait3A_265 = tpu.memref_slice %arg9[%dma_wait3A_263, %dma_wait3A_264] : memref<10240x128xf32, #tpu.memory_space<vmem_shared>> -> memref<10240x128xf32, #tpu.memory_space<vmem_shared>>
    tpu.wait_indirect_dma semaphore(%arg16 : memref<!tpu.dma_semaphore, #tpu.memory_space<semaphore_mem>>) src(%dma_wait3A_259 : memref<40x128xf32, #tpu.memory_space<vmem>>) dst(%dma_wait3A_265 : memref<10240x128xf32, #tpu.memory_space<vmem_shared>>)
    %run_scoped3A_266 = arith.constant 2 : i32
    "tpu.region"() ({
      %run_scoped3A_655 = tpu.sem_alloc : memref<!tpu.dma_semaphore, #tpu.memory_space<semaphore_mem>>
      %dma_start3A_656 = arith.constant 0 : i32
      %dma_start3A_657 = arith.constant 0 : i32
      %dma_start3A_658 = tpu.memref_slice %arg2[%add3A, %run_scoped3A_266, %dma_start3A_656, %dma_start3A_657] : memref<32x5x50x40xi32, #tpu.memory_space<hbm>> -> memref<1x1x50x40xi32, #tpu.memory_space<hbm>>
      %dma_start3A_659 = tpu.memref_squeeze %dma_start3A_658 : memref<1x1x50x40xi32, #tpu.memory_space<hbm>> -> memref<50x40xi32, #tpu.memory_space<hbm>>
      %dma_start3A_660 = arith.constant 0 : i32
      %dma_start3A_661 = arith.constant 0 : i32
      %dma_start3A_662 = tpu.memref_slice %arg2[%add3A, %run_scoped3A_266, %dma_start3A_660, %dma_start3A_661] : memref<32x5x50x40xi32, #tpu.memory_space<hbm>> -> memref<1x1x50x40xi32, #tpu.memory_space<hbm>>
      %dma_start3A_663 = tpu.memref_squeeze %dma_start3A_662 : memref<1x1x50x40xi32, #tpu.memory_space<hbm>> -> memref<50x40xi32, #tpu.memory_space<hbm>>
      tpu.enqueue_dma source(%dma_start3A_663 : memref<50x40xi32, #tpu.memory_space<hbm>>) target(%arg6 : memref<50x40xi32, #tpu.memory_space<vmem>>) target_semaphore(%run_scoped3A_655 : memref<!tpu.dma_semaphore, #tpu.memory_space<semaphore_mem>>)
      %dma_wait3A_664 = arith.constant 0 : i32
      %dma_wait3A_665 = arith.constant 0 : i32
      %dma_wait3A_666 = tpu.memref_slice %arg2[%add3A, %run_scoped3A_266, %dma_wait3A_664, %dma_wait3A_665] : memref<32x5x50x40xi32, #tpu.memory_space<hbm>> -> memref<1x1x50x40xi32, #tpu.memory_space<hbm>>
      %dma_wait3A_667 = tpu.memref_squeeze %dma_wait3A_666 : memref<1x1x50x40xi32, #tpu.memory_space<hbm>> -> memref<50x40xi32, #tpu.memory_space<hbm>>
      %dma_wait3A_668 = arith.constant 0 : i32
      %dma_wait3A_669 = arith.constant 0 : i32
      %dma_wait3A_670 = tpu.memref_slice %arg2[%add3A, %run_scoped3A_266, %dma_wait3A_668, %dma_wait3A_669] : memref<32x5x50x40xi32, #tpu.memory_space<hbm>> -> memref<1x1x50x40xi32, #tpu.memory_space<hbm>>
      %dma_wait3A_671 = tpu.memref_squeeze %dma_wait3A_670 : memref<1x1x50x40xi32, #tpu.memory_space<hbm>> -> memref<50x40xi32, #tpu.memory_space<hbm>>
      tpu.wait_dma2 semaphore(%run_scoped3A_655 : memref<!tpu.dma_semaphore, #tpu.memory_space<semaphore_mem>>) src(%dma_wait3A_671 : memref<50x40xi32, #tpu.memory_space<hbm>>) dst(%arg6 : memref<50x40xi32, #tpu.memory_space<vmem>>)
      tpu.yield
    }) : () -> ()
    %run_scoped3A_267 = arith.constant 2 : i32
    "tpu.region"() ({
      %run_scoped3A_655 = tpu.sem_alloc : memref<!tpu.dma_semaphore, #tpu.memory_space<semaphore_mem>>
      %dma_start3A_656 = arith.constant 0 : i32
      %dma_start3A_657 = arith.constant 0 : i32
      %dma_start3A_658 = tpu.memref_slice %arg3[%add3A, %run_scoped3A_267, %dma_start3A_656, %dma_start3A_657] : memref<32x5x50x40xi32, #tpu.memory_space<hbm>> -> memref<1x1x50x40xi32, #tpu.memory_space<hbm>>
      %dma_start3A_659 = tpu.memref_squeeze %dma_start3A_658 : memref<1x1x50x40xi32, #tpu.memory_space<hbm>> -> memref<50x40xi32, #tpu.memory_space<hbm>>
      %dma_start3A_660 = arith.constant 0 : i32
      %dma_start3A_661 = arith.constant 0 : i32
      %dma_start3A_662 = tpu.memref_slice %arg3[%add3A, %run_scoped3A_267, %dma_start3A_660, %dma_start3A_661] : memref<32x5x50x40xi32, #tpu.memory_space<hbm>> -> memref<1x1x50x40xi32, #tpu.memory_space<hbm>>
      %dma_start3A_663 = tpu.memref_squeeze %dma_start3A_662 : memref<1x1x50x40xi32, #tpu.memory_space<hbm>> -> memref<50x40xi32, #tpu.memory_space<hbm>>
      tpu.enqueue_dma source(%dma_start3A_663 : memref<50x40xi32, #tpu.memory_space<hbm>>) target(%arg7 : memref<50x40xi32, #tpu.memory_space<vmem>>) target_semaphore(%run_scoped3A_655 : memref<!tpu.dma_semaphore, #tpu.memory_space<semaphore_mem>>)
      %dma_wait3A_664 = arith.constant 0 : i32
      %dma_wait3A_665 = arith.constant 0 : i32
      %dma_wait3A_666 = tpu.memref_slice %arg3[%add3A, %run_scoped3A_267, %dma_wait3A_664, %dma_wait3A_665] : memref<32x5x50x40xi32, #tpu.memory_space<hbm>> -> memref<1x1x50x40xi32, #tpu.memory_space<hbm>>
      %dma_wait3A_667 = tpu.memref_squeeze %dma_wait3A_666 : memref<1x1x50x40xi32, #tpu.memory_space<hbm>> -> memref<50x40xi32, #tpu.memory_space<hbm>>
      %dma_wait3A_668 = arith.constant 0 : i32
      %dma_wait3A_669 = arith.constant 0 : i32
      %dma_wait3A_670 = tpu.memref_slice %arg3[%add3A, %run_scoped3A_267, %dma_wait3A_668, %dma_wait3A_669] : memref<32x5x50x40xi32, #tpu.memory_space<hbm>> -> memref<1x1x50x40xi32, #tpu.memory_space<hbm>>
      %dma_wait3A_671 = tpu.memref_squeeze %dma_wait3A_670 : memref<1x1x50x40xi32, #tpu.memory_space<hbm>> -> memref<50x40xi32, #tpu.memory_space<hbm>>
      tpu.wait_dma2 semaphore(%run_scoped3A_655 : memref<!tpu.dma_semaphore, #tpu.memory_space<semaphore_mem>>) src(%dma_wait3A_671 : memref<50x40xi32, #tpu.memory_space<hbm>>) dst(%arg7 : memref<50x40xi32, #tpu.memory_space<vmem>>)
      tpu.yield
    }) : () -> ()
    %dma_start3A_268 = arith.constant 0 : i32
    %dma_start3A_269 = arith.constant 40 : i32
    %dma_start3A_270 = arith.constant 0 : i32
    %dma_start3A_271 = tpu.memref_slice %arg8[%dma_start3A_269, %dma_start3A_270] : memref<240x128xf32, #tpu.memory_space<vmem>> -> memref<40x128xf32, #tpu.memory_space<vmem>>
    %dma_start3A_272 = arith.constant 0 : i32
    %dma_start3A_273 = tpu.memref_slice %arg6[%dma_start3A_268, %dma_start3A_272] : memref<50x40xi32, #tpu.memory_space<vmem>> -> memref<1x40xi32, #tpu.memory_space<vmem>>
    %dma_start3A_274 = tpu.memref_squeeze %dma_start3A_273 : memref<1x40xi32, #tpu.memory_space<vmem>> -> memref<40xi32, #tpu.memory_space<vmem>>
    %dma_start3A_275 = arith.constant 0 : i32
    %dma_start3A_276 = arith.constant 0 : i32
    %dma_start3A_277 = tpu.memref_slice %arg4[%dma_start3A_275, %dma_start3A_276] : memref<10000x128xf32, #tpu.memory_space<hbm>> -> memref<10000x128xf32, #tpu.memory_space<hbm>>
    tpu.enqueue_indirect_dma source(%dma_start3A_277 : memref<10000x128xf32, #tpu.memory_space<hbm>>) target(%dma_start3A_271 : memref<40x128xf32, #tpu.memory_space<vmem>>) offsets(%dma_start3A_274 : memref<40xi32, #tpu.memory_space<vmem>>) semaphore(%arg11 : memref<!tpu.dma_semaphore, #tpu.memory_space<semaphore_mem>>)
    %dma_start3A_278 = arith.constant 1 : i32
    %dma_start3A_279 = arith.constant 80 : i32
    %dma_start3A_280 = arith.constant 0 : i32
    %dma_start3A_281 = tpu.memref_slice %arg8[%dma_start3A_279, %dma_start3A_280] : memref<240x128xf32, #tpu.memory_space<vmem>> -> memref<40x128xf32, #tpu.memory_space<vmem>>
    %dma_start3A_282 = arith.constant 0 : i32
    %dma_start3A_283 = tpu.memref_slice %arg6[%dma_start3A_278, %dma_start3A_282] : memref<50x40xi32, #tpu.memory_space<vmem>> -> memref<1x40xi32, #tpu.memory_space<vmem>>
    %dma_start3A_284 = tpu.memref_squeeze %dma_start3A_283 : memref<1x40xi32, #tpu.memory_space<vmem>> -> memref<40xi32, #tpu.memory_space<vmem>>
    %dma_start3A_285 = arith.constant 0 : i32
    %dma_start3A_286 = arith.constant 0 : i32
    %dma_start3A_287 = tpu.memref_slice %arg4[%dma_start3A_285, %dma_start3A_286] : memref<10000x128xf32, #tpu.memory_space<hbm>> -> memref<10000x128xf32, #tpu.memory_space<hbm>>
    tpu.enqueue_indirect_dma source(%dma_start3A_287 : memref<10000x128xf32, #tpu.memory_space<hbm>>) target(%dma_start3A_281 : memref<40x128xf32, #tpu.memory_space<vmem>>) offsets(%dma_start3A_284 : memref<40xi32, #tpu.memory_space<vmem>>) semaphore(%arg12 : memref<!tpu.dma_semaphore, #tpu.memory_space<semaphore_mem>>)
    %dma_start3A_288 = arith.constant 2 : i32
    %dma_start3A_289 = arith.constant 120 : i32
    %dma_start3A_290 = arith.constant 0 : i32
    %dma_start3A_291 = tpu.memref_slice %arg8[%dma_start3A_289, %dma_start3A_290] : memref<240x128xf32, #tpu.memory_space<vmem>> -> memref<40x128xf32, #tpu.memory_space<vmem>>
    %dma_start3A_292 = arith.constant 0 : i32
    %dma_start3A_293 = tpu.memref_slice %arg6[%dma_start3A_288, %dma_start3A_292] : memref<50x40xi32, #tpu.memory_space<vmem>> -> memref<1x40xi32, #tpu.memory_space<vmem>>
    %dma_start3A_294 = tpu.memref_squeeze %dma_start3A_293 : memref<1x40xi32, #tpu.memory_space<vmem>> -> memref<40xi32, #tpu.memory_space<vmem>>
    %dma_start3A_295 = arith.constant 0 : i32
    %dma_start3A_296 = arith.constant 0 : i32
    %dma_start3A_297 = tpu.memref_slice %arg4[%dma_start3A_295, %dma_start3A_296] : memref<10000x128xf32, #tpu.memory_space<hbm>> -> memref<10000x128xf32, #tpu.memory_space<hbm>>
    tpu.enqueue_indirect_dma source(%dma_start3A_297 : memref<10000x128xf32, #tpu.memory_space<hbm>>) target(%dma_start3A_291 : memref<40x128xf32, #tpu.memory_space<vmem>>) offsets(%dma_start3A_294 : memref<40xi32, #tpu.memory_space<vmem>>) semaphore(%arg13 : memref<!tpu.dma_semaphore, #tpu.memory_space<semaphore_mem>>)
    %dma_start3A_298 = arith.constant 3 : i32
    %dma_start3A_299 = arith.constant 160 : i32
    %dma_start3A_300 = arith.constant 0 : i32
    %dma_start3A_301 = tpu.memref_slice %arg8[%dma_start3A_299, %dma_start3A_300] : memref<240x128xf32, #tpu.memory_space<vmem>> -> memref<40x128xf32, #tpu.memory_space<vmem>>
    %dma_start3A_302 = arith.constant 0 : i32
    %dma_start3A_303 = tpu.memref_slice %arg6[%dma_start3A_298, %dma_start3A_302] : memref<50x40xi32, #tpu.memory_space<vmem>> -> memref<1x40xi32, #tpu.memory_space<vmem>>
    %dma_start3A_304 = tpu.memref_squeeze %dma_start3A_303 : memref<1x40xi32, #tpu.memory_space<vmem>> -> memref<40xi32, #tpu.memory_space<vmem>>
    %dma_start3A_305 = arith.constant 0 : i32
    %dma_start3A_306 = arith.constant 0 : i32
    %dma_start3A_307 = tpu.memref_slice %arg4[%dma_start3A_305, %dma_start3A_306] : memref<10000x128xf32, #tpu.memory_space<hbm>> -> memref<10000x128xf32, #tpu.memory_space<hbm>>
    tpu.enqueue_indirect_dma source(%dma_start3A_307 : memref<10000x128xf32, #tpu.memory_space<hbm>>) target(%dma_start3A_301 : memref<40x128xf32, #tpu.memory_space<vmem>>) offsets(%dma_start3A_304 : memref<40xi32, #tpu.memory_space<vmem>>) semaphore(%arg14 : memref<!tpu.dma_semaphore, #tpu.memory_space<semaphore_mem>>)
    %dma_start3A_308 = arith.constant 4 : i32
    %dma_start3A_309 = arith.constant 200 : i32
    %dma_start3A_310 = arith.constant 0 : i32
    %dma_start3A_311 = tpu.memref_slice %arg8[%dma_start3A_309, %dma_start3A_310] : memref<240x128xf32, #tpu.memory_space<vmem>> -> memref<40x128xf32, #tpu.memory_space<vmem>>
    %dma_start3A_312 = arith.constant 0 : i32
    %dma_start3A_313 = tpu.memref_slice %arg6[%dma_start3A_308, %dma_start3A_312] : memref<50x40xi32, #tpu.memory_space<vmem>> -> memref<1x40xi32, #tpu.memory_space<vmem>>
    %dma_start3A_314 = tpu.memref_squeeze %dma_start3A_313 : memref<1x40xi32, #tpu.memory_space<vmem>> -> memref<40xi32, #tpu.memory_space<vmem>>
    %dma_start3A_315 = arith.constant 0 : i32
    %dma_start3A_316 = arith.constant 0 : i32
    %dma_start3A_317 = tpu.memref_slice %arg4[%dma_start3A_315, %dma_start3A_316] : memref<10000x128xf32, #tpu.memory_space<hbm>> -> memref<10000x128xf32, #tpu.memory_space<hbm>>
    tpu.enqueue_indirect_dma source(%dma_start3A_317 : memref<10000x128xf32, #tpu.memory_space<hbm>>) target(%dma_start3A_311 : memref<40x128xf32, #tpu.memory_space<vmem>>) offsets(%dma_start3A_314 : memref<40xi32, #tpu.memory_space<vmem>>) semaphore(%arg15 : memref<!tpu.dma_semaphore, #tpu.memory_space<semaphore_mem>>)
    %dma_start3A_318 = arith.constant 5 : i32
    %dma_start3A_319 = arith.constant 0 : i32
    %dma_start3A_320 = arith.constant 0 : i32
    %dma_start3A_321 = tpu.memref_slice %arg8[%dma_start3A_319, %dma_start3A_320] : memref<240x128xf32, #tpu.memory_space<vmem>> -> memref<40x128xf32, #tpu.memory_space<vmem>>
    %dma_start3A_322 = arith.constant 0 : i32
    %dma_start3A_323 = tpu.memref_slice %arg6[%dma_start3A_318, %dma_start3A_322] : memref<50x40xi32, #tpu.memory_space<vmem>> -> memref<1x40xi32, #tpu.memory_space<vmem>>
    %dma_start3A_324 = tpu.memref_squeeze %dma_start3A_323 : memref<1x40xi32, #tpu.memory_space<vmem>> -> memref<40xi32, #tpu.memory_space<vmem>>
    %dma_start3A_325 = arith.constant 0 : i32
    %dma_start3A_326 = arith.constant 0 : i32
    %dma_start3A_327 = tpu.memref_slice %arg4[%dma_start3A_325, %dma_start3A_326] : memref<10000x128xf32, #tpu.memory_space<hbm>> -> memref<10000x128xf32, #tpu.memory_space<hbm>>
    tpu.enqueue_indirect_dma source(%dma_start3A_327 : memref<10000x128xf32, #tpu.memory_space<hbm>>) target(%dma_start3A_321 : memref<40x128xf32, #tpu.memory_space<vmem>>) offsets(%dma_start3A_324 : memref<40xi32, #tpu.memory_space<vmem>>) semaphore(%arg10 : memref<!tpu.dma_semaphore, #tpu.memory_space<semaphore_mem>>)
    %scan3A_328 = arith.constant 0 : i32
    %scan3A_329 = arith.constant 0 : i32
    %scan3A_330 = arith.constant 9 : i32
    %scan3A_331 = arith.addi %scan3A_329, %scan3A_330 : i32
    %scan3A_332 = arith.constant 1 : i32
    scf.for %scan3A_655 = %scan3A_329 to %scan3A_331 step %scan3A_332  : i32 {
      %mul3A_656 = arith.constant 6 : i32
      %mul3A_657 = arith.muli %mul3A_656, %scan3A_655 : i32
      %add3A_658 = arith.constant 0 : i32
      %add3A_659 = arith.addi %mul3A_657, %add3A_658 : i32
      %lt3A = arith.constant 50 : i32
      %lt3A_660 = arith.cmpi slt, %add3A_659, %lt3A : i32
      %convert_element_type3A = arith.extui %lt3A_660 : i1 to i32
      %cond3A = arith.constant 0 : i32
      %cond3A_661 = arith.cmpi ne, %convert_element_type3A, %cond3A : i32
      scf.if %cond3A_661 {
        %dma_wait3A_751 = arith.constant 0 : i32
        %dma_wait3A_752 = arith.constant 40 : i32
        %dma_wait3A_753 = arith.constant 0 : i32
        %dma_wait3A_754 = tpu.memref_slice %arg8[%dma_wait3A_752, %dma_wait3A_753] : memref<240x128xf32, #tpu.memory_space<vmem>> -> memref<40x128xf32, #tpu.memory_space<vmem>>
        %dma_wait3A_755 = arith.constant 0 : i32
        %dma_wait3A_756 = tpu.memref_slice %arg6[%dma_wait3A_751, %dma_wait3A_755] : memref<50x40xi32, #tpu.memory_space<vmem>> -> memref<1x40xi32, #tpu.memory_space<vmem>>
        %dma_wait3A_757 = tpu.memref_squeeze %dma_wait3A_756 : memref<1x40xi32, #tpu.memory_space<vmem>> -> memref<40xi32, #tpu.memory_space<vmem>>
        %dma_wait3A_758 = arith.constant 0 : i32
        %dma_wait3A_759 = arith.constant 0 : i32
        %dma_wait3A_760 = tpu.memref_slice %arg4[%dma_wait3A_758, %dma_wait3A_759] : memref<10000x128xf32, #tpu.memory_space<hbm>> -> memref<10000x128xf32, #tpu.memory_space<hbm>>
        tpu.wait_indirect_dma semaphore(%arg11 : memref<!tpu.dma_semaphore, #tpu.memory_space<semaphore_mem>>) src(%dma_wait3A_760 : memref<10000x128xf32, #tpu.memory_space<hbm>>) dst(%dma_wait3A_754 : memref<40x128xf32, #tpu.memory_space<vmem>>)
        %dma_start3A_761 = arith.constant 40 : i32
        %dma_start3A_762 = arith.constant 0 : i32
        %dma_start3A_763 = tpu.memref_slice %arg8[%dma_start3A_761, %dma_start3A_762] : memref<240x128xf32, #tpu.memory_space<vmem>> -> memref<40x128xf32, #tpu.memory_space<vmem>>
        %dma_start3A_764 = arith.constant 0 : i32
        %dma_start3A_765 = tpu.memref_slice %arg7[%add3A_659, %dma_start3A_764] : memref<50x40xi32, #tpu.memory_space<vmem>> -> memref<1x40xi32, #tpu.memory_space<vmem>>
        %dma_start3A_766 = tpu.memref_squeeze %dma_start3A_765 : memref<1x40xi32, #tpu.memory_space<vmem>> -> memref<40xi32, #tpu.memory_space<vmem>>
        %dma_start3A_767 = arith.constant 0 : i32
        %dma_start3A_768 = arith.constant 0 : i32
        %dma_start3A_769 = tpu.memref_slice %arg9[%dma_start3A_767, %dma_start3A_768] : memref<10240x128xf32, #tpu.memory_space<vmem_shared>> -> memref<10240x128xf32, #tpu.memory_space<vmem_shared>>
        tpu.enqueue_indirect_dma source(%dma_start3A_763 : memref<40x128xf32, #tpu.memory_space<vmem>>) target(%dma_start3A_769 : memref<10240x128xf32, #tpu.memory_space<vmem_shared>>) offsets(%dma_start3A_766 : memref<40xi32, #tpu.memory_space<vmem>>) semaphore(%arg17 : memref<!tpu.dma_semaphore, #tpu.memory_space<semaphore_mem>>) {add = true}
      } else {
      }
      %add3A_662 = arith.constant 1 : i32
      %add3A_663 = arith.addi %mul3A_657, %add3A_662 : i32
      %lt3A_664 = arith.constant 50 : i32
      %lt3A_665 = arith.cmpi slt, %add3A_663, %lt3A_664 : i32
      %convert_element_type3A_666 = arith.extui %lt3A_665 : i1 to i32
      %cond3A_667 = arith.constant 0 : i32
      %cond3A_668 = arith.cmpi ne, %convert_element_type3A_666, %cond3A_667 : i32
      scf.if %cond3A_668 {
        %dma_wait3A_751 = arith.constant 0 : i32
        %dma_wait3A_752 = arith.constant 80 : i32
        %dma_wait3A_753 = arith.constant 0 : i32
        %dma_wait3A_754 = tpu.memref_slice %arg8[%dma_wait3A_752, %dma_wait3A_753] : memref<240x128xf32, #tpu.memory_space<vmem>> -> memref<40x128xf32, #tpu.memory_space<vmem>>
        %dma_wait3A_755 = arith.constant 0 : i32
        %dma_wait3A_756 = tpu.memref_slice %arg6[%dma_wait3A_751, %dma_wait3A_755] : memref<50x40xi32, #tpu.memory_space<vmem>> -> memref<1x40xi32, #tpu.memory_space<vmem>>
        %dma_wait3A_757 = tpu.memref_squeeze %dma_wait3A_756 : memref<1x40xi32, #tpu.memory_space<vmem>> -> memref<40xi32, #tpu.memory_space<vmem>>
        %dma_wait3A_758 = arith.constant 0 : i32
        %dma_wait3A_759 = arith.constant 0 : i32
        %dma_wait3A_760 = tpu.memref_slice %arg4[%dma_wait3A_758, %dma_wait3A_759] : memref<10000x128xf32, #tpu.memory_space<hbm>> -> memref<10000x128xf32, #tpu.memory_space<hbm>>
        tpu.wait_indirect_dma semaphore(%arg12 : memref<!tpu.dma_semaphore, #tpu.memory_space<semaphore_mem>>) src(%dma_wait3A_760 : memref<10000x128xf32, #tpu.memory_space<hbm>>) dst(%dma_wait3A_754 : memref<40x128xf32, #tpu.memory_space<vmem>>)
        %dma_start3A_761 = arith.constant 80 : i32
        %dma_start3A_762 = arith.constant 0 : i32
        %dma_start3A_763 = tpu.memref_slice %arg8[%dma_start3A_761, %dma_start3A_762] : memref<240x128xf32, #tpu.memory_space<vmem>> -> memref<40x128xf32, #tpu.memory_space<vmem>>
        %dma_start3A_764 = arith.constant 0 : i32
        %dma_start3A_765 = tpu.memref_slice %arg7[%add3A_663, %dma_start3A_764] : memref<50x40xi32, #tpu.memory_space<vmem>> -> memref<1x40xi32, #tpu.memory_space<vmem>>
        %dma_start3A_766 = tpu.memref_squeeze %dma_start3A_765 : memref<1x40xi32, #tpu.memory_space<vmem>> -> memref<40xi32, #tpu.memory_space<vmem>>
        %dma_start3A_767 = arith.constant 0 : i32
        %dma_start3A_768 = arith.constant 0 : i32
        %dma_start3A_769 = tpu.memref_slice %arg9[%dma_start3A_767, %dma_start3A_768] : memref<10240x128xf32, #tpu.memory_space<vmem_shared>> -> memref<10240x128xf32, #tpu.memory_space<vmem_shared>>
        tpu.enqueue_indirect_dma source(%dma_start3A_763 : memref<40x128xf32, #tpu.memory_space<vmem>>) target(%dma_start3A_769 : memref<10240x128xf32, #tpu.memory_space<vmem_shared>>) offsets(%dma_start3A_766 : memref<40xi32, #tpu.memory_space<vmem>>) semaphore(%arg18 : memref<!tpu.dma_semaphore, #tpu.memory_space<semaphore_mem>>) {add = true}
      } else {
      }
      %add3A_669 = arith.constant 2 : i32
      %add3A_670 = arith.addi %mul3A_657, %add3A_669 : i32
      %lt3A_671 = arith.constant 50 : i32
      %lt3A_672 = arith.cmpi slt, %add3A_670, %lt3A_671 : i32
      %convert_element_type3A_673 = arith.extui %lt3A_672 : i1 to i32
      %cond3A_674 = arith.constant 0 : i32
      %cond3A_675 = arith.cmpi ne, %convert_element_type3A_673, %cond3A_674 : i32
      scf.if %cond3A_675 {
        %dma_wait3A_751 = arith.constant 0 : i32
        %dma_wait3A_752 = arith.constant 120 : i32
        %dma_wait3A_753 = arith.constant 0 : i32
        %dma_wait3A_754 = tpu.memref_slice %arg8[%dma_wait3A_752, %dma_wait3A_753] : memref<240x128xf32, #tpu.memory_space<vmem>> -> memref<40x128xf32, #tpu.memory_space<vmem>>
        %dma_wait3A_755 = arith.constant 0 : i32
        %dma_wait3A_756 = tpu.memref_slice %arg6[%dma_wait3A_751, %dma_wait3A_755] : memref<50x40xi32, #tpu.memory_space<vmem>> -> memref<1x40xi32, #tpu.memory_space<vmem>>
        %dma_wait3A_757 = tpu.memref_squeeze %dma_wait3A_756 : memref<1x40xi32, #tpu.memory_space<vmem>> -> memref<40xi32, #tpu.memory_space<vmem>>
        %dma_wait3A_758 = arith.constant 0 : i32
        %dma_wait3A_759 = arith.constant 0 : i32
        %dma_wait3A_760 = tpu.memref_slice %arg4[%dma_wait3A_758, %dma_wait3A_759] : memref<10000x128xf32, #tpu.memory_space<hbm>> -> memref<10000x128xf32, #tpu.memory_space<hbm>>
        tpu.wait_indirect_dma semaphore(%arg13 : memref<!tpu.dma_semaphore, #tpu.memory_space<semaphore_mem>>) src(%dma_wait3A_760 : memref<10000x128xf32, #tpu.memory_space<hbm>>) dst(%dma_wait3A_754 : memref<40x128xf32, #tpu.memory_space<vmem>>)
        %dma_start3A_761 = arith.constant 120 : i32
        %dma_start3A_762 = arith.constant 0 : i32
        %dma_start3A_763 = tpu.memref_slice %arg8[%dma_start3A_761, %dma_start3A_762] : memref<240x128xf32, #tpu.memory_space<vmem>> -> memref<40x128xf32, #tpu.memory_space<vmem>>
        %dma_start3A_764 = arith.constant 0 : i32
        %dma_start3A_765 = tpu.memref_slice %arg7[%add3A_670, %dma_start3A_764] : memref<50x40xi32, #tpu.memory_space<vmem>> -> memref<1x40xi32, #tpu.memory_space<vmem>>
        %dma_start3A_766 = tpu.memref_squeeze %dma_start3A_765 : memref<1x40xi32, #tpu.memory_space<vmem>> -> memref<40xi32, #tpu.memory_space<vmem>>
        %dma_start3A_767 = arith.constant 0 : i32
        %dma_start3A_768 = arith.constant 0 : i32
        %dma_start3A_769 = tpu.memref_slice %arg9[%dma_start3A_767, %dma_start3A_768] : memref<10240x128xf32, #tpu.memory_space<vmem_shared>> -> memref<10240x128xf32, #tpu.memory_space<vmem_shared>>
        tpu.enqueue_indirect_dma source(%dma_start3A_763 : memref<40x128xf32, #tpu.memory_space<vmem>>) target(%dma_start3A_769 : memref<10240x128xf32, #tpu.memory_space<vmem_shared>>) offsets(%dma_start3A_766 : memref<40xi32, #tpu.memory_space<vmem>>) semaphore(%arg19 : memref<!tpu.dma_semaphore, #tpu.memory_space<semaphore_mem>>) {add = true}
      } else {
      }
      %add3A_676 = arith.constant 3 : i32
      %add3A_677 = arith.addi %mul3A_657, %add3A_676 : i32
      %lt3A_678 = arith.constant 50 : i32
      %lt3A_679 = arith.cmpi slt, %add3A_677, %lt3A_678 : i32
      %convert_element_type3A_680 = arith.extui %lt3A_679 : i1 to i32
      %cond3A_681 = arith.constant 0 : i32
      %cond3A_682 = arith.cmpi ne, %convert_element_type3A_680, %cond3A_681 : i32
      scf.if %cond3A_682 {
        %dma_wait3A_751 = arith.constant 0 : i32
        %dma_wait3A_752 = arith.constant 160 : i32
        %dma_wait3A_753 = arith.constant 0 : i32
        %dma_wait3A_754 = tpu.memref_slice %arg8[%dma_wait3A_752, %dma_wait3A_753] : memref<240x128xf32, #tpu.memory_space<vmem>> -> memref<40x128xf32, #tpu.memory_space<vmem>>
        %dma_wait3A_755 = arith.constant 0 : i32
        %dma_wait3A_756 = tpu.memref_slice %arg6[%dma_wait3A_751, %dma_wait3A_755] : memref<50x40xi32, #tpu.memory_space<vmem>> -> memref<1x40xi32, #tpu.memory_space<vmem>>
        %dma_wait3A_757 = tpu.memref_squeeze %dma_wait3A_756 : memref<1x40xi32, #tpu.memory_space<vmem>> -> memref<40xi32, #tpu.memory_space<vmem>>
        %dma_wait3A_758 = arith.constant 0 : i32
        %dma_wait3A_759 = arith.constant 0 : i32
        %dma_wait3A_760 = tpu.memref_slice %arg4[%dma_wait3A_758, %dma_wait3A_759] : memref<10000x128xf32, #tpu.memory_space<hbm>> -> memref<10000x128xf32, #tpu.memory_space<hbm>>
        tpu.wait_indirect_dma semaphore(%arg14 : memref<!tpu.dma_semaphore, #tpu.memory_space<semaphore_mem>>) src(%dma_wait3A_760 : memref<10000x128xf32, #tpu.memory_space<hbm>>) dst(%dma_wait3A_754 : memref<40x128xf32, #tpu.memory_space<vmem>>)
        %dma_start3A_761 = arith.constant 160 : i32
        %dma_start3A_762 = arith.constant 0 : i32
        %dma_start3A_763 = tpu.memref_slice %arg8[%dma_start3A_761, %dma_start3A_762] : memref<240x128xf32, #tpu.memory_space<vmem>> -> memref<40x128xf32, #tpu.memory_space<vmem>>
        %dma_start3A_764 = arith.constant 0 : i32
        %dma_start3A_765 = tpu.memref_slice %arg7[%add3A_677, %dma_start3A_764] : memref<50x40xi32, #tpu.memory_space<vmem>> -> memref<1x40xi32, #tpu.memory_space<vmem>>
        %dma_start3A_766 = tpu.memref_squeeze %dma_start3A_765 : memref<1x40xi32, #tpu.memory_space<vmem>> -> memref<40xi32, #tpu.memory_space<vmem>>
        %dma_start3A_767 = arith.constant 0 : i32
        %dma_start3A_768 = arith.constant 0 : i32
        %dma_start3A_769 = tpu.memref_slice %arg9[%dma_start3A_767, %dma_start3A_768] : memref<10240x128xf32, #tpu.memory_space<vmem_shared>> -> memref<10240x128xf32, #tpu.memory_space<vmem_shared>>
        tpu.enqueue_indirect_dma source(%dma_start3A_763 : memref<40x128xf32, #tpu.memory_space<vmem>>) target(%dma_start3A_769 : memref<10240x128xf32, #tpu.memory_space<vmem_shared>>) offsets(%dma_start3A_766 : memref<40xi32, #tpu.memory_space<vmem>>) semaphore(%arg20 : memref<!tpu.dma_semaphore, #tpu.memory_space<semaphore_mem>>) {add = true}
      } else {
      }
      %add3A_683 = arith.constant 4 : i32
      %add3A_684 = arith.addi %mul3A_657, %add3A_683 : i32
      %lt3A_685 = arith.constant 50 : i32
      %lt3A_686 = arith.cmpi slt, %add3A_684, %lt3A_685 : i32
      %convert_element_type3A_687 = arith.extui %lt3A_686 : i1 to i32
      %cond3A_688 = arith.constant 0 : i32
      %cond3A_689 = arith.cmpi ne, %convert_element_type3A_687, %cond3A_688 : i32
      scf.if %cond3A_689 {
        %dma_wait3A_751 = arith.constant 0 : i32
        %dma_wait3A_752 = arith.constant 200 : i32
        %dma_wait3A_753 = arith.constant 0 : i32
        %dma_wait3A_754 = tpu.memref_slice %arg8[%dma_wait3A_752, %dma_wait3A_753] : memref<240x128xf32, #tpu.memory_space<vmem>> -> memref<40x128xf32, #tpu.memory_space<vmem>>
        %dma_wait3A_755 = arith.constant 0 : i32
        %dma_wait3A_756 = tpu.memref_slice %arg6[%dma_wait3A_751, %dma_wait3A_755] : memref<50x40xi32, #tpu.memory_space<vmem>> -> memref<1x40xi32, #tpu.memory_space<vmem>>
        %dma_wait3A_757 = tpu.memref_squeeze %dma_wait3A_756 : memref<1x40xi32, #tpu.memory_space<vmem>> -> memref<40xi32, #tpu.memory_space<vmem>>
        %dma_wait3A_758 = arith.constant 0 : i32
        %dma_wait3A_759 = arith.constant 0 : i32
        %dma_wait3A_760 = tpu.memref_slice %arg4[%dma_wait3A_758, %dma_wait3A_759] : memref<10000x128xf32, #tpu.memory_space<hbm>> -> memref<10000x128xf32, #tpu.memory_space<hbm>>
        tpu.wait_indirect_dma semaphore(%arg15 : memref<!tpu.dma_semaphore, #tpu.memory_space<semaphore_mem>>) src(%dma_wait3A_760 : memref<10000x128xf32, #tpu.memory_space<hbm>>) dst(%dma_wait3A_754 : memref<40x128xf32, #tpu.memory_space<vmem>>)
        %dma_start3A_761 = arith.constant 200 : i32
        %dma_start3A_762 = arith.constant 0 : i32
        %dma_start3A_763 = tpu.memref_slice %arg8[%dma_start3A_761, %dma_start3A_762] : memref<240x128xf32, #tpu.memory_space<vmem>> -> memref<40x128xf32, #tpu.memory_space<vmem>>
        %dma_start3A_764 = arith.constant 0 : i32
        %dma_start3A_765 = tpu.memref_slice %arg7[%add3A_684, %dma_start3A_764] : memref<50x40xi32, #tpu.memory_space<vmem>> -> memref<1x40xi32, #tpu.memory_space<vmem>>
        %dma_start3A_766 = tpu.memref_squeeze %dma_start3A_765 : memref<1x40xi32, #tpu.memory_space<vmem>> -> memref<40xi32, #tpu.memory_space<vmem>>
        %dma_start3A_767 = arith.constant 0 : i32
        %dma_start3A_768 = arith.constant 0 : i32
        %dma_start3A_769 = tpu.memref_slice %arg9[%dma_start3A_767, %dma_start3A_768] : memref<10240x128xf32, #tpu.memory_space<vmem_shared>> -> memref<10240x128xf32, #tpu.memory_space<vmem_shared>>
        tpu.enqueue_indirect_dma source(%dma_start3A_763 : memref<40x128xf32, #tpu.memory_space<vmem>>) target(%dma_start3A_769 : memref<10240x128xf32, #tpu.memory_space<vmem_shared>>) offsets(%dma_start3A_766 : memref<40xi32, #tpu.memory_space<vmem>>) semaphore(%arg21 : memref<!tpu.dma_semaphore, #tpu.memory_space<semaphore_mem>>) {add = true}
      } else {
      }
      %add3A_690 = arith.constant 5 : i32
      %add3A_691 = arith.addi %mul3A_657, %add3A_690 : i32
      %lt3A_692 = arith.constant 50 : i32
      %lt3A_693 = arith.cmpi slt, %add3A_691, %lt3A_692 : i32
      %convert_element_type3A_694 = arith.extui %lt3A_693 : i1 to i32
      %cond3A_695 = arith.constant 0 : i32
      %cond3A_696 = arith.cmpi ne, %convert_element_type3A_694, %cond3A_695 : i32
      scf.if %cond3A_696 {
        %dma_wait3A_751 = arith.constant 0 : i32
        %dma_wait3A_752 = arith.constant 0 : i32
        %dma_wait3A_753 = arith.constant 0 : i32
        %dma_wait3A_754 = tpu.memref_slice %arg8[%dma_wait3A_752, %dma_wait3A_753] : memref<240x128xf32, #tpu.memory_space<vmem>> -> memref<40x128xf32, #tpu.memory_space<vmem>>
        %dma_wait3A_755 = arith.constant 0 : i32
        %dma_wait3A_756 = tpu.memref_slice %arg6[%dma_wait3A_751, %dma_wait3A_755] : memref<50x40xi32, #tpu.memory_space<vmem>> -> memref<1x40xi32, #tpu.memory_space<vmem>>
        %dma_wait3A_757 = tpu.memref_squeeze %dma_wait3A_756 : memref<1x40xi32, #tpu.memory_space<vmem>> -> memref<40xi32, #tpu.memory_space<vmem>>
        %dma_wait3A_758 = arith.constant 0 : i32
        %dma_wait3A_759 = arith.constant 0 : i32
        %dma_wait3A_760 = tpu.memref_slice %arg4[%dma_wait3A_758, %dma_wait3A_759] : memref<10000x128xf32, #tpu.memory_space<hbm>> -> memref<10000x128xf32, #tpu.memory_space<hbm>>
        tpu.wait_indirect_dma semaphore(%arg10 : memref<!tpu.dma_semaphore, #tpu.memory_space<semaphore_mem>>) src(%dma_wait3A_760 : memref<10000x128xf32, #tpu.memory_space<hbm>>) dst(%dma_wait3A_754 : memref<40x128xf32, #tpu.memory_space<vmem>>)
        %dma_start3A_761 = arith.constant 0 : i32
        %dma_start3A_762 = arith.constant 0 : i32
        %dma_start3A_763 = tpu.memref_slice %arg8[%dma_start3A_761, %dma_start3A_762] : memref<240x128xf32, #tpu.memory_space<vmem>> -> memref<40x128xf32, #tpu.memory_space<vmem>>
        %dma_start3A_764 = arith.constant 0 : i32
        %dma_start3A_765 = tpu.memref_slice %arg7[%add3A_691, %dma_start3A_764] : memref<50x40xi32, #tpu.memory_space<vmem>> -> memref<1x40xi32, #tpu.memory_space<vmem>>
        %dma_start3A_766 = tpu.memref_squeeze %dma_start3A_765 : memref<1x40xi32, #tpu.memory_space<vmem>> -> memref<40xi32, #tpu.memory_space<vmem>>
        %dma_start3A_767 = arith.constant 0 : i32
        %dma_start3A_768 = arith.constant 0 : i32
        %dma_start3A_769 = tpu.memref_slice %arg9[%dma_start3A_767, %dma_start3A_768] : memref<10240x128xf32, #tpu.memory_space<vmem_shared>> -> memref<10240x128xf32, #tpu.memory_space<vmem_shared>>
        tpu.enqueue_indirect_dma source(%dma_start3A_763 : memref<40x128xf32, #tpu.memory_space<vmem>>) target(%dma_start3A_769 : memref<10240x128xf32, #tpu.memory_space<vmem_shared>>) offsets(%dma_start3A_766 : memref<40xi32, #tpu.memory_space<vmem>>) semaphore(%arg16 : memref<!tpu.dma_semaphore, #tpu.memory_space<semaphore_mem>>) {add = true}
      } else {
      }
      %add3A_697 = arith.constant 6 : i32
      %add3A_698 = arith.addi %mul3A_657, %add3A_697 : i32
      %add3A_699 = arith.constant 0 : i32
      %add3A_700 = arith.addi %add3A_698, %add3A_699 : i32
      %lt3A_701 = arith.constant 50 : i32
      %lt3A_702 = arith.cmpi slt, %add3A_700, %lt3A_701 : i32
      %convert_element_type3A_703 = arith.extui %lt3A_702 : i1 to i32
      %cond3A_704 = arith.constant 0 : i32
      %cond3A_705 = arith.cmpi ne, %convert_element_type3A_703, %cond3A_704 : i32
      scf.if %cond3A_705 {
        %dma_wait3A_751 = arith.constant 0 : i32
        %dma_wait3A_752 = arith.constant 40 : i32
        %dma_wait3A_753 = arith.constant 0 : i32
        %dma_wait3A_754 = tpu.memref_slice %arg8[%dma_wait3A_752, %dma_wait3A_753] : memref<240x128xf32, #tpu.memory_space<vmem>> -> memref<40x128xf32, #tpu.memory_space<vmem>>
        %dma_wait3A_755 = arith.constant 0 : i32
        %dma_wait3A_756 = tpu.memref_slice %arg7[%dma_wait3A_751, %dma_wait3A_755] : memref<50x40xi32, #tpu.memory_space<vmem>> -> memref<1x40xi32, #tpu.memory_space<vmem>>
        %dma_wait3A_757 = tpu.memref_squeeze %dma_wait3A_756 : memref<1x40xi32, #tpu.memory_space<vmem>> -> memref<40xi32, #tpu.memory_space<vmem>>
        %dma_wait3A_758 = arith.constant 0 : i32
        %dma_wait3A_759 = arith.constant 0 : i32
        %dma_wait3A_760 = tpu.memref_slice %arg9[%dma_wait3A_758, %dma_wait3A_759] : memref<10240x128xf32, #tpu.memory_space<vmem_shared>> -> memref<10240x128xf32, #tpu.memory_space<vmem_shared>>
        tpu.wait_indirect_dma semaphore(%arg17 : memref<!tpu.dma_semaphore, #tpu.memory_space<semaphore_mem>>) src(%dma_wait3A_754 : memref<40x128xf32, #tpu.memory_space<vmem>>) dst(%dma_wait3A_760 : memref<10240x128xf32, #tpu.memory_space<vmem_shared>>)
        %dma_start3A_761 = arith.constant 40 : i32
        %dma_start3A_762 = arith.constant 0 : i32
        %dma_start3A_763 = tpu.memref_slice %arg8[%dma_start3A_761, %dma_start3A_762] : memref<240x128xf32, #tpu.memory_space<vmem>> -> memref<40x128xf32, #tpu.memory_space<vmem>>
        %dma_start3A_764 = arith.constant 0 : i32
        %dma_start3A_765 = tpu.memref_slice %arg6[%add3A_700, %dma_start3A_764] : memref<50x40xi32, #tpu.memory_space<vmem>> -> memref<1x40xi32, #tpu.memory_space<vmem>>
        %dma_start3A_766 = tpu.memref_squeeze %dma_start3A_765 : memref<1x40xi32, #tpu.memory_space<vmem>> -> memref<40xi32, #tpu.memory_space<vmem>>
        %dma_start3A_767 = arith.constant 0 : i32
        %dma_start3A_768 = arith.constant 0 : i32
        %dma_start3A_769 = tpu.memref_slice %arg4[%dma_start3A_767, %dma_start3A_768] : memref<10000x128xf32, #tpu.memory_space<hbm>> -> memref<10000x128xf32, #tpu.memory_space<hbm>>
        tpu.enqueue_indirect_dma source(%dma_start3A_769 : memref<10000x128xf32, #tpu.memory_space<hbm>>) target(%dma_start3A_763 : memref<40x128xf32, #tpu.memory_space<vmem>>) offsets(%dma_start3A_766 : memref<40xi32, #tpu.memory_space<vmem>>) semaphore(%arg11 : memref<!tpu.dma_semaphore, #tpu.memory_space<semaphore_mem>>)
      } else {
      }
      %add3A_706 = arith.constant 6 : i32
      %add3A_707 = arith.addi %mul3A_657, %add3A_706 : i32
      %add3A_708 = arith.constant 1 : i32
      %add3A_709 = arith.addi %add3A_707, %add3A_708 : i32
      %lt3A_710 = arith.constant 50 : i32
      %lt3A_711 = arith.cmpi slt, %add3A_709, %lt3A_710 : i32
      %convert_element_type3A_712 = arith.extui %lt3A_711 : i1 to i32
      %cond3A_713 = arith.constant 0 : i32
      %cond3A_714 = arith.cmpi ne, %convert_element_type3A_712, %cond3A_713 : i32
      scf.if %cond3A_714 {
        %dma_wait3A_751 = arith.constant 0 : i32
        %dma_wait3A_752 = arith.constant 80 : i32
        %dma_wait3A_753 = arith.constant 0 : i32
        %dma_wait3A_754 = tpu.memref_slice %arg8[%dma_wait3A_752, %dma_wait3A_753] : memref<240x128xf32, #tpu.memory_space<vmem>> -> memref<40x128xf32, #tpu.memory_space<vmem>>
        %dma_wait3A_755 = arith.constant 0 : i32
        %dma_wait3A_756 = tpu.memref_slice %arg7[%dma_wait3A_751, %dma_wait3A_755] : memref<50x40xi32, #tpu.memory_space<vmem>> -> memref<1x40xi32, #tpu.memory_space<vmem>>
        %dma_wait3A_757 = tpu.memref_squeeze %dma_wait3A_756 : memref<1x40xi32, #tpu.memory_space<vmem>> -> memref<40xi32, #tpu.memory_space<vmem>>
        %dma_wait3A_758 = arith.constant 0 : i32
        %dma_wait3A_759 = arith.constant 0 : i32
        %dma_wait3A_760 = tpu.memref_slice %arg9[%dma_wait3A_758, %dma_wait3A_759] : memref<10240x128xf32, #tpu.memory_space<vmem_shared>> -> memref<10240x128xf32, #tpu.memory_space<vmem_shared>>
        tpu.wait_indirect_dma semaphore(%arg18 : memref<!tpu.dma_semaphore, #tpu.memory_space<semaphore_mem>>) src(%dma_wait3A_754 : memref<40x128xf32, #tpu.memory_space<vmem>>) dst(%dma_wait3A_760 : memref<10240x128xf32, #tpu.memory_space<vmem_shared>>)
        %dma_start3A_761 = arith.constant 80 : i32
        %dma_start3A_762 = arith.constant 0 : i32
        %dma_start3A_763 = tpu.memref_slice %arg8[%dma_start3A_761, %dma_start3A_762] : memref<240x128xf32, #tpu.memory_space<vmem>> -> memref<40x128xf32, #tpu.memory_space<vmem>>
        %dma_start3A_764 = arith.constant 0 : i32
        %dma_start3A_765 = tpu.memref_slice %arg6[%add3A_709, %dma_start3A_764] : memref<50x40xi32, #tpu.memory_space<vmem>> -> memref<1x40xi32, #tpu.memory_space<vmem>>
        %dma_start3A_766 = tpu.memref_squeeze %dma_start3A_765 : memref<1x40xi32, #tpu.memory_space<vmem>> -> memref<40xi32, #tpu.memory_space<vmem>>
        %dma_start3A_767 = arith.constant 0 : i32
        %dma_start3A_768 = arith.constant 0 : i32
        %dma_start3A_769 = tpu.memref_slice %arg4[%dma_start3A_767, %dma_start3A_768] : memref<10000x128xf32, #tpu.memory_space<hbm>> -> memref<10000x128xf32, #tpu.memory_space<hbm>>
        tpu.enqueue_indirect_dma source(%dma_start3A_769 : memref<10000x128xf32, #tpu.memory_space<hbm>>) target(%dma_start3A_763 : memref<40x128xf32, #tpu.memory_space<vmem>>) offsets(%dma_start3A_766 : memref<40xi32, #tpu.memory_space<vmem>>) semaphore(%arg12 : memref<!tpu.dma_semaphore, #tpu.memory_space<semaphore_mem>>)
      } else {
      }
      %add3A_715 = arith.constant 6 : i32
      %add3A_716 = arith.addi %mul3A_657, %add3A_715 : i32
      %add3A_717 = arith.constant 2 : i32
      %add3A_718 = arith.addi %add3A_716, %add3A_717 : i32
      %lt3A_719 = arith.constant 50 : i32
      %lt3A_720 = arith.cmpi slt, %add3A_718, %lt3A_719 : i32
      %convert_element_type3A_721 = arith.extui %lt3A_720 : i1 to i32
      %cond3A_722 = arith.constant 0 : i32
      %cond3A_723 = arith.cmpi ne, %convert_element_type3A_721, %cond3A_722 : i32
      scf.if %cond3A_723 {
        %dma_wait3A_751 = arith.constant 0 : i32
        %dma_wait3A_752 = arith.constant 120 : i32
        %dma_wait3A_753 = arith.constant 0 : i32
        %dma_wait3A_754 = tpu.memref_slice %arg8[%dma_wait3A_752, %dma_wait3A_753] : memref<240x128xf32, #tpu.memory_space<vmem>> -> memref<40x128xf32, #tpu.memory_space<vmem>>
        %dma_wait3A_755 = arith.constant 0 : i32
        %dma_wait3A_756 = tpu.memref_slice %arg7[%dma_wait3A_751, %dma_wait3A_755] : memref<50x40xi32, #tpu.memory_space<vmem>> -> memref<1x40xi32, #tpu.memory_space<vmem>>
        %dma_wait3A_757 = tpu.memref_squeeze %dma_wait3A_756 : memref<1x40xi32, #tpu.memory_space<vmem>> -> memref<40xi32, #tpu.memory_space<vmem>>
        %dma_wait3A_758 = arith.constant 0 : i32
        %dma_wait3A_759 = arith.constant 0 : i32
        %dma_wait3A_760 = tpu.memref_slice %arg9[%dma_wait3A_758, %dma_wait3A_759] : memref<10240x128xf32, #tpu.memory_space<vmem_shared>> -> memref<10240x128xf32, #tpu.memory_space<vmem_shared>>
        tpu.wait_indirect_dma semaphore(%arg19 : memref<!tpu.dma_semaphore, #tpu.memory_space<semaphore_mem>>) src(%dma_wait3A_754 : memref<40x128xf32, #tpu.memory_space<vmem>>) dst(%dma_wait3A_760 : memref<10240x128xf32, #tpu.memory_space<vmem_shared>>)
        %dma_start3A_761 = arith.constant 120 : i32
        %dma_start3A_762 = arith.constant 0 : i32
        %dma_start3A_763 = tpu.memref_slice %arg8[%dma_start3A_761, %dma_start3A_762] : memref<240x128xf32, #tpu.memory_space<vmem>> -> memref<40x128xf32, #tpu.memory_space<vmem>>
        %dma_start3A_764 = arith.constant 0 : i32
        %dma_start3A_765 = tpu.memref_slice %arg6[%add3A_718, %dma_start3A_764] : memref<50x40xi32, #tpu.memory_space<vmem>> -> memref<1x40xi32, #tpu.memory_space<vmem>>
        %dma_start3A_766 = tpu.memref_squeeze %dma_start3A_765 : memref<1x40xi32, #tpu.memory_space<vmem>> -> memref<40xi32, #tpu.memory_space<vmem>>
        %dma_start3A_767 = arith.constant 0 : i32
        %dma_start3A_768 = arith.constant 0 : i32
        %dma_start3A_769 = tpu.memref_slice %arg4[%dma_start3A_767, %dma_start3A_768] : memref<10000x128xf32, #tpu.memory_space<hbm>> -> memref<10000x128xf32, #tpu.memory_space<hbm>>
        tpu.enqueue_indirect_dma source(%dma_start3A_769 : memref<10000x128xf32, #tpu.memory_space<hbm>>) target(%dma_start3A_763 : memref<40x128xf32, #tpu.memory_space<vmem>>) offsets(%dma_start3A_766 : memref<40xi32, #tpu.memory_space<vmem>>) semaphore(%arg13 : memref<!tpu.dma_semaphore, #tpu.memory_space<semaphore_mem>>)
      } else {
      }
      %add3A_724 = arith.constant 6 : i32
      %add3A_725 = arith.addi %mul3A_657, %add3A_724 : i32
      %add3A_726 = arith.constant 3 : i32
      %add3A_727 = arith.addi %add3A_725, %add3A_726 : i32
      %lt3A_728 = arith.constant 50 : i32
      %lt3A_729 = arith.cmpi slt, %add3A_727, %lt3A_728 : i32
      %convert_element_type3A_730 = arith.extui %lt3A_729 : i1 to i32
      %cond3A_731 = arith.constant 0 : i32
      %cond3A_732 = arith.cmpi ne, %convert_element_type3A_730, %cond3A_731 : i32
      scf.if %cond3A_732 {
        %dma_wait3A_751 = arith.constant 0 : i32
        %dma_wait3A_752 = arith.constant 160 : i32
        %dma_wait3A_753 = arith.constant 0 : i32
        %dma_wait3A_754 = tpu.memref_slice %arg8[%dma_wait3A_752, %dma_wait3A_753] : memref<240x128xf32, #tpu.memory_space<vmem>> -> memref<40x128xf32, #tpu.memory_space<vmem>>
        %dma_wait3A_755 = arith.constant 0 : i32
        %dma_wait3A_756 = tpu.memref_slice %arg7[%dma_wait3A_751, %dma_wait3A_755] : memref<50x40xi32, #tpu.memory_space<vmem>> -> memref<1x40xi32, #tpu.memory_space<vmem>>
        %dma_wait3A_757 = tpu.memref_squeeze %dma_wait3A_756 : memref<1x40xi32, #tpu.memory_space<vmem>> -> memref<40xi32, #tpu.memory_space<vmem>>
        %dma_wait3A_758 = arith.constant 0 : i32
        %dma_wait3A_759 = arith.constant 0 : i32
        %dma_wait3A_760 = tpu.memref_slice %arg9[%dma_wait3A_758, %dma_wait3A_759] : memref<10240x128xf32, #tpu.memory_space<vmem_shared>> -> memref<10240x128xf32, #tpu.memory_space<vmem_shared>>
        tpu.wait_indirect_dma semaphore(%arg20 : memref<!tpu.dma_semaphore, #tpu.memory_space<semaphore_mem>>) src(%dma_wait3A_754 : memref<40x128xf32, #tpu.memory_space<vmem>>) dst(%dma_wait3A_760 : memref<10240x128xf32, #tpu.memory_space<vmem_shared>>)
        %dma_start3A_761 = arith.constant 160 : i32
        %dma_start3A_762 = arith.constant 0 : i32
        %dma_start3A_763 = tpu.memref_slice %arg8[%dma_start3A_761, %dma_start3A_762] : memref<240x128xf32, #tpu.memory_space<vmem>> -> memref<40x128xf32, #tpu.memory_space<vmem>>
        %dma_start3A_764 = arith.constant 0 : i32
        %dma_start3A_765 = tpu.memref_slice %arg6[%add3A_727, %dma_start3A_764] : memref<50x40xi32, #tpu.memory_space<vmem>> -> memref<1x40xi32, #tpu.memory_space<vmem>>
        %dma_start3A_766 = tpu.memref_squeeze %dma_start3A_765 : memref<1x40xi32, #tpu.memory_space<vmem>> -> memref<40xi32, #tpu.memory_space<vmem>>
        %dma_start3A_767 = arith.constant 0 : i32
        %dma_start3A_768 = arith.constant 0 : i32
        %dma_start3A_769 = tpu.memref_slice %arg4[%dma_start3A_767, %dma_start3A_768] : memref<10000x128xf32, #tpu.memory_space<hbm>> -> memref<10000x128xf32, #tpu.memory_space<hbm>>
        tpu.enqueue_indirect_dma source(%dma_start3A_769 : memref<10000x128xf32, #tpu.memory_space<hbm>>) target(%dma_start3A_763 : memref<40x128xf32, #tpu.memory_space<vmem>>) offsets(%dma_start3A_766 : memref<40xi32, #tpu.memory_space<vmem>>) semaphore(%arg14 : memref<!tpu.dma_semaphore, #tpu.memory_space<semaphore_mem>>)
      } else {
      }
      %add3A_733 = arith.constant 6 : i32
      %add3A_734 = arith.addi %mul3A_657, %add3A_733 : i32
      %add3A_735 = arith.constant 4 : i32
      %add3A_736 = arith.addi %add3A_734, %add3A_735 : i32
      %lt3A_737 = arith.constant 50 : i32
      %lt3A_738 = arith.cmpi slt, %add3A_736, %lt3A_737 : i32
      %convert_element_type3A_739 = arith.extui %lt3A_738 : i1 to i32
      %cond3A_740 = arith.constant 0 : i32
      %cond3A_741 = arith.cmpi ne, %convert_element_type3A_739, %cond3A_740 : i32
      scf.if %cond3A_741 {
        %dma_wait3A_751 = arith.constant 0 : i32
        %dma_wait3A_752 = arith.constant 200 : i32
        %dma_wait3A_753 = arith.constant 0 : i32
        %dma_wait3A_754 = tpu.memref_slice %arg8[%dma_wait3A_752, %dma_wait3A_753] : memref<240x128xf32, #tpu.memory_space<vmem>> -> memref<40x128xf32, #tpu.memory_space<vmem>>
        %dma_wait3A_755 = arith.constant 0 : i32
        %dma_wait3A_756 = tpu.memref_slice %arg7[%dma_wait3A_751, %dma_wait3A_755] : memref<50x40xi32, #tpu.memory_space<vmem>> -> memref<1x40xi32, #tpu.memory_space<vmem>>
        %dma_wait3A_757 = tpu.memref_squeeze %dma_wait3A_756 : memref<1x40xi32, #tpu.memory_space<vmem>> -> memref<40xi32, #tpu.memory_space<vmem>>
        %dma_wait3A_758 = arith.constant 0 : i32
        %dma_wait3A_759 = arith.constant 0 : i32
        %dma_wait3A_760 = tpu.memref_slice %arg9[%dma_wait3A_758, %dma_wait3A_759] : memref<10240x128xf32, #tpu.memory_space<vmem_shared>> -> memref<10240x128xf32, #tpu.memory_space<vmem_shared>>
        tpu.wait_indirect_dma semaphore(%arg21 : memref<!tpu.dma_semaphore, #tpu.memory_space<semaphore_mem>>) src(%dma_wait3A_754 : memref<40x128xf32, #tpu.memory_space<vmem>>) dst(%dma_wait3A_760 : memref<10240x128xf32, #tpu.memory_space<vmem_shared>>)
        %dma_start3A_761 = arith.constant 200 : i32
        %dma_start3A_762 = arith.constant 0 : i32
        %dma_start3A_763 = tpu.memref_slice %arg8[%dma_start3A_761, %dma_start3A_762] : memref<240x128xf32, #tpu.memory_space<vmem>> -> memref<40x128xf32, #tpu.memory_space<vmem>>
        %dma_start3A_764 = arith.constant 0 : i32
        %dma_start3A_765 = tpu.memref_slice %arg6[%add3A_736, %dma_start3A_764] : memref<50x40xi32, #tpu.memory_space<vmem>> -> memref<1x40xi32, #tpu.memory_space<vmem>>
        %dma_start3A_766 = tpu.memref_squeeze %dma_start3A_765 : memref<1x40xi32, #tpu.memory_space<vmem>> -> memref<40xi32, #tpu.memory_space<vmem>>
        %dma_start3A_767 = arith.constant 0 : i32
        %dma_start3A_768 = arith.constant 0 : i32
        %dma_start3A_769 = tpu.memref_slice %arg4[%dma_start3A_767, %dma_start3A_768] : memref<10000x128xf32, #tpu.memory_space<hbm>> -> memref<10000x128xf32, #tpu.memory_space<hbm>>
        tpu.enqueue_indirect_dma source(%dma_start3A_769 : memref<10000x128xf32, #tpu.memory_space<hbm>>) target(%dma_start3A_763 : memref<40x128xf32, #tpu.memory_space<vmem>>) offsets(%dma_start3A_766 : memref<40xi32, #tpu.memory_space<vmem>>) semaphore(%arg15 : memref<!tpu.dma_semaphore, #tpu.memory_space<semaphore_mem>>)
      } else {
      }
      %add3A_742 = arith.constant 6 : i32
      %add3A_743 = arith.addi %mul3A_657, %add3A_742 : i32
      %add3A_744 = arith.constant 5 : i32
      %add3A_745 = arith.addi %add3A_743, %add3A_744 : i32
      %lt3A_746 = arith.constant 50 : i32
      %lt3A_747 = arith.cmpi slt, %add3A_745, %lt3A_746 : i32
      %convert_element_type3A_748 = arith.extui %lt3A_747 : i1 to i32
      %cond3A_749 = arith.constant 0 : i32
      %cond3A_750 = arith.cmpi ne, %convert_element_type3A_748, %cond3A_749 : i32
      scf.if %cond3A_750 {
        %dma_wait3A_751 = arith.constant 0 : i32
        %dma_wait3A_752 = arith.constant 0 : i32
        %dma_wait3A_753 = arith.constant 0 : i32
        %dma_wait3A_754 = tpu.memref_slice %arg8[%dma_wait3A_752, %dma_wait3A_753] : memref<240x128xf32, #tpu.memory_space<vmem>> -> memref<40x128xf32, #tpu.memory_space<vmem>>
        %dma_wait3A_755 = arith.constant 0 : i32
        %dma_wait3A_756 = tpu.memref_slice %arg7[%dma_wait3A_751, %dma_wait3A_755] : memref<50x40xi32, #tpu.memory_space<vmem>> -> memref<1x40xi32, #tpu.memory_space<vmem>>
        %dma_wait3A_757 = tpu.memref_squeeze %dma_wait3A_756 : memref<1x40xi32, #tpu.memory_space<vmem>> -> memref<40xi32, #tpu.memory_space<vmem>>
        %dma_wait3A_758 = arith.constant 0 : i32
        %dma_wait3A_759 = arith.constant 0 : i32
        %dma_wait3A_760 = tpu.memref_slice %arg9[%dma_wait3A_758, %dma_wait3A_759] : memref<10240x128xf32, #tpu.memory_space<vmem_shared>> -> memref<10240x128xf32, #tpu.memory_space<vmem_shared>>
        tpu.wait_indirect_dma semaphore(%arg16 : memref<!tpu.dma_semaphore, #tpu.memory_space<semaphore_mem>>) src(%dma_wait3A_754 : memref<40x128xf32, #tpu.memory_space<vmem>>) dst(%dma_wait3A_760 : memref<10240x128xf32, #tpu.memory_space<vmem_shared>>)
        %dma_start3A_761 = arith.constant 0 : i32
        %dma_start3A_762 = arith.constant 0 : i32
        %dma_start3A_763 = tpu.memref_slice %arg8[%dma_start3A_761, %dma_start3A_762] : memref<240x128xf32, #tpu.memory_space<vmem>> -> memref<40x128xf32, #tpu.memory_space<vmem>>
        %dma_start3A_764 = arith.constant 0 : i32
        %dma_start3A_765 = tpu.memref_slice %arg6[%add3A_745, %dma_start3A_764] : memref<50x40xi32, #tpu.memory_space<vmem>> -> memref<1x40xi32, #tpu.memory_space<vmem>>
        %dma_start3A_766 = tpu.memref_squeeze %dma_start3A_765 : memref<1x40xi32, #tpu.memory_space<vmem>> -> memref<40xi32, #tpu.memory_space<vmem>>
        %dma_start3A_767 = arith.constant 0 : i32
        %dma_start3A_768 = arith.constant 0 : i32
        %dma_start3A_769 = tpu.memref_slice %arg4[%dma_start3A_767, %dma_start3A_768] : memref<10000x128xf32, #tpu.memory_space<hbm>> -> memref<10000x128xf32, #tpu.memory_space<hbm>>
        tpu.enqueue_indirect_dma source(%dma_start3A_769 : memref<10000x128xf32, #tpu.memory_space<hbm>>) target(%dma_start3A_763 : memref<40x128xf32, #tpu.memory_space<vmem>>) offsets(%dma_start3A_766 : memref<40xi32, #tpu.memory_space<vmem>>) semaphore(%arg10 : memref<!tpu.dma_semaphore, #tpu.memory_space<semaphore_mem>>)
      } else {
      }
    }
    %scan3A_333 = arith.constant 9 : i32
    %dma_wait3A_334 = arith.constant 0 : i32
    %dma_wait3A_335 = arith.constant 40 : i32
    %dma_wait3A_336 = arith.constant 0 : i32
    %dma_wait3A_337 = tpu.memref_slice %arg8[%dma_wait3A_335, %dma_wait3A_336] : memref<240x128xf32, #tpu.memory_space<vmem>> -> memref<40x128xf32, #tpu.memory_space<vmem>>
    %dma_wait3A_338 = arith.constant 0 : i32
    %dma_wait3A_339 = tpu.memref_slice %arg7[%dma_wait3A_334, %dma_wait3A_338] : memref<50x40xi32, #tpu.memory_space<vmem>> -> memref<1x40xi32, #tpu.memory_space<vmem>>
    %dma_wait3A_340 = tpu.memref_squeeze %dma_wait3A_339 : memref<1x40xi32, #tpu.memory_space<vmem>> -> memref<40xi32, #tpu.memory_space<vmem>>
    %dma_wait3A_341 = arith.constant 0 : i32
    %dma_wait3A_342 = arith.constant 0 : i32
    %dma_wait3A_343 = tpu.memref_slice %arg9[%dma_wait3A_341, %dma_wait3A_342] : memref<10240x128xf32, #tpu.memory_space<vmem_shared>> -> memref<10240x128xf32, #tpu.memory_space<vmem_shared>>
    tpu.wait_indirect_dma semaphore(%arg17 : memref<!tpu.dma_semaphore, #tpu.memory_space<semaphore_mem>>) src(%dma_wait3A_337 : memref<40x128xf32, #tpu.memory_space<vmem>>) dst(%dma_wait3A_343 : memref<10240x128xf32, #tpu.memory_space<vmem_shared>>)
    %dma_wait3A_344 = arith.constant 0 : i32
    %dma_wait3A_345 = arith.constant 80 : i32
    %dma_wait3A_346 = arith.constant 0 : i32
    %dma_wait3A_347 = tpu.memref_slice %arg8[%dma_wait3A_345, %dma_wait3A_346] : memref<240x128xf32, #tpu.memory_space<vmem>> -> memref<40x128xf32, #tpu.memory_space<vmem>>
    %dma_wait3A_348 = arith.constant 0 : i32
    %dma_wait3A_349 = tpu.memref_slice %arg7[%dma_wait3A_344, %dma_wait3A_348] : memref<50x40xi32, #tpu.memory_space<vmem>> -> memref<1x40xi32, #tpu.memory_space<vmem>>
    %dma_wait3A_350 = tpu.memref_squeeze %dma_wait3A_349 : memref<1x40xi32, #tpu.memory_space<vmem>> -> memref<40xi32, #tpu.memory_space<vmem>>
    %dma_wait3A_351 = arith.constant 0 : i32
    %dma_wait3A_352 = arith.constant 0 : i32
    %dma_wait3A_353 = tpu.memref_slice %arg9[%dma_wait3A_351, %dma_wait3A_352] : memref<10240x128xf32, #tpu.memory_space<vmem_shared>> -> memref<10240x128xf32, #tpu.memory_space<vmem_shared>>
    tpu.wait_indirect_dma semaphore(%arg18 : memref<!tpu.dma_semaphore, #tpu.memory_space<semaphore_mem>>) src(%dma_wait3A_347 : memref<40x128xf32, #tpu.memory_space<vmem>>) dst(%dma_wait3A_353 : memref<10240x128xf32, #tpu.memory_space<vmem_shared>>)
    %dma_wait3A_354 = arith.constant 0 : i32
    %dma_wait3A_355 = arith.constant 120 : i32
    %dma_wait3A_356 = arith.constant 0 : i32
    %dma_wait3A_357 = tpu.memref_slice %arg8[%dma_wait3A_355, %dma_wait3A_356] : memref<240x128xf32, #tpu.memory_space<vmem>> -> memref<40x128xf32, #tpu.memory_space<vmem>>
    %dma_wait3A_358 = arith.constant 0 : i32
    %dma_wait3A_359 = tpu.memref_slice %arg7[%dma_wait3A_354, %dma_wait3A_358] : memref<50x40xi32, #tpu.memory_space<vmem>> -> memref<1x40xi32, #tpu.memory_space<vmem>>
    %dma_wait3A_360 = tpu.memref_squeeze %dma_wait3A_359 : memref<1x40xi32, #tpu.memory_space<vmem>> -> memref<40xi32, #tpu.memory_space<vmem>>
    %dma_wait3A_361 = arith.constant 0 : i32
    %dma_wait3A_362 = arith.constant 0 : i32
    %dma_wait3A_363 = tpu.memref_slice %arg9[%dma_wait3A_361, %dma_wait3A_362] : memref<10240x128xf32, #tpu.memory_space<vmem_shared>> -> memref<10240x128xf32, #tpu.memory_space<vmem_shared>>
    tpu.wait_indirect_dma semaphore(%arg19 : memref<!tpu.dma_semaphore, #tpu.memory_space<semaphore_mem>>) src(%dma_wait3A_357 : memref<40x128xf32, #tpu.memory_space<vmem>>) dst(%dma_wait3A_363 : memref<10240x128xf32, #tpu.memory_space<vmem_shared>>)
    %dma_wait3A_364 = arith.constant 0 : i32
    %dma_wait3A_365 = arith.constant 160 : i32
    %dma_wait3A_366 = arith.constant 0 : i32
    %dma_wait3A_367 = tpu.memref_slice %arg8[%dma_wait3A_365, %dma_wait3A_366] : memref<240x128xf32, #tpu.memory_space<vmem>> -> memref<40x128xf32, #tpu.memory_space<vmem>>
    %dma_wait3A_368 = arith.constant 0 : i32
    %dma_wait3A_369 = tpu.memref_slice %arg7[%dma_wait3A_364, %dma_wait3A_368] : memref<50x40xi32, #tpu.memory_space<vmem>> -> memref<1x40xi32, #tpu.memory_space<vmem>>
    %dma_wait3A_370 = tpu.memref_squeeze %dma_wait3A_369 : memref<1x40xi32, #tpu.memory_space<vmem>> -> memref<40xi32, #tpu.memory_space<vmem>>
    %dma_wait3A_371 = arith.constant 0 : i32
    %dma_wait3A_372 = arith.constant 0 : i32
    %dma_wait3A_373 = tpu.memref_slice %arg9[%dma_wait3A_371, %dma_wait3A_372] : memref<10240x128xf32, #tpu.memory_space<vmem_shared>> -> memref<10240x128xf32, #tpu.memory_space<vmem_shared>>
    tpu.wait_indirect_dma semaphore(%arg20 : memref<!tpu.dma_semaphore, #tpu.memory_space<semaphore_mem>>) src(%dma_wait3A_367 : memref<40x128xf32, #tpu.memory_space<vmem>>) dst(%dma_wait3A_373 : memref<10240x128xf32, #tpu.memory_space<vmem_shared>>)
    %dma_wait3A_374 = arith.constant 0 : i32
    %dma_wait3A_375 = arith.constant 200 : i32
    %dma_wait3A_376 = arith.constant 0 : i32
    %dma_wait3A_377 = tpu.memref_slice %arg8[%dma_wait3A_375, %dma_wait3A_376] : memref<240x128xf32, #tpu.memory_space<vmem>> -> memref<40x128xf32, #tpu.memory_space<vmem>>
    %dma_wait3A_378 = arith.constant 0 : i32
    %dma_wait3A_379 = tpu.memref_slice %arg7[%dma_wait3A_374, %dma_wait3A_378] : memref<50x40xi32, #tpu.memory_space<vmem>> -> memref<1x40xi32, #tpu.memory_space<vmem>>
    %dma_wait3A_380 = tpu.memref_squeeze %dma_wait3A_379 : memref<1x40xi32, #tpu.memory_space<vmem>> -> memref<40xi32, #tpu.memory_space<vmem>>
    %dma_wait3A_381 = arith.constant 0 : i32
    %dma_wait3A_382 = arith.constant 0 : i32
    %dma_wait3A_383 = tpu.memref_slice %arg9[%dma_wait3A_381, %dma_wait3A_382] : memref<10240x128xf32, #tpu.memory_space<vmem_shared>> -> memref<10240x128xf32, #tpu.memory_space<vmem_shared>>
    tpu.wait_indirect_dma semaphore(%arg21 : memref<!tpu.dma_semaphore, #tpu.memory_space<semaphore_mem>>) src(%dma_wait3A_377 : memref<40x128xf32, #tpu.memory_space<vmem>>) dst(%dma_wait3A_383 : memref<10240x128xf32, #tpu.memory_space<vmem_shared>>)
    %dma_wait3A_384 = arith.constant 0 : i32
    %dma_wait3A_385 = arith.constant 0 : i32
    %dma_wait3A_386 = arith.constant 0 : i32
    %dma_wait3A_387 = tpu.memref_slice %arg8[%dma_wait3A_385, %dma_wait3A_386] : memref<240x128xf32, #tpu.memory_space<vmem>> -> memref<40x128xf32, #tpu.memory_space<vmem>>
    %dma_wait3A_388 = arith.constant 0 : i32
    %dma_wait3A_389 = tpu.memref_slice %arg7[%dma_wait3A_384, %dma_wait3A_388] : memref<50x40xi32, #tpu.memory_space<vmem>> -> memref<1x40xi32, #tpu.memory_space<vmem>>
    %dma_wait3A_390 = tpu.memref_squeeze %dma_wait3A_389 : memref<1x40xi32, #tpu.memory_space<vmem>> -> memref<40xi32, #tpu.memory_space<vmem>>
    %dma_wait3A_391 = arith.constant 0 : i32
    %dma_wait3A_392 = arith.constant 0 : i32
    %dma_wait3A_393 = tpu.memref_slice %arg9[%dma_wait3A_391, %dma_wait3A_392] : memref<10240x128xf32, #tpu.memory_space<vmem_shared>> -> memref<10240x128xf32, #tpu.memory_space<vmem_shared>>
    tpu.wait_indirect_dma semaphore(%arg16 : memref<!tpu.dma_semaphore, #tpu.memory_space<semaphore_mem>>) src(%dma_wait3A_387 : memref<40x128xf32, #tpu.memory_space<vmem>>) dst(%dma_wait3A_393 : memref<10240x128xf32, #tpu.memory_space<vmem_shared>>)
    %run_scoped3A_394 = arith.constant 3 : i32
    "tpu.region"() ({
      %run_scoped3A_655 = tpu.sem_alloc : memref<!tpu.dma_semaphore, #tpu.memory_space<semaphore_mem>>
      %dma_start3A_656 = arith.constant 0 : i32
      %dma_start3A_657 = arith.constant 0 : i32
      %dma_start3A_658 = tpu.memref_slice %arg2[%add3A, %run_scoped3A_394, %dma_start3A_656, %dma_start3A_657] : memref<32x5x50x40xi32, #tpu.memory_space<hbm>> -> memref<1x1x50x40xi32, #tpu.memory_space<hbm>>
      %dma_start3A_659 = tpu.memref_squeeze %dma_start3A_658 : memref<1x1x50x40xi32, #tpu.memory_space<hbm>> -> memref<50x40xi32, #tpu.memory_space<hbm>>
      %dma_start3A_660 = arith.constant 0 : i32
      %dma_start3A_661 = arith.constant 0 : i32
      %dma_start3A_662 = tpu.memref_slice %arg2[%add3A, %run_scoped3A_394, %dma_start3A_660, %dma_start3A_661] : memref<32x5x50x40xi32, #tpu.memory_space<hbm>> -> memref<1x1x50x40xi32, #tpu.memory_space<hbm>>
      %dma_start3A_663 = tpu.memref_squeeze %dma_start3A_662 : memref<1x1x50x40xi32, #tpu.memory_space<hbm>> -> memref<50x40xi32, #tpu.memory_space<hbm>>
      tpu.enqueue_dma source(%dma_start3A_663 : memref<50x40xi32, #tpu.memory_space<hbm>>) target(%arg6 : memref<50x40xi32, #tpu.memory_space<vmem>>) target_semaphore(%run_scoped3A_655 : memref<!tpu.dma_semaphore, #tpu.memory_space<semaphore_mem>>)
      %dma_wait3A_664 = arith.constant 0 : i32
      %dma_wait3A_665 = arith.constant 0 : i32
      %dma_wait3A_666 = tpu.memref_slice %arg2[%add3A, %run_scoped3A_394, %dma_wait3A_664, %dma_wait3A_665] : memref<32x5x50x40xi32, #tpu.memory_space<hbm>> -> memref<1x1x50x40xi32, #tpu.memory_space<hbm>>
      %dma_wait3A_667 = tpu.memref_squeeze %dma_wait3A_666 : memref<1x1x50x40xi32, #tpu.memory_space<hbm>> -> memref<50x40xi32, #tpu.memory_space<hbm>>
      %dma_wait3A_668 = arith.constant 0 : i32
      %dma_wait3A_669 = arith.constant 0 : i32
      %dma_wait3A_670 = tpu.memref_slice %arg2[%add3A, %run_scoped3A_394, %dma_wait3A_668, %dma_wait3A_669] : memref<32x5x50x40xi32, #tpu.memory_space<hbm>> -> memref<1x1x50x40xi32, #tpu.memory_space<hbm>>
      %dma_wait3A_671 = tpu.memref_squeeze %dma_wait3A_670 : memref<1x1x50x40xi32, #tpu.memory_space<hbm>> -> memref<50x40xi32, #tpu.memory_space<hbm>>
      tpu.wait_dma2 semaphore(%run_scoped3A_655 : memref<!tpu.dma_semaphore, #tpu.memory_space<semaphore_mem>>) src(%dma_wait3A_671 : memref<50x40xi32, #tpu.memory_space<hbm>>) dst(%arg6 : memref<50x40xi32, #tpu.memory_space<vmem>>)
      tpu.yield
    }) : () -> ()
    %run_scoped3A_395 = arith.constant 3 : i32
    "tpu.region"() ({
      %run_scoped3A_655 = tpu.sem_alloc : memref<!tpu.dma_semaphore, #tpu.memory_space<semaphore_mem>>
      %dma_start3A_656 = arith.constant 0 : i32
      %dma_start3A_657 = arith.constant 0 : i32
      %dma_start3A_658 = tpu.memref_slice %arg3[%add3A, %run_scoped3A_395, %dma_start3A_656, %dma_start3A_657] : memref<32x5x50x40xi32, #tpu.memory_space<hbm>> -> memref<1x1x50x40xi32, #tpu.memory_space<hbm>>
      %dma_start3A_659 = tpu.memref_squeeze %dma_start3A_658 : memref<1x1x50x40xi32, #tpu.memory_space<hbm>> -> memref<50x40xi32, #tpu.memory_space<hbm>>
      %dma_start3A_660 = arith.constant 0 : i32
      %dma_start3A_661 = arith.constant 0 : i32
      %dma_start3A_662 = tpu.memref_slice %arg3[%add3A, %run_scoped3A_395, %dma_start3A_660, %dma_start3A_661] : memref<32x5x50x40xi32, #tpu.memory_space<hbm>> -> memref<1x1x50x40xi32, #tpu.memory_space<hbm>>
      %dma_start3A_663 = tpu.memref_squeeze %dma_start3A_662 : memref<1x1x50x40xi32, #tpu.memory_space<hbm>> -> memref<50x40xi32, #tpu.memory_space<hbm>>
      tpu.enqueue_dma source(%dma_start3A_663 : memref<50x40xi32, #tpu.memory_space<hbm>>) target(%arg7 : memref<50x40xi32, #tpu.memory_space<vmem>>) target_semaphore(%run_scoped3A_655 : memref<!tpu.dma_semaphore, #tpu.memory_space<semaphore_mem>>)
      %dma_wait3A_664 = arith.constant 0 : i32
      %dma_wait3A_665 = arith.constant 0 : i32
      %dma_wait3A_666 = tpu.memref_slice %arg3[%add3A, %run_scoped3A_395, %dma_wait3A_664, %dma_wait3A_665] : memref<32x5x50x40xi32, #tpu.memory_space<hbm>> -> memref<1x1x50x40xi32, #tpu.memory_space<hbm>>
      %dma_wait3A_667 = tpu.memref_squeeze %dma_wait3A_666 : memref<1x1x50x40xi32, #tpu.memory_space<hbm>> -> memref<50x40xi32, #tpu.memory_space<hbm>>
      %dma_wait3A_668 = arith.constant 0 : i32
      %dma_wait3A_669 = arith.constant 0 : i32
      %dma_wait3A_670 = tpu.memref_slice %arg3[%add3A, %run_scoped3A_395, %dma_wait3A_668, %dma_wait3A_669] : memref<32x5x50x40xi32, #tpu.memory_space<hbm>> -> memref<1x1x50x40xi32, #tpu.memory_space<hbm>>
      %dma_wait3A_671 = tpu.memref_squeeze %dma_wait3A_670 : memref<1x1x50x40xi32, #tpu.memory_space<hbm>> -> memref<50x40xi32, #tpu.memory_space<hbm>>
      tpu.wait_dma2 semaphore(%run_scoped3A_655 : memref<!tpu.dma_semaphore, #tpu.memory_space<semaphore_mem>>) src(%dma_wait3A_671 : memref<50x40xi32, #tpu.memory_space<hbm>>) dst(%arg7 : memref<50x40xi32, #tpu.memory_space<vmem>>)
      tpu.yield
    }) : () -> ()
    %dma_start3A_396 = arith.constant 0 : i32
    %dma_start3A_397 = arith.constant 40 : i32
    %dma_start3A_398 = arith.constant 0 : i32
    %dma_start3A_399 = tpu.memref_slice %arg8[%dma_start3A_397, %dma_start3A_398] : memref<240x128xf32, #tpu.memory_space<vmem>> -> memref<40x128xf32, #tpu.memory_space<vmem>>
    %dma_start3A_400 = arith.constant 0 : i32
    %dma_start3A_401 = tpu.memref_slice %arg6[%dma_start3A_396, %dma_start3A_400] : memref<50x40xi32, #tpu.memory_space<vmem>> -> memref<1x40xi32, #tpu.memory_space<vmem>>
    %dma_start3A_402 = tpu.memref_squeeze %dma_start3A_401 : memref<1x40xi32, #tpu.memory_space<vmem>> -> memref<40xi32, #tpu.memory_space<vmem>>
    %dma_start3A_403 = arith.constant 0 : i32
    %dma_start3A_404 = arith.constant 0 : i32
    %dma_start3A_405 = tpu.memref_slice %arg4[%dma_start3A_403, %dma_start3A_404] : memref<10000x128xf32, #tpu.memory_space<hbm>> -> memref<10000x128xf32, #tpu.memory_space<hbm>>
    tpu.enqueue_indirect_dma source(%dma_start3A_405 : memref<10000x128xf32, #tpu.memory_space<hbm>>) target(%dma_start3A_399 : memref<40x128xf32, #tpu.memory_space<vmem>>) offsets(%dma_start3A_402 : memref<40xi32, #tpu.memory_space<vmem>>) semaphore(%arg11 : memref<!tpu.dma_semaphore, #tpu.memory_space<semaphore_mem>>)
    %dma_start3A_406 = arith.constant 1 : i32
    %dma_start3A_407 = arith.constant 80 : i32
    %dma_start3A_408 = arith.constant 0 : i32
    %dma_start3A_409 = tpu.memref_slice %arg8[%dma_start3A_407, %dma_start3A_408] : memref<240x128xf32, #tpu.memory_space<vmem>> -> memref<40x128xf32, #tpu.memory_space<vmem>>
    %dma_start3A_410 = arith.constant 0 : i32
    %dma_start3A_411 = tpu.memref_slice %arg6[%dma_start3A_406, %dma_start3A_410] : memref<50x40xi32, #tpu.memory_space<vmem>> -> memref<1x40xi32, #tpu.memory_space<vmem>>
    %dma_start3A_412 = tpu.memref_squeeze %dma_start3A_411 : memref<1x40xi32, #tpu.memory_space<vmem>> -> memref<40xi32, #tpu.memory_space<vmem>>
    %dma_start3A_413 = arith.constant 0 : i32
    %dma_start3A_414 = arith.constant 0 : i32
    %dma_start3A_415 = tpu.memref_slice %arg4[%dma_start3A_413, %dma_start3A_414] : memref<10000x128xf32, #tpu.memory_space<hbm>> -> memref<10000x128xf32, #tpu.memory_space<hbm>>
    tpu.enqueue_indirect_dma source(%dma_start3A_415 : memref<10000x128xf32, #tpu.memory_space<hbm>>) target(%dma_start3A_409 : memref<40x128xf32, #tpu.memory_space<vmem>>) offsets(%dma_start3A_412 : memref<40xi32, #tpu.memory_space<vmem>>) semaphore(%arg12 : memref<!tpu.dma_semaphore, #tpu.memory_space<semaphore_mem>>)
    %dma_start3A_416 = arith.constant 2 : i32
    %dma_start3A_417 = arith.constant 120 : i32
    %dma_start3A_418 = arith.constant 0 : i32
    %dma_start3A_419 = tpu.memref_slice %arg8[%dma_start3A_417, %dma_start3A_418] : memref<240x128xf32, #tpu.memory_space<vmem>> -> memref<40x128xf32, #tpu.memory_space<vmem>>
    %dma_start3A_420 = arith.constant 0 : i32
    %dma_start3A_421 = tpu.memref_slice %arg6[%dma_start3A_416, %dma_start3A_420] : memref<50x40xi32, #tpu.memory_space<vmem>> -> memref<1x40xi32, #tpu.memory_space<vmem>>
    %dma_start3A_422 = tpu.memref_squeeze %dma_start3A_421 : memref<1x40xi32, #tpu.memory_space<vmem>> -> memref<40xi32, #tpu.memory_space<vmem>>
    %dma_start3A_423 = arith.constant 0 : i32
    %dma_start3A_424 = arith.constant 0 : i32
    %dma_start3A_425 = tpu.memref_slice %arg4[%dma_start3A_423, %dma_start3A_424] : memref<10000x128xf32, #tpu.memory_space<hbm>> -> memref<10000x128xf32, #tpu.memory_space<hbm>>
    tpu.enqueue_indirect_dma source(%dma_start3A_425 : memref<10000x128xf32, #tpu.memory_space<hbm>>) target(%dma_start3A_419 : memref<40x128xf32, #tpu.memory_space<vmem>>) offsets(%dma_start3A_422 : memref<40xi32, #tpu.memory_space<vmem>>) semaphore(%arg13 : memref<!tpu.dma_semaphore, #tpu.memory_space<semaphore_mem>>)
    %dma_start3A_426 = arith.constant 3 : i32
    %dma_start3A_427 = arith.constant 160 : i32
    %dma_start3A_428 = arith.constant 0 : i32
    %dma_start3A_429 = tpu.memref_slice %arg8[%dma_start3A_427, %dma_start3A_428] : memref<240x128xf32, #tpu.memory_space<vmem>> -> memref<40x128xf32, #tpu.memory_space<vmem>>
    %dma_start3A_430 = arith.constant 0 : i32
    %dma_start3A_431 = tpu.memref_slice %arg6[%dma_start3A_426, %dma_start3A_430] : memref<50x40xi32, #tpu.memory_space<vmem>> -> memref<1x40xi32, #tpu.memory_space<vmem>>
    %dma_start3A_432 = tpu.memref_squeeze %dma_start3A_431 : memref<1x40xi32, #tpu.memory_space<vmem>> -> memref<40xi32, #tpu.memory_space<vmem>>
    %dma_start3A_433 = arith.constant 0 : i32
    %dma_start3A_434 = arith.constant 0 : i32
    %dma_start3A_435 = tpu.memref_slice %arg4[%dma_start3A_433, %dma_start3A_434] : memref<10000x128xf32, #tpu.memory_space<hbm>> -> memref<10000x128xf32, #tpu.memory_space<hbm>>
    tpu.enqueue_indirect_dma source(%dma_start3A_435 : memref<10000x128xf32, #tpu.memory_space<hbm>>) target(%dma_start3A_429 : memref<40x128xf32, #tpu.memory_space<vmem>>) offsets(%dma_start3A_432 : memref<40xi32, #tpu.memory_space<vmem>>) semaphore(%arg14 : memref<!tpu.dma_semaphore, #tpu.memory_space<semaphore_mem>>)
    %dma_start3A_436 = arith.constant 4 : i32
    %dma_start3A_437 = arith.constant 200 : i32
    %dma_start3A_438 = arith.constant 0 : i32
    %dma_start3A_439 = tpu.memref_slice %arg8[%dma_start3A_437, %dma_start3A_438] : memref<240x128xf32, #tpu.memory_space<vmem>> -> memref<40x128xf32, #tpu.memory_space<vmem>>
    %dma_start3A_440 = arith.constant 0 : i32
    %dma_start3A_441 = tpu.memref_slice %arg6[%dma_start3A_436, %dma_start3A_440] : memref<50x40xi32, #tpu.memory_space<vmem>> -> memref<1x40xi32, #tpu.memory_space<vmem>>
    %dma_start3A_442 = tpu.memref_squeeze %dma_start3A_441 : memref<1x40xi32, #tpu.memory_space<vmem>> -> memref<40xi32, #tpu.memory_space<vmem>>
    %dma_start3A_443 = arith.constant 0 : i32
    %dma_start3A_444 = arith.constant 0 : i32
    %dma_start3A_445 = tpu.memref_slice %arg4[%dma_start3A_443, %dma_start3A_444] : memref<10000x128xf32, #tpu.memory_space<hbm>> -> memref<10000x128xf32, #tpu.memory_space<hbm>>
    tpu.enqueue_indirect_dma source(%dma_start3A_445 : memref<10000x128xf32, #tpu.memory_space<hbm>>) target(%dma_start3A_439 : memref<40x128xf32, #tpu.memory_space<vmem>>) offsets(%dma_start3A_442 : memref<40xi32, #tpu.memory_space<vmem>>) semaphore(%arg15 : memref<!tpu.dma_semaphore, #tpu.memory_space<semaphore_mem>>)
    %dma_start3A_446 = arith.constant 5 : i32
    %dma_start3A_447 = arith.constant 0 : i32
    %dma_start3A_448 = arith.constant 0 : i32
    %dma_start3A_449 = tpu.memref_slice %arg8[%dma_start3A_447, %dma_start3A_448] : memref<240x128xf32, #tpu.memory_space<vmem>> -> memref<40x128xf32, #tpu.memory_space<vmem>>
    %dma_start3A_450 = arith.constant 0 : i32
    %dma_start3A_451 = tpu.memref_slice %arg6[%dma_start3A_446, %dma_start3A_450] : memref<50x40xi32, #tpu.memory_space<vmem>> -> memref<1x40xi32, #tpu.memory_space<vmem>>
    %dma_start3A_452 = tpu.memref_squeeze %dma_start3A_451 : memref<1x40xi32, #tpu.memory_space<vmem>> -> memref<40xi32, #tpu.memory_space<vmem>>
    %dma_start3A_453 = arith.constant 0 : i32
    %dma_start3A_454 = arith.constant 0 : i32
    %dma_start3A_455 = tpu.memref_slice %arg4[%dma_start3A_453, %dma_start3A_454] : memref<10000x128xf32, #tpu.memory_space<hbm>> -> memref<10000x128xf32, #tpu.memory_space<hbm>>
    tpu.enqueue_indirect_dma source(%dma_start3A_455 : memref<10000x128xf32, #tpu.memory_space<hbm>>) target(%dma_start3A_449 : memref<40x128xf32, #tpu.memory_space<vmem>>) offsets(%dma_start3A_452 : memref<40xi32, #tpu.memory_space<vmem>>) semaphore(%arg10 : memref<!tpu.dma_semaphore, #tpu.memory_space<semaphore_mem>>)
    %scan3A_456 = arith.constant 0 : i32
    %scan3A_457 = arith.constant 0 : i32
    %scan3A_458 = arith.constant 9 : i32
    %scan3A_459 = arith.addi %scan3A_457, %scan3A_458 : i32
    %scan3A_460 = arith.constant 1 : i32
    scf.for %scan3A_655 = %scan3A_457 to %scan3A_459 step %scan3A_460  : i32 {
      %mul3A_656 = arith.constant 6 : i32
      %mul3A_657 = arith.muli %mul3A_656, %scan3A_655 : i32
      %add3A_658 = arith.constant 0 : i32
      %add3A_659 = arith.addi %mul3A_657, %add3A_658 : i32
      %lt3A = arith.constant 50 : i32
      %lt3A_660 = arith.cmpi slt, %add3A_659, %lt3A : i32
      %convert_element_type3A = arith.extui %lt3A_660 : i1 to i32
      %cond3A = arith.constant 0 : i32
      %cond3A_661 = arith.cmpi ne, %convert_element_type3A, %cond3A : i32
      scf.if %cond3A_661 {
        %dma_wait3A_751 = arith.constant 0 : i32
        %dma_wait3A_752 = arith.constant 40 : i32
        %dma_wait3A_753 = arith.constant 0 : i32
        %dma_wait3A_754 = tpu.memref_slice %arg8[%dma_wait3A_752, %dma_wait3A_753] : memref<240x128xf32, #tpu.memory_space<vmem>> -> memref<40x128xf32, #tpu.memory_space<vmem>>
        %dma_wait3A_755 = arith.constant 0 : i32
        %dma_wait3A_756 = tpu.memref_slice %arg6[%dma_wait3A_751, %dma_wait3A_755] : memref<50x40xi32, #tpu.memory_space<vmem>> -> memref<1x40xi32, #tpu.memory_space<vmem>>
        %dma_wait3A_757 = tpu.memref_squeeze %dma_wait3A_756 : memref<1x40xi32, #tpu.memory_space<vmem>> -> memref<40xi32, #tpu.memory_space<vmem>>
        %dma_wait3A_758 = arith.constant 0 : i32
        %dma_wait3A_759 = arith.constant 0 : i32
        %dma_wait3A_760 = tpu.memref_slice %arg4[%dma_wait3A_758, %dma_wait3A_759] : memref<10000x128xf32, #tpu.memory_space<hbm>> -> memref<10000x128xf32, #tpu.memory_space<hbm>>
        tpu.wait_indirect_dma semaphore(%arg11 : memref<!tpu.dma_semaphore, #tpu.memory_space<semaphore_mem>>) src(%dma_wait3A_760 : memref<10000x128xf32, #tpu.memory_space<hbm>>) dst(%dma_wait3A_754 : memref<40x128xf32, #tpu.memory_space<vmem>>)
        %dma_start3A_761 = arith.constant 40 : i32
        %dma_start3A_762 = arith.constant 0 : i32
        %dma_start3A_763 = tpu.memref_slice %arg8[%dma_start3A_761, %dma_start3A_762] : memref<240x128xf32, #tpu.memory_space<vmem>> -> memref<40x128xf32, #tpu.memory_space<vmem>>
        %dma_start3A_764 = arith.constant 0 : i32
        %dma_start3A_765 = tpu.memref_slice %arg7[%add3A_659, %dma_start3A_764] : memref<50x40xi32, #tpu.memory_space<vmem>> -> memref<1x40xi32, #tpu.memory_space<vmem>>
        %dma_start3A_766 = tpu.memref_squeeze %dma_start3A_765 : memref<1x40xi32, #tpu.memory_space<vmem>> -> memref<40xi32, #tpu.memory_space<vmem>>
        %dma_start3A_767 = arith.constant 0 : i32
        %dma_start3A_768 = arith.constant 0 : i32
        %dma_start3A_769 = tpu.memref_slice %arg9[%dma_start3A_767, %dma_start3A_768] : memref<10240x128xf32, #tpu.memory_space<vmem_shared>> -> memref<10240x128xf32, #tpu.memory_space<vmem_shared>>
        tpu.enqueue_indirect_dma source(%dma_start3A_763 : memref<40x128xf32, #tpu.memory_space<vmem>>) target(%dma_start3A_769 : memref<10240x128xf32, #tpu.memory_space<vmem_shared>>) offsets(%dma_start3A_766 : memref<40xi32, #tpu.memory_space<vmem>>) semaphore(%arg17 : memref<!tpu.dma_semaphore, #tpu.memory_space<semaphore_mem>>) {add = true}
      } else {
      }
      %add3A_662 = arith.constant 1 : i32
      %add3A_663 = arith.addi %mul3A_657, %add3A_662 : i32
      %lt3A_664 = arith.constant 50 : i32
      %lt3A_665 = arith.cmpi slt, %add3A_663, %lt3A_664 : i32
      %convert_element_type3A_666 = arith.extui %lt3A_665 : i1 to i32
      %cond3A_667 = arith.constant 0 : i32
      %cond3A_668 = arith.cmpi ne, %convert_element_type3A_666, %cond3A_667 : i32
      scf.if %cond3A_668 {
        %dma_wait3A_751 = arith.constant 0 : i32
        %dma_wait3A_752 = arith.constant 80 : i32
        %dma_wait3A_753 = arith.constant 0 : i32
        %dma_wait3A_754 = tpu.memref_slice %arg8[%dma_wait3A_752, %dma_wait3A_753] : memref<240x128xf32, #tpu.memory_space<vmem>> -> memref<40x128xf32, #tpu.memory_space<vmem>>
        %dma_wait3A_755 = arith.constant 0 : i32
        %dma_wait3A_756 = tpu.memref_slice %arg6[%dma_wait3A_751, %dma_wait3A_755] : memref<50x40xi32, #tpu.memory_space<vmem>> -> memref<1x40xi32, #tpu.memory_space<vmem>>
        %dma_wait3A_757 = tpu.memref_squeeze %dma_wait3A_756 : memref<1x40xi32, #tpu.memory_space<vmem>> -> memref<40xi32, #tpu.memory_space<vmem>>
        %dma_wait3A_758 = arith.constant 0 : i32
        %dma_wait3A_759 = arith.constant 0 : i32
        %dma_wait3A_760 = tpu.memref_slice %arg4[%dma_wait3A_758, %dma_wait3A_759] : memref<10000x128xf32, #tpu.memory_space<hbm>> -> memref<10000x128xf32, #tpu.memory_space<hbm>>
        tpu.wait_indirect_dma semaphore(%arg12 : memref<!tpu.dma_semaphore, #tpu.memory_space<semaphore_mem>>) src(%dma_wait3A_760 : memref<10000x128xf32, #tpu.memory_space<hbm>>) dst(%dma_wait3A_754 : memref<40x128xf32, #tpu.memory_space<vmem>>)
        %dma_start3A_761 = arith.constant 80 : i32
        %dma_start3A_762 = arith.constant 0 : i32
        %dma_start3A_763 = tpu.memref_slice %arg8[%dma_start3A_761, %dma_start3A_762] : memref<240x128xf32, #tpu.memory_space<vmem>> -> memref<40x128xf32, #tpu.memory_space<vmem>>
        %dma_start3A_764 = arith.constant 0 : i32
        %dma_start3A_765 = tpu.memref_slice %arg7[%add3A_663, %dma_start3A_764] : memref<50x40xi32, #tpu.memory_space<vmem>> -> memref<1x40xi32, #tpu.memory_space<vmem>>
        %dma_start3A_766 = tpu.memref_squeeze %dma_start3A_765 : memref<1x40xi32, #tpu.memory_space<vmem>> -> memref<40xi32, #tpu.memory_space<vmem>>
        %dma_start3A_767 = arith.constant 0 : i32
        %dma_start3A_768 = arith.constant 0 : i32
        %dma_start3A_769 = tpu.memref_slice %arg9[%dma_start3A_767, %dma_start3A_768] : memref<10240x128xf32, #tpu.memory_space<vmem_shared>> -> memref<10240x128xf32, #tpu.memory_space<vmem_shared>>
        tpu.enqueue_indirect_dma source(%dma_start3A_763 : memref<40x128xf32, #tpu.memory_space<vmem>>) target(%dma_start3A_769 : memref<10240x128xf32, #tpu.memory_space<vmem_shared>>) offsets(%dma_start3A_766 : memref<40xi32, #tpu.memory_space<vmem>>) semaphore(%arg18 : memref<!tpu.dma_semaphore, #tpu.memory_space<semaphore_mem>>) {add = true}
      } else {
      }
      %add3A_669 = arith.constant 2 : i32
      %add3A_670 = arith.addi %mul3A_657, %add3A_669 : i32
      %lt3A_671 = arith.constant 50 : i32
      %lt3A_672 = arith.cmpi slt, %add3A_670, %lt3A_671 : i32
      %convert_element_type3A_673 = arith.extui %lt3A_672 : i1 to i32
      %cond3A_674 = arith.constant 0 : i32
      %cond3A_675 = arith.cmpi ne, %convert_element_type3A_673, %cond3A_674 : i32
      scf.if %cond3A_675 {
        %dma_wait3A_751 = arith.constant 0 : i32
        %dma_wait3A_752 = arith.constant 120 : i32
        %dma_wait3A_753 = arith.constant 0 : i32
        %dma_wait3A_754 = tpu.memref_slice %arg8[%dma_wait3A_752, %dma_wait3A_753] : memref<240x128xf32, #tpu.memory_space<vmem>> -> memref<40x128xf32, #tpu.memory_space<vmem>>
        %dma_wait3A_755 = arith.constant 0 : i32
        %dma_wait3A_756 = tpu.memref_slice %arg6[%dma_wait3A_751, %dma_wait3A_755] : memref<50x40xi32, #tpu.memory_space<vmem>> -> memref<1x40xi32, #tpu.memory_space<vmem>>
        %dma_wait3A_757 = tpu.memref_squeeze %dma_wait3A_756 : memref<1x40xi32, #tpu.memory_space<vmem>> -> memref<40xi32, #tpu.memory_space<vmem>>
        %dma_wait3A_758 = arith.constant 0 : i32
        %dma_wait3A_759 = arith.constant 0 : i32
        %dma_wait3A_760 = tpu.memref_slice %arg4[%dma_wait3A_758, %dma_wait3A_759] : memref<10000x128xf32, #tpu.memory_space<hbm>> -> memref<10000x128xf32, #tpu.memory_space<hbm>>
        tpu.wait_indirect_dma semaphore(%arg13 : memref<!tpu.dma_semaphore, #tpu.memory_space<semaphore_mem>>) src(%dma_wait3A_760 : memref<10000x128xf32, #tpu.memory_space<hbm>>) dst(%dma_wait3A_754 : memref<40x128xf32, #tpu.memory_space<vmem>>)
        %dma_start3A_761 = arith.constant 120 : i32
        %dma_start3A_762 = arith.constant 0 : i32
        %dma_start3A_763 = tpu.memref_slice %arg8[%dma_start3A_761, %dma_start3A_762] : memref<240x128xf32, #tpu.memory_space<vmem>> -> memref<40x128xf32, #tpu.memory_space<vmem>>
        %dma_start3A_764 = arith.constant 0 : i32
        %dma_start3A_765 = tpu.memref_slice %arg7[%add3A_670, %dma_start3A_764] : memref<50x40xi32, #tpu.memory_space<vmem>> -> memref<1x40xi32, #tpu.memory_space<vmem>>
        %dma_start3A_766 = tpu.memref_squeeze %dma_start3A_765 : memref<1x40xi32, #tpu.memory_space<vmem>> -> memref<40xi32, #tpu.memory_space<vmem>>
        %dma_start3A_767 = arith.constant 0 : i32
        %dma_start3A_768 = arith.constant 0 : i32
        %dma_start3A_769 = tpu.memref_slice %arg9[%dma_start3A_767, %dma_start3A_768] : memref<10240x128xf32, #tpu.memory_space<vmem_shared>> -> memref<10240x128xf32, #tpu.memory_space<vmem_shared>>
        tpu.enqueue_indirect_dma source(%dma_start3A_763 : memref<40x128xf32, #tpu.memory_space<vmem>>) target(%dma_start3A_769 : memref<10240x128xf32, #tpu.memory_space<vmem_shared>>) offsets(%dma_start3A_766 : memref<40xi32, #tpu.memory_space<vmem>>) semaphore(%arg19 : memref<!tpu.dma_semaphore, #tpu.memory_space<semaphore_mem>>) {add = true}
      } else {
      }
      %add3A_676 = arith.constant 3 : i32
      %add3A_677 = arith.addi %mul3A_657, %add3A_676 : i32
      %lt3A_678 = arith.constant 50 : i32
      %lt3A_679 = arith.cmpi slt, %add3A_677, %lt3A_678 : i32
      %convert_element_type3A_680 = arith.extui %lt3A_679 : i1 to i32
      %cond3A_681 = arith.constant 0 : i32
      %cond3A_682 = arith.cmpi ne, %convert_element_type3A_680, %cond3A_681 : i32
      scf.if %cond3A_682 {
        %dma_wait3A_751 = arith.constant 0 : i32
        %dma_wait3A_752 = arith.constant 160 : i32
        %dma_wait3A_753 = arith.constant 0 : i32
        %dma_wait3A_754 = tpu.memref_slice %arg8[%dma_wait3A_752, %dma_wait3A_753] : memref<240x128xf32, #tpu.memory_space<vmem>> -> memref<40x128xf32, #tpu.memory_space<vmem>>
        %dma_wait3A_755 = arith.constant 0 : i32
        %dma_wait3A_756 = tpu.memref_slice %arg6[%dma_wait3A_751, %dma_wait3A_755] : memref<50x40xi32, #tpu.memory_space<vmem>> -> memref<1x40xi32, #tpu.memory_space<vmem>>
        %dma_wait3A_757 = tpu.memref_squeeze %dma_wait3A_756 : memref<1x40xi32, #tpu.memory_space<vmem>> -> memref<40xi32, #tpu.memory_space<vmem>>
        %dma_wait3A_758 = arith.constant 0 : i32
        %dma_wait3A_759 = arith.constant 0 : i32
        %dma_wait3A_760 = tpu.memref_slice %arg4[%dma_wait3A_758, %dma_wait3A_759] : memref<10000x128xf32, #tpu.memory_space<hbm>> -> memref<10000x128xf32, #tpu.memory_space<hbm>>
        tpu.wait_indirect_dma semaphore(%arg14 : memref<!tpu.dma_semaphore, #tpu.memory_space<semaphore_mem>>) src(%dma_wait3A_760 : memref<10000x128xf32, #tpu.memory_space<hbm>>) dst(%dma_wait3A_754 : memref<40x128xf32, #tpu.memory_space<vmem>>)
        %dma_start3A_761 = arith.constant 160 : i32
        %dma_start3A_762 = arith.constant 0 : i32
        %dma_start3A_763 = tpu.memref_slice %arg8[%dma_start3A_761, %dma_start3A_762] : memref<240x128xf32, #tpu.memory_space<vmem>> -> memref<40x128xf32, #tpu.memory_space<vmem>>
        %dma_start3A_764 = arith.constant 0 : i32
        %dma_start3A_765 = tpu.memref_slice %arg7[%add3A_677, %dma_start3A_764] : memref<50x40xi32, #tpu.memory_space<vmem>> -> memref<1x40xi32, #tpu.memory_space<vmem>>
        %dma_start3A_766 = tpu.memref_squeeze %dma_start3A_765 : memref<1x40xi32, #tpu.memory_space<vmem>> -> memref<40xi32, #tpu.memory_space<vmem>>
        %dma_start3A_767 = arith.constant 0 : i32
        %dma_start3A_768 = arith.constant 0 : i32
        %dma_start3A_769 = tpu.memref_slice %arg9[%dma_start3A_767, %dma_start3A_768] : memref<10240x128xf32, #tpu.memory_space<vmem_shared>> -> memref<10240x128xf32, #tpu.memory_space<vmem_shared>>
        tpu.enqueue_indirect_dma source(%dma_start3A_763 : memref<40x128xf32, #tpu.memory_space<vmem>>) target(%dma_start3A_769 : memref<10240x128xf32, #tpu.memory_space<vmem_shared>>) offsets(%dma_start3A_766 : memref<40xi32, #tpu.memory_space<vmem>>) semaphore(%arg20 : memref<!tpu.dma_semaphore, #tpu.memory_space<semaphore_mem>>) {add = true}
      } else {
      }
      %add3A_683 = arith.constant 4 : i32
      %add3A_684 = arith.addi %mul3A_657, %add3A_683 : i32
      %lt3A_685 = arith.constant 50 : i32
      %lt3A_686 = arith.cmpi slt, %add3A_684, %lt3A_685 : i32
      %convert_element_type3A_687 = arith.extui %lt3A_686 : i1 to i32
      %cond3A_688 = arith.constant 0 : i32
      %cond3A_689 = arith.cmpi ne, %convert_element_type3A_687, %cond3A_688 : i32
      scf.if %cond3A_689 {
        %dma_wait3A_751 = arith.constant 0 : i32
        %dma_wait3A_752 = arith.constant 200 : i32
        %dma_wait3A_753 = arith.constant 0 : i32
        %dma_wait3A_754 = tpu.memref_slice %arg8[%dma_wait3A_752, %dma_wait3A_753] : memref<240x128xf32, #tpu.memory_space<vmem>> -> memref<40x128xf32, #tpu.memory_space<vmem>>
        %dma_wait3A_755 = arith.constant 0 : i32
        %dma_wait3A_756 = tpu.memref_slice %arg6[%dma_wait3A_751, %dma_wait3A_755] : memref<50x40xi32, #tpu.memory_space<vmem>> -> memref<1x40xi32, #tpu.memory_space<vmem>>
        %dma_wait3A_757 = tpu.memref_squeeze %dma_wait3A_756 : memref<1x40xi32, #tpu.memory_space<vmem>> -> memref<40xi32, #tpu.memory_space<vmem>>
        %dma_wait3A_758 = arith.constant 0 : i32
        %dma_wait3A_759 = arith.constant 0 : i32
        %dma_wait3A_760 = tpu.memref_slice %arg4[%dma_wait3A_758, %dma_wait3A_759] : memref<10000x128xf32, #tpu.memory_space<hbm>> -> memref<10000x128xf32, #tpu.memory_space<hbm>>
        tpu.wait_indirect_dma semaphore(%arg15 : memref<!tpu.dma_semaphore, #tpu.memory_space<semaphore_mem>>) src(%dma_wait3A_760 : memref<10000x128xf32, #tpu.memory_space<hbm>>) dst(%dma_wait3A_754 : memref<40x128xf32, #tpu.memory_space<vmem>>)
        %dma_start3A_761 = arith.constant 200 : i32
        %dma_start3A_762 = arith.constant 0 : i32
        %dma_start3A_763 = tpu.memref_slice %arg8[%dma_start3A_761, %dma_start3A_762] : memref<240x128xf32, #tpu.memory_space<vmem>> -> memref<40x128xf32, #tpu.memory_space<vmem>>
        %dma_start3A_764 = arith.constant 0 : i32
        %dma_start3A_765 = tpu.memref_slice %arg7[%add3A_684, %dma_start3A_764] : memref<50x40xi32, #tpu.memory_space<vmem>> -> memref<1x40xi32, #tpu.memory_space<vmem>>
        %dma_start3A_766 = tpu.memref_squeeze %dma_start3A_765 : memref<1x40xi32, #tpu.memory_space<vmem>> -> memref<40xi32, #tpu.memory_space<vmem>>
        %dma_start3A_767 = arith.constant 0 : i32
        %dma_start3A_768 = arith.constant 0 : i32
        %dma_start3A_769 = tpu.memref_slice %arg9[%dma_start3A_767, %dma_start3A_768] : memref<10240x128xf32, #tpu.memory_space<vmem_shared>> -> memref<10240x128xf32, #tpu.memory_space<vmem_shared>>
        tpu.enqueue_indirect_dma source(%dma_start3A_763 : memref<40x128xf32, #tpu.memory_space<vmem>>) target(%dma_start3A_769 : memref<10240x128xf32, #tpu.memory_space<vmem_shared>>) offsets(%dma_start3A_766 : memref<40xi32, #tpu.memory_space<vmem>>) semaphore(%arg21 : memref<!tpu.dma_semaphore, #tpu.memory_space<semaphore_mem>>) {add = true}
      } else {
      }
      %add3A_690 = arith.constant 5 : i32
      %add3A_691 = arith.addi %mul3A_657, %add3A_690 : i32
      %lt3A_692 = arith.constant 50 : i32
      %lt3A_693 = arith.cmpi slt, %add3A_691, %lt3A_692 : i32
      %convert_element_type3A_694 = arith.extui %lt3A_693 : i1 to i32
      %cond3A_695 = arith.constant 0 : i32
      %cond3A_696 = arith.cmpi ne, %convert_element_type3A_694, %cond3A_695 : i32
      scf.if %cond3A_696 {
        %dma_wait3A_751 = arith.constant 0 : i32
        %dma_wait3A_752 = arith.constant 0 : i32
        %dma_wait3A_753 = arith.constant 0 : i32
        %dma_wait3A_754 = tpu.memref_slice %arg8[%dma_wait3A_752, %dma_wait3A_753] : memref<240x128xf32, #tpu.memory_space<vmem>> -> memref<40x128xf32, #tpu.memory_space<vmem>>
        %dma_wait3A_755 = arith.constant 0 : i32
        %dma_wait3A_756 = tpu.memref_slice %arg6[%dma_wait3A_751, %dma_wait3A_755] : memref<50x40xi32, #tpu.memory_space<vmem>> -> memref<1x40xi32, #tpu.memory_space<vmem>>
        %dma_wait3A_757 = tpu.memref_squeeze %dma_wait3A_756 : memref<1x40xi32, #tpu.memory_space<vmem>> -> memref<40xi32, #tpu.memory_space<vmem>>
        %dma_wait3A_758 = arith.constant 0 : i32
        %dma_wait3A_759 = arith.constant 0 : i32
        %dma_wait3A_760 = tpu.memref_slice %arg4[%dma_wait3A_758, %dma_wait3A_759] : memref<10000x128xf32, #tpu.memory_space<hbm>> -> memref<10000x128xf32, #tpu.memory_space<hbm>>
        tpu.wait_indirect_dma semaphore(%arg10 : memref<!tpu.dma_semaphore, #tpu.memory_space<semaphore_mem>>) src(%dma_wait3A_760 : memref<10000x128xf32, #tpu.memory_space<hbm>>) dst(%dma_wait3A_754 : memref<40x128xf32, #tpu.memory_space<vmem>>)
        %dma_start3A_761 = arith.constant 0 : i32
        %dma_start3A_762 = arith.constant 0 : i32
        %dma_start3A_763 = tpu.memref_slice %arg8[%dma_start3A_761, %dma_start3A_762] : memref<240x128xf32, #tpu.memory_space<vmem>> -> memref<40x128xf32, #tpu.memory_space<vmem>>
        %dma_start3A_764 = arith.constant 0 : i32
        %dma_start3A_765 = tpu.memref_slice %arg7[%add3A_691, %dma_start3A_764] : memref<50x40xi32, #tpu.memory_space<vmem>> -> memref<1x40xi32, #tpu.memory_space<vmem>>
        %dma_start3A_766 = tpu.memref_squeeze %dma_start3A_765 : memref<1x40xi32, #tpu.memory_space<vmem>> -> memref<40xi32, #tpu.memory_space<vmem>>
        %dma_start3A_767 = arith.constant 0 : i32
        %dma_start3A_768 = arith.constant 0 : i32
        %dma_start3A_769 = tpu.memref_slice %arg9[%dma_start3A_767, %dma_start3A_768] : memref<10240x128xf32, #tpu.memory_space<vmem_shared>> -> memref<10240x128xf32, #tpu.memory_space<vmem_shared>>
        tpu.enqueue_indirect_dma source(%dma_start3A_763 : memref<40x128xf32, #tpu.memory_space<vmem>>) target(%dma_start3A_769 : memref<10240x128xf32, #tpu.memory_space<vmem_shared>>) offsets(%dma_start3A_766 : memref<40xi32, #tpu.memory_space<vmem>>) semaphore(%arg16 : memref<!tpu.dma_semaphore, #tpu.memory_space<semaphore_mem>>) {add = true}
      } else {
      }
      %add3A_697 = arith.constant 6 : i32
      %add3A_698 = arith.addi %mul3A_657, %add3A_697 : i32
      %add3A_699 = arith.constant 0 : i32
      %add3A_700 = arith.addi %add3A_698, %add3A_699 : i32
      %lt3A_701 = arith.constant 50 : i32
      %lt3A_702 = arith.cmpi slt, %add3A_700, %lt3A_701 : i32
      %convert_element_type3A_703 = arith.extui %lt3A_702 : i1 to i32
      %cond3A_704 = arith.constant 0 : i32
      %cond3A_705 = arith.cmpi ne, %convert_element_type3A_703, %cond3A_704 : i32
      scf.if %cond3A_705 {
        %dma_wait3A_751 = arith.constant 0 : i32
        %dma_wait3A_752 = arith.constant 40 : i32
        %dma_wait3A_753 = arith.constant 0 : i32
        %dma_wait3A_754 = tpu.memref_slice %arg8[%dma_wait3A_752, %dma_wait3A_753] : memref<240x128xf32, #tpu.memory_space<vmem>> -> memref<40x128xf32, #tpu.memory_space<vmem>>
        %dma_wait3A_755 = arith.constant 0 : i32
        %dma_wait3A_756 = tpu.memref_slice %arg7[%dma_wait3A_751, %dma_wait3A_755] : memref<50x40xi32, #tpu.memory_space<vmem>> -> memref<1x40xi32, #tpu.memory_space<vmem>>
        %dma_wait3A_757 = tpu.memref_squeeze %dma_wait3A_756 : memref<1x40xi32, #tpu.memory_space<vmem>> -> memref<40xi32, #tpu.memory_space<vmem>>
        %dma_wait3A_758 = arith.constant 0 : i32
        %dma_wait3A_759 = arith.constant 0 : i32
        %dma_wait3A_760 = tpu.memref_slice %arg9[%dma_wait3A_758, %dma_wait3A_759] : memref<10240x128xf32, #tpu.memory_space<vmem_shared>> -> memref<10240x128xf32, #tpu.memory_space<vmem_shared>>
        tpu.wait_indirect_dma semaphore(%arg17 : memref<!tpu.dma_semaphore, #tpu.memory_space<semaphore_mem>>) src(%dma_wait3A_754 : memref<40x128xf32, #tpu.memory_space<vmem>>) dst(%dma_wait3A_760 : memref<10240x128xf32, #tpu.memory_space<vmem_shared>>)
        %dma_start3A_761 = arith.constant 40 : i32
        %dma_start3A_762 = arith.constant 0 : i32
        %dma_start3A_763 = tpu.memref_slice %arg8[%dma_start3A_761, %dma_start3A_762] : memref<240x128xf32, #tpu.memory_space<vmem>> -> memref<40x128xf32, #tpu.memory_space<vmem>>
        %dma_start3A_764 = arith.constant 0 : i32
        %dma_start3A_765 = tpu.memref_slice %arg6[%add3A_700, %dma_start3A_764] : memref<50x40xi32, #tpu.memory_space<vmem>> -> memref<1x40xi32, #tpu.memory_space<vmem>>
        %dma_start3A_766 = tpu.memref_squeeze %dma_start3A_765 : memref<1x40xi32, #tpu.memory_space<vmem>> -> memref<40xi32, #tpu.memory_space<vmem>>
        %dma_start3A_767 = arith.constant 0 : i32
        %dma_start3A_768 = arith.constant 0 : i32
        %dma_start3A_769 = tpu.memref_slice %arg4[%dma_start3A_767, %dma_start3A_768] : memref<10000x128xf32, #tpu.memory_space<hbm>> -> memref<10000x128xf32, #tpu.memory_space<hbm>>
        tpu.enqueue_indirect_dma source(%dma_start3A_769 : memref<10000x128xf32, #tpu.memory_space<hbm>>) target(%dma_start3A_763 : memref<40x128xf32, #tpu.memory_space<vmem>>) offsets(%dma_start3A_766 : memref<40xi32, #tpu.memory_space<vmem>>) semaphore(%arg11 : memref<!tpu.dma_semaphore, #tpu.memory_space<semaphore_mem>>)
      } else {
      }
      %add3A_706 = arith.constant 6 : i32
      %add3A_707 = arith.addi %mul3A_657, %add3A_706 : i32
      %add3A_708 = arith.constant 1 : i32
      %add3A_709 = arith.addi %add3A_707, %add3A_708 : i32
      %lt3A_710 = arith.constant 50 : i32
      %lt3A_711 = arith.cmpi slt, %add3A_709, %lt3A_710 : i32
      %convert_element_type3A_712 = arith.extui %lt3A_711 : i1 to i32
      %cond3A_713 = arith.constant 0 : i32
      %cond3A_714 = arith.cmpi ne, %convert_element_type3A_712, %cond3A_713 : i32
      scf.if %cond3A_714 {
        %dma_wait3A_751 = arith.constant 0 : i32
        %dma_wait3A_752 = arith.constant 80 : i32
        %dma_wait3A_753 = arith.constant 0 : i32
        %dma_wait3A_754 = tpu.memref_slice %arg8[%dma_wait3A_752, %dma_wait3A_753] : memref<240x128xf32, #tpu.memory_space<vmem>> -> memref<40x128xf32, #tpu.memory_space<vmem>>
        %dma_wait3A_755 = arith.constant 0 : i32
        %dma_wait3A_756 = tpu.memref_slice %arg7[%dma_wait3A_751, %dma_wait3A_755] : memref<50x40xi32, #tpu.memory_space<vmem>> -> memref<1x40xi32, #tpu.memory_space<vmem>>
        %dma_wait3A_757 = tpu.memref_squeeze %dma_wait3A_756 : memref<1x40xi32, #tpu.memory_space<vmem>> -> memref<40xi32, #tpu.memory_space<vmem>>
        %dma_wait3A_758 = arith.constant 0 : i32
        %dma_wait3A_759 = arith.constant 0 : i32
        %dma_wait3A_760 = tpu.memref_slice %arg9[%dma_wait3A_758, %dma_wait3A_759] : memref<10240x128xf32, #tpu.memory_space<vmem_shared>> -> memref<10240x128xf32, #tpu.memory_space<vmem_shared>>
        tpu.wait_indirect_dma semaphore(%arg18 : memref<!tpu.dma_semaphore, #tpu.memory_space<semaphore_mem>>) src(%dma_wait3A_754 : memref<40x128xf32, #tpu.memory_space<vmem>>) dst(%dma_wait3A_760 : memref<10240x128xf32, #tpu.memory_space<vmem_shared>>)
        %dma_start3A_761 = arith.constant 80 : i32
        %dma_start3A_762 = arith.constant 0 : i32
        %dma_start3A_763 = tpu.memref_slice %arg8[%dma_start3A_761, %dma_start3A_762] : memref<240x128xf32, #tpu.memory_space<vmem>> -> memref<40x128xf32, #tpu.memory_space<vmem>>
        %dma_start3A_764 = arith.constant 0 : i32
        %dma_start3A_765 = tpu.memref_slice %arg6[%add3A_709, %dma_start3A_764] : memref<50x40xi32, #tpu.memory_space<vmem>> -> memref<1x40xi32, #tpu.memory_space<vmem>>
        %dma_start3A_766 = tpu.memref_squeeze %dma_start3A_765 : memref<1x40xi32, #tpu.memory_space<vmem>> -> memref<40xi32, #tpu.memory_space<vmem>>
        %dma_start3A_767 = arith.constant 0 : i32
        %dma_start3A_768 = arith.constant 0 : i32
        %dma_start3A_769 = tpu.memref_slice %arg4[%dma_start3A_767, %dma_start3A_768] : memref<10000x128xf32, #tpu.memory_space<hbm>> -> memref<10000x128xf32, #tpu.memory_space<hbm>>
        tpu.enqueue_indirect_dma source(%dma_start3A_769 : memref<10000x128xf32, #tpu.memory_space<hbm>>) target(%dma_start3A_763 : memref<40x128xf32, #tpu.memory_space<vmem>>) offsets(%dma_start3A_766 : memref<40xi32, #tpu.memory_space<vmem>>) semaphore(%arg12 : memref<!tpu.dma_semaphore, #tpu.memory_space<semaphore_mem>>)
      } else {
      }
      %add3A_715 = arith.constant 6 : i32
      %add3A_716 = arith.addi %mul3A_657, %add3A_715 : i32
      %add3A_717 = arith.constant 2 : i32
      %add3A_718 = arith.addi %add3A_716, %add3A_717 : i32
      %lt3A_719 = arith.constant 50 : i32
      %lt3A_720 = arith.cmpi slt, %add3A_718, %lt3A_719 : i32
      %convert_element_type3A_721 = arith.extui %lt3A_720 : i1 to i32
      %cond3A_722 = arith.constant 0 : i32
      %cond3A_723 = arith.cmpi ne, %convert_element_type3A_721, %cond3A_722 : i32
      scf.if %cond3A_723 {
        %dma_wait3A_751 = arith.constant 0 : i32
        %dma_wait3A_752 = arith.constant 120 : i32
        %dma_wait3A_753 = arith.constant 0 : i32
        %dma_wait3A_754 = tpu.memref_slice %arg8[%dma_wait3A_752, %dma_wait3A_753] : memref<240x128xf32, #tpu.memory_space<vmem>> -> memref<40x128xf32, #tpu.memory_space<vmem>>
        %dma_wait3A_755 = arith.constant 0 : i32
        %dma_wait3A_756 = tpu.memref_slice %arg7[%dma_wait3A_751, %dma_wait3A_755] : memref<50x40xi32, #tpu.memory_space<vmem>> -> memref<1x40xi32, #tpu.memory_space<vmem>>
        %dma_wait3A_757 = tpu.memref_squeeze %dma_wait3A_756 : memref<1x40xi32, #tpu.memory_space<vmem>> -> memref<40xi32, #tpu.memory_space<vmem>>
        %dma_wait3A_758 = arith.constant 0 : i32
        %dma_wait3A_759 = arith.constant 0 : i32
        %dma_wait3A_760 = tpu.memref_slice %arg9[%dma_wait3A_758, %dma_wait3A_759] : memref<10240x128xf32, #tpu.memory_space<vmem_shared>> -> memref<10240x128xf32, #tpu.memory_space<vmem_shared>>
        tpu.wait_indirect_dma semaphore(%arg19 : memref<!tpu.dma_semaphore, #tpu.memory_space<semaphore_mem>>) src(%dma_wait3A_754 : memref<40x128xf32, #tpu.memory_space<vmem>>) dst(%dma_wait3A_760 : memref<10240x128xf32, #tpu.memory_space<vmem_shared>>)
        %dma_start3A_761 = arith.constant 120 : i32
        %dma_start3A_762 = arith.constant 0 : i32
        %dma_start3A_763 = tpu.memref_slice %arg8[%dma_start3A_761, %dma_start3A_762] : memref<240x128xf32, #tpu.memory_space<vmem>> -> memref<40x128xf32, #tpu.memory_space<vmem>>
        %dma_start3A_764 = arith.constant 0 : i32
        %dma_start3A_765 = tpu.memref_slice %arg6[%add3A_718, %dma_start3A_764] : memref<50x40xi32, #tpu.memory_space<vmem>> -> memref<1x40xi32, #tpu.memory_space<vmem>>
        %dma_start3A_766 = tpu.memref_squeeze %dma_start3A_765 : memref<1x40xi32, #tpu.memory_space<vmem>> -> memref<40xi32, #tpu.memory_space<vmem>>
        %dma_start3A_767 = arith.constant 0 : i32
        %dma_start3A_768 = arith.constant 0 : i32
        %dma_start3A_769 = tpu.memref_slice %arg4[%dma_start3A_767, %dma_start3A_768] : memref<10000x128xf32, #tpu.memory_space<hbm>> -> memref<10000x128xf32, #tpu.memory_space<hbm>>
        tpu.enqueue_indirect_dma source(%dma_start3A_769 : memref<10000x128xf32, #tpu.memory_space<hbm>>) target(%dma_start3A_763 : memref<40x128xf32, #tpu.memory_space<vmem>>) offsets(%dma_start3A_766 : memref<40xi32, #tpu.memory_space<vmem>>) semaphore(%arg13 : memref<!tpu.dma_semaphore, #tpu.memory_space<semaphore_mem>>)
      } else {
      }
      %add3A_724 = arith.constant 6 : i32
      %add3A_725 = arith.addi %mul3A_657, %add3A_724 : i32
      %add3A_726 = arith.constant 3 : i32
      %add3A_727 = arith.addi %add3A_725, %add3A_726 : i32
      %lt3A_728 = arith.constant 50 : i32
      %lt3A_729 = arith.cmpi slt, %add3A_727, %lt3A_728 : i32
      %convert_element_type3A_730 = arith.extui %lt3A_729 : i1 to i32
      %cond3A_731 = arith.constant 0 : i32
      %cond3A_732 = arith.cmpi ne, %convert_element_type3A_730, %cond3A_731 : i32
      scf.if %cond3A_732 {
        %dma_wait3A_751 = arith.constant 0 : i32
        %dma_wait3A_752 = arith.constant 160 : i32
        %dma_wait3A_753 = arith.constant 0 : i32
        %dma_wait3A_754 = tpu.memref_slice %arg8[%dma_wait3A_752, %dma_wait3A_753] : memref<240x128xf32, #tpu.memory_space<vmem>> -> memref<40x128xf32, #tpu.memory_space<vmem>>
        %dma_wait3A_755 = arith.constant 0 : i32
        %dma_wait3A_756 = tpu.memref_slice %arg7[%dma_wait3A_751, %dma_wait3A_755] : memref<50x40xi32, #tpu.memory_space<vmem>> -> memref<1x40xi32, #tpu.memory_space<vmem>>
        %dma_wait3A_757 = tpu.memref_squeeze %dma_wait3A_756 : memref<1x40xi32, #tpu.memory_space<vmem>> -> memref<40xi32, #tpu.memory_space<vmem>>
        %dma_wait3A_758 = arith.constant 0 : i32
        %dma_wait3A_759 = arith.constant 0 : i32
        %dma_wait3A_760 = tpu.memref_slice %arg9[%dma_wait3A_758, %dma_wait3A_759] : memref<10240x128xf32, #tpu.memory_space<vmem_shared>> -> memref<10240x128xf32, #tpu.memory_space<vmem_shared>>
        tpu.wait_indirect_dma semaphore(%arg20 : memref<!tpu.dma_semaphore, #tpu.memory_space<semaphore_mem>>) src(%dma_wait3A_754 : memref<40x128xf32, #tpu.memory_space<vmem>>) dst(%dma_wait3A_760 : memref<10240x128xf32, #tpu.memory_space<vmem_shared>>)
        %dma_start3A_761 = arith.constant 160 : i32
        %dma_start3A_762 = arith.constant 0 : i32
        %dma_start3A_763 = tpu.memref_slice %arg8[%dma_start3A_761, %dma_start3A_762] : memref<240x128xf32, #tpu.memory_space<vmem>> -> memref<40x128xf32, #tpu.memory_space<vmem>>
        %dma_start3A_764 = arith.constant 0 : i32
        %dma_start3A_765 = tpu.memref_slice %arg6[%add3A_727, %dma_start3A_764] : memref<50x40xi32, #tpu.memory_space<vmem>> -> memref<1x40xi32, #tpu.memory_space<vmem>>
        %dma_start3A_766 = tpu.memref_squeeze %dma_start3A_765 : memref<1x40xi32, #tpu.memory_space<vmem>> -> memref<40xi32, #tpu.memory_space<vmem>>
        %dma_start3A_767 = arith.constant 0 : i32
        %dma_start3A_768 = arith.constant 0 : i32
        %dma_start3A_769 = tpu.memref_slice %arg4[%dma_start3A_767, %dma_start3A_768] : memref<10000x128xf32, #tpu.memory_space<hbm>> -> memref<10000x128xf32, #tpu.memory_space<hbm>>
        tpu.enqueue_indirect_dma source(%dma_start3A_769 : memref<10000x128xf32, #tpu.memory_space<hbm>>) target(%dma_start3A_763 : memref<40x128xf32, #tpu.memory_space<vmem>>) offsets(%dma_start3A_766 : memref<40xi32, #tpu.memory_space<vmem>>) semaphore(%arg14 : memref<!tpu.dma_semaphore, #tpu.memory_space<semaphore_mem>>)
      } else {
      }
      %add3A_733 = arith.constant 6 : i32
      %add3A_734 = arith.addi %mul3A_657, %add3A_733 : i32
      %add3A_735 = arith.constant 4 : i32
      %add3A_736 = arith.addi %add3A_734, %add3A_735 : i32
      %lt3A_737 = arith.constant 50 : i32
      %lt3A_738 = arith.cmpi slt, %add3A_736, %lt3A_737 : i32
      %convert_element_type3A_739 = arith.extui %lt3A_738 : i1 to i32
      %cond3A_740 = arith.constant 0 : i32
      %cond3A_741 = arith.cmpi ne, %convert_element_type3A_739, %cond3A_740 : i32
      scf.if %cond3A_741 {
        %dma_wait3A_751 = arith.constant 0 : i32
        %dma_wait3A_752 = arith.constant 200 : i32
        %dma_wait3A_753 = arith.constant 0 : i32
        %dma_wait3A_754 = tpu.memref_slice %arg8[%dma_wait3A_752, %dma_wait3A_753] : memref<240x128xf32, #tpu.memory_space<vmem>> -> memref<40x128xf32, #tpu.memory_space<vmem>>
        %dma_wait3A_755 = arith.constant 0 : i32
        %dma_wait3A_756 = tpu.memref_slice %arg7[%dma_wait3A_751, %dma_wait3A_755] : memref<50x40xi32, #tpu.memory_space<vmem>> -> memref<1x40xi32, #tpu.memory_space<vmem>>
        %dma_wait3A_757 = tpu.memref_squeeze %dma_wait3A_756 : memref<1x40xi32, #tpu.memory_space<vmem>> -> memref<40xi32, #tpu.memory_space<vmem>>
        %dma_wait3A_758 = arith.constant 0 : i32
        %dma_wait3A_759 = arith.constant 0 : i32
        %dma_wait3A_760 = tpu.memref_slice %arg9[%dma_wait3A_758, %dma_wait3A_759] : memref<10240x128xf32, #tpu.memory_space<vmem_shared>> -> memref<10240x128xf32, #tpu.memory_space<vmem_shared>>
        tpu.wait_indirect_dma semaphore(%arg21 : memref<!tpu.dma_semaphore, #tpu.memory_space<semaphore_mem>>) src(%dma_wait3A_754 : memref<40x128xf32, #tpu.memory_space<vmem>>) dst(%dma_wait3A_760 : memref<10240x128xf32, #tpu.memory_space<vmem_shared>>)
        %dma_start3A_761 = arith.constant 200 : i32
        %dma_start3A_762 = arith.constant 0 : i32
        %dma_start3A_763 = tpu.memref_slice %arg8[%dma_start3A_761, %dma_start3A_762] : memref<240x128xf32, #tpu.memory_space<vmem>> -> memref<40x128xf32, #tpu.memory_space<vmem>>
        %dma_start3A_764 = arith.constant 0 : i32
        %dma_start3A_765 = tpu.memref_slice %arg6[%add3A_736, %dma_start3A_764] : memref<50x40xi32, #tpu.memory_space<vmem>> -> memref<1x40xi32, #tpu.memory_space<vmem>>
        %dma_start3A_766 = tpu.memref_squeeze %dma_start3A_765 : memref<1x40xi32, #tpu.memory_space<vmem>> -> memref<40xi32, #tpu.memory_space<vmem>>
        %dma_start3A_767 = arith.constant 0 : i32
        %dma_start3A_768 = arith.constant 0 : i32
        %dma_start3A_769 = tpu.memref_slice %arg4[%dma_start3A_767, %dma_start3A_768] : memref<10000x128xf32, #tpu.memory_space<hbm>> -> memref<10000x128xf32, #tpu.memory_space<hbm>>
        tpu.enqueue_indirect_dma source(%dma_start3A_769 : memref<10000x128xf32, #tpu.memory_space<hbm>>) target(%dma_start3A_763 : memref<40x128xf32, #tpu.memory_space<vmem>>) offsets(%dma_start3A_766 : memref<40xi32, #tpu.memory_space<vmem>>) semaphore(%arg15 : memref<!tpu.dma_semaphore, #tpu.memory_space<semaphore_mem>>)
      } else {
      }
      %add3A_742 = arith.constant 6 : i32
      %add3A_743 = arith.addi %mul3A_657, %add3A_742 : i32
      %add3A_744 = arith.constant 5 : i32
      %add3A_745 = arith.addi %add3A_743, %add3A_744 : i32
      %lt3A_746 = arith.constant 50 : i32
      %lt3A_747 = arith.cmpi slt, %add3A_745, %lt3A_746 : i32
      %convert_element_type3A_748 = arith.extui %lt3A_747 : i1 to i32
      %cond3A_749 = arith.constant 0 : i32
      %cond3A_750 = arith.cmpi ne, %convert_element_type3A_748, %cond3A_749 : i32
      scf.if %cond3A_750 {
        %dma_wait3A_751 = arith.constant 0 : i32
        %dma_wait3A_752 = arith.constant 0 : i32
        %dma_wait3A_753 = arith.constant 0 : i32
        %dma_wait3A_754 = tpu.memref_slice %arg8[%dma_wait3A_752, %dma_wait3A_753] : memref<240x128xf32, #tpu.memory_space<vmem>> -> memref<40x128xf32, #tpu.memory_space<vmem>>
        %dma_wait3A_755 = arith.constant 0 : i32
        %dma_wait3A_756 = tpu.memref_slice %arg7[%dma_wait3A_751, %dma_wait3A_755] : memref<50x40xi32, #tpu.memory_space<vmem>> -> memref<1x40xi32, #tpu.memory_space<vmem>>
        %dma_wait3A_757 = tpu.memref_squeeze %dma_wait3A_756 : memref<1x40xi32, #tpu.memory_space<vmem>> -> memref<40xi32, #tpu.memory_space<vmem>>
        %dma_wait3A_758 = arith.constant 0 : i32
        %dma_wait3A_759 = arith.constant 0 : i32
        %dma_wait3A_760 = tpu.memref_slice %arg9[%dma_wait3A_758, %dma_wait3A_759] : memref<10240x128xf32, #tpu.memory_space<vmem_shared>> -> memref<10240x128xf32, #tpu.memory_space<vmem_shared>>
        tpu.wait_indirect_dma semaphore(%arg16 : memref<!tpu.dma_semaphore, #tpu.memory_space<semaphore_mem>>) src(%dma_wait3A_754 : memref<40x128xf32, #tpu.memory_space<vmem>>) dst(%dma_wait3A_760 : memref<10240x128xf32, #tpu.memory_space<vmem_shared>>)
        %dma_start3A_761 = arith.constant 0 : i32
        %dma_start3A_762 = arith.constant 0 : i32
        %dma_start3A_763 = tpu.memref_slice %arg8[%dma_start3A_761, %dma_start3A_762] : memref<240x128xf32, #tpu.memory_space<vmem>> -> memref<40x128xf32, #tpu.memory_space<vmem>>
        %dma_start3A_764 = arith.constant 0 : i32
        %dma_start3A_765 = tpu.memref_slice %arg6[%add3A_745, %dma_start3A_764] : memref<50x40xi32, #tpu.memory_space<vmem>> -> memref<1x40xi32, #tpu.memory_space<vmem>>
        %dma_start3A_766 = tpu.memref_squeeze %dma_start3A_765 : memref<1x40xi32, #tpu.memory_space<vmem>> -> memref<40xi32, #tpu.memory_space<vmem>>
        %dma_start3A_767 = arith.constant 0 : i32
        %dma_start3A_768 = arith.constant 0 : i32
        %dma_start3A_769 = tpu.memref_slice %arg4[%dma_start3A_767, %dma_start3A_768] : memref<10000x128xf32, #tpu.memory_space<hbm>> -> memref<10000x128xf32, #tpu.memory_space<hbm>>
        tpu.enqueue_indirect_dma source(%dma_start3A_769 : memref<10000x128xf32, #tpu.memory_space<hbm>>) target(%dma_start3A_763 : memref<40x128xf32, #tpu.memory_space<vmem>>) offsets(%dma_start3A_766 : memref<40xi32, #tpu.memory_space<vmem>>) semaphore(%arg10 : memref<!tpu.dma_semaphore, #tpu.memory_space<semaphore_mem>>)
      } else {
      }
    }
    %scan3A_461 = arith.constant 9 : i32
    %dma_wait3A_462 = arith.constant 0 : i32
    %dma_wait3A_463 = arith.constant 40 : i32
    %dma_wait3A_464 = arith.constant 0 : i32
    %dma_wait3A_465 = tpu.memref_slice %arg8[%dma_wait3A_463, %dma_wait3A_464] : memref<240x128xf32, #tpu.memory_space<vmem>> -> memref<40x128xf32, #tpu.memory_space<vmem>>
    %dma_wait3A_466 = arith.constant 0 : i32
    %dma_wait3A_467 = tpu.memref_slice %arg7[%dma_wait3A_462, %dma_wait3A_466] : memref<50x40xi32, #tpu.memory_space<vmem>> -> memref<1x40xi32, #tpu.memory_space<vmem>>
    %dma_wait3A_468 = tpu.memref_squeeze %dma_wait3A_467 : memref<1x40xi32, #tpu.memory_space<vmem>> -> memref<40xi32, #tpu.memory_space<vmem>>
    %dma_wait3A_469 = arith.constant 0 : i32
    %dma_wait3A_470 = arith.constant 0 : i32
    %dma_wait3A_471 = tpu.memref_slice %arg9[%dma_wait3A_469, %dma_wait3A_470] : memref<10240x128xf32, #tpu.memory_space<vmem_shared>> -> memref<10240x128xf32, #tpu.memory_space<vmem_shared>>
    tpu.wait_indirect_dma semaphore(%arg17 : memref<!tpu.dma_semaphore, #tpu.memory_space<semaphore_mem>>) src(%dma_wait3A_465 : memref<40x128xf32, #tpu.memory_space<vmem>>) dst(%dma_wait3A_471 : memref<10240x128xf32, #tpu.memory_space<vmem_shared>>)
    %dma_wait3A_472 = arith.constant 0 : i32
    %dma_wait3A_473 = arith.constant 80 : i32
    %dma_wait3A_474 = arith.constant 0 : i32
    %dma_wait3A_475 = tpu.memref_slice %arg8[%dma_wait3A_473, %dma_wait3A_474] : memref<240x128xf32, #tpu.memory_space<vmem>> -> memref<40x128xf32, #tpu.memory_space<vmem>>
    %dma_wait3A_476 = arith.constant 0 : i32
    %dma_wait3A_477 = tpu.memref_slice %arg7[%dma_wait3A_472, %dma_wait3A_476] : memref<50x40xi32, #tpu.memory_space<vmem>> -> memref<1x40xi32, #tpu.memory_space<vmem>>
    %dma_wait3A_478 = tpu.memref_squeeze %dma_wait3A_477 : memref<1x40xi32, #tpu.memory_space<vmem>> -> memref<40xi32, #tpu.memory_space<vmem>>
    %dma_wait3A_479 = arith.constant 0 : i32
    %dma_wait3A_480 = arith.constant 0 : i32
    %dma_wait3A_481 = tpu.memref_slice %arg9[%dma_wait3A_479, %dma_wait3A_480] : memref<10240x128xf32, #tpu.memory_space<vmem_shared>> -> memref<10240x128xf32, #tpu.memory_space<vmem_shared>>
    tpu.wait_indirect_dma semaphore(%arg18 : memref<!tpu.dma_semaphore, #tpu.memory_space<semaphore_mem>>) src(%dma_wait3A_475 : memref<40x128xf32, #tpu.memory_space<vmem>>) dst(%dma_wait3A_481 : memref<10240x128xf32, #tpu.memory_space<vmem_shared>>)
    %dma_wait3A_482 = arith.constant 0 : i32
    %dma_wait3A_483 = arith.constant 120 : i32
    %dma_wait3A_484 = arith.constant 0 : i32
    %dma_wait3A_485 = tpu.memref_slice %arg8[%dma_wait3A_483, %dma_wait3A_484] : memref<240x128xf32, #tpu.memory_space<vmem>> -> memref<40x128xf32, #tpu.memory_space<vmem>>
    %dma_wait3A_486 = arith.constant 0 : i32
    %dma_wait3A_487 = tpu.memref_slice %arg7[%dma_wait3A_482, %dma_wait3A_486] : memref<50x40xi32, #tpu.memory_space<vmem>> -> memref<1x40xi32, #tpu.memory_space<vmem>>
    %dma_wait3A_488 = tpu.memref_squeeze %dma_wait3A_487 : memref<1x40xi32, #tpu.memory_space<vmem>> -> memref<40xi32, #tpu.memory_space<vmem>>
    %dma_wait3A_489 = arith.constant 0 : i32
    %dma_wait3A_490 = arith.constant 0 : i32
    %dma_wait3A_491 = tpu.memref_slice %arg9[%dma_wait3A_489, %dma_wait3A_490] : memref<10240x128xf32, #tpu.memory_space<vmem_shared>> -> memref<10240x128xf32, #tpu.memory_space<vmem_shared>>
    tpu.wait_indirect_dma semaphore(%arg19 : memref<!tpu.dma_semaphore, #tpu.memory_space<semaphore_mem>>) src(%dma_wait3A_485 : memref<40x128xf32, #tpu.memory_space<vmem>>) dst(%dma_wait3A_491 : memref<10240x128xf32, #tpu.memory_space<vmem_shared>>)
    %dma_wait3A_492 = arith.constant 0 : i32
    %dma_wait3A_493 = arith.constant 160 : i32
    %dma_wait3A_494 = arith.constant 0 : i32
    %dma_wait3A_495 = tpu.memref_slice %arg8[%dma_wait3A_493, %dma_wait3A_494] : memref<240x128xf32, #tpu.memory_space<vmem>> -> memref<40x128xf32, #tpu.memory_space<vmem>>
    %dma_wait3A_496 = arith.constant 0 : i32
    %dma_wait3A_497 = tpu.memref_slice %arg7[%dma_wait3A_492, %dma_wait3A_496] : memref<50x40xi32, #tpu.memory_space<vmem>> -> memref<1x40xi32, #tpu.memory_space<vmem>>
    %dma_wait3A_498 = tpu.memref_squeeze %dma_wait3A_497 : memref<1x40xi32, #tpu.memory_space<vmem>> -> memref<40xi32, #tpu.memory_space<vmem>>
    %dma_wait3A_499 = arith.constant 0 : i32
    %dma_wait3A_500 = arith.constant 0 : i32
    %dma_wait3A_501 = tpu.memref_slice %arg9[%dma_wait3A_499, %dma_wait3A_500] : memref<10240x128xf32, #tpu.memory_space<vmem_shared>> -> memref<10240x128xf32, #tpu.memory_space<vmem_shared>>
    tpu.wait_indirect_dma semaphore(%arg20 : memref<!tpu.dma_semaphore, #tpu.memory_space<semaphore_mem>>) src(%dma_wait3A_495 : memref<40x128xf32, #tpu.memory_space<vmem>>) dst(%dma_wait3A_501 : memref<10240x128xf32, #tpu.memory_space<vmem_shared>>)
    %dma_wait3A_502 = arith.constant 0 : i32
    %dma_wait3A_503 = arith.constant 200 : i32
    %dma_wait3A_504 = arith.constant 0 : i32
    %dma_wait3A_505 = tpu.memref_slice %arg8[%dma_wait3A_503, %dma_wait3A_504] : memref<240x128xf32, #tpu.memory_space<vmem>> -> memref<40x128xf32, #tpu.memory_space<vmem>>
    %dma_wait3A_506 = arith.constant 0 : i32
    %dma_wait3A_507 = tpu.memref_slice %arg7[%dma_wait3A_502, %dma_wait3A_506] : memref<50x40xi32, #tpu.memory_space<vmem>> -> memref<1x40xi32, #tpu.memory_space<vmem>>
    %dma_wait3A_508 = tpu.memref_squeeze %dma_wait3A_507 : memref<1x40xi32, #tpu.memory_space<vmem>> -> memref<40xi32, #tpu.memory_space<vmem>>
    %dma_wait3A_509 = arith.constant 0 : i32
    %dma_wait3A_510 = arith.constant 0 : i32
    %dma_wait3A_511 = tpu.memref_slice %arg9[%dma_wait3A_509, %dma_wait3A_510] : memref<10240x128xf32, #tpu.memory_space<vmem_shared>> -> memref<10240x128xf32, #tpu.memory_space<vmem_shared>>
    tpu.wait_indirect_dma semaphore(%arg21 : memref<!tpu.dma_semaphore, #tpu.memory_space<semaphore_mem>>) src(%dma_wait3A_505 : memref<40x128xf32, #tpu.memory_space<vmem>>) dst(%dma_wait3A_511 : memref<10240x128xf32, #tpu.memory_space<vmem_shared>>)
    %dma_wait3A_512 = arith.constant 0 : i32
    %dma_wait3A_513 = arith.constant 0 : i32
    %dma_wait3A_514 = arith.constant 0 : i32
    %dma_wait3A_515 = tpu.memref_slice %arg8[%dma_wait3A_513, %dma_wait3A_514] : memref<240x128xf32, #tpu.memory_space<vmem>> -> memref<40x128xf32, #tpu.memory_space<vmem>>
    %dma_wait3A_516 = arith.constant 0 : i32
    %dma_wait3A_517 = tpu.memref_slice %arg7[%dma_wait3A_512, %dma_wait3A_516] : memref<50x40xi32, #tpu.memory_space<vmem>> -> memref<1x40xi32, #tpu.memory_space<vmem>>
    %dma_wait3A_518 = tpu.memref_squeeze %dma_wait3A_517 : memref<1x40xi32, #tpu.memory_space<vmem>> -> memref<40xi32, #tpu.memory_space<vmem>>
    %dma_wait3A_519 = arith.constant 0 : i32
    %dma_wait3A_520 = arith.constant 0 : i32
    %dma_wait3A_521 = tpu.memref_slice %arg9[%dma_wait3A_519, %dma_wait3A_520] : memref<10240x128xf32, #tpu.memory_space<vmem_shared>> -> memref<10240x128xf32, #tpu.memory_space<vmem_shared>>
    tpu.wait_indirect_dma semaphore(%arg16 : memref<!tpu.dma_semaphore, #tpu.memory_space<semaphore_mem>>) src(%dma_wait3A_515 : memref<40x128xf32, #tpu.memory_space<vmem>>) dst(%dma_wait3A_521 : memref<10240x128xf32, #tpu.memory_space<vmem_shared>>)
    %run_scoped3A_522 = arith.constant 4 : i32
    "tpu.region"() ({
      %run_scoped3A_655 = tpu.sem_alloc : memref<!tpu.dma_semaphore, #tpu.memory_space<semaphore_mem>>
      %dma_start3A_656 = arith.constant 0 : i32
      %dma_start3A_657 = arith.constant 0 : i32
      %dma_start3A_658 = tpu.memref_slice %arg2[%add3A, %run_scoped3A_522, %dma_start3A_656, %dma_start3A_657] : memref<32x5x50x40xi32, #tpu.memory_space<hbm>> -> memref<1x1x50x40xi32, #tpu.memory_space<hbm>>
      %dma_start3A_659 = tpu.memref_squeeze %dma_start3A_658 : memref<1x1x50x40xi32, #tpu.memory_space<hbm>> -> memref<50x40xi32, #tpu.memory_space<hbm>>
      %dma_start3A_660 = arith.constant 0 : i32
      %dma_start3A_661 = arith.constant 0 : i32
      %dma_start3A_662 = tpu.memref_slice %arg2[%add3A, %run_scoped3A_522, %dma_start3A_660, %dma_start3A_661] : memref<32x5x50x40xi32, #tpu.memory_space<hbm>> -> memref<1x1x50x40xi32, #tpu.memory_space<hbm>>
      %dma_start3A_663 = tpu.memref_squeeze %dma_start3A_662 : memref<1x1x50x40xi32, #tpu.memory_space<hbm>> -> memref<50x40xi32, #tpu.memory_space<hbm>>
      tpu.enqueue_dma source(%dma_start3A_663 : memref<50x40xi32, #tpu.memory_space<hbm>>) target(%arg6 : memref<50x40xi32, #tpu.memory_space<vmem>>) target_semaphore(%run_scoped3A_655 : memref<!tpu.dma_semaphore, #tpu.memory_space<semaphore_mem>>)
      %dma_wait3A_664 = arith.constant 0 : i32
      %dma_wait3A_665 = arith.constant 0 : i32
      %dma_wait3A_666 = tpu.memref_slice %arg2[%add3A, %run_scoped3A_522, %dma_wait3A_664, %dma_wait3A_665] : memref<32x5x50x40xi32, #tpu.memory_space<hbm>> -> memref<1x1x50x40xi32, #tpu.memory_space<hbm>>
      %dma_wait3A_667 = tpu.memref_squeeze %dma_wait3A_666 : memref<1x1x50x40xi32, #tpu.memory_space<hbm>> -> memref<50x40xi32, #tpu.memory_space<hbm>>
      %dma_wait3A_668 = arith.constant 0 : i32
      %dma_wait3A_669 = arith.constant 0 : i32
      %dma_wait3A_670 = tpu.memref_slice %arg2[%add3A, %run_scoped3A_522, %dma_wait3A_668, %dma_wait3A_669] : memref<32x5x50x40xi32, #tpu.memory_space<hbm>> -> memref<1x1x50x40xi32, #tpu.memory_space<hbm>>
      %dma_wait3A_671 = tpu.memref_squeeze %dma_wait3A_670 : memref<1x1x50x40xi32, #tpu.memory_space<hbm>> -> memref<50x40xi32, #tpu.memory_space<hbm>>
      tpu.wait_dma2 semaphore(%run_scoped3A_655 : memref<!tpu.dma_semaphore, #tpu.memory_space<semaphore_mem>>) src(%dma_wait3A_671 : memref<50x40xi32, #tpu.memory_space<hbm>>) dst(%arg6 : memref<50x40xi32, #tpu.memory_space<vmem>>)
      tpu.yield
    }) : () -> ()
    %run_scoped3A_523 = arith.constant 4 : i32
    "tpu.region"() ({
      %run_scoped3A_655 = tpu.sem_alloc : memref<!tpu.dma_semaphore, #tpu.memory_space<semaphore_mem>>
      %dma_start3A_656 = arith.constant 0 : i32
      %dma_start3A_657 = arith.constant 0 : i32
      %dma_start3A_658 = tpu.memref_slice %arg3[%add3A, %run_scoped3A_523, %dma_start3A_656, %dma_start3A_657] : memref<32x5x50x40xi32, #tpu.memory_space<hbm>> -> memref<1x1x50x40xi32, #tpu.memory_space<hbm>>
      %dma_start3A_659 = tpu.memref_squeeze %dma_start3A_658 : memref<1x1x50x40xi32, #tpu.memory_space<hbm>> -> memref<50x40xi32, #tpu.memory_space<hbm>>
      %dma_start3A_660 = arith.constant 0 : i32
      %dma_start3A_661 = arith.constant 0 : i32
      %dma_start3A_662 = tpu.memref_slice %arg3[%add3A, %run_scoped3A_523, %dma_start3A_660, %dma_start3A_661] : memref<32x5x50x40xi32, #tpu.memory_space<hbm>> -> memref<1x1x50x40xi32, #tpu.memory_space<hbm>>
      %dma_start3A_663 = tpu.memref_squeeze %dma_start3A_662 : memref<1x1x50x40xi32, #tpu.memory_space<hbm>> -> memref<50x40xi32, #tpu.memory_space<hbm>>
      tpu.enqueue_dma source(%dma_start3A_663 : memref<50x40xi32, #tpu.memory_space<hbm>>) target(%arg7 : memref<50x40xi32, #tpu.memory_space<vmem>>) target_semaphore(%run_scoped3A_655 : memref<!tpu.dma_semaphore, #tpu.memory_space<semaphore_mem>>)
      %dma_wait3A_664 = arith.constant 0 : i32
      %dma_wait3A_665 = arith.constant 0 : i32
      %dma_wait3A_666 = tpu.memref_slice %arg3[%add3A, %run_scoped3A_523, %dma_wait3A_664, %dma_wait3A_665] : memref<32x5x50x40xi32, #tpu.memory_space<hbm>> -> memref<1x1x50x40xi32, #tpu.memory_space<hbm>>
      %dma_wait3A_667 = tpu.memref_squeeze %dma_wait3A_666 : memref<1x1x50x40xi32, #tpu.memory_space<hbm>> -> memref<50x40xi32, #tpu.memory_space<hbm>>
      %dma_wait3A_668 = arith.constant 0 : i32
      %dma_wait3A_669 = arith.constant 0 : i32
      %dma_wait3A_670 = tpu.memref_slice %arg3[%add3A, %run_scoped3A_523, %dma_wait3A_668, %dma_wait3A_669] : memref<32x5x50x40xi32, #tpu.memory_space<hbm>> -> memref<1x1x50x40xi32, #tpu.memory_space<hbm>>
      %dma_wait3A_671 = tpu.memref_squeeze %dma_wait3A_670 : memref<1x1x50x40xi32, #tpu.memory_space<hbm>> -> memref<50x40xi32, #tpu.memory_space<hbm>>
      tpu.wait_dma2 semaphore(%run_scoped3A_655 : memref<!tpu.dma_semaphore, #tpu.memory_space<semaphore_mem>>) src(%dma_wait3A_671 : memref<50x40xi32, #tpu.memory_space<hbm>>) dst(%arg7 : memref<50x40xi32, #tpu.memory_space<vmem>>)
      tpu.yield
    }) : () -> ()
    %dma_start3A_524 = arith.constant 0 : i32
    %dma_start3A_525 = arith.constant 40 : i32
    %dma_start3A_526 = arith.constant 0 : i32
    %dma_start3A_527 = tpu.memref_slice %arg8[%dma_start3A_525, %dma_start3A_526] : memref<240x128xf32, #tpu.memory_space<vmem>> -> memref<40x128xf32, #tpu.memory_space<vmem>>
    %dma_start3A_528 = arith.constant 0 : i32
    %dma_start3A_529 = tpu.memref_slice %arg6[%dma_start3A_524, %dma_start3A_528] : memref<50x40xi32, #tpu.memory_space<vmem>> -> memref<1x40xi32, #tpu.memory_space<vmem>>
    %dma_start3A_530 = tpu.memref_squeeze %dma_start3A_529 : memref<1x40xi32, #tpu.memory_space<vmem>> -> memref<40xi32, #tpu.memory_space<vmem>>
    %dma_start3A_531 = arith.constant 0 : i32
    %dma_start3A_532 = arith.constant 0 : i32
    %dma_start3A_533 = tpu.memref_slice %arg4[%dma_start3A_531, %dma_start3A_532] : memref<10000x128xf32, #tpu.memory_space<hbm>> -> memref<10000x128xf32, #tpu.memory_space<hbm>>
    tpu.enqueue_indirect_dma source(%dma_start3A_533 : memref<10000x128xf32, #tpu.memory_space<hbm>>) target(%dma_start3A_527 : memref<40x128xf32, #tpu.memory_space<vmem>>) offsets(%dma_start3A_530 : memref<40xi32, #tpu.memory_space<vmem>>) semaphore(%arg11 : memref<!tpu.dma_semaphore, #tpu.memory_space<semaphore_mem>>)
    %dma_start3A_534 = arith.constant 1 : i32
    %dma_start3A_535 = arith.constant 80 : i32
    %dma_start3A_536 = arith.constant 0 : i32
    %dma_start3A_537 = tpu.memref_slice %arg8[%dma_start3A_535, %dma_start3A_536] : memref<240x128xf32, #tpu.memory_space<vmem>> -> memref<40x128xf32, #tpu.memory_space<vmem>>
    %dma_start3A_538 = arith.constant 0 : i32
    %dma_start3A_539 = tpu.memref_slice %arg6[%dma_start3A_534, %dma_start3A_538] : memref<50x40xi32, #tpu.memory_space<vmem>> -> memref<1x40xi32, #tpu.memory_space<vmem>>
    %dma_start3A_540 = tpu.memref_squeeze %dma_start3A_539 : memref<1x40xi32, #tpu.memory_space<vmem>> -> memref<40xi32, #tpu.memory_space<vmem>>
    %dma_start3A_541 = arith.constant 0 : i32
    %dma_start3A_542 = arith.constant 0 : i32
    %dma_start3A_543 = tpu.memref_slice %arg4[%dma_start3A_541, %dma_start3A_542] : memref<10000x128xf32, #tpu.memory_space<hbm>> -> memref<10000x128xf32, #tpu.memory_space<hbm>>
    tpu.enqueue_indirect_dma source(%dma_start3A_543 : memref<10000x128xf32, #tpu.memory_space<hbm>>) target(%dma_start3A_537 : memref<40x128xf32, #tpu.memory_space<vmem>>) offsets(%dma_start3A_540 : memref<40xi32, #tpu.memory_space<vmem>>) semaphore(%arg12 : memref<!tpu.dma_semaphore, #tpu.memory_space<semaphore_mem>>)
    %dma_start3A_544 = arith.constant 2 : i32
    %dma_start3A_545 = arith.constant 120 : i32
    %dma_start3A_546 = arith.constant 0 : i32
    %dma_start3A_547 = tpu.memref_slice %arg8[%dma_start3A_545, %dma_start3A_546] : memref<240x128xf32, #tpu.memory_space<vmem>> -> memref<40x128xf32, #tpu.memory_space<vmem>>
    %dma_start3A_548 = arith.constant 0 : i32
    %dma_start3A_549 = tpu.memref_slice %arg6[%dma_start3A_544, %dma_start3A_548] : memref<50x40xi32, #tpu.memory_space<vmem>> -> memref<1x40xi32, #tpu.memory_space<vmem>>
    %dma_start3A_550 = tpu.memref_squeeze %dma_start3A_549 : memref<1x40xi32, #tpu.memory_space<vmem>> -> memref<40xi32, #tpu.memory_space<vmem>>
    %dma_start3A_551 = arith.constant 0 : i32
    %dma_start3A_552 = arith.constant 0 : i32
    %dma_start3A_553 = tpu.memref_slice %arg4[%dma_start3A_551, %dma_start3A_552] : memref<10000x128xf32, #tpu.memory_space<hbm>> -> memref<10000x128xf32, #tpu.memory_space<hbm>>
    tpu.enqueue_indirect_dma source(%dma_start3A_553 : memref<10000x128xf32, #tpu.memory_space<hbm>>) target(%dma_start3A_547 : memref<40x128xf32, #tpu.memory_space<vmem>>) offsets(%dma_start3A_550 : memref<40xi32, #tpu.memory_space<vmem>>) semaphore(%arg13 : memref<!tpu.dma_semaphore, #tpu.memory_space<semaphore_mem>>)
    %dma_start3A_554 = arith.constant 3 : i32
    %dma_start3A_555 = arith.constant 160 : i32
    %dma_start3A_556 = arith.constant 0 : i32
    %dma_start3A_557 = tpu.memref_slice %arg8[%dma_start3A_555, %dma_start3A_556] : memref<240x128xf32, #tpu.memory_space<vmem>> -> memref<40x128xf32, #tpu.memory_space<vmem>>
    %dma_start3A_558 = arith.constant 0 : i32
    %dma_start3A_559 = tpu.memref_slice %arg6[%dma_start3A_554, %dma_start3A_558] : memref<50x40xi32, #tpu.memory_space<vmem>> -> memref<1x40xi32, #tpu.memory_space<vmem>>
    %dma_start3A_560 = tpu.memref_squeeze %dma_start3A_559 : memref<1x40xi32, #tpu.memory_space<vmem>> -> memref<40xi32, #tpu.memory_space<vmem>>
    %dma_start3A_561 = arith.constant 0 : i32
    %dma_start3A_562 = arith.constant 0 : i32
    %dma_start3A_563 = tpu.memref_slice %arg4[%dma_start3A_561, %dma_start3A_562] : memref<10000x128xf32, #tpu.memory_space<hbm>> -> memref<10000x128xf32, #tpu.memory_space<hbm>>
    tpu.enqueue_indirect_dma source(%dma_start3A_563 : memref<10000x128xf32, #tpu.memory_space<hbm>>) target(%dma_start3A_557 : memref<40x128xf32, #tpu.memory_space<vmem>>) offsets(%dma_start3A_560 : memref<40xi32, #tpu.memory_space<vmem>>) semaphore(%arg14 : memref<!tpu.dma_semaphore, #tpu.memory_space<semaphore_mem>>)
    %dma_start3A_564 = arith.constant 4 : i32
    %dma_start3A_565 = arith.constant 200 : i32
    %dma_start3A_566 = arith.constant 0 : i32
    %dma_start3A_567 = tpu.memref_slice %arg8[%dma_start3A_565, %dma_start3A_566] : memref<240x128xf32, #tpu.memory_space<vmem>> -> memref<40x128xf32, #tpu.memory_space<vmem>>
    %dma_start3A_568 = arith.constant 0 : i32
    %dma_start3A_569 = tpu.memref_slice %arg6[%dma_start3A_564, %dma_start3A_568] : memref<50x40xi32, #tpu.memory_space<vmem>> -> memref<1x40xi32, #tpu.memory_space<vmem>>
    %dma_start3A_570 = tpu.memref_squeeze %dma_start3A_569 : memref<1x40xi32, #tpu.memory_space<vmem>> -> memref<40xi32, #tpu.memory_space<vmem>>
    %dma_start3A_571 = arith.constant 0 : i32
    %dma_start3A_572 = arith.constant 0 : i32
    %dma_start3A_573 = tpu.memref_slice %arg4[%dma_start3A_571, %dma_start3A_572] : memref<10000x128xf32, #tpu.memory_space<hbm>> -> memref<10000x128xf32, #tpu.memory_space<hbm>>
    tpu.enqueue_indirect_dma source(%dma_start3A_573 : memref<10000x128xf32, #tpu.memory_space<hbm>>) target(%dma_start3A_567 : memref<40x128xf32, #tpu.memory_space<vmem>>) offsets(%dma_start3A_570 : memref<40xi32, #tpu.memory_space<vmem>>) semaphore(%arg15 : memref<!tpu.dma_semaphore, #tpu.memory_space<semaphore_mem>>)
    %dma_start3A_574 = arith.constant 5 : i32
    %dma_start3A_575 = arith.constant 0 : i32
    %dma_start3A_576 = arith.constant 0 : i32
    %dma_start3A_577 = tpu.memref_slice %arg8[%dma_start3A_575, %dma_start3A_576] : memref<240x128xf32, #tpu.memory_space<vmem>> -> memref<40x128xf32, #tpu.memory_space<vmem>>
    %dma_start3A_578 = arith.constant 0 : i32
    %dma_start3A_579 = tpu.memref_slice %arg6[%dma_start3A_574, %dma_start3A_578] : memref<50x40xi32, #tpu.memory_space<vmem>> -> memref<1x40xi32, #tpu.memory_space<vmem>>
    %dma_start3A_580 = tpu.memref_squeeze %dma_start3A_579 : memref<1x40xi32, #tpu.memory_space<vmem>> -> memref<40xi32, #tpu.memory_space<vmem>>
    %dma_start3A_581 = arith.constant 0 : i32
    %dma_start3A_582 = arith.constant 0 : i32
    %dma_start3A_583 = tpu.memref_slice %arg4[%dma_start3A_581, %dma_start3A_582] : memref<10000x128xf32, #tpu.memory_space<hbm>> -> memref<10000x128xf32, #tpu.memory_space<hbm>>
    tpu.enqueue_indirect_dma source(%dma_start3A_583 : memref<10000x128xf32, #tpu.memory_space<hbm>>) target(%dma_start3A_577 : memref<40x128xf32, #tpu.memory_space<vmem>>) offsets(%dma_start3A_580 : memref<40xi32, #tpu.memory_space<vmem>>) semaphore(%arg10 : memref<!tpu.dma_semaphore, #tpu.memory_space<semaphore_mem>>)
    %scan3A_584 = arith.constant 0 : i32
    %scan3A_585 = arith.constant 0 : i32
    %scan3A_586 = arith.constant 9 : i32
    %scan3A_587 = arith.addi %scan3A_585, %scan3A_586 : i32
    %scan3A_588 = arith.constant 1 : i32
    scf.for %scan3A_655 = %scan3A_585 to %scan3A_587 step %scan3A_588  : i32 {
      %mul3A_656 = arith.constant 6 : i32
      %mul3A_657 = arith.muli %mul3A_656, %scan3A_655 : i32
      %add3A_658 = arith.constant 0 : i32
      %add3A_659 = arith.addi %mul3A_657, %add3A_658 : i32
      %lt3A = arith.constant 50 : i32
      %lt3A_660 = arith.cmpi slt, %add3A_659, %lt3A : i32
      %convert_element_type3A = arith.extui %lt3A_660 : i1 to i32
      %cond3A = arith.constant 0 : i32
      %cond3A_661 = arith.cmpi ne, %convert_element_type3A, %cond3A : i32
      scf.if %cond3A_661 {
        %dma_wait3A_751 = arith.constant 0 : i32
        %dma_wait3A_752 = arith.constant 40 : i32
        %dma_wait3A_753 = arith.constant 0 : i32
        %dma_wait3A_754 = tpu.memref_slice %arg8[%dma_wait3A_752, %dma_wait3A_753] : memref<240x128xf32, #tpu.memory_space<vmem>> -> memref<40x128xf32, #tpu.memory_space<vmem>>
        %dma_wait3A_755 = arith.constant 0 : i32
        %dma_wait3A_756 = tpu.memref_slice %arg6[%dma_wait3A_751, %dma_wait3A_755] : memref<50x40xi32, #tpu.memory_space<vmem>> -> memref<1x40xi32, #tpu.memory_space<vmem>>
        %dma_wait3A_757 = tpu.memref_squeeze %dma_wait3A_756 : memref<1x40xi32, #tpu.memory_space<vmem>> -> memref<40xi32, #tpu.memory_space<vmem>>
        %dma_wait3A_758 = arith.constant 0 : i32
        %dma_wait3A_759 = arith.constant 0 : i32
        %dma_wait3A_760 = tpu.memref_slice %arg4[%dma_wait3A_758, %dma_wait3A_759] : memref<10000x128xf32, #tpu.memory_space<hbm>> -> memref<10000x128xf32, #tpu.memory_space<hbm>>
        tpu.wait_indirect_dma semaphore(%arg11 : memref<!tpu.dma_semaphore, #tpu.memory_space<semaphore_mem>>) src(%dma_wait3A_760 : memref<10000x128xf32, #tpu.memory_space<hbm>>) dst(%dma_wait3A_754 : memref<40x128xf32, #tpu.memory_space<vmem>>)
        %dma_start3A_761 = arith.constant 40 : i32
        %dma_start3A_762 = arith.constant 0 : i32
        %dma_start3A_763 = tpu.memref_slice %arg8[%dma_start3A_761, %dma_start3A_762] : memref<240x128xf32, #tpu.memory_space<vmem>> -> memref<40x128xf32, #tpu.memory_space<vmem>>
        %dma_start3A_764 = arith.constant 0 : i32
        %dma_start3A_765 = tpu.memref_slice %arg7[%add3A_659, %dma_start3A_764] : memref<50x40xi32, #tpu.memory_space<vmem>> -> memref<1x40xi32, #tpu.memory_space<vmem>>
        %dma_start3A_766 = tpu.memref_squeeze %dma_start3A_765 : memref<1x40xi32, #tpu.memory_space<vmem>> -> memref<40xi32, #tpu.memory_space<vmem>>
        %dma_start3A_767 = arith.constant 0 : i32
        %dma_start3A_768 = arith.constant 0 : i32
        %dma_start3A_769 = tpu.memref_slice %arg9[%dma_start3A_767, %dma_start3A_768] : memref<10240x128xf32, #tpu.memory_space<vmem_shared>> -> memref<10240x128xf32, #tpu.memory_space<vmem_shared>>
        tpu.enqueue_indirect_dma source(%dma_start3A_763 : memref<40x128xf32, #tpu.memory_space<vmem>>) target(%dma_start3A_769 : memref<10240x128xf32, #tpu.memory_space<vmem_shared>>) offsets(%dma_start3A_766 : memref<40xi32, #tpu.memory_space<vmem>>) semaphore(%arg17 : memref<!tpu.dma_semaphore, #tpu.memory_space<semaphore_mem>>) {add = true}
      } else {
      }
      %add3A_662 = arith.constant 1 : i32
      %add3A_663 = arith.addi %mul3A_657, %add3A_662 : i32
      %lt3A_664 = arith.constant 50 : i32
      %lt3A_665 = arith.cmpi slt, %add3A_663, %lt3A_664 : i32
      %convert_element_type3A_666 = arith.extui %lt3A_665 : i1 to i32
      %cond3A_667 = arith.constant 0 : i32
      %cond3A_668 = arith.cmpi ne, %convert_element_type3A_666, %cond3A_667 : i32
      scf.if %cond3A_668 {
        %dma_wait3A_751 = arith.constant 0 : i32
        %dma_wait3A_752 = arith.constant 80 : i32
        %dma_wait3A_753 = arith.constant 0 : i32
        %dma_wait3A_754 = tpu.memref_slice %arg8[%dma_wait3A_752, %dma_wait3A_753] : memref<240x128xf32, #tpu.memory_space<vmem>> -> memref<40x128xf32, #tpu.memory_space<vmem>>
        %dma_wait3A_755 = arith.constant 0 : i32
        %dma_wait3A_756 = tpu.memref_slice %arg6[%dma_wait3A_751, %dma_wait3A_755] : memref<50x40xi32, #tpu.memory_space<vmem>> -> memref<1x40xi32, #tpu.memory_space<vmem>>
        %dma_wait3A_757 = tpu.memref_squeeze %dma_wait3A_756 : memref<1x40xi32, #tpu.memory_space<vmem>> -> memref<40xi32, #tpu.memory_space<vmem>>
        %dma_wait3A_758 = arith.constant 0 : i32
        %dma_wait3A_759 = arith.constant 0 : i32
        %dma_wait3A_760 = tpu.memref_slice %arg4[%dma_wait3A_758, %dma_wait3A_759] : memref<10000x128xf32, #tpu.memory_space<hbm>> -> memref<10000x128xf32, #tpu.memory_space<hbm>>
        tpu.wait_indirect_dma semaphore(%arg12 : memref<!tpu.dma_semaphore, #tpu.memory_space<semaphore_mem>>) src(%dma_wait3A_760 : memref<10000x128xf32, #tpu.memory_space<hbm>>) dst(%dma_wait3A_754 : memref<40x128xf32, #tpu.memory_space<vmem>>)
        %dma_start3A_761 = arith.constant 80 : i32
        %dma_start3A_762 = arith.constant 0 : i32
        %dma_start3A_763 = tpu.memref_slice %arg8[%dma_start3A_761, %dma_start3A_762] : memref<240x128xf32, #tpu.memory_space<vmem>> -> memref<40x128xf32, #tpu.memory_space<vmem>>
        %dma_start3A_764 = arith.constant 0 : i32
        %dma_start3A_765 = tpu.memref_slice %arg7[%add3A_663, %dma_start3A_764] : memref<50x40xi32, #tpu.memory_space<vmem>> -> memref<1x40xi32, #tpu.memory_space<vmem>>
        %dma_start3A_766 = tpu.memref_squeeze %dma_start3A_765 : memref<1x40xi32, #tpu.memory_space<vmem>> -> memref<40xi32, #tpu.memory_space<vmem>>
        %dma_start3A_767 = arith.constant 0 : i32
        %dma_start3A_768 = arith.constant 0 : i32
        %dma_start3A_769 = tpu.memref_slice %arg9[%dma_start3A_767, %dma_start3A_768] : memref<10240x128xf32, #tpu.memory_space<vmem_shared>> -> memref<10240x128xf32, #tpu.memory_space<vmem_shared>>
        tpu.enqueue_indirect_dma source(%dma_start3A_763 : memref<40x128xf32, #tpu.memory_space<vmem>>) target(%dma_start3A_769 : memref<10240x128xf32, #tpu.memory_space<vmem_shared>>) offsets(%dma_start3A_766 : memref<40xi32, #tpu.memory_space<vmem>>) semaphore(%arg18 : memref<!tpu.dma_semaphore, #tpu.memory_space<semaphore_mem>>) {add = true}
      } else {
      }
      %add3A_669 = arith.constant 2 : i32
      %add3A_670 = arith.addi %mul3A_657, %add3A_669 : i32
      %lt3A_671 = arith.constant 50 : i32
      %lt3A_672 = arith.cmpi slt, %add3A_670, %lt3A_671 : i32
      %convert_element_type3A_673 = arith.extui %lt3A_672 : i1 to i32
      %cond3A_674 = arith.constant 0 : i32
      %cond3A_675 = arith.cmpi ne, %convert_element_type3A_673, %cond3A_674 : i32
      scf.if %cond3A_675 {
        %dma_wait3A_751 = arith.constant 0 : i32
        %dma_wait3A_752 = arith.constant 120 : i32
        %dma_wait3A_753 = arith.constant 0 : i32
        %dma_wait3A_754 = tpu.memref_slice %arg8[%dma_wait3A_752, %dma_wait3A_753] : memref<240x128xf32, #tpu.memory_space<vmem>> -> memref<40x128xf32, #tpu.memory_space<vmem>>
        %dma_wait3A_755 = arith.constant 0 : i32
        %dma_wait3A_756 = tpu.memref_slice %arg6[%dma_wait3A_751, %dma_wait3A_755] : memref<50x40xi32, #tpu.memory_space<vmem>> -> memref<1x40xi32, #tpu.memory_space<vmem>>
        %dma_wait3A_757 = tpu.memref_squeeze %dma_wait3A_756 : memref<1x40xi32, #tpu.memory_space<vmem>> -> memref<40xi32, #tpu.memory_space<vmem>>
        %dma_wait3A_758 = arith.constant 0 : i32
        %dma_wait3A_759 = arith.constant 0 : i32
        %dma_wait3A_760 = tpu.memref_slice %arg4[%dma_wait3A_758, %dma_wait3A_759] : memref<10000x128xf32, #tpu.memory_space<hbm>> -> memref<10000x128xf32, #tpu.memory_space<hbm>>
        tpu.wait_indirect_dma semaphore(%arg13 : memref<!tpu.dma_semaphore, #tpu.memory_space<semaphore_mem>>) src(%dma_wait3A_760 : memref<10000x128xf32, #tpu.memory_space<hbm>>) dst(%dma_wait3A_754 : memref<40x128xf32, #tpu.memory_space<vmem>>)
        %dma_start3A_761 = arith.constant 120 : i32
        %dma_start3A_762 = arith.constant 0 : i32
        %dma_start3A_763 = tpu.memref_slice %arg8[%dma_start3A_761, %dma_start3A_762] : memref<240x128xf32, #tpu.memory_space<vmem>> -> memref<40x128xf32, #tpu.memory_space<vmem>>
        %dma_start3A_764 = arith.constant 0 : i32
        %dma_start3A_765 = tpu.memref_slice %arg7[%add3A_670, %dma_start3A_764] : memref<50x40xi32, #tpu.memory_space<vmem>> -> memref<1x40xi32, #tpu.memory_space<vmem>>
        %dma_start3A_766 = tpu.memref_squeeze %dma_start3A_765 : memref<1x40xi32, #tpu.memory_space<vmem>> -> memref<40xi32, #tpu.memory_space<vmem>>
        %dma_start3A_767 = arith.constant 0 : i32
        %dma_start3A_768 = arith.constant 0 : i32
        %dma_start3A_769 = tpu.memref_slice %arg9[%dma_start3A_767, %dma_start3A_768] : memref<10240x128xf32, #tpu.memory_space<vmem_shared>> -> memref<10240x128xf32, #tpu.memory_space<vmem_shared>>
        tpu.enqueue_indirect_dma source(%dma_start3A_763 : memref<40x128xf32, #tpu.memory_space<vmem>>) target(%dma_start3A_769 : memref<10240x128xf32, #tpu.memory_space<vmem_shared>>) offsets(%dma_start3A_766 : memref<40xi32, #tpu.memory_space<vmem>>) semaphore(%arg19 : memref<!tpu.dma_semaphore, #tpu.memory_space<semaphore_mem>>) {add = true}
      } else {
      }
      %add3A_676 = arith.constant 3 : i32
      %add3A_677 = arith.addi %mul3A_657, %add3A_676 : i32
      %lt3A_678 = arith.constant 50 : i32
      %lt3A_679 = arith.cmpi slt, %add3A_677, %lt3A_678 : i32
      %convert_element_type3A_680 = arith.extui %lt3A_679 : i1 to i32
      %cond3A_681 = arith.constant 0 : i32
      %cond3A_682 = arith.cmpi ne, %convert_element_type3A_680, %cond3A_681 : i32
      scf.if %cond3A_682 {
        %dma_wait3A_751 = arith.constant 0 : i32
        %dma_wait3A_752 = arith.constant 160 : i32
        %dma_wait3A_753 = arith.constant 0 : i32
        %dma_wait3A_754 = tpu.memref_slice %arg8[%dma_wait3A_752, %dma_wait3A_753] : memref<240x128xf32, #tpu.memory_space<vmem>> -> memref<40x128xf32, #tpu.memory_space<vmem>>
        %dma_wait3A_755 = arith.constant 0 : i32
        %dma_wait3A_756 = tpu.memref_slice %arg6[%dma_wait3A_751, %dma_wait3A_755] : memref<50x40xi32, #tpu.memory_space<vmem>> -> memref<1x40xi32, #tpu.memory_space<vmem>>
        %dma_wait3A_757 = tpu.memref_squeeze %dma_wait3A_756 : memref<1x40xi32, #tpu.memory_space<vmem>> -> memref<40xi32, #tpu.memory_space<vmem>>
        %dma_wait3A_758 = arith.constant 0 : i32
        %dma_wait3A_759 = arith.constant 0 : i32
        %dma_wait3A_760 = tpu.memref_slice %arg4[%dma_wait3A_758, %dma_wait3A_759] : memref<10000x128xf32, #tpu.memory_space<hbm>> -> memref<10000x128xf32, #tpu.memory_space<hbm>>
        tpu.wait_indirect_dma semaphore(%arg14 : memref<!tpu.dma_semaphore, #tpu.memory_space<semaphore_mem>>) src(%dma_wait3A_760 : memref<10000x128xf32, #tpu.memory_space<hbm>>) dst(%dma_wait3A_754 : memref<40x128xf32, #tpu.memory_space<vmem>>)
        %dma_start3A_761 = arith.constant 160 : i32
        %dma_start3A_762 = arith.constant 0 : i32
        %dma_start3A_763 = tpu.memref_slice %arg8[%dma_start3A_761, %dma_start3A_762] : memref<240x128xf32, #tpu.memory_space<vmem>> -> memref<40x128xf32, #tpu.memory_space<vmem>>
        %dma_start3A_764 = arith.constant 0 : i32
        %dma_start3A_765 = tpu.memref_slice %arg7[%add3A_677, %dma_start3A_764] : memref<50x40xi32, #tpu.memory_space<vmem>> -> memref<1x40xi32, #tpu.memory_space<vmem>>
        %dma_start3A_766 = tpu.memref_squeeze %dma_start3A_765 : memref<1x40xi32, #tpu.memory_space<vmem>> -> memref<40xi32, #tpu.memory_space<vmem>>
        %dma_start3A_767 = arith.constant 0 : i32
        %dma_start3A_768 = arith.constant 0 : i32
        %dma_start3A_769 = tpu.memref_slice %arg9[%dma_start3A_767, %dma_start3A_768] : memref<10240x128xf32, #tpu.memory_space<vmem_shared>> -> memref<10240x128xf32, #tpu.memory_space<vmem_shared>>
        tpu.enqueue_indirect_dma source(%dma_start3A_763 : memref<40x128xf32, #tpu.memory_space<vmem>>) target(%dma_start3A_769 : memref<10240x128xf32, #tpu.memory_space<vmem_shared>>) offsets(%dma_start3A_766 : memref<40xi32, #tpu.memory_space<vmem>>) semaphore(%arg20 : memref<!tpu.dma_semaphore, #tpu.memory_space<semaphore_mem>>) {add = true}
      } else {
      }
      %add3A_683 = arith.constant 4 : i32
      %add3A_684 = arith.addi %mul3A_657, %add3A_683 : i32
      %lt3A_685 = arith.constant 50 : i32
      %lt3A_686 = arith.cmpi slt, %add3A_684, %lt3A_685 : i32
      %convert_element_type3A_687 = arith.extui %lt3A_686 : i1 to i32
      %cond3A_688 = arith.constant 0 : i32
      %cond3A_689 = arith.cmpi ne, %convert_element_type3A_687, %cond3A_688 : i32
      scf.if %cond3A_689 {
        %dma_wait3A_751 = arith.constant 0 : i32
        %dma_wait3A_752 = arith.constant 200 : i32
        %dma_wait3A_753 = arith.constant 0 : i32
        %dma_wait3A_754 = tpu.memref_slice %arg8[%dma_wait3A_752, %dma_wait3A_753] : memref<240x128xf32, #tpu.memory_space<vmem>> -> memref<40x128xf32, #tpu.memory_space<vmem>>
        %dma_wait3A_755 = arith.constant 0 : i32
        %dma_wait3A_756 = tpu.memref_slice %arg6[%dma_wait3A_751, %dma_wait3A_755] : memref<50x40xi32, #tpu.memory_space<vmem>> -> memref<1x40xi32, #tpu.memory_space<vmem>>
        %dma_wait3A_757 = tpu.memref_squeeze %dma_wait3A_756 : memref<1x40xi32, #tpu.memory_space<vmem>> -> memref<40xi32, #tpu.memory_space<vmem>>
        %dma_wait3A_758 = arith.constant 0 : i32
        %dma_wait3A_759 = arith.constant 0 : i32
        %dma_wait3A_760 = tpu.memref_slice %arg4[%dma_wait3A_758, %dma_wait3A_759] : memref<10000x128xf32, #tpu.memory_space<hbm>> -> memref<10000x128xf32, #tpu.memory_space<hbm>>
        tpu.wait_indirect_dma semaphore(%arg15 : memref<!tpu.dma_semaphore, #tpu.memory_space<semaphore_mem>>) src(%dma_wait3A_760 : memref<10000x128xf32, #tpu.memory_space<hbm>>) dst(%dma_wait3A_754 : memref<40x128xf32, #tpu.memory_space<vmem>>)
        %dma_start3A_761 = arith.constant 200 : i32
        %dma_start3A_762 = arith.constant 0 : i32
        %dma_start3A_763 = tpu.memref_slice %arg8[%dma_start3A_761, %dma_start3A_762] : memref<240x128xf32, #tpu.memory_space<vmem>> -> memref<40x128xf32, #tpu.memory_space<vmem>>
        %dma_start3A_764 = arith.constant 0 : i32
        %dma_start3A_765 = tpu.memref_slice %arg7[%add3A_684, %dma_start3A_764] : memref<50x40xi32, #tpu.memory_space<vmem>> -> memref<1x40xi32, #tpu.memory_space<vmem>>
        %dma_start3A_766 = tpu.memref_squeeze %dma_start3A_765 : memref<1x40xi32, #tpu.memory_space<vmem>> -> memref<40xi32, #tpu.memory_space<vmem>>
        %dma_start3A_767 = arith.constant 0 : i32
        %dma_start3A_768 = arith.constant 0 : i32
        %dma_start3A_769 = tpu.memref_slice %arg9[%dma_start3A_767, %dma_start3A_768] : memref<10240x128xf32, #tpu.memory_space<vmem_shared>> -> memref<10240x128xf32, #tpu.memory_space<vmem_shared>>
        tpu.enqueue_indirect_dma source(%dma_start3A_763 : memref<40x128xf32, #tpu.memory_space<vmem>>) target(%dma_start3A_769 : memref<10240x128xf32, #tpu.memory_space<vmem_shared>>) offsets(%dma_start3A_766 : memref<40xi32, #tpu.memory_space<vmem>>) semaphore(%arg21 : memref<!tpu.dma_semaphore, #tpu.memory_space<semaphore_mem>>) {add = true}
      } else {
      }
      %add3A_690 = arith.constant 5 : i32
      %add3A_691 = arith.addi %mul3A_657, %add3A_690 : i32
      %lt3A_692 = arith.constant 50 : i32
      %lt3A_693 = arith.cmpi slt, %add3A_691, %lt3A_692 : i32
      %convert_element_type3A_694 = arith.extui %lt3A_693 : i1 to i32
      %cond3A_695 = arith.constant 0 : i32
      %cond3A_696 = arith.cmpi ne, %convert_element_type3A_694, %cond3A_695 : i32
      scf.if %cond3A_696 {
        %dma_wait3A_751 = arith.constant 0 : i32
        %dma_wait3A_752 = arith.constant 0 : i32
        %dma_wait3A_753 = arith.constant 0 : i32
        %dma_wait3A_754 = tpu.memref_slice %arg8[%dma_wait3A_752, %dma_wait3A_753] : memref<240x128xf32, #tpu.memory_space<vmem>> -> memref<40x128xf32, #tpu.memory_space<vmem>>
        %dma_wait3A_755 = arith.constant 0 : i32
        %dma_wait3A_756 = tpu.memref_slice %arg6[%dma_wait3A_751, %dma_wait3A_755] : memref<50x40xi32, #tpu.memory_space<vmem>> -> memref<1x40xi32, #tpu.memory_space<vmem>>
        %dma_wait3A_757 = tpu.memref_squeeze %dma_wait3A_756 : memref<1x40xi32, #tpu.memory_space<vmem>> -> memref<40xi32, #tpu.memory_space<vmem>>
        %dma_wait3A_758 = arith.constant 0 : i32
        %dma_wait3A_759 = arith.constant 0 : i32
        %dma_wait3A_760 = tpu.memref_slice %arg4[%dma_wait3A_758, %dma_wait3A_759] : memref<10000x128xf32, #tpu.memory_space<hbm>> -> memref<10000x128xf32, #tpu.memory_space<hbm>>
        tpu.wait_indirect_dma semaphore(%arg10 : memref<!tpu.dma_semaphore, #tpu.memory_space<semaphore_mem>>) src(%dma_wait3A_760 : memref<10000x128xf32, #tpu.memory_space<hbm>>) dst(%dma_wait3A_754 : memref<40x128xf32, #tpu.memory_space<vmem>>)
        %dma_start3A_761 = arith.constant 0 : i32
        %dma_start3A_762 = arith.constant 0 : i32
        %dma_start3A_763 = tpu.memref_slice %arg8[%dma_start3A_761, %dma_start3A_762] : memref<240x128xf32, #tpu.memory_space<vmem>> -> memref<40x128xf32, #tpu.memory_space<vmem>>
        %dma_start3A_764 = arith.constant 0 : i32
        %dma_start3A_765 = tpu.memref_slice %arg7[%add3A_691, %dma_start3A_764] : memref<50x40xi32, #tpu.memory_space<vmem>> -> memref<1x40xi32, #tpu.memory_space<vmem>>
        %dma_start3A_766 = tpu.memref_squeeze %dma_start3A_765 : memref<1x40xi32, #tpu.memory_space<vmem>> -> memref<40xi32, #tpu.memory_space<vmem>>
        %dma_start3A_767 = arith.constant 0 : i32
        %dma_start3A_768 = arith.constant 0 : i32
        %dma_start3A_769 = tpu.memref_slice %arg9[%dma_start3A_767, %dma_start3A_768] : memref<10240x128xf32, #tpu.memory_space<vmem_shared>> -> memref<10240x128xf32, #tpu.memory_space<vmem_shared>>
        tpu.enqueue_indirect_dma source(%dma_start3A_763 : memref<40x128xf32, #tpu.memory_space<vmem>>) target(%dma_start3A_769 : memref<10240x128xf32, #tpu.memory_space<vmem_shared>>) offsets(%dma_start3A_766 : memref<40xi32, #tpu.memory_space<vmem>>) semaphore(%arg16 : memref<!tpu.dma_semaphore, #tpu.memory_space<semaphore_mem>>) {add = true}
      } else {
      }
      %add3A_697 = arith.constant 6 : i32
      %add3A_698 = arith.addi %mul3A_657, %add3A_697 : i32
      %add3A_699 = arith.constant 0 : i32
      %add3A_700 = arith.addi %add3A_698, %add3A_699 : i32
      %lt3A_701 = arith.constant 50 : i32
      %lt3A_702 = arith.cmpi slt, %add3A_700, %lt3A_701 : i32
      %convert_element_type3A_703 = arith.extui %lt3A_702 : i1 to i32
      %cond3A_704 = arith.constant 0 : i32
      %cond3A_705 = arith.cmpi ne, %convert_element_type3A_703, %cond3A_704 : i32
      scf.if %cond3A_705 {
        %dma_wait3A_751 = arith.constant 0 : i32
        %dma_wait3A_752 = arith.constant 40 : i32
        %dma_wait3A_753 = arith.constant 0 : i32
        %dma_wait3A_754 = tpu.memref_slice %arg8[%dma_wait3A_752, %dma_wait3A_753] : memref<240x128xf32, #tpu.memory_space<vmem>> -> memref<40x128xf32, #tpu.memory_space<vmem>>
        %dma_wait3A_755 = arith.constant 0 : i32
        %dma_wait3A_756 = tpu.memref_slice %arg7[%dma_wait3A_751, %dma_wait3A_755] : memref<50x40xi32, #tpu.memory_space<vmem>> -> memref<1x40xi32, #tpu.memory_space<vmem>>
        %dma_wait3A_757 = tpu.memref_squeeze %dma_wait3A_756 : memref<1x40xi32, #tpu.memory_space<vmem>> -> memref<40xi32, #tpu.memory_space<vmem>>
        %dma_wait3A_758 = arith.constant 0 : i32
        %dma_wait3A_759 = arith.constant 0 : i32
        %dma_wait3A_760 = tpu.memref_slice %arg9[%dma_wait3A_758, %dma_wait3A_759] : memref<10240x128xf32, #tpu.memory_space<vmem_shared>> -> memref<10240x128xf32, #tpu.memory_space<vmem_shared>>
        tpu.wait_indirect_dma semaphore(%arg17 : memref<!tpu.dma_semaphore, #tpu.memory_space<semaphore_mem>>) src(%dma_wait3A_754 : memref<40x128xf32, #tpu.memory_space<vmem>>) dst(%dma_wait3A_760 : memref<10240x128xf32, #tpu.memory_space<vmem_shared>>)
        %dma_start3A_761 = arith.constant 40 : i32
        %dma_start3A_762 = arith.constant 0 : i32
        %dma_start3A_763 = tpu.memref_slice %arg8[%dma_start3A_761, %dma_start3A_762] : memref<240x128xf32, #tpu.memory_space<vmem>> -> memref<40x128xf32, #tpu.memory_space<vmem>>
        %dma_start3A_764 = arith.constant 0 : i32
        %dma_start3A_765 = tpu.memref_slice %arg6[%add3A_700, %dma_start3A_764] : memref<50x40xi32, #tpu.memory_space<vmem>> -> memref<1x40xi32, #tpu.memory_space<vmem>>
        %dma_start3A_766 = tpu.memref_squeeze %dma_start3A_765 : memref<1x40xi32, #tpu.memory_space<vmem>> -> memref<40xi32, #tpu.memory_space<vmem>>
        %dma_start3A_767 = arith.constant 0 : i32
        %dma_start3A_768 = arith.constant 0 : i32
        %dma_start3A_769 = tpu.memref_slice %arg4[%dma_start3A_767, %dma_start3A_768] : memref<10000x128xf32, #tpu.memory_space<hbm>> -> memref<10000x128xf32, #tpu.memory_space<hbm>>
        tpu.enqueue_indirect_dma source(%dma_start3A_769 : memref<10000x128xf32, #tpu.memory_space<hbm>>) target(%dma_start3A_763 : memref<40x128xf32, #tpu.memory_space<vmem>>) offsets(%dma_start3A_766 : memref<40xi32, #tpu.memory_space<vmem>>) semaphore(%arg11 : memref<!tpu.dma_semaphore, #tpu.memory_space<semaphore_mem>>)
      } else {
      }
      %add3A_706 = arith.constant 6 : i32
      %add3A_707 = arith.addi %mul3A_657, %add3A_706 : i32
      %add3A_708 = arith.constant 1 : i32
      %add3A_709 = arith.addi %add3A_707, %add3A_708 : i32
      %lt3A_710 = arith.constant 50 : i32
      %lt3A_711 = arith.cmpi slt, %add3A_709, %lt3A_710 : i32
      %convert_element_type3A_712 = arith.extui %lt3A_711 : i1 to i32
      %cond3A_713 = arith.constant 0 : i32
      %cond3A_714 = arith.cmpi ne, %convert_element_type3A_712, %cond3A_713 : i32
      scf.if %cond3A_714 {
        %dma_wait3A_751 = arith.constant 0 : i32
        %dma_wait3A_752 = arith.constant 80 : i32
        %dma_wait3A_753 = arith.constant 0 : i32
        %dma_wait3A_754 = tpu.memref_slice %arg8[%dma_wait3A_752, %dma_wait3A_753] : memref<240x128xf32, #tpu.memory_space<vmem>> -> memref<40x128xf32, #tpu.memory_space<vmem>>
        %dma_wait3A_755 = arith.constant 0 : i32
        %dma_wait3A_756 = tpu.memref_slice %arg7[%dma_wait3A_751, %dma_wait3A_755] : memref<50x40xi32, #tpu.memory_space<vmem>> -> memref<1x40xi32, #tpu.memory_space<vmem>>
        %dma_wait3A_757 = tpu.memref_squeeze %dma_wait3A_756 : memref<1x40xi32, #tpu.memory_space<vmem>> -> memref<40xi32, #tpu.memory_space<vmem>>
        %dma_wait3A_758 = arith.constant 0 : i32
        %dma_wait3A_759 = arith.constant 0 : i32
        %dma_wait3A_760 = tpu.memref_slice %arg9[%dma_wait3A_758, %dma_wait3A_759] : memref<10240x128xf32, #tpu.memory_space<vmem_shared>> -> memref<10240x128xf32, #tpu.memory_space<vmem_shared>>
        tpu.wait_indirect_dma semaphore(%arg18 : memref<!tpu.dma_semaphore, #tpu.memory_space<semaphore_mem>>) src(%dma_wait3A_754 : memref<40x128xf32, #tpu.memory_space<vmem>>) dst(%dma_wait3A_760 : memref<10240x128xf32, #tpu.memory_space<vmem_shared>>)
        %dma_start3A_761 = arith.constant 80 : i32
        %dma_start3A_762 = arith.constant 0 : i32
        %dma_start3A_763 = tpu.memref_slice %arg8[%dma_start3A_761, %dma_start3A_762] : memref<240x128xf32, #tpu.memory_space<vmem>> -> memref<40x128xf32, #tpu.memory_space<vmem>>
        %dma_start3A_764 = arith.constant 0 : i32
        %dma_start3A_765 = tpu.memref_slice %arg6[%add3A_709, %dma_start3A_764] : memref<50x40xi32, #tpu.memory_space<vmem>> -> memref<1x40xi32, #tpu.memory_space<vmem>>
        %dma_start3A_766 = tpu.memref_squeeze %dma_start3A_765 : memref<1x40xi32, #tpu.memory_space<vmem>> -> memref<40xi32, #tpu.memory_space<vmem>>
        %dma_start3A_767 = arith.constant 0 : i32
        %dma_start3A_768 = arith.constant 0 : i32
        %dma_start3A_769 = tpu.memref_slice %arg4[%dma_start3A_767, %dma_start3A_768] : memref<10000x128xf32, #tpu.memory_space<hbm>> -> memref<10000x128xf32, #tpu.memory_space<hbm>>
        tpu.enqueue_indirect_dma source(%dma_start3A_769 : memref<10000x128xf32, #tpu.memory_space<hbm>>) target(%dma_start3A_763 : memref<40x128xf32, #tpu.memory_space<vmem>>) offsets(%dma_start3A_766 : memref<40xi32, #tpu.memory_space<vmem>>) semaphore(%arg12 : memref<!tpu.dma_semaphore, #tpu.memory_space<semaphore_mem>>)
      } else {
      }
      %add3A_715 = arith.constant 6 : i32
      %add3A_716 = arith.addi %mul3A_657, %add3A_715 : i32
      %add3A_717 = arith.constant 2 : i32
      %add3A_718 = arith.addi %add3A_716, %add3A_717 : i32
      %lt3A_719 = arith.constant 50 : i32
      %lt3A_720 = arith.cmpi slt, %add3A_718, %lt3A_719 : i32
      %convert_element_type3A_721 = arith.extui %lt3A_720 : i1 to i32
      %cond3A_722 = arith.constant 0 : i32
      %cond3A_723 = arith.cmpi ne, %convert_element_type3A_721, %cond3A_722 : i32
      scf.if %cond3A_723 {
        %dma_wait3A_751 = arith.constant 0 : i32
        %dma_wait3A_752 = arith.constant 120 : i32
        %dma_wait3A_753 = arith.constant 0 : i32
        %dma_wait3A_754 = tpu.memref_slice %arg8[%dma_wait3A_752, %dma_wait3A_753] : memref<240x128xf32, #tpu.memory_space<vmem>> -> memref<40x128xf32, #tpu.memory_space<vmem>>
        %dma_wait3A_755 = arith.constant 0 : i32
        %dma_wait3A_756 = tpu.memref_slice %arg7[%dma_wait3A_751, %dma_wait3A_755] : memref<50x40xi32, #tpu.memory_space<vmem>> -> memref<1x40xi32, #tpu.memory_space<vmem>>
        %dma_wait3A_757 = tpu.memref_squeeze %dma_wait3A_756 : memref<1x40xi32, #tpu.memory_space<vmem>> -> memref<40xi32, #tpu.memory_space<vmem>>
        %dma_wait3A_758 = arith.constant 0 : i32
        %dma_wait3A_759 = arith.constant 0 : i32
        %dma_wait3A_760 = tpu.memref_slice %arg9[%dma_wait3A_758, %dma_wait3A_759] : memref<10240x128xf32, #tpu.memory_space<vmem_shared>> -> memref<10240x128xf32, #tpu.memory_space<vmem_shared>>
        tpu.wait_indirect_dma semaphore(%arg19 : memref<!tpu.dma_semaphore, #tpu.memory_space<semaphore_mem>>) src(%dma_wait3A_754 : memref<40x128xf32, #tpu.memory_space<vmem>>) dst(%dma_wait3A_760 : memref<10240x128xf32, #tpu.memory_space<vmem_shared>>)
        %dma_start3A_761 = arith.constant 120 : i32
        %dma_start3A_762 = arith.constant 0 : i32
        %dma_start3A_763 = tpu.memref_slice %arg8[%dma_start3A_761, %dma_start3A_762] : memref<240x128xf32, #tpu.memory_space<vmem>> -> memref<40x128xf32, #tpu.memory_space<vmem>>
        %dma_start3A_764 = arith.constant 0 : i32
        %dma_start3A_765 = tpu.memref_slice %arg6[%add3A_718, %dma_start3A_764] : memref<50x40xi32, #tpu.memory_space<vmem>> -> memref<1x40xi32, #tpu.memory_space<vmem>>
        %dma_start3A_766 = tpu.memref_squeeze %dma_start3A_765 : memref<1x40xi32, #tpu.memory_space<vmem>> -> memref<40xi32, #tpu.memory_space<vmem>>
        %dma_start3A_767 = arith.constant 0 : i32
        %dma_start3A_768 = arith.constant 0 : i32
        %dma_start3A_769 = tpu.memref_slice %arg4[%dma_start3A_767, %dma_start3A_768] : memref<10000x128xf32, #tpu.memory_space<hbm>> -> memref<10000x128xf32, #tpu.memory_space<hbm>>
        tpu.enqueue_indirect_dma source(%dma_start3A_769 : memref<10000x128xf32, #tpu.memory_space<hbm>>) target(%dma_start3A_763 : memref<40x128xf32, #tpu.memory_space<vmem>>) offsets(%dma_start3A_766 : memref<40xi32, #tpu.memory_space<vmem>>) semaphore(%arg13 : memref<!tpu.dma_semaphore, #tpu.memory_space<semaphore_mem>>)
      } else {
      }
      %add3A_724 = arith.constant 6 : i32
      %add3A_725 = arith.addi %mul3A_657, %add3A_724 : i32
      %add3A_726 = arith.constant 3 : i32
      %add3A_727 = arith.addi %add3A_725, %add3A_726 : i32
      %lt3A_728 = arith.constant 50 : i32
      %lt3A_729 = arith.cmpi slt, %add3A_727, %lt3A_728 : i32
      %convert_element_type3A_730 = arith.extui %lt3A_729 : i1 to i32
      %cond3A_731 = arith.constant 0 : i32
      %cond3A_732 = arith.cmpi ne, %convert_element_type3A_730, %cond3A_731 : i32
      scf.if %cond3A_732 {
        %dma_wait3A_751 = arith.constant 0 : i32
        %dma_wait3A_752 = arith.constant 160 : i32
        %dma_wait3A_753 = arith.constant 0 : i32
        %dma_wait3A_754 = tpu.memref_slice %arg8[%dma_wait3A_752, %dma_wait3A_753] : memref<240x128xf32, #tpu.memory_space<vmem>> -> memref<40x128xf32, #tpu.memory_space<vmem>>
        %dma_wait3A_755 = arith.constant 0 : i32
        %dma_wait3A_756 = tpu.memref_slice %arg7[%dma_wait3A_751, %dma_wait3A_755] : memref<50x40xi32, #tpu.memory_space<vmem>> -> memref<1x40xi32, #tpu.memory_space<vmem>>
        %dma_wait3A_757 = tpu.memref_squeeze %dma_wait3A_756 : memref<1x40xi32, #tpu.memory_space<vmem>> -> memref<40xi32, #tpu.memory_space<vmem>>
        %dma_wait3A_758 = arith.constant 0 : i32
        %dma_wait3A_759 = arith.constant 0 : i32
        %dma_wait3A_760 = tpu.memref_slice %arg9[%dma_wait3A_758, %dma_wait3A_759] : memref<10240x128xf32, #tpu.memory_space<vmem_shared>> -> memref<10240x128xf32, #tpu.memory_space<vmem_shared>>
        tpu.wait_indirect_dma semaphore(%arg20 : memref<!tpu.dma_semaphore, #tpu.memory_space<semaphore_mem>>) src(%dma_wait3A_754 : memref<40x128xf32, #tpu.memory_space<vmem>>) dst(%dma_wait3A_760 : memref<10240x128xf32, #tpu.memory_space<vmem_shared>>)
        %dma_start3A_761 = arith.constant 160 : i32
        %dma_start3A_762 = arith.constant 0 : i32
        %dma_start3A_763 = tpu.memref_slice %arg8[%dma_start3A_761, %dma_start3A_762] : memref<240x128xf32, #tpu.memory_space<vmem>> -> memref<40x128xf32, #tpu.memory_space<vmem>>
        %dma_start3A_764 = arith.constant 0 : i32
        %dma_start3A_765 = tpu.memref_slice %arg6[%add3A_727, %dma_start3A_764] : memref<50x40xi32, #tpu.memory_space<vmem>> -> memref<1x40xi32, #tpu.memory_space<vmem>>
        %dma_start3A_766 = tpu.memref_squeeze %dma_start3A_765 : memref<1x40xi32, #tpu.memory_space<vmem>> -> memref<40xi32, #tpu.memory_space<vmem>>
        %dma_start3A_767 = arith.constant 0 : i32
        %dma_start3A_768 = arith.constant 0 : i32
        %dma_start3A_769 = tpu.memref_slice %arg4[%dma_start3A_767, %dma_start3A_768] : memref<10000x128xf32, #tpu.memory_space<hbm>> -> memref<10000x128xf32, #tpu.memory_space<hbm>>
        tpu.enqueue_indirect_dma source(%dma_start3A_769 : memref<10000x128xf32, #tpu.memory_space<hbm>>) target(%dma_start3A_763 : memref<40x128xf32, #tpu.memory_space<vmem>>) offsets(%dma_start3A_766 : memref<40xi32, #tpu.memory_space<vmem>>) semaphore(%arg14 : memref<!tpu.dma_semaphore, #tpu.memory_space<semaphore_mem>>)
      } else {
      }
      %add3A_733 = arith.constant 6 : i32
      %add3A_734 = arith.addi %mul3A_657, %add3A_733 : i32
      %add3A_735 = arith.constant 4 : i32
      %add3A_736 = arith.addi %add3A_734, %add3A_735 : i32
      %lt3A_737 = arith.constant 50 : i32
      %lt3A_738 = arith.cmpi slt, %add3A_736, %lt3A_737 : i32
      %convert_element_type3A_739 = arith.extui %lt3A_738 : i1 to i32
      %cond3A_740 = arith.constant 0 : i32
      %cond3A_741 = arith.cmpi ne, %convert_element_type3A_739, %cond3A_740 : i32
      scf.if %cond3A_741 {
        %dma_wait3A_751 = arith.constant 0 : i32
        %dma_wait3A_752 = arith.constant 200 : i32
        %dma_wait3A_753 = arith.constant 0 : i32
        %dma_wait3A_754 = tpu.memref_slice %arg8[%dma_wait3A_752, %dma_wait3A_753] : memref<240x128xf32, #tpu.memory_space<vmem>> -> memref<40x128xf32, #tpu.memory_space<vmem>>
        %dma_wait3A_755 = arith.constant 0 : i32
        %dma_wait3A_756 = tpu.memref_slice %arg7[%dma_wait3A_751, %dma_wait3A_755] : memref<50x40xi32, #tpu.memory_space<vmem>> -> memref<1x40xi32, #tpu.memory_space<vmem>>
        %dma_wait3A_757 = tpu.memref_squeeze %dma_wait3A_756 : memref<1x40xi32, #tpu.memory_space<vmem>> -> memref<40xi32, #tpu.memory_space<vmem>>
        %dma_wait3A_758 = arith.constant 0 : i32
        %dma_wait3A_759 = arith.constant 0 : i32
        %dma_wait3A_760 = tpu.memref_slice %arg9[%dma_wait3A_758, %dma_wait3A_759] : memref<10240x128xf32, #tpu.memory_space<vmem_shared>> -> memref<10240x128xf32, #tpu.memory_space<vmem_shared>>
        tpu.wait_indirect_dma semaphore(%arg21 : memref<!tpu.dma_semaphore, #tpu.memory_space<semaphore_mem>>) src(%dma_wait3A_754 : memref<40x128xf32, #tpu.memory_space<vmem>>) dst(%dma_wait3A_760 : memref<10240x128xf32, #tpu.memory_space<vmem_shared>>)
        %dma_start3A_761 = arith.constant 200 : i32
        %dma_start3A_762 = arith.constant 0 : i32
        %dma_start3A_763 = tpu.memref_slice %arg8[%dma_start3A_761, %dma_start3A_762] : memref<240x128xf32, #tpu.memory_space<vmem>> -> memref<40x128xf32, #tpu.memory_space<vmem>>
        %dma_start3A_764 = arith.constant 0 : i32
        %dma_start3A_765 = tpu.memref_slice %arg6[%add3A_736, %dma_start3A_764] : memref<50x40xi32, #tpu.memory_space<vmem>> -> memref<1x40xi32, #tpu.memory_space<vmem>>
        %dma_start3A_766 = tpu.memref_squeeze %dma_start3A_765 : memref<1x40xi32, #tpu.memory_space<vmem>> -> memref<40xi32, #tpu.memory_space<vmem>>
        %dma_start3A_767 = arith.constant 0 : i32
        %dma_start3A_768 = arith.constant 0 : i32
        %dma_start3A_769 = tpu.memref_slice %arg4[%dma_start3A_767, %dma_start3A_768] : memref<10000x128xf32, #tpu.memory_space<hbm>> -> memref<10000x128xf32, #tpu.memory_space<hbm>>
        tpu.enqueue_indirect_dma source(%dma_start3A_769 : memref<10000x128xf32, #tpu.memory_space<hbm>>) target(%dma_start3A_763 : memref<40x128xf32, #tpu.memory_space<vmem>>) offsets(%dma_start3A_766 : memref<40xi32, #tpu.memory_space<vmem>>) semaphore(%arg15 : memref<!tpu.dma_semaphore, #tpu.memory_space<semaphore_mem>>)
      } else {
      }
      %add3A_742 = arith.constant 6 : i32
      %add3A_743 = arith.addi %mul3A_657, %add3A_742 : i32
      %add3A_744 = arith.constant 5 : i32
      %add3A_745 = arith.addi %add3A_743, %add3A_744 : i32
      %lt3A_746 = arith.constant 50 : i32
      %lt3A_747 = arith.cmpi slt, %add3A_745, %lt3A_746 : i32
      %convert_element_type3A_748 = arith.extui %lt3A_747 : i1 to i32
      %cond3A_749 = arith.constant 0 : i32
      %cond3A_750 = arith.cmpi ne, %convert_element_type3A_748, %cond3A_749 : i32
      scf.if %cond3A_750 {
        %dma_wait3A_751 = arith.constant 0 : i32
        %dma_wait3A_752 = arith.constant 0 : i32
        %dma_wait3A_753 = arith.constant 0 : i32
        %dma_wait3A_754 = tpu.memref_slice %arg8[%dma_wait3A_752, %dma_wait3A_753] : memref<240x128xf32, #tpu.memory_space<vmem>> -> memref<40x128xf32, #tpu.memory_space<vmem>>
        %dma_wait3A_755 = arith.constant 0 : i32
        %dma_wait3A_756 = tpu.memref_slice %arg7[%dma_wait3A_751, %dma_wait3A_755] : memref<50x40xi32, #tpu.memory_space<vmem>> -> memref<1x40xi32, #tpu.memory_space<vmem>>
        %dma_wait3A_757 = tpu.memref_squeeze %dma_wait3A_756 : memref<1x40xi32, #tpu.memory_space<vmem>> -> memref<40xi32, #tpu.memory_space<vmem>>
        %dma_wait3A_758 = arith.constant 0 : i32
        %dma_wait3A_759 = arith.constant 0 : i32
        %dma_wait3A_760 = tpu.memref_slice %arg9[%dma_wait3A_758, %dma_wait3A_759] : memref<10240x128xf32, #tpu.memory_space<vmem_shared>> -> memref<10240x128xf32, #tpu.memory_space<vmem_shared>>
        tpu.wait_indirect_dma semaphore(%arg16 : memref<!tpu.dma_semaphore, #tpu.memory_space<semaphore_mem>>) src(%dma_wait3A_754 : memref<40x128xf32, #tpu.memory_space<vmem>>) dst(%dma_wait3A_760 : memref<10240x128xf32, #tpu.memory_space<vmem_shared>>)
        %dma_start3A_761 = arith.constant 0 : i32
        %dma_start3A_762 = arith.constant 0 : i32
        %dma_start3A_763 = tpu.memref_slice %arg8[%dma_start3A_761, %dma_start3A_762] : memref<240x128xf32, #tpu.memory_space<vmem>> -> memref<40x128xf32, #tpu.memory_space<vmem>>
        %dma_start3A_764 = arith.constant 0 : i32
        %dma_start3A_765 = tpu.memref_slice %arg6[%add3A_745, %dma_start3A_764] : memref<50x40xi32, #tpu.memory_space<vmem>> -> memref<1x40xi32, #tpu.memory_space<vmem>>
        %dma_start3A_766 = tpu.memref_squeeze %dma_start3A_765 : memref<1x40xi32, #tpu.memory_space<vmem>> -> memref<40xi32, #tpu.memory_space<vmem>>
        %dma_start3A_767 = arith.constant 0 : i32
        %dma_start3A_768 = arith.constant 0 : i32
        %dma_start3A_769 = tpu.memref_slice %arg4[%dma_start3A_767, %dma_start3A_768] : memref<10000x128xf32, #tpu.memory_space<hbm>> -> memref<10000x128xf32, #tpu.memory_space<hbm>>
        tpu.enqueue_indirect_dma source(%dma_start3A_769 : memref<10000x128xf32, #tpu.memory_space<hbm>>) target(%dma_start3A_763 : memref<40x128xf32, #tpu.memory_space<vmem>>) offsets(%dma_start3A_766 : memref<40xi32, #tpu.memory_space<vmem>>) semaphore(%arg10 : memref<!tpu.dma_semaphore, #tpu.memory_space<semaphore_mem>>)
      } else {
      }
    }
    %scan3A_589 = arith.constant 9 : i32
    %dma_wait3A_590 = arith.constant 0 : i32
    %dma_wait3A_591 = arith.constant 40 : i32
    %dma_wait3A_592 = arith.constant 0 : i32
    %dma_wait3A_593 = tpu.memref_slice %arg8[%dma_wait3A_591, %dma_wait3A_592] : memref<240x128xf32, #tpu.memory_space<vmem>> -> memref<40x128xf32, #tpu.memory_space<vmem>>
    %dma_wait3A_594 = arith.constant 0 : i32
    %dma_wait3A_595 = tpu.memref_slice %arg7[%dma_wait3A_590, %dma_wait3A_594] : memref<50x40xi32, #tpu.memory_space<vmem>> -> memref<1x40xi32, #tpu.memory_space<vmem>>
    %dma_wait3A_596 = tpu.memref_squeeze %dma_wait3A_595 : memref<1x40xi32, #tpu.memory_space<vmem>> -> memref<40xi32, #tpu.memory_space<vmem>>
    %dma_wait3A_597 = arith.constant 0 : i32
    %dma_wait3A_598 = arith.constant 0 : i32
    %dma_wait3A_599 = tpu.memref_slice %arg9[%dma_wait3A_597, %dma_wait3A_598] : memref<10240x128xf32, #tpu.memory_space<vmem_shared>> -> memref<10240x128xf32, #tpu.memory_space<vmem_shared>>
    tpu.wait_indirect_dma semaphore(%arg17 : memref<!tpu.dma_semaphore, #tpu.memory_space<semaphore_mem>>) src(%dma_wait3A_593 : memref<40x128xf32, #tpu.memory_space<vmem>>) dst(%dma_wait3A_599 : memref<10240x128xf32, #tpu.memory_space<vmem_shared>>)
    %dma_wait3A_600 = arith.constant 0 : i32
    %dma_wait3A_601 = arith.constant 80 : i32
    %dma_wait3A_602 = arith.constant 0 : i32
    %dma_wait3A_603 = tpu.memref_slice %arg8[%dma_wait3A_601, %dma_wait3A_602] : memref<240x128xf32, #tpu.memory_space<vmem>> -> memref<40x128xf32, #tpu.memory_space<vmem>>
    %dma_wait3A_604 = arith.constant 0 : i32
    %dma_wait3A_605 = tpu.memref_slice %arg7[%dma_wait3A_600, %dma_wait3A_604] : memref<50x40xi32, #tpu.memory_space<vmem>> -> memref<1x40xi32, #tpu.memory_space<vmem>>
    %dma_wait3A_606 = tpu.memref_squeeze %dma_wait3A_605 : memref<1x40xi32, #tpu.memory_space<vmem>> -> memref<40xi32, #tpu.memory_space<vmem>>
    %dma_wait3A_607 = arith.constant 0 : i32
    %dma_wait3A_608 = arith.constant 0 : i32
    %dma_wait3A_609 = tpu.memref_slice %arg9[%dma_wait3A_607, %dma_wait3A_608] : memref<10240x128xf32, #tpu.memory_space<vmem_shared>> -> memref<10240x128xf32, #tpu.memory_space<vmem_shared>>
    tpu.wait_indirect_dma semaphore(%arg18 : memref<!tpu.dma_semaphore, #tpu.memory_space<semaphore_mem>>) src(%dma_wait3A_603 : memref<40x128xf32, #tpu.memory_space<vmem>>) dst(%dma_wait3A_609 : memref<10240x128xf32, #tpu.memory_space<vmem_shared>>)
    %dma_wait3A_610 = arith.constant 0 : i32
    %dma_wait3A_611 = arith.constant 120 : i32
    %dma_wait3A_612 = arith.constant 0 : i32
    %dma_wait3A_613 = tpu.memref_slice %arg8[%dma_wait3A_611, %dma_wait3A_612] : memref<240x128xf32, #tpu.memory_space<vmem>> -> memref<40x128xf32, #tpu.memory_space<vmem>>
    %dma_wait3A_614 = arith.constant 0 : i32
    %dma_wait3A_615 = tpu.memref_slice %arg7[%dma_wait3A_610, %dma_wait3A_614] : memref<50x40xi32, #tpu.memory_space<vmem>> -> memref<1x40xi32, #tpu.memory_space<vmem>>
    %dma_wait3A_616 = tpu.memref_squeeze %dma_wait3A_615 : memref<1x40xi32, #tpu.memory_space<vmem>> -> memref<40xi32, #tpu.memory_space<vmem>>
    %dma_wait3A_617 = arith.constant 0 : i32
    %dma_wait3A_618 = arith.constant 0 : i32
    %dma_wait3A_619 = tpu.memref_slice %arg9[%dma_wait3A_617, %dma_wait3A_618] : memref<10240x128xf32, #tpu.memory_space<vmem_shared>> -> memref<10240x128xf32, #tpu.memory_space<vmem_shared>>
    tpu.wait_indirect_dma semaphore(%arg19 : memref<!tpu.dma_semaphore, #tpu.memory_space<semaphore_mem>>) src(%dma_wait3A_613 : memref<40x128xf32, #tpu.memory_space<vmem>>) dst(%dma_wait3A_619 : memref<10240x128xf32, #tpu.memory_space<vmem_shared>>)
    %dma_wait3A_620 = arith.constant 0 : i32
    %dma_wait3A_621 = arith.constant 160 : i32
    %dma_wait3A_622 = arith.constant 0 : i32
    %dma_wait3A_623 = tpu.memref_slice %arg8[%dma_wait3A_621, %dma_wait3A_622] : memref<240x128xf32, #tpu.memory_space<vmem>> -> memref<40x128xf32, #tpu.memory_space<vmem>>
    %dma_wait3A_624 = arith.constant 0 : i32
    %dma_wait3A_625 = tpu.memref_slice %arg7[%dma_wait3A_620, %dma_wait3A_624] : memref<50x40xi32, #tpu.memory_space<vmem>> -> memref<1x40xi32, #tpu.memory_space<vmem>>
    %dma_wait3A_626 = tpu.memref_squeeze %dma_wait3A_625 : memref<1x40xi32, #tpu.memory_space<vmem>> -> memref<40xi32, #tpu.memory_space<vmem>>
    %dma_wait3A_627 = arith.constant 0 : i32
    %dma_wait3A_628 = arith.constant 0 : i32
    %dma_wait3A_629 = tpu.memref_slice %arg9[%dma_wait3A_627, %dma_wait3A_628] : memref<10240x128xf32, #tpu.memory_space<vmem_shared>> -> memref<10240x128xf32, #tpu.memory_space<vmem_shared>>
    tpu.wait_indirect_dma semaphore(%arg20 : memref<!tpu.dma_semaphore, #tpu.memory_space<semaphore_mem>>) src(%dma_wait3A_623 : memref<40x128xf32, #tpu.memory_space<vmem>>) dst(%dma_wait3A_629 : memref<10240x128xf32, #tpu.memory_space<vmem_shared>>)
    %dma_wait3A_630 = arith.constant 0 : i32
    %dma_wait3A_631 = arith.constant 200 : i32
    %dma_wait3A_632 = arith.constant 0 : i32
    %dma_wait3A_633 = tpu.memref_slice %arg8[%dma_wait3A_631, %dma_wait3A_632] : memref<240x128xf32, #tpu.memory_space<vmem>> -> memref<40x128xf32, #tpu.memory_space<vmem>>
    %dma_wait3A_634 = arith.constant 0 : i32
    %dma_wait3A_635 = tpu.memref_slice %arg7[%dma_wait3A_630, %dma_wait3A_634] : memref<50x40xi32, #tpu.memory_space<vmem>> -> memref<1x40xi32, #tpu.memory_space<vmem>>
    %dma_wait3A_636 = tpu.memref_squeeze %dma_wait3A_635 : memref<1x40xi32, #tpu.memory_space<vmem>> -> memref<40xi32, #tpu.memory_space<vmem>>
    %dma_wait3A_637 = arith.constant 0 : i32
    %dma_wait3A_638 = arith.constant 0 : i32
    %dma_wait3A_639 = tpu.memref_slice %arg9[%dma_wait3A_637, %dma_wait3A_638] : memref<10240x128xf32, #tpu.memory_space<vmem_shared>> -> memref<10240x128xf32, #tpu.memory_space<vmem_shared>>
    tpu.wait_indirect_dma semaphore(%arg21 : memref<!tpu.dma_semaphore, #tpu.memory_space<semaphore_mem>>) src(%dma_wait3A_633 : memref<40x128xf32, #tpu.memory_space<vmem>>) dst(%dma_wait3A_639 : memref<10240x128xf32, #tpu.memory_space<vmem_shared>>)
    %dma_wait3A_640 = arith.constant 0 : i32
    %dma_wait3A_641 = arith.constant 0 : i32
    %dma_wait3A_642 = arith.constant 0 : i32
    %dma_wait3A_643 = tpu.memref_slice %arg8[%dma_wait3A_641, %dma_wait3A_642] : memref<240x128xf32, #tpu.memory_space<vmem>> -> memref<40x128xf32, #tpu.memory_space<vmem>>
    %dma_wait3A_644 = arith.constant 0 : i32
    %dma_wait3A_645 = tpu.memref_slice %arg7[%dma_wait3A_640, %dma_wait3A_644] : memref<50x40xi32, #tpu.memory_space<vmem>> -> memref<1x40xi32, #tpu.memory_space<vmem>>
    %dma_wait3A_646 = tpu.memref_squeeze %dma_wait3A_645 : memref<1x40xi32, #tpu.memory_space<vmem>> -> memref<40xi32, #tpu.memory_space<vmem>>
    %dma_wait3A_647 = arith.constant 0 : i32
    %dma_wait3A_648 = arith.constant 0 : i32
    %dma_wait3A_649 = tpu.memref_slice %arg9[%dma_wait3A_647, %dma_wait3A_648] : memref<10240x128xf32, #tpu.memory_space<vmem_shared>> -> memref<10240x128xf32, #tpu.memory_space<vmem_shared>>
    tpu.wait_indirect_dma semaphore(%arg16 : memref<!tpu.dma_semaphore, #tpu.memory_space<semaphore_mem>>) src(%dma_wait3A_643 : memref<40x128xf32, #tpu.memory_space<vmem>>) dst(%dma_wait3A_649 : memref<10240x128xf32, #tpu.memory_space<vmem_shared>>)
    %barrier3A_650 = arith.constant 0 : index
    tpu.barrier barrier_id(%barrier3A_650)
    %mul3A_651 = arith.constant 640 : i32
    %mul3A_652 = arith.muli %arg1, %mul3A_651 : i32
    %mul3A_653 = arith.constant 640 : i32
    %mul3A_654 = arith.muli %arg1, %mul3A_653 : i32
    "tpu.region"() ({
      %run_scoped3A_655 = tpu.sem_alloc : memref<!tpu.dma_semaphore, #tpu.memory_space<semaphore_mem>>
      %dma_start3A_656 = arith.constant 0 : i32
      %dma_start3A_657 = tpu.memref_slice %arg5[%arg0, %mul3A_654, %dma_start3A_656] : memref<2x10240x128xf32, #tpu.memory_space<hbm>> -> memref<1x640x128xf32, #tpu.memory_space<hbm>>
      %dma_start3A_658 = tpu.memref_squeeze %dma_start3A_657 : memref<1x640x128xf32, #tpu.memory_space<hbm>> -> memref<640x128xf32, #tpu.memory_space<hbm>>
      %dma_start3A_659 = arith.constant 0 : i32
      %dma_start3A_660 = tpu.memref_slice %arg9[%mul3A_652, %dma_start3A_659] : memref<10240x128xf32, #tpu.memory_space<vmem_shared>> -> memref<640x128xf32, #tpu.memory_space<vmem_shared>>
      tpu.enqueue_dma source(%dma_start3A_660 : memref<640x128xf32, #tpu.memory_space<vmem_shared>>) target(%dma_start3A_658 : memref<640x128xf32, #tpu.memory_space<hbm>>) target_semaphore(%run_scoped3A_655 : memref<!tpu.dma_semaphore, #tpu.memory_space<semaphore_mem>>)
      %dma_wait3A_661 = arith.constant 0 : i32
      %dma_wait3A_662 = tpu.memref_slice %arg5[%arg0, %mul3A_654, %dma_wait3A_661] : memref<2x10240x128xf32, #tpu.memory_space<hbm>> -> memref<1x640x128xf32, #tpu.memory_space<hbm>>
      %dma_wait3A_663 = tpu.memref_squeeze %dma_wait3A_662 : memref<1x640x128xf32, #tpu.memory_space<hbm>> -> memref<640x128xf32, #tpu.memory_space<hbm>>
      %dma_wait3A_664 = arith.constant 0 : i32
      %dma_wait3A_665 = tpu.memref_slice %arg9[%mul3A_652, %dma_wait3A_664] : memref<10240x128xf32, #tpu.memory_space<vmem_shared>> -> memref<640x128xf32, #tpu.memory_space<vmem_shared>>
      tpu.wait_dma2 semaphore(%run_scoped3A_655 : memref<!tpu.dma_semaphore, #tpu.memory_space<semaphore_mem>>) src(%dma_wait3A_665 : memref<640x128xf32, #tpu.memory_space<vmem_shared>>) dst(%dma_wait3A_663 : memref<640x128xf32, #tpu.memory_space<hbm>>)
      tpu.yield
    }) : () -> ()
    return
  }
}

module attributes {stable_mosaic.version = 14 : i64} {
  func.func @_mlp_body(%arg0: i32, %arg1: memref<2x1000x128xf32, #tpu.memory_space<vmem>>, %arg2: memref<1000x128xf32, #tpu.memory_space<vmem>>, %arg3: memref<1x1xf32, #tpu.memory_space<vmem>>, %arg4: memref<128x128xf32, #tpu.memory_space<vmem>>, %arg5: memref<1x128xf32, #tpu.memory_space<vmem>>, %arg6: memref<128x128xf32, #tpu.memory_space<vmem>>, %arg7: memref<1x128xf32, #tpu.memory_space<vmem>>, %arg8: memref<1000x128xf32, #tpu.memory_space<vmem>>) attributes {dimension_semantics = [#tpu.dimension_semantics<arbitrary>], iteration_bounds = array<i64: 10>, scalar_prefetch = 0 : i64, scratch_operands = 0 : i64, tpu.core_type = #tpu.core_type<tc>, window_params = [{transform_indices = @transform_0, window_bounds = array<i64: 2, 1000, 128>}, {transform_indices = @transform_1, window_bounds = array<i64: 1000, 128>}, {pipeline_mode = #tpu.pipeline_mode<synchronous>, transform_indices = @transform_2, window_bounds = array<i64: 1, 1>}, {pipeline_mode = #tpu.pipeline_mode<synchronous>, transform_indices = @transform_3, window_bounds = array<i64: 128, 128>}, {pipeline_mode = #tpu.pipeline_mode<synchronous>, transform_indices = @transform_4, window_bounds = array<i64: 1, 128>}, {pipeline_mode = #tpu.pipeline_mode<synchronous>, transform_indices = @transform_5, window_bounds = array<i64: 128, 128>}, {pipeline_mode = #tpu.pipeline_mode<synchronous>, transform_indices = @transform_6, window_bounds = array<i64: 1, 128>}, {transform_indices = @transform_7, window_bounds = array<i64: 1000, 128>}]} {
    %get3A = arith.constant 0 : index
    %get3A_0 = arith.constant 0 : index
    %get3A_1 = arith.constant 0 : index
    %get3A_2 = vector.load %arg1[%get3A, %get3A_0, %get3A_1] : memref<2x1000x128xf32, #tpu.memory_space<vmem>>, vector<1x1000x128xf32>
    %get3A_3 = vector.shape_cast %get3A_2 : vector<1x1000x128xf32> to vector<1000x128xf32>
    %get3A_4 = arith.constant 1 : index
    %get3A_5 = arith.constant 0 : index
    %get3A_6 = arith.constant 0 : index
    %get3A_7 = vector.load %arg1[%get3A_4, %get3A_5, %get3A_6] : memref<2x1000x128xf32, #tpu.memory_space<vmem>>, vector<1x1000x128xf32>
    %get3A_8 = vector.shape_cast %get3A_7 : vector<1x1000x128xf32> to vector<1000x128xf32>
    %add3A = arith.addf %get3A_3, %get3A_8 : vector<1000x128xf32>
    %get3A_9 = arith.constant 0 : index
    %get3A_10 = arith.constant 0 : index
    %get3A_11 = vector.load %arg3[%get3A_9, %get3A_10] : memref<1x1xf32, #tpu.memory_space<vmem>>, vector<1x1xf32>
    %get3A_12 = vector.extract %get3A_11[0, 0] : f32 from vector<1x1xf32>
    %get3A_13 = arith.constant 0 : index
    %get3A_14 = arith.constant 0 : index
    %get3A_15 = vector.load %arg2[%get3A_13, %get3A_14] : memref<1000x128xf32, #tpu.memory_space<vmem>>, vector<1000x128xf32>
    %mul3A = vector.broadcast %get3A_12 : f32 to vector<1000x128xf32>
    %mul3A_16 = arith.mulf %mul3A, %get3A_15 : vector<1000x128xf32>
    %add3A_17 = arith.addf %add3A, %mul3A_16 : vector<1000x128xf32>
    %get3A_18 = arith.constant 0 : index
    %get3A_19 = arith.constant 0 : index
    %get3A_20 = vector.load %arg4[%get3A_18, %get3A_19] : memref<128x128xf32, #tpu.memory_space<vmem>>, vector<128x128xf32>
    %dot_general3A = arith.constant dense<0.000000e+00> : vector<1000x128xf32>
    %dot_general3A_21 = tpu.matmul %add3A_17, %get3A_20, %dot_general3A {dimension_numbers = #tpu.dot_dimension_numbers<[1], [0], [0], [1], [0, 0, 1, 1], [], []>, transpose_lhs_hint = false} : vector<1000x128xf32>, vector<128x128xf32>, vector<1000x128xf32> -> vector<1000x128xf32>
    %get3A_22 = arith.constant 0 : index
    %get3A_23 = arith.constant 0 : index
    %get3A_24 = vector.load %arg5[%get3A_22, %get3A_23] : memref<1x128xf32, #tpu.memory_space<vmem>>, vector<1x128xf32>
    %add3A_25 = vector.broadcast %get3A_24 : vector<1x128xf32> to vector<1000x128xf32>
    %add3A_26 = arith.addf %dot_general3A_21, %add3A_25 : vector<1000x128xf32>
    %max3A = arith.constant 0.000000e+00 : f32
    %max3A_27 = vector.broadcast %max3A : f32 to vector<1000x128xf32>
    %max3A_28 = arith.maximumf %add3A_26, %max3A_27 : vector<1000x128xf32>
    %get3A_29 = arith.constant 0 : index
    %get3A_30 = arith.constant 0 : index
    %get3A_31 = vector.load %arg6[%get3A_29, %get3A_30] : memref<128x128xf32, #tpu.memory_space<vmem>>, vector<128x128xf32>
    %dot_general3A_32 = arith.constant dense<0.000000e+00> : vector<1000x128xf32>
    %dot_general3A_33 = tpu.matmul %max3A_28, %get3A_31, %dot_general3A_32 {dimension_numbers = #tpu.dot_dimension_numbers<[1], [0], [0], [1], [0, 0, 1, 1], [], []>, transpose_lhs_hint = false} : vector<1000x128xf32>, vector<128x128xf32>, vector<1000x128xf32> -> vector<1000x128xf32>
    %get3A_34 = arith.constant 0 : index
    %get3A_35 = arith.constant 0 : index
    %get3A_36 = vector.load %arg7[%get3A_34, %get3A_35] : memref<1x128xf32, #tpu.memory_space<vmem>>, vector<1x128xf32>
    %add3A_37 = vector.broadcast %get3A_36 : vector<1x128xf32> to vector<1000x128xf32>
    %add3A_38 = arith.addf %dot_general3A_33, %add3A_37 : vector<1000x128xf32>
    %swap3A = arith.constant 0 : index
    %swap3A_39 = arith.constant 0 : index
    %swap3A_40 = vector.load %arg8[%swap3A, %swap3A_39] : memref<1000x128xf32, #tpu.memory_space<vmem>>, vector<1000x128xf32>
    tpu.vector_store %arg8[%swap3A, %swap3A_39], %add3A_38 {strides = array<i32>} : memref<1000x128xf32, #tpu.memory_space<vmem>>, vector<1000x128xf32>,
    return
  }
  func.func @transform_0(%arg0: i32) -> (i32, i32, i32) {
    %c0_i32 = arith.constant 0 : i32
    %c0_i32_0 = arith.constant 0 : i32
    %c0_i32_1 = arith.constant 0 : i32
    return %c0_i32, %arg0, %c0_i32_0 : i32, i32, i32
  }
  func.func @transform_1(%arg0: i32) -> (i32, i32) {
    %c0_i32 = arith.constant 0 : i32
    %c0_i32_0 = arith.constant 0 : i32
    return %arg0, %c0_i32 : i32, i32
  }
  func.func @transform_2(%arg0: i32) -> (i32, i32) {
    %c0_i32 = arith.constant 0 : i32
    %c0_i32_0 = arith.constant 0 : i32
    %c0_i32_1 = arith.constant 0 : i32
    return %c0_i32, %c0_i32_0 : i32, i32
  }
  func.func @transform_3(%arg0: i32) -> (i32, i32) {
    %c0_i32 = arith.constant 0 : i32
    %c0_i32_0 = arith.constant 0 : i32
    %c0_i32_1 = arith.constant 0 : i32
    return %c0_i32, %c0_i32_0 : i32, i32
  }
  func.func @transform_4(%arg0: i32) -> (i32, i32) {
    %c0_i32 = arith.constant 0 : i32
    %c0_i32_0 = arith.constant 0 : i32
    %c0_i32_1 = arith.constant 0 : i32
    return %c0_i32, %c0_i32_0 : i32, i32
  }
  func.func @transform_5(%arg0: i32) -> (i32, i32) {
    %c0_i32 = arith.constant 0 : i32
    %c0_i32_0 = arith.constant 0 : i32
    %c0_i32_1 = arith.constant 0 : i32
    return %c0_i32, %c0_i32_0 : i32, i32
  }
  func.func @transform_6(%arg0: i32) -> (i32, i32) {
    %c0_i32 = arith.constant 0 : i32
    %c0_i32_0 = arith.constant 0 : i32
    %c0_i32_1 = arith.constant 0 : i32
    return %c0_i32, %c0_i32_0 : i32, i32
  }
  func.func @transform_7(%arg0: i32) -> (i32, i32) {
    %c0_i32 = arith.constant 0 : i32
    %c0_i32_0 = arith.constant 0 : i32
    return %arg0, %c0_i32 : i32, i32
  }
}

</mosaic_0001>

<sc_bundles>
// kernel: kernel.4.cloned.1.call-start
scs
__scs_entry_jumppad:
0x0: {  	(pc) =	sbr.rel $0x88, $3  }
0x1: {  	(tag) =	ssettag $0x0;
	lr =	simm.s32 $0x1  }
0x2: {  	[smem:$0x3F9A] =	sst lr;
	_ =	strace $0xD0000000  }
0x3: {  	_ = 	snop  }
0x4: {  	_ = 	snop  }
0x5: {  	_ = 	snop  }
0x6: {  	_ = 	snop  }
0x7: {  	_ = 	snop  }
__scs_overlays_trampoline_lowered:
0x8: {  	[smem:$0x3FA9] =	sst s0  }
0x9: {  	[smem:$0x3FAA] =	sst s1  }
0xa: {  	[smem:$0x3FAB] =	sst s2  }
0xb: {  	[smem:$0x3FAC] =	sst s3  }
0xc: {  	[smem:$0x3FAD] =	sst s4  }
0xd: {  	[smem:$0x3FAE] =	sst s5  }
0xe: {  	[smem:$0x3FAF] =	sst s6  }
0xf: {  	[smem:$0x3FB0] =	sst s7  }
0x10: {  	[smem:$0x3FB1] =	sst s8  }
0x11: {  	[smem:$0x3FB2] =	sst s9;
	s0 =	simm.s32 @!p0 $0x0  }
0x12: {  	s1 =	sld [smem:$0x3F98];
	s0 =	simm.s32 @p0 $0x1  }
0x13: {  	[smem:$0x3FB3] =	sst s0;
	s0 =	simm.s32 @!p1 $0x0  }
0x14: {  	s2 =	sld [smem:$0x3F97];
	s0 =	simm.s32 @p1 $0x1  }
0x15: {  	[smem:$0x3FB4] =	sst s0;
	s0 =	simm.s32 @!p2 $0x0  }
0x16: {  	s3 =	sld [smem:$0x3FDB];
	s0 =	simm.s32 @p2 $0x1  }
0x17: {  	s4 =	simm.s32 $0x1BF5;
	[smem:$0x3FB6] =	sst s0  }
0x18: {  	s0 =	sld [smem:$0x3F99];
	_ =	swait.ge [sflag:s4], $0x0  }
0x19: {  	s7 =	sld [smem:$0x3F9A]  }
0x1a: {  	s8 =	sadd.s32 $0xFFFFE003, lr  }
0x1b: {  	s9 =	sadd.s32 $0xFFFFFEF7, lr;
	s5 =	simm.s32 $0xFFFFFFFF;
	p2 =	slt.u32 s8, $0xFFFFF086  }
0x1c: {  	p1 =	slt.u32 s9, $0xF7A;
	s5 =	simm.s32 @!p2 $0x0  }
0x1d: {  	s5 =	simm.s32 @p1 $0x1;
	p0 =	seq.s32 s7, s2  }
0x1e: {  	s7 =	smul.u32 @!p0 $0xF7A, s2;
	p2 =	seq.s32 @!p0 s5, $0x0  }
0x1f: {  	s9 =	smul.u32 $0xF7A, s1;
	s8 =	simm.s32 @!p0 $0x1BF5;
	p2 =	por !p2, p0  }
0x20: {  	[sflag:s8] =	ssyncset.s32 @!p0 $0xFFFFF086;
	s6 =	sadd.s32 @!p0 s3, s7;
	s7 =	simm.s32 @!p0 $0x108  }
0x21: {  	s3 =	sadd.s32 s3, s9;
	s6 =	sadd.s32 @!p0 $0x88, s6;
	s7 =	simm.s32 @p2 $0x1082  }
0x22: {  	[simem:s7], [sflag:s8] =	dma.local @!p0 [hbm:s6], $0xF7A  }
0x23: {  	s9 =	sor.u32 $0xD0000000, s2;
	s6 =	simm.s32 $0x108;
	_ =	swait.ge @!p0 [sflag:s8], $0x0  }
0x24: {  	s3 =	sadd.s32 $0x88, s3;
	s6 =	simm.s32 @!p1 $0x1082;
	[sflag:s4] =	ssyncset.s32 $0xFFFFF086  }
0x25: {  	[simem:s6], [sflag:s4] =	dma.local [hbm:s3], $0xF7A  }
0x26: {  	[smem:$0x3F9A] =	sst s1;
	(tag) =	ssettag s2;
	_ =	strace s9  }
0x27: {  	s1 =	sld [smem:$0x3FAA]  }
0x28: {  	s2 =	sld [smem:$0x3FAB]  }
0x29: {  	s4 =	sld [smem:$0x3FAD]  }
0x2a: {  	p0 =	seq.s32 s5, $0x0;
	s5 =	sld [smem:$0x3FAE]  }
0x2b: {  	s6 =	sld [smem:$0x3FAF]  }
0x2c: {  	s7 =	sld [smem:$0x3FB0]  }
0x2d: {  	s3 =	simm.s32 $0x108;
	s8 =	sld [smem:$0x3FB1]  }
0x2e: {  	s3 =	simm.s32 @!p0 $0x1082;
	s9 =	sld [smem:$0x3FB2]  }
0x2f: {  	lr =	sadd.s32 s0, s3;
	s0 =	sld [smem:$0x3FA9]  }
0x30: {  	s3 =	sld [smem:$0x3FAC]  }
0x31: {  	[smem:$0x3FB5] =	sst s10  }
0x32: {  	s10 =	sld [smem:$0x3FB3];
	_ =	sdelay $0x3  }
0x33: {  	p0 =	seq.s32 s10, $0x1;
	s10 =	sld [smem:$0x3FB5];
	_ =	sdelay $0x3  }
0x34: {  	[smem:$0x3FB5] =	sst s10  }
0x35: {  	s10 =	sld [smem:$0x3FB4];
	_ =	sdelay $0x3  }
0x36: {  	p1 =	seq.s32 s10, $0x1;
	s10 =	sld [smem:$0x3FB5];
	_ =	sdelay $0x3  }
0x37: {  	[smem:$0x3FB5] =	sst s10  }
0x38: {  	s10 =	sld [smem:$0x3FB6]  }
0x39: {  	_ = 	snop;
	(pc) =	sbr.ind lr, $3  }
0x3a: {  	_ = 	snop  }
0x3b: {  	_ = 	snop  }
0x3c: {  	p2 =	seq.s32 s10, $0x1;
	s10 =	sld [smem:$0x3FB5]  }
0x3d: {  	_ =	shalt  }
0x3e: {  	_ =	shalt  }
0x3f: {  	_ =	shalt  }
0x40: {  	_ =	shalt  }
0x41: {  	_ =	shalt  }
0x42: {  	_ =	shalt  }
0x43: {  	_ =	shalt  }
0x44: {  	_ =	shalt  }
0x45: {  	_ =	shalt  }
0x46: {  	_ =	shalt  }
0x47: {  	_ =	shalt  }
0x48: {  	_ =	shalt  }
0x49: {  	_ =	shalt  }
0x4a: {  	_ =	shalt  }
0x4b: {  	_ =	shalt  }
0x4c: {  	_ =	shalt  }
0x4d: {  	_ =	shalt  }
0x4e: {  	_ =	shalt  }
0x4f: {  	_ =	shalt  }
0x50: {  	_ =	shalt  }
0x51: {  	_ =	shalt  }
0x52: {  	_ =	shalt  }
0x53: {  	_ =	shalt  }
0x54: {  	_ =	shalt  }
0x55: {  	_ =	shalt  }
0x56: {  	_ =	shalt  }
0x57: {  	_ =	shalt  }
0x58: {  	_ =	shalt  }
0x59: {  	_ =	shalt  }
0x5a: {  	_ =	shalt  }
0x5b: {  	_ =	shalt  }
0x5c: {  	_ =	shalt  }
0x5d: {  	_ =	shalt  }
0x5e: {  	_ =	shalt  }
0x5f: {  	_ =	shalt  }
0x60: {  	_ =	shalt  }
0x61: {  	_ =	shalt  }
0x62: {  	_ =	shalt  }
0x63: {  	_ =	shalt  }
0x64: {  	_ =	shalt  }
0x65: {  	_ =	shalt  }
0x66: {  	_ =	shalt  }
0x67: {  	_ =	shalt  }
0x68: {  	_ =	shalt  }
0x69: {  	_ =	shalt  }
0x6a: {  	_ =	shalt  }
0x6b: {  	_ =	shalt  }
0x6c: {  	_ =	shalt  }
0x6d: {  	_ =	shalt  }
0x6e: {  	_ =	shalt  }
0x6f: {  	_ =	shalt  }
0x70: {  	_ =	shalt  }
0x71: {  	_ =	shalt  }
0x72: {  	_ =	shalt  }
0x73: {  	_ =	shalt  }
0x74: {  	_ =	shalt  }
0x75: {  	_ =	shalt  }
0x76: {  	_ =	shalt  }
0x77: {  	_ =	shalt  }
0x78: {  	_ =	shalt  }
0x79: {  	_ =	shalt  }
0x7a: {  	_ =	shalt  }
0x7b: {  	_ =	shalt  }
0x7c: {  	_ =	shalt  }
0x7d: {  	_ =	shalt  }
0x7e: {  	_ =	shalt  }
0x7f: {  	_ =	shalt  }
0x80: {  	_ =	shalt  }
0x81: {  	_ =	shalt  }
0x82: {  	_ =	shalt  }
0x83: {  	_ =	shalt  }
0x84: {  	_ =	shalt  }
0x85: {  	_ =	shalt  }
0x86: {  	_ =	shalt  }
0x87: {  	_ =	shalt  }
.Lfunc_end0:
.L_simem_size_0:
called_computation_lowered:
.L_overlay_start_0:
0x88: {  	s2 =	sld [smem:$0x3FD9]  }
0x89: {  	s3 =	sld [smem:$0x3FFE];
	_ =	sdelay $0x1  }
0x8a: {  	s1 =	srdreg.scid  }
0x8b: {  	s0 =	sand.u32 $0x1, s1  }
0x8c: {  	s17 =	sshll.u32 s0, $0xA;
	s2 =	sadd.s32 s3, s2  }
0x8d: {  	s2 =	sadd.s32 s2, s17  }
0x8e: {  	[smem:$0x3FC1] =	sst s2  }
0x8f: {  	_ = 	snop  }
0x90: {  	s2 =	sld [smem:$0x3FC9]  }
0x91: {  	s18 =	sld [smem:$0x3FD0];
	(tm) =	ssettm $0x1  }
0x92: {  	s4 =	sld [smem:$0x3FFB];
	_ =	sdelay $0x3  }
0x93: {  	_ =	strace s4  }
0x94: {  	s4 =	sld [smem:$0x3FFC];
	_ =	sdelay $0x3  }
0x95: {  	_ =	strace s4  }
0x96: {  	s4 =	sld [smem:$0x3FFD];
	_ =	sdelay $0x3  }
0x97: {  	_ =	strace s4  }
0x98: {  	_ =	strace $0x8FFFFFFF  }
0x99: {  	s19 =	sld [smem:$0x3FDB];
	_ =	sdelay $0x1  }
0x9a: {  	s5 =	simm.s32 $_scs_section_size  }
0x9b: {  	s6 =	simm.s32 $_size__tile_overlayer_lowered;
	s7 =	simm.s32 $_tile_overlayer_lowered  }
0x9c: {  	s22 =	simm.s32 $0x1BFF;
	s21 =	sshll.u32 s7, $0x1;
	s4 =	sadd.s32 s5, s19  }
0x9d: {  	s8 =	simm.s32 $0x0;
	s20 =	sshll.u32 s6, $0x1;
	s6 =	sadd.s32 s21, s4  }
0x9e: {  	[timem:s8], [sflag:s22] =	dma.local [hbm:s6], s20  }
0x9f: {  	_ =	swait.ge [sflag:s22], s20  }
0xa0: {  	s5 =	ssub.s32 $0x0, s20;
	[sflag:s22] =	ssyncset.done $0x0  }
0xa1: {  	[sflag:s22] =	ssyncadd.s32 s5;
	_ =	sdelay $0x1  }
0xa2: {  	s23 =	simm.s32 $0x1B8B  }
0xa3: {  	_ =	swait.ge [sflag:s23], $0x1  }
0xa4: {  	[sflag:s23] =	ssyncset.done $0x0  }
0xa5: {  	s25 =	simm.s32 $0x1B8E;
	s24 =	sld [smem:$0x3FFE];
	[sflag:s23] =	ssyncadd.s32 $0xFFFFFFFF  }
0xa6: {  	s26 =	simm.s32 $execute0_lowered;
	[smem:$0x3FD2] =	sst s25  }
0xa7: {  	s6 =	sshll.u32 s26, $0x1;
	_ =	strace $0x80000046;
	[dreg:$0x1] =	wrdreg $0xFFFFFFFF  }
0xa8: {  	s28 =	simm.s32 $_size_execute0_lowered;
	s4 =	sadd.s32 s4, s6;
	[dreg:$0x0] =	wrdreg $0x0  }
0xa9: {  	s6 =	sshll.u32 s28, $0x1;
	[dreg:$0x2] =	wrdreg s4  }
0xaa: {  	[dreg:$0x3] =	wrdreg s6  }
0xab: {  	[dreg:$0x4] =	wrdreg $0xC0  }
0xac: {  	_ =	task [dreg:s8], $0x5FFFF  }
0xad: {  	[dreg:$0x1] =	wrdreg $0xFFFFFFFF  }
0xae: {  	[dreg:$0x0] =	wrdreg $0x60  }
0xaf: {  	[dreg:$0x2] =	wrdreg s18  }
0xb0: {  	[dreg:$0x3] =	wrdreg s24  }
0xb1: {  	[dreg:$0x4] =	wrdreg s2  }
0xb2: {  	[dreg:$0x5] =	wrdreg $0xB0000  }
0xb3: {  	[dreg:$0x6] =	wrdreg $0x9  }
0xb4: {  	_ =	task.clear_ibuf [dreg:s8], $0x7FFFF;
	_ =	strace $0x90000046  }
0xb5: {  	s29 =	simm.s32 $0x9;
	_ =	strace $0x80000048  }
0xb6: {  	_ =	swait.ge [sflag:s29], $0x1  }
0xb7: {  	[sflag:s29] =	ssyncadd.s32 $0xFFFFFFFF  }
0xb8: {  	_ =	strace $0x90000048  }
0xb9: {  	_ =	sfence  }
0xba: {  	s30 =	sld [smem:$0x0];
	_ =	sdelay $0x2  }
0xbb: {  	s31 =	sshll.u32 s1, $0xD;
	s1 =	sshrl.u32 s1, $0x2  }
0xbc: {  	s3 =	sand.u32 $0x4000, s31;
	s1 =	sadd.s32 s1, s30  }
0xbd: {  	s0 =	sor.u32 s3, s0;
	s1 =	sshll.u32 s1, $0x11  }
0xbe: {  	s0 =	sor.u32 s1, s0  }
0xbf: {  	s0 =	sadd.s32 $0x8F2B, s0  }
0xc0: {  	[sflag:s0] =	ssyncadd.remote.s32 $0x1  }
0xc1: {  	_ =	sfence.sel $0xFFFF  }
0xc2: {  	[dreg:$0x0] =	wrdreg $0xFFFFFFFF;
	(pc) =	sbr.abs _section_cstart, $3  }
0xc3: {  	[dreg:$0x1] =	wrdreg $0xFFFFFFFF  }
0xc4: {  	_ =	task.clear_ibuf [dreg:s8], $0x2FFFF;
	_ =	strace $0x9FFFFFFF  }
0xc5: {  	(tm) =	ssettm $0x7FFFFFFF  }
tec
execute0_lowered:
.L_overlay_start_1:
0x0: {  	(tag) =	ssettag $0x1  }
0x1: {  	s0 =	rddreg [dreg:$0x0]  }
0x2: {  	s3 =	rddreg [dreg:$0x1]  }
0x3: {  	s1 =	rddreg [dreg:$0x2]  }
0x4: {  	s2 =	rddreg [dreg:$0x3]  }
0x5: {  	s4 =	srdreg.scid;
	s9 =	stileid.u32  }
0x6: {  	s6 =	simm.s32 $0x0;
	s4 =	sand.u32 $0x1, s4;
	s7 =	sshll.u32 s9, $0x1  }
0x7: {  	s5 =	smul.u32 $0x140000, s4;
	s7 =	sor.u32 s4, s7;
	s4 =	ssub.s32 $0x2, s4  }
0x8: {  	[smem:$0x7FF] =	sst s6;
	s17 =	smul.u32 $0x8C00, s7;
	s8 =	sshrl.u32 s4, $0x1  }
0x9: {  	s16 =	smul.u32 $0x14000, s9;
	s18 =	sadd.s32 $0xE00, s3;
	s4 =	ssub.s32 s4, s8  }
0xa: {  	_ =	strace $0x80000047;
	s19 =	sshrl.u32 s17, $0x3;
	s12 =	smax.u32 s4, $0x1  }
0xb: {  	s5 =	sadd.s32 s16, s5;
	s6 =	sadd.s32 s0, s19;
	[dreg:$0x11] =	wrdreg s12  }
0xc: {  	s20 =	sadd.s32 s18, s19;
	s21 =	sadd.s32 $0x380, s19;
	[dreg:$0x5] =	wrdreg s6  }
0xd: {  	s5 =	sshrl.u32 s5, $0x3;
	[dreg:$0x6] =	wrdreg s20;
	s22 =	sadd.s32 s0, s21  }
0xe: {  	s23 =	sadd.s32 $0x700, s19;
	s6 =	sadd.s32 s18, s21;
	[dreg:$0x7] =	wrdreg s22  }
0xf: {  	s25 =	sadd.s32 $0xA80, s19;
	s24 =	sadd.s32 s0, s23;
	[dreg:$0x8] =	wrdreg s6  }
0x10: {  	s3 =	sadd.s32 s5, s3;
	s26 =	sadd.s32 s0, s25;
	[dreg:$0x9] =	wrdreg s24  }
0x11: {  	s5 =	sadd.s32 $0xE00, s19;
	s10 =	sadd.s32 s18, s25;
	[dreg:$0xb] =	wrdreg s26  }
0x12: {  	s0 =	sadd.s32 s0, s5;
	[dreg:$0xc] =	wrdreg s10  }
0x13: {  	s9 =	smul.u32 $0x50000, s9;
	s5 =	sadd.s32 s18, s5;
	[dreg:$0xd] =	wrdreg s0  }
0x14: {  	s3 =	sadd.s32 $0x23E00, s3;
	[dreg:$0xe] =	wrdreg s5  }
0x15: {  	s11 =	sshrl.u32 s9, $0x2;
	s6 =	sadd.s32 s18, s23;
	[dreg:$0xf] =	wrdreg s3  }
0x16: {  	s0 =	sadd.s32 s11, s2;
	[dreg:$0xa] =	wrdreg s6  }
0x17: {  	s13 =	sadd.s32 $0x1400, s0;
	[dreg:$0x10] =	wrdreg s0  }
0x18: {  	s14 =	sadd.s32 $0x2800, s0;
	[dreg:$0x12] =	wrdreg s13  }
0x19: {  	s15 =	sadd.s32 $0x3C00, s0;
	[dreg:$0x13] =	wrdreg s14  }
0x1a: {  	s16 =	sadd.s32 $0x5000, s0;
	[dreg:$0x14] =	wrdreg s15  }
0x1b: {  	s17 =	sadd.s32 $0x6400, s0;
	[dreg:$0x15] =	wrdreg s16  }
0x1c: {  	s18 =	sadd.s32 $0x7800, s0;
	[dreg:$0x16] =	wrdreg s17  }
0x1d: {  	s28 =	simm.s32 $0x9;
	s19 =	sadd.s32 $0x8C00, s0;
	[dreg:$0x17] =	wrdreg s18  }
0x1e: {  	s29 =	simm.s32 $0xA;
	s20 =	sadd.s32 $0xA000, s0;
	[dreg:$0x18] =	wrdreg s19  }
0x1f: {  	s30 =	simm.s32 $0xB;
	s21 =	sadd.s32 $0xB400, s0;
	[dreg:$0x19] =	wrdreg s20  }
0x20: {  	s31 =	simm.s32 $0xC;
	s22 =	sadd.s32 $0xC800, s0;
	[dreg:$0x1a] =	wrdreg s21  }
0x21: {  	s7 =	simm.s32 $0x28;
	s23 =	sadd.s32 $0xDC00, s0;
	[dreg:$0x1b] =	wrdreg s22  }
0x22: {  	s8 =	simm.s32 $0x4C00;
	s24 =	sadd.s32 $0xF000, s0;
	[dreg:$0x1c] =	wrdreg s23  }
0x23: {  	s4 =	simm.s32 $0x3480;
	s25 =	sadd.s32 $0x10400, s0;
	[dreg:$0x1d] =	wrdreg s24  }
0x24: {  	s12 =	simm.s32 $0x7400;
	s26 =	sadd.s32 $0x11800, s0;
	[dreg:$0x1e] =	wrdreg s25  }
0x25: {  	s5 =	simm.s32 $0xD;
	s0 =	sadd.s32 $0x12C00, s0;
	[dreg:$0x1f] =	wrdreg s26  }
0x26: {  	s10 =	simm.s32 $0x6000;
	s3 =	simm.s32 $0x3400;
	[smem:$0x7FD] =	sst s0  }
0x27: {  	s13 =	simm.s32 $0x180;
	s14 =	simm.s32 $0x8800;
	s15 =	simm.s32 $0x200  }
0x28: {  	s17 =	simm.s32 $0x9C00;
	s18 =	simm.s32 $0x3800;
	s19 =	simm.s32 $0x280  }
0x29: {  	s20 =	simm.s32 $0x2;
	s21 =	simm.s32 $0x3;
	s22 =	simm.s32 $0x4  }
0x2a: {  	s23 =	simm.s32 $0x5;
	s24 =	simm.s32 $0x6;
	s25 =	simm.s32 $0x1  }
0x2b: {  	v0 =	vimm.f32 $0.0e+00;
	s26 =	simm.s32 $0x8;
	s0 =	simm.s32 $0x7;
	s16 =	simm.s32 $0x0  }
.LBB2_1:
0x2c: {  	s6 =	simm.s32 $0x0;
	s9 =	rddreg [dreg:$0x5]  }
0x2d: {  	[tilespmem:s6], [sflag:$0xD] =	stream.linear.gather [hbm4b:s9+s6], $0x1900, $0x38;
	[tilespmem:$0x1F000] =	vst v63  }
0x2e: {  	_ =	swait.ge [sflag:s5], $0x1900  }
0x2f: {  	[sflag:s5] =	ssyncset.done $0x0  }
0x30: {  	s11 =	simm.s32 $0x1C00;
	s9 =	rddreg [dreg:$0x6];
	[sflag:s5] =	ssyncadd.s32 $0xFFFFE700  }
0x31: {  	[tilespmem:s11], [sflag:$0xD] =	stream.linear.gather [hbm4b:s9+s6], $0x1900, $0x38;
	[tilespmem:$0x1F000] =	vst v63  }
0x32: {  	_ =	swait.ge [sflag:s5], $0x1900  }
0x33: {  	[sflag:s5] =	ssyncset.done $0x0  }
0x34: {  	[sflag:s5] =	ssyncadd.s32 $0xFFFFE700  }
0x35: {  	[tilespmem:s8], [sflag:$0x2] =	stream.indirect.gather [hbm4b:s1+s7], $0x80, s6, s7, $0xb8;
	[tilespmem:$0x1F000] =	vst v63  }
0x36: {  	s9 =	simm.s32 $0x80  }
0x37: {  	[tilespmem:s10], [sflag:$0x3] =	stream.indirect.gather [hbm4b:s1+s7], $0x80, s9, s7, $0xb8;
	[tilespmem:$0x1F000] =	vst v63  }
0x38: {  	s11 =	simm.s32 $0x100  }
0x39: {  	[tilespmem:s12], [sflag:$0x4] =	stream.indirect.gather [hbm4b:s1+s7], $0x80, s11, s7, $0xb8;
	[tilespmem:$0x1F000] =	vst v63  }
0x3a: {  	_ = 	snop  }
0x3b: {  	[tilespmem:s14], [sflag:$0x5] =	stream.indirect.gather [hbm4b:s1+s7], $0x80, s13, s7, $0xb8;
	[tilespmem:$0x1F000] =	vst v63  }
0x3c: {  	s6 =	simm.s32 $0x0;
	s9 =	simm.s32 $0x200  }
0x3d: {  	[tilespmem:s17], [sflag:$0x6] =	stream.indirect.gather [hbm4b:s1+s7], $0x80, s15, s7, $0xb8;
	[tilespmem:$0x1F000] =	vst v63  }
.LBB2_2:
0x3e: {  	p0 =	sne.s32 s9, $0x4E00;
	[tilespmem:s6+$0x3870] =	vst v0  }
0x3f: {  	[tilespmem:s6+$0x3800] =	vst v0  }
0x40: {  	[tilespmem:s6+$0x3810] =	vst v0  }
.Ltmp0:
0x41: {  	[tilespmem:s6+$0x3820] =	vst v0;
	(pc) =	sbr.rel @p0 .LBB2_2-.Ltmp0, $4  }
0x42: {  	[tilespmem:s6+$0x3830] =	vst v0  }
0x43: {  	[tilespmem:s6+$0x3840] =	vst v0  }
0x44: {  	[tilespmem:s6+$0x3850] =	vst v0  }
0x45: {  	[tilespmem:s6+$0x3860] =	vst v0;
	s6 =	sshra.s32 s9, $0x2;
	s9 =	sadd.s32 $0x200, s9  }
0x46: {  	[tilespmem:s6+$0x3870] =	vst v0  }
0x47: {  	[tilespmem:s6+$0x3800] =	vst v0  }
0x48: {  	[tilespmem:s6+$0x3810] =	vst v0  }
0x49: {  	[tilespmem:s6+$0x3820] =	vst v0  }
0x4a: {  	[tilespmem:s6+$0x3830] =	vst v0  }
0x4b: {  	[tilespmem:s6+$0x3840] =	vst v0  }
0x4c: {  	[tilespmem:s6+$0x3850] =	vst v0  }
0x4d: {  	[tilespmem:s6+$0x3860] =	vst v0;
	s11 =	rddreg [dreg:$0x10]  }
0x4e: {  	[spmem:s11] =	stream.linear.scatter [tilespmem:s18], [sflag:$0xD], $0x1400, $0x38;
	[tilespmem:$0x1F000] =	vst v63  }
0x4f: {  	_ =	swait.ge [sflag:s5], $0x1400  }
0x50: {  	[sflag:s5] =	ssyncset.done $0x0  }
0x51: {  	s9 =	rddreg [dreg:$0x12];
	[sflag:s5] =	ssyncadd.s32 $0xFFFFEC00  }
0x52: {  	[spmem:s9] =	stream.linear.scatter [tilespmem:s18], [sflag:$0xD], $0x1400, $0x38;
	[tilespmem:$0x1F000] =	vst v63  }
0x53: {  	_ =	swait.ge [sflag:s5], $0x1400  }
0x54: {  	[sflag:s5] =	ssyncset.done $0x0  }
0x55: {  	s11 =	rddreg [dreg:$0x13];
	[sflag:s5] =	ssyncadd.s32 $0xFFFFEC00  }
0x56: {  	[spmem:s11] =	stream.linear.scatter [tilespmem:s18], [sflag:$0xD], $0x1400, $0x38;
	[tilespmem:$0x1F000] =	vst v63  }
0x57: {  	_ =	swait.ge [sflag:s5], $0x1400  }
0x58: {  	[sflag:s5] =	ssyncset.done $0x0  }
0x59: {  	s9 =	rddreg [dreg:$0x14];
	[sflag:s5] =	ssyncadd.s32 $0xFFFFEC00  }
0x5a: {  	[spmem:s9] =	stream.linear.scatter [tilespmem:s18], [sflag:$0xD], $0x1400, $0x38;
	[tilespmem:$0x1F000] =	vst v63  }
0x5b: {  	_ =	swait.ge [sflag:s5], $0x1400  }
0x5c: {  	[sflag:s5] =	ssyncset.done $0x0  }
0x5d: {  	s11 =	rddreg [dreg:$0x15];
	[sflag:s5] =	ssyncadd.s32 $0xFFFFEC00  }
0x5e: {  	[spmem:s11] =	stream.linear.scatter [tilespmem:s18], [sflag:$0xD], $0x1400, $0x38;
	[tilespmem:$0x1F000] =	vst v63  }
0x5f: {  	_ =	swait.ge [sflag:s5], $0x1400  }
0x60: {  	[sflag:s5] =	ssyncset.done $0x0  }
0x61: {  	s9 =	rddreg [dreg:$0x16];
	[sflag:s5] =	ssyncadd.s32 $0xFFFFEC00  }
0x62: {  	[spmem:s9] =	stream.linear.scatter [tilespmem:s18], [sflag:$0xD], $0x1400, $0x38;
	[tilespmem:$0x1F000] =	vst v63  }
0x63: {  	_ =	swait.ge [sflag:s5], $0x1400  }
0x64: {  	[sflag:s5] =	ssyncset.done $0x0  }
0x65: {  	s11 =	rddreg [dreg:$0x17];
	[sflag:s5] =	ssyncadd.s32 $0xFFFFEC00  }
0x66: {  	[spmem:s11] =	stream.linear.scatter [tilespmem:s18], [sflag:$0xD], $0x1400, $0x38;
	[tilespmem:$0x1F000] =	vst v63  }
0x67: {  	_ =	swait.ge [sflag:s5], $0x1400  }
0x68: {  	[sflag:s5] =	ssyncset.done $0x0  }
0x69: {  	s9 =	rddreg [dreg:$0x18];
	[sflag:s5] =	ssyncadd.s32 $0xFFFFEC00  }
0x6a: {  	[spmem:s9] =	stream.linear.scatter [tilespmem:s18], [sflag:$0xD], $0x1400, $0x38;
	[tilespmem:$0x1F000] =	vst v63  }
0x6b: {  	_ =	swait.ge [sflag:s5], $0x1400  }
0x6c: {  	[sflag:s5] =	ssyncset.done $0x0  }
0x6d: {  	s11 =	rddreg [dreg:$0x19];
	[sflag:s5] =	ssyncadd.s32 $0xFFFFEC00  }
0x6e: {  	[spmem:s11] =	stream.linear.scatter [tilespmem:s18], [sflag:$0xD], $0x1400, $0x38;
	[tilespmem:$0x1F000] =	vst v63  }
0x6f: {  	_ =	swait.ge [sflag:s5], $0x1400  }
0x70: {  	[sflag:s5] =	ssyncset.done $0x0  }
0x71: {  	s9 =	rddreg [dreg:$0x1a];
	[sflag:s5] =	ssyncadd.s32 $0xFFFFEC00  }
0x72: {  	[spmem:s9] =	stream.linear.scatter [tilespmem:s18], [sflag:$0xD], $0x1400, $0x38;
	[tilespmem:$0x1F000] =	vst v63  }
0x73: {  	_ =	swait.ge [sflag:s5], $0x1400  }
0x74: {  	[sflag:s5] =	ssyncset.done $0x0  }
0x75: {  	s11 =	rddreg [dreg:$0x1b];
	[sflag:s5] =	ssyncadd.s32 $0xFFFFEC00  }
0x76: {  	[spmem:s11] =	stream.linear.scatter [tilespmem:s18], [sflag:$0xD], $0x1400, $0x38;
	[tilespmem:$0x1F000] =	vst v63  }
0x77: {  	_ =	swait.ge [sflag:s5], $0x1400  }
0x78: {  	[sflag:s5] =	ssyncset.done $0x0  }
0x79: {  	s9 =	rddreg [dreg:$0x1c];
	[sflag:s5] =	ssyncadd.s32 $0xFFFFEC00  }
0x7a: {  	[spmem:s9] =	stream.linear.scatter [tilespmem:s18], [sflag:$0xD], $0x1400, $0x38;
	[tilespmem:$0x1F000] =	vst v63  }
0x7b: {  	_ =	swait.ge [sflag:s5], $0x1400  }
0x7c: {  	[sflag:s5] =	ssyncset.done $0x0  }
0x7d: {  	s11 =	rddreg [dreg:$0x1d];
	[sflag:s5] =	ssyncadd.s32 $0xFFFFEC00  }
0x7e: {  	[spmem:s11] =	stream.linear.scatter [tilespmem:s18], [sflag:$0xD], $0x1400, $0x38;
	[tilespmem:$0x1F000] =	vst v63  }
0x7f: {  	_ =	swait.ge [sflag:s5], $0x1400  }
0x80: {  	[sflag:s5] =	ssyncset.done $0x0  }
0x81: {  	s9 =	rddreg [dreg:$0x1e];
	[sflag:s5] =	ssyncadd.s32 $0xFFFFEC00  }
0x82: {  	[spmem:s9] =	stream.linear.scatter [tilespmem:s18], [sflag:$0xD], $0x1400, $0x38;
	[tilespmem:$0x1F000] =	vst v63  }
0x83: {  	_ =	swait.ge [sflag:s5], $0x1400  }
0x84: {  	[sflag:s5] =	ssyncset.done $0x0  }
0x85: {  	s11 =	rddreg [dreg:$0x1f];
	[sflag:s5] =	ssyncadd.s32 $0xFFFFEC00  }
0x86: {  	[spmem:s11] =	stream.linear.scatter [tilespmem:s18], [sflag:$0xD], $0x1400, $0x38;
	[tilespmem:$0x1F000] =	vst v63  }
0x87: {  	_ =	swait.ge [sflag:s5], $0x1400  }
0x88: {  	s9 =	sld [smem:$0x7FD]  }
0x89: {  	[sflag:s5] =	ssyncset.done $0x0  }
0x8a: {  	[sflag:s5] =	ssyncadd.s32 $0xFFFFEC00  }
0x8b: {  	[spmem:s9] =	stream.linear.scatter [tilespmem:s18], [sflag:$0xD], $0x1400, $0x38;
	[tilespmem:$0x1F000] =	vst v63  }
0x8c: {  	_ =	swait.ge [sflag:s5], $0x1400  }
0x8d: {  	[sflag:s5] =	ssyncset.done $0x0  }
0x8e: {  	[sflag:s5] =	ssyncadd.s32 $0xFFFFEC00  }
0x8f: {  	[tilespmem:s18], [sflag:$0x1] =	stream.indirect.gather [hbm4b:s1+s7], $0x80, s19, s7, $0xb8;
	[tilespmem:$0x1F000] =	vst v63  }
0x90: {  	[bflag:$0x0] =	sbarrier.arrive $0xFFFF  }
0x91: {  	_ =	swait.ge [sflag:s20], $0x1400  }
0x92: {  	[sflag:s20] =	ssyncset.done $0x0  }
0x93: {  	s11 =	simm.s32 $0x1C00;
	[sflag:s20] =	ssyncadd.s32 $0xFFFFEC00  }
0x94: {  	[spmem:s2] =	stream.indirect.scatter.add.f32 [tilespmem:s8], [sflag:$0x8], $0x80, s11, s7, $0xb8;
	[tilespmem:$0x1F000] =	vst v63  }
0x95: {  	_ =	swait.ge [sflag:s21], $0x1400  }
0x96: {  	[sflag:s21] =	ssyncset.done $0x0  }
0x97: {  	s9 =	simm.s32 $0x1C80;
	[sflag:s21] =	ssyncadd.s32 $0xFFFFEC00  }
0x98: {  	[spmem:s2] =	stream.indirect.scatter.add.f32 [tilespmem:s10], [sflag:$0x9], $0x80, s9, s7, $0xb8;
	[tilespmem:$0x1F000] =	vst v63  }
0x99: {  	_ =	swait.ge [sflag:s22], $0x1400  }
0x9a: {  	[sflag:s22] =	ssyncset.done $0x0  }
0x9b: {  	s11 =	simm.s32 $0x1D00;
	[sflag:s22] =	ssyncadd.s32 $0xFFFFEC00  }
0x9c: {  	[spmem:s2] =	stream.indirect.scatter.add.f32 [tilespmem:s12], [sflag:$0xA], $0x80, s11, s7, $0xb8;
	[tilespmem:$0x1F000] =	vst v63  }
0x9d: {  	_ =	swait.ge [sflag:s23], $0x1400  }
0x9e: {  	[sflag:s23] =	ssyncset.done $0x0  }
0x9f: {  	s9 =	simm.s32 $0x1D80;
	[sflag:s23] =	ssyncadd.s32 $0xFFFFEC00  }
0xa0: {  	[spmem:s2] =	stream.indirect.scatter.add.f32 [tilespmem:s14], [sflag:$0xB], $0x80, s9, s7, $0xb8;
	[tilespmem:$0x1F000] =	vst v63  }
0xa1: {  	_ =	swait.ge [sflag:s24], $0x1400  }
0xa2: {  	[sflag:s24] =	ssyncset.done $0x0  }
0xa3: {  	s11 =	simm.s32 $0x1E00;
	[sflag:s24] =	ssyncadd.s32 $0xFFFFEC00  }
0xa4: {  	[spmem:s2] =	stream.indirect.scatter.add.f32 [tilespmem:s17], [sflag:$0xC], $0x80, s11, s7, $0xb8;
	[tilespmem:$0x1F000] =	vst v63  }
0xa5: {  	_ =	swait.ge [sflag:s25], $0x1400  }
0xa6: {  	[sflag:s25] =	ssyncset.done $0x0  }
0xa7: {  	s9 =	simm.s32 $0x1E80;
	[sflag:s25] =	ssyncadd.s32 $0xFFFFEC00  }
0xa8: {  	[spmem:s2] =	stream.indirect.scatter.add.f32 [tilespmem:s18], [sflag:$0x7], $0x80, s9, s7, $0xb8;
	[tilespmem:$0x1F000] =	vst v63  }
0xa9: {  	_ =	swait.ge [sflag:s26], $0x1400  }
0xaa: {  	[sflag:s26] =	ssyncset.done $0x0  }
0xab: {  	s11 =	simm.s32 $0x300;
	[sflag:s26] =	ssyncadd.s32 $0xFFFFEC00  }
0xac: {  	[tilespmem:s8], [sflag:$0x2] =	stream.indirect.gather [hbm4b:s1+s7], $0x80, s11, s7, $0xb8;
	[tilespmem:$0x1F000] =	vst v63  }
0xad: {  	_ =	swait.ge [sflag:s28], $0x1400  }
0xae: {  	[sflag:s28] =	ssyncset.done $0x0  }
0xaf: {  	s9 =	simm.s32 $0x380;
	[sflag:s28] =	ssyncadd.s32 $0xFFFFEC00  }
0xb0: {  	[tilespmem:s10], [sflag:$0x3] =	stream.indirect.gather [hbm4b:s1+s7], $0x80, s9, s7, $0xb8;
	[tilespmem:$0x1F000] =	vst v63  }
0xb1: {  	_ =	swait.ge [sflag:s29], $0x1400  }
0xb2: {  	[sflag:s29] =	ssyncset.done $0x0  }
0xb3: {  	s11 =	simm.s32 $0x400;
	[sflag:s29] =	ssyncadd.s32 $0xFFFFEC00  }
0xb4: {  	[tilespmem:s12], [sflag:$0x4] =	stream.indirect.gather [hbm4b:s1+s7], $0x80, s11, s7, $0xb8;
	[tilespmem:$0x1F000] =	vst v63  }
0xb5: {  	_ =	swait.ge [sflag:s30], $0x1400  }
0xb6: {  	[sflag:s30] =	ssyncset.done $0x0  }
0xb7: {  	s9 =	simm.s32 $0x480;
	[sflag:s30] =	ssyncadd.s32 $0xFFFFEC00  }
0xb8: {  	[tilespmem:s14], [sflag:$0x5] =	stream.indirect.gather [hbm4b:s1+s7], $0x80, s9, s7, $0xb8;
	[tilespmem:$0x1F000] =	vst v63  }
0xb9: {  	_ =	swait.ge [sflag:s31], $0x1400  }
0xba: {  	[sflag:s31] =	ssyncset.done $0x0  }
0xbb: {  	s11 =	simm.s32 $0x500;
	[sflag:s31] =	ssyncadd.s32 $0xFFFFEC00  }
0xbc: {  	[tilespmem:s17], [sflag:$0x6] =	stream.indirect.gather [hbm4b:s1+s7], $0x80, s11, s7, $0xb8;
	[tilespmem:$0x1F000] =	vst v63  }
0xbd: {  	_ =	swait.ge [sflag:s0], $0x1400  }
0xbe: {  	[sflag:s0] =	ssyncset.done $0x0  }
0xbf: {  	s6 =	simm.s32 $0xC00;
	s9 =	simm.s32 $0x580;
	[sflag:s0] =	ssyncadd.s32 $0xFFFFEC00  }
.LBB2_4:
0xc0: {  	[tilespmem:s18], [sflag:$0x1] =	stream.indirect.gather [hbm4b:s1+s7], $0x80, s9, s7, $0xb8;
	[tilespmem:$0x1F000] =	vst v63  }
0xc1: {  	s9 =	smov.u32 s6;
	s6 =	sadd.s32 $0xC00, s6;
	_ =	swait.ge [sflag:s20], $0x1400  }
0xc2: {  	s9 =	sshra.s32 s9, $0x2;
	p0 =	sne.s32 s6, $0x5400;
	[sflag:s20] =	ssyncset.done $0x0  }
0xc3: {  	s11 =	sadd.s32 $0x1C00, s9;
	[sflag:s20] =	ssyncadd.s32 $0xFFFFEC00  }
0xc4: {  	[spmem:s2] =	stream.indirect.scatter.add.f32 [tilespmem:s8], [sflag:$0x8], $0x80, s11, s7, $0xb8;
	[tilespmem:$0x1F000] =	vst v63  }
0xc5: {  	_ =	swait.ge [sflag:s21], $0x1400  }
0xc6: {  	[sflag:s21] =	ssyncset.done $0x0  }
0xc7: {  	s11 =	sadd.s32 $0x1C80, s9;
	[sflag:s21] =	ssyncadd.s32 $0xFFFFEC00  }
0xc8: {  	[spmem:s2] =	stream.indirect.scatter.add.f32 [tilespmem:s10], [sflag:$0x9], $0x80, s11, s7, $0xb8;
	[tilespmem:$0x1F000] =	vst v63  }
0xc9: {  	_ =	swait.ge [sflag:s22], $0x1400  }
0xca: {  	[sflag:s22] =	ssyncset.done $0x0  }
0xcb: {  	s11 =	sadd.s32 $0x1D00, s9;
	[sflag:s22] =	ssyncadd.s32 $0xFFFFEC00  }
0xcc: {  	[spmem:s2] =	stream.indirect.scatter.add.f32 [tilespmem:s12], [sflag:$0xA], $0x80, s11, s7, $0xb8;
	[tilespmem:$0x1F000] =	vst v63  }
0xcd: {  	_ =	swait.ge [sflag:s23], $0x1400  }
0xce: {  	[sflag:s23] =	ssyncset.done $0x0  }
0xcf: {  	s11 =	sadd.s32 $0x1D80, s9;
	[sflag:s23] =	ssyncadd.s32 $0xFFFFEC00  }
0xd0: {  	[spmem:s2] =	stream.indirect.scatter.add.f32 [tilespmem:s14], [sflag:$0xB], $0x80, s11, s7, $0xb8;
	[tilespmem:$0x1F000] =	vst v63  }
0xd1: {  	_ =	swait.ge [sflag:s24], $0x1400  }
0xd2: {  	[sflag:s24] =	ssyncset.done $0x0  }
0xd3: {  	s11 =	sadd.s32 $0x1E00, s9;
	[sflag:s24] =	ssyncadd.s32 $0xFFFFEC00  }
0xd4: {  	[spmem:s2] =	stream.indirect.scatter.add.f32 [tilespmem:s17], [sflag:$0xC], $0x80, s11, s7, $0xb8;
	[tilespmem:$0x1F000] =	vst v63  }
0xd5: {  	_ =	swait.ge [sflag:s25], $0x1400  }
0xd6: {  	[sflag:s25] =	ssyncset.done $0x0  }
0xd7: {  	s11 =	sadd.s32 $0x1E80, s9;
	[sflag:s25] =	ssyncadd.s32 $0xFFFFEC00  }
0xd8: {  	[spmem:s2] =	stream.indirect.scatter.add.f32 [tilespmem:s18], [sflag:$0x7], $0x80, s11, s7, $0xb8;
	[tilespmem:$0x1F000] =	vst v63  }
0xd9: {  	_ =	swait.ge [sflag:s26], $0x1400  }
0xda: {  	[sflag:s26] =	ssyncset.done $0x0  }
0xdb: {  	s11 =	sadd.s32 $0x300, s9;
	[sflag:s26] =	ssyncadd.s32 $0xFFFFEC00  }
0xdc: {  	[tilespmem:s8], [sflag:$0x2] =	stream.indirect.gather [hbm4b:s1+s7], $0x80, s11, s7, $0xb8;
	[tilespmem:$0x1F000] =	vst v63  }
0xdd: {  	_ =	swait.ge [sflag:s28], $0x1400  }
0xde: {  	[sflag:s28] =	ssyncset.done $0x0  }
0xdf: {  	s11 =	sadd.s32 $0x380, s9;
	[sflag:s28] =	ssyncadd.s32 $0xFFFFEC00  }
0xe0: {  	[tilespmem:s10], [sflag:$0x3] =	stream.indirect.gather [hbm4b:s1+s7], $0x80, s11, s7, $0xb8;
	[tilespmem:$0x1F000] =	vst v63  }
0xe1: {  	_ =	swait.ge [sflag:s29], $0x1400  }
0xe2: {  	[sflag:s29] =	ssyncset.done $0x0  }
0xe3: {  	s11 =	sadd.s32 $0x400, s9;
	[sflag:s29] =	ssyncadd.s32 $0xFFFFEC00  }
0xe4: {  	[tilespmem:s12], [sflag:$0x4] =	stream.indirect.gather [hbm4b:s1+s7], $0x80, s11, s7, $0xb8;
	[tilespmem:$0x1F000] =	vst v63  }
0xe5: {  	_ =	swait.ge [sflag:s30], $0x1400  }
0xe6: {  	[sflag:s30] =	ssyncset.done $0x0  }
0xe7: {  	s11 =	sadd.s32 $0x480, s9;
	[sflag:s30] =	ssyncadd.s32 $0xFFFFEC00  }
0xe8: {  	[tilespmem:s14], [sflag:$0x5] =	stream.indirect.gather [hbm4b:s1+s7], $0x80, s11, s7, $0xb8;
	[tilespmem:$0x1F000] =	vst v63  }
0xe9: {  	_ =	swait.ge [sflag:s31], $0x1400  }
0xea: {  	[sflag:s31] =	ssyncset.done $0x0  }
.Ltmp1:
0xeb: {  	s11 =	sadd.s32 $0x500, s9;
	[sflag:s31] =	ssyncadd.s32 $0xFFFFEC00;
	(pc) =	sbr.rel @p0 .LBB2_4-.Ltmp1, $4  }
0xec: {  	[tilespmem:s17], [sflag:$0x6] =	stream.indirect.gather [hbm4b:s1+s7], $0x80, s11, s7, $0xb8;
	[tilespmem:$0x1F000] =	vst v63  }
0xed: {  	_ =	swait.ge [sflag:s0], $0x1400  }
0xee: {  	[sflag:s0] =	ssyncset.done $0x0  }
0xef: {  	s9 =	sadd.s32 $0x580, s9;
	[sflag:s0] =	ssyncadd.s32 $0xFFFFEC00  }
0xf0: {  	[tilespmem:s18], [sflag:$0x1] =	stream.indirect.gather [hbm4b:s1+s7], $0x80, s9, s7, $0xb8;
	[tilespmem:$0x1F000] =	vst v63  }
0xf1: {  	_ =	swait.ge [sflag:s20], $0x1400  }
0xf2: {  	s6 =	sshra.s32 s6, $0x2;
	[sflag:s20] =	ssyncset.done $0x0  }
0xf3: {  	s11 =	sadd.s32 $0x1C00, s6;
	[sflag:s20] =	ssyncadd.s32 $0xFFFFEC00  }
0xf4: {  	[spmem:s2] =	stream.indirect.scatter.add.f32 [tilespmem:s8], [sflag:$0x8], $0x80, s11, s7, $0xb8;
	[tilespmem:$0x1F000] =	vst v63  }
0xf5: {  	_ =	swait.ge [sflag:s21], $0x1400  }
0xf6: {  	[sflag:s21] =	ssyncset.done $0x0  }
0xf7: {  	s11 =	sadd.s32 $0x1C80, s6;
	[sflag:s21] =	ssyncadd.s32 $0xFFFFEC00  }
0xf8: {  	[spmem:s2] =	stream.indirect.scatter.add.f32 [tilespmem:s10], [sflag:$0x9], $0x80, s11, s7, $0xb8;
	[tilespmem:$0x1F000] =	vst v63  }
0xf9: {  	_ =	swait.ge [sflag:s22], $0x1400  }
0xfa: {  	[sflag:s22] =	ssyncset.done $0x0  }
0xfb: {  	s11 =	sadd.s32 $0x1D00, s6;
	[sflag:s22] =	ssyncadd.s32 $0xFFFFEC00  }
0xfc: {  	[spmem:s2] =	stream.indirect.scatter.add.f32 [tilespmem:s12], [sflag:$0xA], $0x80, s11, s7, $0xb8;
	[tilespmem:$0x1F000] =	vst v63  }
0xfd: {  	_ =	swait.ge [sflag:s23], $0x1400  }
0xfe: {  	[sflag:s23] =	ssyncset.done $0x0  }
0xff: {  	s11 =	sadd.s32 $0x1D80, s6;
	[sflag:s23] =	ssyncadd.s32 $0xFFFFEC00  }
0x100: {  	[spmem:s2] =	stream.indirect.scatter.add.f32 [tilespmem:s14], [sflag:$0xB], $0x80, s11, s7, $0xb8;
	[tilespmem:$0x1F000] =	vst v63  }
0x101: {  	_ =	swait.ge [sflag:s24], $0x1400  }
0x102: {  	[sflag:s24] =	ssyncset.done $0x0  }
0x103: {  	s11 =	sadd.s32 $0x1E00, s6;
	[sflag:s24] =	ssyncadd.s32 $0xFFFFEC00  }
0x104: {  	[spmem:s2] =	stream.indirect.scatter.add.f32 [tilespmem:s17], [sflag:$0xC], $0x80, s11, s7, $0xb8;
	[tilespmem:$0x1F000] =	vst v63  }
0x105: {  	_ =	swait.ge [sflag:s25], $0x1400  }
0x106: {  	[sflag:s25] =	ssyncset.done $0x0  }
0x107: {  	s11 =	sadd.s32 $0x1E80, s6;
	[sflag:s25] =	ssyncadd.s32 $0xFFFFEC00  }
0x108: {  	[spmem:s2] =	stream.indirect.scatter.add.f32 [tilespmem:s18], [sflag:$0x7], $0x80, s11, s7, $0xb8;
	[tilespmem:$0x1F000] =	vst v63  }
0x109: {  	_ =	swait.ge [sflag:s26], $0x1400  }
0x10a: {  	[sflag:s26] =	ssyncset.done $0x0  }
0x10b: {  	s11 =	sadd.s32 $0x300, s6;
	[sflag:s26] =	ssyncadd.s32 $0xFFFFEC00  }
0x10c: {  	[tilespmem:s8], [sflag:$0x2] =	stream.indirect.gather [hbm4b:s1+s7], $0x80, s11, s7, $0xb8;
	[tilespmem:$0x1F000] =	vst v63  }
0x10d: {  	_ =	swait.ge [sflag:s28], $0x1400  }
0x10e: {  	[sflag:s28] =	ssyncset.done $0x0  }
0x10f: {  	s6 =	sadd.s32 $0x380, s6;
	[sflag:s28] =	ssyncadd.s32 $0xFFFFEC00  }
0x110: {  	[tilespmem:s10], [sflag:$0x3] =	stream.indirect.gather [hbm4b:s1+s7], $0x80, s6, s7, $0xb8;
	[tilespmem:$0x1F000] =	vst v63  }
0x111: {  	_ =	swait.ge [sflag:s20], $0x1400  }
0x112: {  	[sflag:s20] =	ssyncset.done $0x0  }
0x113: {  	[sflag:s20] =	ssyncadd.s32 $0xFFFFEC00  }
0x114: {  	[spmem:s2] =	stream.indirect.scatter.add.f32 [tilespmem:s8], [sflag:$0x8], $0x80, s3, s7, $0xb8;
	[tilespmem:$0x1F000] =	vst v63  }
0x115: {  	_ =	swait.ge [sflag:s21], $0x1400  }
0x116: {  	[sflag:s21] =	ssyncset.done $0x0  }
0x117: {  	[sflag:s21] =	ssyncadd.s32 $0xFFFFEC00  }
0x118: {  	[spmem:s2] =	stream.indirect.scatter.add.f32 [tilespmem:s10], [sflag:$0x9], $0x80, s4, s7, $0xb8;
	[tilespmem:$0x1F000] =	vst v63  }
0x119: {  	_ =	swait.ge [sflag:s26], $0x1400  }
0x11a: {  	[sflag:s26] =	ssyncset.done $0x0  }
0x11b: {  	[sflag:s26] =	ssyncadd.s32 $0xFFFFEC00  }
0x11c: {  	_ =	swait.ge [sflag:s28], $0x1400  }
0x11d: {  	[sflag:s28] =	ssyncset.done $0x0  }
0x11e: {  	[sflag:s28] =	ssyncadd.s32 $0xFFFFEC00  }
0x11f: {  	_ =	swait.ge [sflag:s29], $0x1400  }
0x120: {  	[sflag:s29] =	ssyncset.done $0x0  }
0x121: {  	[sflag:s29] =	ssyncadd.s32 $0xFFFFEC00  }
0x122: {  	_ =	swait.ge [sflag:s30], $0x1400  }
0x123: {  	[sflag:s30] =	ssyncset.done $0x0  }
0x124: {  	[sflag:s30] =	ssyncadd.s32 $0xFFFFEC00  }
0x125: {  	_ =	swait.ge [sflag:s31], $0x1400  }
0x126: {  	[sflag:s31] =	ssyncset.done $0x0  }
0x127: {  	[sflag:s31] =	ssyncadd.s32 $0xFFFFEC00  }
0x128: {  	_ =	swait.ge [sflag:s0], $0x1400  }
0x129: {  	[sflag:s0] =	ssyncset.done $0x0  }
0x12a: {  	s6 =	simm.s32 $0x0;
	s11 =	rddreg [dreg:$0x7];
	[sflag:s0] =	ssyncadd.s32 $0xFFFFEC00  }
0x12b: {  	[tilespmem:s6], [sflag:$0xD] =	stream.linear.gather [hbm4b:s11+s6], $0x1900, $0x38;
	[tilespmem:$0x1F000] =	vst v63  }
0x12c: {  	_ =	swait.ge [sflag:s5], $0x1900  }
0x12d: {  	[sflag:s5] =	ssyncset.done $0x0  }
0x12e: {  	s11 =	simm.s32 $0x1C00;
	s9 =	rddreg [dreg:$0x8];
	[sflag:s5] =	ssyncadd.s32 $0xFFFFE700  }
0x12f: {  	[tilespmem:s11], [sflag:$0xD] =	stream.linear.gather [hbm4b:s9+s6], $0x1900, $0x38;
	[tilespmem:$0x1F000] =	vst v63  }
0x130: {  	_ =	swait.ge [sflag:s5], $0x1900  }
0x131: {  	[sflag:s5] =	ssyncset.done $0x0  }
0x132: {  	[sflag:s5] =	ssyncadd.s32 $0xFFFFE700  }
0x133: {  	[tilespmem:s8], [sflag:$0x2] =	stream.indirect.gather [hbm4b:s1+s7], $0x80, s6, s7, $0xb8;
	[tilespmem:$0x1F000] =	vst v63  }
0x134: {  	s11 =	simm.s32 $0x80  }
0x135: {  	[tilespmem:s10], [sflag:$0x3] =	stream.indirect.gather [hbm4b:s1+s7], $0x80, s11, s7, $0xb8;
	[tilespmem:$0x1F000] =	vst v63  }
0x136: {  	s9 =	simm.s32 $0x100  }
0x137: {  	[tilespmem:s12], [sflag:$0x4] =	stream.indirect.gather [hbm4b:s1+s7], $0x80, s9, s7, $0xb8;
	[tilespmem:$0x1F000] =	vst v63  }
0x138: {  	_ = 	snop  }
0x139: {  	[tilespmem:s14], [sflag:$0x5] =	stream.indirect.gather [hbm4b:s1+s7], $0x80, s13, s7, $0xb8;
	[tilespmem:$0x1F000] =	vst v63  }
0x13a: {  	_ = 	snop  }
0x13b: {  	[tilespmem:s17], [sflag:$0x6] =	stream.indirect.gather [hbm4b:s1+s7], $0x80, s15, s7, $0xb8;
	[tilespmem:$0x1F000] =	vst v63  }
0x13c: {  	_ = 	snop  }
0x13d: {  	[tilespmem:s18], [sflag:$0x1] =	stream.indirect.gather [hbm4b:s1+s7], $0x80, s19, s7, $0xb8;
	[tilespmem:$0x1F000] =	vst v63  }
0x13e: {  	_ =	swait.ge [sflag:s20], $0x1400  }
0x13f: {  	[sflag:s20] =	ssyncset.done $0x0  }
0x140: {  	s11 =	simm.s32 $0x1C00;
	[sflag:s20] =	ssyncadd.s32 $0xFFFFEC00  }
0x141: {  	[spmem:s2] =	stream.indirect.scatter.add.f32 [tilespmem:s8], [sflag:$0x8], $0x80, s11, s7, $0xb8;
	[tilespmem:$0x1F000] =	vst v63  }
0x142: {  	_ =	swait.ge [sflag:s21], $0x1400  }
0x143: {  	[sflag:s21] =	ssyncset.done $0x0  }
0x144: {  	s9 =	simm.s32 $0x1C80;
	[sflag:s21] =	ssyncadd.s32 $0xFFFFEC00  }
0x145: {  	[spmem:s2] =	stream.indirect.scatter.add.f32 [tilespmem:s10], [sflag:$0x9], $0x80, s9, s7, $0xb8;
	[tilespmem:$0x1F000] =	vst v63  }
0x146: {  	_ =	swait.ge [sflag:s22], $0x1400  }
0x147: {  	[sflag:s22] =	ssyncset.done $0x0  }
0x148: {  	s11 =	simm.s32 $0x1D00;
	[sflag:s22] =	ssyncadd.s32 $0xFFFFEC00  }
0x149: {  	[spmem:s2] =	stream.indirect.scatter.add.f32 [tilespmem:s12], [sflag:$0xA], $0x80, s11, s7, $0xb8;
	[tilespmem:$0x1F000] =	vst v63  }
0x14a: {  	_ =	swait.ge [sflag:s23], $0x1400  }
0x14b: {  	[sflag:s23] =	ssyncset.done $0x0  }
0x14c: {  	s9 =	simm.s32 $0x1D80;
	[sflag:s23] =	ssyncadd.s32 $0xFFFFEC00  }
0x14d: {  	[spmem:s2] =	stream.indirect.scatter.add.f32 [tilespmem:s14], [sflag:$0xB], $0x80, s9, s7, $0xb8;
	[tilespmem:$0x1F000] =	vst v63  }
0x14e: {  	_ =	swait.ge [sflag:s24], $0x1400  }
0x14f: {  	[sflag:s24] =	ssyncset.done $0x0  }
0x150: {  	s11 =	simm.s32 $0x1E00;
	[sflag:s24] =	ssyncadd.s32 $0xFFFFEC00  }
0x151: {  	[spmem:s2] =	stream.indirect.scatter.add.f32 [tilespmem:s17], [sflag:$0xC], $0x80, s11, s7, $0xb8;
	[tilespmem:$0x1F000] =	vst v63  }
0x152: {  	_ =	swait.ge [sflag:s25], $0x1400  }
0x153: {  	[sflag:s25] =	ssyncset.done $0x0  }
0x154: {  	s9 =	simm.s32 $0x1E80;
	[sflag:s25] =	ssyncadd.s32 $0xFFFFEC00  }
0x155: {  	[spmem:s2] =	stream.indirect.scatter.add.f32 [tilespmem:s18], [sflag:$0x7], $0x80, s9, s7, $0xb8;
	[tilespmem:$0x1F000] =	vst v63  }
0x156: {  	_ =	swait.ge [sflag:s26], $0x1400  }
0x157: {  	[sflag:s26] =	ssyncset.done $0x0  }
0x158: {  	s11 =	simm.s32 $0x300;
	[sflag:s26] =	ssyncadd.s32 $0xFFFFEC00  }
0x159: {  	[tilespmem:s8], [sflag:$0x2] =	stream.indirect.gather [hbm4b:s1+s7], $0x80, s11, s7, $0xb8;
	[tilespmem:$0x1F000] =	vst v63  }
0x15a: {  	_ =	swait.ge [sflag:s28], $0x1400  }
0x15b: {  	[sflag:s28] =	ssyncset.done $0x0  }
0x15c: {  	s9 =	simm.s32 $0x380;
	[sflag:s28] =	ssyncadd.s32 $0xFFFFEC00  }
0x15d: {  	[tilespmem:s10], [sflag:$0x3] =	stream.indirect.gather [hbm4b:s1+s7], $0x80, s9, s7, $0xb8;
	[tilespmem:$0x1F000] =	vst v63  }
0x15e: {  	_ =	swait.ge [sflag:s29], $0x1400  }
0x15f: {  	[sflag:s29] =	ssyncset.done $0x0  }
0x160: {  	s11 =	simm.s32 $0x400;
	[sflag:s29] =	ssyncadd.s32 $0xFFFFEC00  }
0x161: {  	[tilespmem:s12], [sflag:$0x4] =	stream.indirect.gather [hbm4b:s1+s7], $0x80, s11, s7, $0xb8;
	[tilespmem:$0x1F000] =	vst v63  }
0x162: {  	_ =	swait.ge [sflag:s30], $0x1400  }
0x163: {  	[sflag:s30] =	ssyncset.done $0x0  }
0x164: {  	s9 =	simm.s32 $0x480;
	[sflag:s30] =	ssyncadd.s32 $0xFFFFEC00  }
0x165: {  	[tilespmem:s14], [sflag:$0x5] =	stream.indirect.gather [hbm4b:s1+s7], $0x80, s9, s7, $0xb8;
	[tilespmem:$0x1F000] =	vst v63  }
0x166: {  	_ =	swait.ge [sflag:s31], $0x1400  }
0x167: {  	[sflag:s31] =	ssyncset.done $0x0  }
0x168: {  	s11 =	simm.s32 $0x500;
	[sflag:s31] =	ssyncadd.s32 $0xFFFFEC00  }
0x169: {  	[tilespmem:s17], [sflag:$0x6] =	stream.indirect.gather [hbm4b:s1+s7], $0x80, s11, s7, $0xb8;
	[tilespmem:$0x1F000] =	vst v63  }
0x16a: {  	_ =	swait.ge [sflag:s0], $0x1400  }
0x16b: {  	[sflag:s0] =	ssyncset.done $0x0  }
0x16c: {  	s6 =	simm.s32 $0xC00;
	s9 =	simm.s32 $0x580;
	[sflag:s0] =	ssyncadd.s32 $0xFFFFEC00  }
.LBB2_6:
0x16d: {  	[tilespmem:s18], [sflag:$0x1] =	stream.indirect.gather [hbm4b:s1+s7], $0x80, s9, s7, $0xb8;
	[tilespmem:$0x1F000] =	vst v63  }
0x16e: {  	s9 =	smov.u32 s6;
	s6 =	sadd.s32 $0xC00, s6;
	_ =	swait.ge [sflag:s20], $0x1400  }
0x16f: {  	s9 =	sshra.s32 s9, $0x2;
	p0 =	sne.s32 s6, $0x5400;
	[sflag:s20] =	ssyncset.done $0x0  }
0x170: {  	s11 =	sadd.s32 $0x1C00, s9;
	[sflag:s20] =	ssyncadd.s32 $0xFFFFEC00  }
0x171: {  	[spmem:s2] =	stream.indirect.scatter.add.f32 [tilespmem:s8], [sflag:$0x8], $0x80, s11, s7, $0xb8;
	[tilespmem:$0x1F000] =	vst v63  }
0x172: {  	_ =	swait.ge [sflag:s21], $0x1400  }
0x173: {  	[sflag:s21] =	ssyncset.done $0x0  }
0x174: {  	s11 =	sadd.s32 $0x1C80, s9;
	[sflag:s21] =	ssyncadd.s32 $0xFFFFEC00  }
0x175: {  	[spmem:s2] =	stream.indirect.scatter.add.f32 [tilespmem:s10], [sflag:$0x9], $0x80, s11, s7, $0xb8;
	[tilespmem:$0x1F000] =	vst v63  }
0x176: {  	_ =	swait.ge [sflag:s22], $0x1400  }
0x177: {  	[sflag:s22] =	ssyncset.done $0x0  }
0x178: {  	s11 =	sadd.s32 $0x1D00, s9;
	[sflag:s22] =	ssyncadd.s32 $0xFFFFEC00  }
0x179: {  	[spmem:s2] =	stream.indirect.scatter.add.f32 [tilespmem:s12], [sflag:$0xA], $0x80, s11, s7, $0xb8;
	[tilespmem:$0x1F000] =	vst v63  }
0x17a: {  	_ =	swait.ge [sflag:s23], $0x1400  }
0x17b: {  	[sflag:s23] =	ssyncset.done $0x0  }
0x17c: {  	s11 =	sadd.s32 $0x1D80, s9;
	[sflag:s23] =	ssyncadd.s32 $0xFFFFEC00  }
0x17d: {  	[spmem:s2] =	stream.indirect.scatter.add.f32 [tilespmem:s14], [sflag:$0xB], $0x80, s11, s7, $0xb8;
	[tilespmem:$0x1F000] =	vst v63  }
0x17e: {  	_ =	swait.ge [sflag:s24], $0x1400  }
0x17f: {  	[sflag:s24] =	ssyncset.done $0x0  }
0x180: {  	s11 =	sadd.s32 $0x1E00, s9;
	[sflag:s24] =	ssyncadd.s32 $0xFFFFEC00  }
0x181: {  	[spmem:s2] =	stream.indirect.scatter.add.f32 [tilespmem:s17], [sflag:$0xC], $0x80, s11, s7, $0xb8;
	[tilespmem:$0x1F000] =	vst v63  }
0x182: {  	_ =	swait.ge [sflag:s25], $0x1400  }
0x183: {  	[sflag:s25] =	ssyncset.done $0x0  }
0x184: {  	s11 =	sadd.s32 $0x1E80, s9;
	[sflag:s25] =	ssyncadd.s32 $0xFFFFEC00  }
0x185: {  	[spmem:s2] =	stream.indirect.scatter.add.f32 [tilespmem:s18], [sflag:$0x7], $0x80, s11, s7, $0xb8;
	[tilespmem:$0x1F000] =	vst v63  }
0x186: {  	_ =	swait.ge [sflag:s26], $0x1400  }
0x187: {  	[sflag:s26] =	ssyncset.done $0x0  }
0x188: {  	s11 =	sadd.s32 $0x300, s9;
	[sflag:s26] =	ssyncadd.s32 $0xFFFFEC00  }
0x189: {  	[tilespmem:s8], [sflag:$0x2] =	stream.indirect.gather [hbm4b:s1+s7], $0x80, s11, s7, $0xb8;
	[tilespmem:$0x1F000] =	vst v63  }
0x18a: {  	_ =	swait.ge [sflag:s28], $0x1400  }
0x18b: {  	[sflag:s28] =	ssyncset.done $0x0  }
0x18c: {  	s11 =	sadd.s32 $0x380, s9;
	[sflag:s28] =	ssyncadd.s32 $0xFFFFEC00  }
0x18d: {  	[tilespmem:s10], [sflag:$0x3] =	stream.indirect.gather [hbm4b:s1+s7], $0x80, s11, s7, $0xb8;
	[tilespmem:$0x1F000] =	vst v63  }
0x18e: {  	_ =	swait.ge [sflag:s29], $0x1400  }
0x18f: {  	[sflag:s29] =	ssyncset.done $0x0  }
0x190: {  	s11 =	sadd.s32 $0x400, s9;
	[sflag:s29] =	ssyncadd.s32 $0xFFFFEC00  }
0x191: {  	[tilespmem:s12], [sflag:$0x4] =	stream.indirect.gather [hbm4b:s1+s7], $0x80, s11, s7, $0xb8;
	[tilespmem:$0x1F000] =	vst v63  }
0x192: {  	_ =	swait.ge [sflag:s30], $0x1400  }
0x193: {  	[sflag:s30] =	ssyncset.done $0x0  }
0x194: {  	s11 =	sadd.s32 $0x480, s9;
	[sflag:s30] =	ssyncadd.s32 $0xFFFFEC00  }
0x195: {  	[tilespmem:s14], [sflag:$0x5] =	stream.indirect.gather [hbm4b:s1+s7], $0x80, s11, s7, $0xb8;
	[tilespmem:$0x1F000] =	vst v63  }
0x196: {  	_ =	swait.ge [sflag:s31], $0x1400  }
0x197: {  	[sflag:s31] =	ssyncset.done $0x0  }
.Ltmp2:
0x198: {  	s11 =	sadd.s32 $0x500, s9;
	[sflag:s31] =	ssyncadd.s32 $0xFFFFEC00;
	(pc) =	sbr.rel @p0 .LBB2_6-.Ltmp2, $4  }
0x199: {  	[tilespmem:s17], [sflag:$0x6] =	stream.indirect.gather [hbm4b:s1+s7], $0x80, s11, s7, $0xb8;
	[tilespmem:$0x1F000] =	vst v63  }
0x19a: {  	_ =	swait.ge [sflag:s0], $0x1400  }
0x19b: {  	[sflag:s0] =	ssyncset.done $0x0  }
0x19c: {  	s9 =	sadd.s32 $0x580, s9;
	[sflag:s0] =	ssyncadd.s32 $0xFFFFEC00  }
0x19d: {  	[tilespmem:s18], [sflag:$0x1] =	stream.indirect.gather [hbm4b:s1+s7], $0x80, s9, s7, $0xb8;
	[tilespmem:$0x1F000] =	vst v63  }
0x19e: {  	_ =	swait.ge [sflag:s20], $0x1400  }
0x19f: {  	s6 =	sshra.s32 s6, $0x2;
	[sflag:s20] =	ssyncset.done $0x0  }
0x1a0: {  	s11 =	sadd.s32 $0x1C00, s6;
	[sflag:s20] =	ssyncadd.s32 $0xFFFFEC00  }
0x1a1: {  	[spmem:s2] =	stream.indirect.scatter.add.f32 [tilespmem:s8], [sflag:$0x8], $0x80, s11, s7, $0xb8;
	[tilespmem:$0x1F000] =	vst v63  }
0x1a2: {  	_ =	swait.ge [sflag:s21], $0x1400  }
0x1a3: {  	[sflag:s21] =	ssyncset.done $0x0  }
0x1a4: {  	s11 =	sadd.s32 $0x1C80, s6;
	[sflag:s21] =	ssyncadd.s32 $0xFFFFEC00  }
0x1a5: {  	[spmem:s2] =	stream.indirect.scatter.add.f32 [tilespmem:s10], [sflag:$0x9], $0x80, s11, s7, $0xb8;
	[tilespmem:$0x1F000] =	vst v63  }
0x1a6: {  	_ =	swait.ge [sflag:s22], $0x1400  }
0x1a7: {  	[sflag:s22] =	ssyncset.done $0x0  }
0x1a8: {  	s11 =	sadd.s32 $0x1D00, s6;
	[sflag:s22] =	ssyncadd.s32 $0xFFFFEC00  }
0x1a9: {  	[spmem:s2] =	stream.indirect.scatter.add.f32 [tilespmem:s12], [sflag:$0xA], $0x80, s11, s7, $0xb8;
	[tilespmem:$0x1F000] =	vst v63  }
0x1aa: {  	_ =	swait.ge [sflag:s23], $0x1400  }
0x1ab: {  	[sflag:s23] =	ssyncset.done $0x0  }
0x1ac: {  	s11 =	sadd.s32 $0x1D80, s6;
	[sflag:s23] =	ssyncadd.s32 $0xFFFFEC00  }
0x1ad: {  	[spmem:s2] =	stream.indirect.scatter.add.f32 [tilespmem:s14], [sflag:$0xB], $0x80, s11, s7, $0xb8;
	[tilespmem:$0x1F000] =	vst v63  }
0x1ae: {  	_ =	swait.ge [sflag:s24], $0x1400  }
0x1af: {  	[sflag:s24] =	ssyncset.done $0x0  }
0x1b0: {  	s11 =	sadd.s32 $0x1E00, s6;
	[sflag:s24] =	ssyncadd.s32 $0xFFFFEC00  }
0x1b1: {  	[spmem:s2] =	stream.indirect.scatter.add.f32 [tilespmem:s17], [sflag:$0xC], $0x80, s11, s7, $0xb8;
	[tilespmem:$0x1F000] =	vst v63  }
0x1b2: {  	_ =	swait.ge [sflag:s25], $0x1400  }
0x1b3: {  	[sflag:s25] =	ssyncset.done $0x0  }
0x1b4: {  	s11 =	sadd.s32 $0x1E80, s6;
	[sflag:s25] =	ssyncadd.s32 $0xFFFFEC00  }
0x1b5: {  	[spmem:s2] =	stream.indirect.scatter.add.f32 [tilespmem:s18], [sflag:$0x7], $0x80, s11, s7, $0xb8;
	[tilespmem:$0x1F000] =	vst v63  }
0x1b6: {  	_ =	swait.ge [sflag:s26], $0x1400  }
0x1b7: {  	[sflag:s26] =	ssyncset.done $0x0  }
0x1b8: {  	s11 =	sadd.s32 $0x300, s6;
	[sflag:s26] =	ssyncadd.s32 $0xFFFFEC00  }
0x1b9: {  	[tilespmem:s8], [sflag:$0x2] =	stream.indirect.gather [hbm4b:s1+s7], $0x80, s11, s7, $0xb8;
	[tilespmem:$0x1F000] =	vst v63  }
0x1ba: {  	_ =	swait.ge [sflag:s28], $0x1400  }
0x1bb: {  	[sflag:s28] =	ssyncset.done $0x0  }
0x1bc: {  	s6 =	sadd.s32 $0x380, s6;
	[sflag:s28] =	ssyncadd.s32 $0xFFFFEC00  }
0x1bd: {  	[tilespmem:s10], [sflag:$0x3] =	stream.indirect.gather [hbm4b:s1+s7], $0x80, s6, s7, $0xb8;
	[tilespmem:$0x1F000] =	vst v63  }
0x1be: {  	_ =	swait.ge [sflag:s20], $0x1400  }
0x1bf: {  	[sflag:s20] =	ssyncset.done $0x0  }
0x1c0: {  	[sflag:s20] =	ssyncadd.s32 $0xFFFFEC00  }
0x1c1: {  	[spmem:s2] =	stream.indirect.scatter.add.f32 [tilespmem:s8], [sflag:$0x8], $0x80, s3, s7, $0xb8;
	[tilespmem:$0x1F000] =	vst v63  }
0x1c2: {  	_ =	swait.ge [sflag:s21], $0x1400  }
0x1c3: {  	[sflag:s21] =	ssyncset.done $0x0  }
0x1c4: {  	[sflag:s21] =	ssyncadd.s32 $0xFFFFEC00  }
0x1c5: {  	[spmem:s2] =	stream.indirect.scatter.add.f32 [tilespmem:s10], [sflag:$0x9], $0x80, s4, s7, $0xb8;
	[tilespmem:$0x1F000] =	vst v63  }
0x1c6: {  	_ =	swait.ge [sflag:s26], $0x1400  }
0x1c7: {  	[sflag:s26] =	ssyncset.done $0x0  }
0x1c8: {  	[sflag:s26] =	ssyncadd.s32 $0xFFFFEC00  }
0x1c9: {  	_ =	swait.ge [sflag:s28], $0x1400  }
0x1ca: {  	[sflag:s28] =	ssyncset.done $0x0  }
0x1cb: {  	[sflag:s28] =	ssyncadd.s32 $0xFFFFEC00  }
0x1cc: {  	_ =	swait.ge [sflag:s29], $0x1400  }
0x1cd: {  	[sflag:s29] =	ssyncset.done $0x0  }
0x1ce: {  	[sflag:s29] =	ssyncadd.s32 $0xFFFFEC00  }
0x1cf: {  	_ =	swait.ge [sflag:s30], $0x1400  }
0x1d0: {  	[sflag:s30] =	ssyncset.done $0x0  }
0x1d1: {  	[sflag:s30] =	ssyncadd.s32 $0xFFFFEC00  }
0x1d2: {  	_ =	swait.ge [sflag:s31], $0x1400  }
0x1d3: {  	[sflag:s31] =	ssyncset.done $0x0  }
0x1d4: {  	[sflag:s31] =	ssyncadd.s32 $0xFFFFEC00  }
0x1d5: {  	_ =	swait.ge [sflag:s0], $0x1400  }
0x1d6: {  	[sflag:s0] =	ssyncset.done $0x0  }
0x1d7: {  	s6 =	simm.s32 $0x0;
	s11 =	rddreg [dreg:$0x9];
	[sflag:s0] =	ssyncadd.s32 $0xFFFFEC00  }
0x1d8: {  	[tilespmem:s6], [sflag:$0xD] =	stream.linear.gather [hbm4b:s11+s6], $0x1900, $0x38;
	[tilespmem:$0x1F000] =	vst v63  }
0x1d9: {  	_ =	swait.ge [sflag:s5], $0x1900  }
0x1da: {  	[sflag:s5] =	ssyncset.done $0x0  }
0x1db: {  	s11 =	simm.s32 $0x1C00;
	s9 =	rddreg [dreg:$0xa];
	[sflag:s5] =	ssyncadd.s32 $0xFFFFE700  }
0x1dc: {  	[tilespmem:s11], [sflag:$0xD] =	stream.linear.gather [hbm4b:s9+s6], $0x1900, $0x38;
	[tilespmem:$0x1F000] =	vst v63  }
0x1dd: {  	_ =	swait.ge [sflag:s5], $0x1900  }
0x1de: {  	[sflag:s5] =	ssyncset.done $0x0  }
0x1df: {  	[sflag:s5] =	ssyncadd.s32 $0xFFFFE700  }
0x1e0: {  	[tilespmem:s8], [sflag:$0x2] =	stream.indirect.gather [hbm4b:s1+s7], $0x80, s6, s7, $0xb8;
	[tilespmem:$0x1F000] =	vst v63  }
0x1e1: {  	s11 =	simm.s32 $0x80  }
0x1e2: {  	[tilespmem:s10], [sflag:$0x3] =	stream.indirect.gather [hbm4b:s1+s7], $0x80, s11, s7, $0xb8;
	[tilespmem:$0x1F000] =	vst v63  }
0x1e3: {  	s9 =	simm.s32 $0x100  }
0x1e4: {  	[tilespmem:s12], [sflag:$0x4] =	stream.indirect.gather [hbm4b:s1+s7], $0x80, s9, s7, $0xb8;
	[tilespmem:$0x1F000] =	vst v63  }
0x1e5: {  	_ = 	snop  }
0x1e6: {  	[tilespmem:s14], [sflag:$0x5] =	stream.indirect.gather [hbm4b:s1+s7], $0x80, s13, s7, $0xb8;
	[tilespmem:$0x1F000] =	vst v63  }
0x1e7: {  	_ = 	snop  }
0x1e8: {  	[tilespmem:s17], [sflag:$0x6] =	stream.indirect.gather [hbm4b:s1+s7], $0x80, s15, s7, $0xb8;
	[tilespmem:$0x1F000] =	vst v63  }
0x1e9: {  	_ = 	snop  }
0x1ea: {  	[tilespmem:s18], [sflag:$0x1] =	stream.indirect.gather [hbm4b:s1+s7], $0x80, s19, s7, $0xb8;
	[tilespmem:$0x1F000] =	vst v63  }
0x1eb: {  	_ =	swait.ge [sflag:s20], $0x1400  }
0x1ec: {  	[sflag:s20] =	ssyncset.done $0x0  }
0x1ed: {  	s11 =	simm.s32 $0x1C00;
	[sflag:s20] =	ssyncadd.s32 $0xFFFFEC00  }
0x1ee: {  	[spmem:s2] =	stream.indirect.scatter.add.f32 [tilespmem:s8], [sflag:$0x8], $0x80, s11, s7, $0xb8;
	[tilespmem:$0x1F000] =	vst v63  }
0x1ef: {  	_ =	swait.ge [sflag:s21], $0x1400  }
0x1f0: {  	[sflag:s21] =	ssyncset.done $0x0  }
0x1f1: {  	s9 =	simm.s32 $0x1C80;
	[sflag:s21] =	ssyncadd.s32 $0xFFFFEC00  }
0x1f2: {  	[spmem:s2] =	stream.indirect.scatter.add.f32 [tilespmem:s10], [sflag:$0x9], $0x80, s9, s7, $0xb8;
	[tilespmem:$0x1F000] =	vst v63  }
0x1f3: {  	_ =	swait.ge [sflag:s22], $0x1400  }
0x1f4: {  	[sflag:s22] =	ssyncset.done $0x0  }
0x1f5: {  	s11 =	simm.s32 $0x1D00;
	[sflag:s22] =	ssyncadd.s32 $0xFFFFEC00  }
0x1f6: {  	[spmem:s2] =	stream.indirect.scatter.add.f32 [tilespmem:s12], [sflag:$0xA], $0x80, s11, s7, $0xb8;
	[tilespmem:$0x1F000] =	vst v63  }
0x1f7: {  	_ =	swait.ge [sflag:s23], $0x1400  }
0x1f8: {  	[sflag:s23] =	ssyncset.done $0x0  }
0x1f9: {  	s9 =	simm.s32 $0x1D80;
	[sflag:s23] =	ssyncadd.s32 $0xFFFFEC00  }
0x1fa: {  	[spmem:s2] =	stream.indirect.scatter.add.f32 [tilespmem:s14], [sflag:$0xB], $0x80, s9, s7, $0xb8;
	[tilespmem:$0x1F000] =	vst v63  }
0x1fb: {  	_ =	swait.ge [sflag:s24], $0x1400  }
0x1fc: {  	[sflag:s24] =	ssyncset.done $0x0  }
0x1fd: {  	s11 =	simm.s32 $0x1E00;
	[sflag:s24] =	ssyncadd.s32 $0xFFFFEC00  }
0x1fe: {  	[spmem:s2] =	stream.indirect.scatter.add.f32 [tilespmem:s17], [sflag:$0xC], $0x80, s11, s7, $0xb8;
	[tilespmem:$0x1F000] =	vst v63  }
0x1ff: {  	_ =	swait.ge [sflag:s25], $0x1400  }
0x200: {  	[sflag:s25] =	ssyncset.done $0x0  }
0x201: {  	s9 =	simm.s32 $0x1E80;
	[sflag:s25] =	ssyncadd.s32 $0xFFFFEC00  }
0x202: {  	[spmem:s2] =	stream.indirect.scatter.add.f32 [tilespmem:s18], [sflag:$0x7], $0x80, s9, s7, $0xb8;
	[tilespmem:$0x1F000] =	vst v63  }
0x203: {  	_ =	swait.ge [sflag:s26], $0x1400  }
0x204: {  	[sflag:s26] =	ssyncset.done $0x0  }
0x205: {  	s11 =	simm.s32 $0x300;
	[sflag:s26] =	ssyncadd.s32 $0xFFFFEC00  }
0x206: {  	[tilespmem:s8], [sflag:$0x2] =	stream.indirect.gather [hbm4b:s1+s7], $0x80, s11, s7, $0xb8;
	[tilespmem:$0x1F000] =	vst v63  }
0x207: {  	_ =	swait.ge [sflag:s28], $0x1400  }
0x208: {  	[sflag:s28] =	ssyncset.done $0x0  }
0x209: {  	s9 =	simm.s32 $0x380;
	[sflag:s28] =	ssyncadd.s32 $0xFFFFEC00  }
0x20a: {  	[tilespmem:s10], [sflag:$0x3] =	stream.indirect.gather [hbm4b:s1+s7], $0x80, s9, s7, $0xb8;
	[tilespmem:$0x1F000] =	vst v63  }
0x20b: {  	_ =	swait.ge [sflag:s29], $0x1400  }
0x20c: {  	[sflag:s29] =	ssyncset.done $0x0  }
0x20d: {  	s11 =	simm.s32 $0x400;
	[sflag:s29] =	ssyncadd.s32 $0xFFFFEC00  }
0x20e: {  	[tilespmem:s12], [sflag:$0x4] =	stream.indirect.gather [hbm4b:s1+s7], $0x80, s11, s7, $0xb8;
	[tilespmem:$0x1F000] =	vst v63  }
0x20f: {  	_ =	swait.ge [sflag:s30], $0x1400  }
0x210: {  	[sflag:s30] =	ssyncset.done $0x0  }
0x211: {  	s9 =	simm.s32 $0x480;
	[sflag:s30] =	ssyncadd.s32 $0xFFFFEC00  }
0x212: {  	[tilespmem:s14], [sflag:$0x5] =	stream.indirect.gather [hbm4b:s1+s7], $0x80, s9, s7, $0xb8;
	[tilespmem:$0x1F000] =	vst v63  }
0x213: {  	_ =	swait.ge [sflag:s31], $0x1400  }
0x214: {  	[sflag:s31] =	ssyncset.done $0x0  }
0x215: {  	s11 =	simm.s32 $0x500;
	[sflag:s31] =	ssyncadd.s32 $0xFFFFEC00  }
0x216: {  	[tilespmem:s17], [sflag:$0x6] =	stream.indirect.gather [hbm4b:s1+s7], $0x80, s11, s7, $0xb8;
	[tilespmem:$0x1F000] =	vst v63  }
0x217: {  	_ =	swait.ge [sflag:s0], $0x1400  }
0x218: {  	[sflag:s0] =	ssyncset.done $0x0  }
0x219: {  	s6 =	simm.s32 $0xC00;
	s9 =	simm.s32 $0x580;
	[sflag:s0] =	ssyncadd.s32 $0xFFFFEC00  }
.LBB2_8:
0x21a: {  	[tilespmem:s18], [sflag:$0x1] =	stream.indirect.gather [hbm4b:s1+s7], $0x80, s9, s7, $0xb8;
	[tilespmem:$0x1F000] =	vst v63  }
0x21b: {  	s9 =	smov.u32 s6;
	s6 =	sadd.s32 $0xC00, s6;
	_ =	swait.ge [sflag:s20], $0x1400  }
0x21c: {  	s9 =	sshra.s32 s9, $0x2;
	p0 =	sne.s32 s6, $0x5400;
	[sflag:s20] =	ssyncset.done $0x0  }
0x21d: {  	s11 =	sadd.s32 $0x1C00, s9;
	[sflag:s20] =	ssyncadd.s32 $0xFFFFEC00  }
0x21e: {  	[spmem:s2] =	stream.indirect.scatter.add.f32 [tilespmem:s8], [sflag:$0x8], $0x80, s11, s7, $0xb8;
	[tilespmem:$0x1F000] =	vst v63  }
0x21f: {  	_ =	swait.ge [sflag:s21], $0x1400  }
0x220: {  	[sflag:s21] =	ssyncset.done $0x0  }
0x221: {  	s11 =	sadd.s32 $0x1C80, s9;
	[sflag:s21] =	ssyncadd.s32 $0xFFFFEC00  }
0x222: {  	[spmem:s2] =	stream.indirect.scatter.add.f32 [tilespmem:s10], [sflag:$0x9], $0x80, s11, s7, $0xb8;
	[tilespmem:$0x1F000] =	vst v63  }
0x223: {  	_ =	swait.ge [sflag:s22], $0x1400  }
0x224: {  	[sflag:s22] =	ssyncset.done $0x0  }
0x225: {  	s11 =	sadd.s32 $0x1D00, s9;
	[sflag:s22] =	ssyncadd.s32 $0xFFFFEC00  }
0x226: {  	[spmem:s2] =	stream.indirect.scatter.add.f32 [tilespmem:s12], [sflag:$0xA], $0x80, s11, s7, $0xb8;
	[tilespmem:$0x1F000] =	vst v63  }
0x227: {  	_ =	swait.ge [sflag:s23], $0x1400  }
0x228: {  	[sflag:s23] =	ssyncset.done $0x0  }
0x229: {  	s11 =	sadd.s32 $0x1D80, s9;
	[sflag:s23] =	ssyncadd.s32 $0xFFFFEC00  }
0x22a: {  	[spmem:s2] =	stream.indirect.scatter.add.f32 [tilespmem:s14], [sflag:$0xB], $0x80, s11, s7, $0xb8;
	[tilespmem:$0x1F000] =	vst v63  }
0x22b: {  	_ =	swait.ge [sflag:s24], $0x1400  }
0x22c: {  	[sflag:s24] =	ssyncset.done $0x0  }
0x22d: {  	s11 =	sadd.s32 $0x1E00, s9;
	[sflag:s24] =	ssyncadd.s32 $0xFFFFEC00  }
0x22e: {  	[spmem:s2] =	stream.indirect.scatter.add.f32 [tilespmem:s17], [sflag:$0xC], $0x80, s11, s7, $0xb8;
	[tilespmem:$0x1F000] =	vst v63  }
0x22f: {  	_ =	swait.ge [sflag:s25], $0x1400  }
0x230: {  	[sflag:s25] =	ssyncset.done $0x0  }
0x231: {  	s11 =	sadd.s32 $0x1E80, s9;
	[sflag:s25] =	ssyncadd.s32 $0xFFFFEC00  }
0x232: {  	[spmem:s2] =	stream.indirect.scatter.add.f32 [tilespmem:s18], [sflag:$0x7], $0x80, s11, s7, $0xb8;
	[tilespmem:$0x1F000] =	vst v63  }
0x233: {  	_ =	swait.ge [sflag:s26], $0x1400  }
0x234: {  	[sflag:s26] =	ssyncset.done $0x0  }
0x235: {  	s11 =	sadd.s32 $0x300, s9;
	[sflag:s26] =	ssyncadd.s32 $0xFFFFEC00  }
0x236: {  	[tilespmem:s8], [sflag:$0x2] =	stream.indirect.gather [hbm4b:s1+s7], $0x80, s11, s7, $0xb8;
	[tilespmem:$0x1F000] =	vst v63  }
0x237: {  	_ =	swait.ge [sflag:s28], $0x1400  }
0x238: {  	[sflag:s28] =	ssyncset.done $0x0  }
0x239: {  	s11 =	sadd.s32 $0x380, s9;
	[sflag:s28] =	ssyncadd.s32 $0xFFFFEC00  }
0x23a: {  	[tilespmem:s10], [sflag:$0x3] =	stream.indirect.gather [hbm4b:s1+s7], $0x80, s11, s7, $0xb8;
	[tilespmem:$0x1F000] =	vst v63  }
0x23b: {  	_ =	swait.ge [sflag:s29], $0x1400  }
0x23c: {  	[sflag:s29] =	ssyncset.done $0x0  }
0x23d: {  	s11 =	sadd.s32 $0x400, s9;
	[sflag:s29] =	ssyncadd.s32 $0xFFFFEC00  }
0x23e: {  	[tilespmem:s12], [sflag:$0x4] =	stream.indirect.gather [hbm4b:s1+s7], $0x80, s11, s7, $0xb8;
	[tilespmem:$0x1F000] =	vst v63  }
0x23f: {  	_ =	swait.ge [sflag:s30], $0x1400  }
0x240: {  	[sflag:s30] =	ssyncset.done $0x0  }
0x241: {  	s11 =	sadd.s32 $0x480, s9;
	[sflag:s30] =	ssyncadd.s32 $0xFFFFEC00  }
0x242: {  	[tilespmem:s14], [sflag:$0x5] =	stream.indirect.gather [hbm4b:s1+s7], $0x80, s11, s7, $0xb8;
	[tilespmem:$0x1F000] =	vst v63  }
0x243: {  	_ =	swait.ge [sflag:s31], $0x1400  }
0x244: {  	[sflag:s31] =	ssyncset.done $0x0  }
.Ltmp3:
0x245: {  	s11 =	sadd.s32 $0x500, s9;
	[sflag:s31] =	ssyncadd.s32 $0xFFFFEC00;
	(pc) =	sbr.rel @p0 .LBB2_8-.Ltmp3, $4  }
0x246: {  	[tilespmem:s17], [sflag:$0x6] =	stream.indirect.gather [hbm4b:s1+s7], $0x80, s11, s7, $0xb8;
	[tilespmem:$0x1F000] =	vst v63  }
0x247: {  	_ =	swait.ge [sflag:s0], $0x1400  }
0x248: {  	[sflag:s0] =	ssyncset.done $0x0  }
0x249: {  	s9 =	sadd.s32 $0x580, s9;
	[sflag:s0] =	ssyncadd.s32 $0xFFFFEC00  }
0x24a: {  	[tilespmem:s18], [sflag:$0x1] =	stream.indirect.gather [hbm4b:s1+s7], $0x80, s9, s7, $0xb8;
	[tilespmem:$0x1F000] =	vst v63  }
0x24b: {  	_ =	swait.ge [sflag:s20], $0x1400  }
0x24c: {  	s6 =	sshra.s32 s6, $0x2;
	[sflag:s20] =	ssyncset.done $0x0  }
0x24d: {  	s11 =	sadd.s32 $0x1C00, s6;
	[sflag:s20] =	ssyncadd.s32 $0xFFFFEC00  }
0x24e: {  	[spmem:s2] =	stream.indirect.scatter.add.f32 [tilespmem:s8], [sflag:$0x8], $0x80, s11, s7, $0xb8;
	[tilespmem:$0x1F000] =	vst v63  }
0x24f: {  	_ =	swait.ge [sflag:s21], $0x1400  }
0x250: {  	[sflag:s21] =	ssyncset.done $0x0  }
0x251: {  	s11 =	sadd.s32 $0x1C80, s6;
	[sflag:s21] =	ssyncadd.s32 $0xFFFFEC00  }
0x252: {  	[spmem:s2] =	stream.indirect.scatter.add.f32 [tilespmem:s10], [sflag:$0x9], $0x80, s11, s7, $0xb8;
	[tilespmem:$0x1F000] =	vst v63  }
0x253: {  	_ =	swait.ge [sflag:s22], $0x1400  }
0x254: {  	[sflag:s22] =	ssyncset.done $0x0  }
0x255: {  	s11 =	sadd.s32 $0x1D00, s6;
	[sflag:s22] =	ssyncadd.s32 $0xFFFFEC00  }
0x256: {  	[spmem:s2] =	stream.indirect.scatter.add.f32 [tilespmem:s12], [sflag:$0xA], $0x80, s11, s7, $0xb8;
	[tilespmem:$0x1F000] =	vst v63  }
0x257: {  	_ =	swait.ge [sflag:s23], $0x1400  }
0x258: {  	[sflag:s23] =	ssyncset.done $0x0  }
0x259: {  	s11 =	sadd.s32 $0x1D80, s6;
	[sflag:s23] =	ssyncadd.s32 $0xFFFFEC00  }
0x25a: {  	[spmem:s2] =	stream.indirect.scatter.add.f32 [tilespmem:s14], [sflag:$0xB], $0x80, s11, s7, $0xb8;
	[tilespmem:$0x1F000] =	vst v63  }
0x25b: {  	_ =	swait.ge [sflag:s24], $0x1400  }
0x25c: {  	[sflag:s24] =	ssyncset.done $0x0  }
0x25d: {  	s11 =	sadd.s32 $0x1E00, s6;
	[sflag:s24] =	ssyncadd.s32 $0xFFFFEC00  }
0x25e: {  	[spmem:s2] =	stream.indirect.scatter.add.f32 [tilespmem:s17], [sflag:$0xC], $0x80, s11, s7, $0xb8;
	[tilespmem:$0x1F000] =	vst v63  }
0x25f: {  	_ =	swait.ge [sflag:s25], $0x1400  }
0x260: {  	[sflag:s25] =	ssyncset.done $0x0  }
0x261: {  	s11 =	sadd.s32 $0x1E80, s6;
	[sflag:s25] =	ssyncadd.s32 $0xFFFFEC00  }
0x262: {  	[spmem:s2] =	stream.indirect.scatter.add.f32 [tilespmem:s18], [sflag:$0x7], $0x80, s11, s7, $0xb8;
	[tilespmem:$0x1F000] =	vst v63  }
0x263: {  	_ =	swait.ge [sflag:s26], $0x1400  }
0x264: {  	[sflag:s26] =	ssyncset.done $0x0  }
0x265: {  	s11 =	sadd.s32 $0x300, s6;
	[sflag:s26] =	ssyncadd.s32 $0xFFFFEC00  }
0x266: {  	[tilespmem:s8], [sflag:$0x2] =	stream.indirect.gather [hbm4b:s1+s7], $0x80, s11, s7, $0xb8;
	[tilespmem:$0x1F000] =	vst v63  }
0x267: {  	_ =	swait.ge [sflag:s28], $0x1400  }
0x268: {  	[sflag:s28] =	ssyncset.done $0x0  }
0x269: {  	s6 =	sadd.s32 $0x380, s6;
	[sflag:s28] =	ssyncadd.s32 $0xFFFFEC00  }
0x26a: {  	[tilespmem:s10], [sflag:$0x3] =	stream.indirect.gather [hbm4b:s1+s7], $0x80, s6, s7, $0xb8;
	[tilespmem:$0x1F000] =	vst v63  }
0x26b: {  	_ =	swait.ge [sflag:s20], $0x1400  }
0x26c: {  	[sflag:s20] =	ssyncset.done $0x0  }
0x26d: {  	[sflag:s20] =	ssyncadd.s32 $0xFFFFEC00  }
0x26e: {  	[spmem:s2] =	stream.indirect.scatter.add.f32 [tilespmem:s8], [sflag:$0x8], $0x80, s3, s7, $0xb8;
	[tilespmem:$0x1F000] =	vst v63  }
0x26f: {  	_ =	swait.ge [sflag:s21], $0x1400  }
0x270: {  	[sflag:s21] =	ssyncset.done $0x0  }
0x271: {  	[sflag:s21] =	ssyncadd.s32 $0xFFFFEC00  }
0x272: {  	[spmem:s2] =	stream.indirect.scatter.add.f32 [tilespmem:s10], [sflag:$0x9], $0x80, s4, s7, $0xb8;
	[tilespmem:$0x1F000] =	vst v63  }
0x273: {  	_ =	swait.ge [sflag:s26], $0x1400  }
0x274: {  	[sflag:s26] =	ssyncset.done $0x0  }
0x275: {  	[sflag:s26] =	ssyncadd.s32 $0xFFFFEC00  }
0x276: {  	_ =	swait.ge [sflag:s28], $0x1400  }
0x277: {  	[sflag:s28] =	ssyncset.done $0x0  }
0x278: {  	[sflag:s28] =	ssyncadd.s32 $0xFFFFEC00  }
0x279: {  	_ =	swait.ge [sflag:s29], $0x1400  }
0x27a: {  	[sflag:s29] =	ssyncset.done $0x0  }
0x27b: {  	[sflag:s29] =	ssyncadd.s32 $0xFFFFEC00  }
0x27c: {  	_ =	swait.ge [sflag:s30], $0x1400  }
0x27d: {  	[sflag:s30] =	ssyncset.done $0x0  }
0x27e: {  	[sflag:s30] =	ssyncadd.s32 $0xFFFFEC00  }
0x27f: {  	_ =	swait.ge [sflag:s31], $0x1400  }
0x280: {  	[sflag:s31] =	ssyncset.done $0x0  }
0x281: {  	[sflag:s31] =	ssyncadd.s32 $0xFFFFEC00  }
0x282: {  	_ =	swait.ge [sflag:s0], $0x1400  }
0x283: {  	[sflag:s0] =	ssyncset.done $0x0  }
0x284: {  	s6 =	simm.s32 $0x0;
	s11 =	rddreg [dreg:$0xb];
	[sflag:s0] =	ssyncadd.s32 $0xFFFFEC00  }
0x285: {  	[tilespmem:s6], [sflag:$0xD] =	stream.linear.gather [hbm4b:s11+s6], $0x1900, $0x38;
	[tilespmem:$0x1F000] =	vst v63  }
0x286: {  	_ =	swait.ge [sflag:s5], $0x1900  }
0x287: {  	[sflag:s5] =	ssyncset.done $0x0  }
0x288: {  	s11 =	simm.s32 $0x1C00;
	s9 =	rddreg [dreg:$0xc];
	[sflag:s5] =	ssyncadd.s32 $0xFFFFE700  }
0x289: {  	[tilespmem:s11], [sflag:$0xD] =	stream.linear.gather [hbm4b:s9+s6], $0x1900, $0x38;
	[tilespmem:$0x1F000] =	vst v63  }
0x28a: {  	_ =	swait.ge [sflag:s5], $0x1900  }
0x28b: {  	[sflag:s5] =	ssyncset.done $0x0  }
0x28c: {  	[sflag:s5] =	ssyncadd.s32 $0xFFFFE700  }
0x28d: {  	[tilespmem:s8], [sflag:$0x2] =	stream.indirect.gather [hbm4b:s1+s7], $0x80, s6, s7, $0xb8;
	[tilespmem:$0x1F000] =	vst v63  }
0x28e: {  	s11 =	simm.s32 $0x80  }
0x28f: {  	[tilespmem:s10], [sflag:$0x3] =	stream.indirect.gather [hbm4b:s1+s7], $0x80, s11, s7, $0xb8;
	[tilespmem:$0x1F000] =	vst v63  }
0x290: {  	s9 =	simm.s32 $0x100  }
0x291: {  	[tilespmem:s12], [sflag:$0x4] =	stream.indirect.gather [hbm4b:s1+s7], $0x80, s9, s7, $0xb8;
	[tilespmem:$0x1F000] =	vst v63  }
0x292: {  	_ = 	snop  }
0x293: {  	[tilespmem:s14], [sflag:$0x5] =	stream.indirect.gather [hbm4b:s1+s7], $0x80, s13, s7, $0xb8;
	[tilespmem:$0x1F000] =	vst v63  }
0x294: {  	_ = 	snop  }
0x295: {  	[tilespmem:s17], [sflag:$0x6] =	stream.indirect.gather [hbm4b:s1+s7], $0x80, s15, s7, $0xb8;
	[tilespmem:$0x1F000] =	vst v63  }
0x296: {  	_ = 	snop  }
0x297: {  	[tilespmem:s18], [sflag:$0x1] =	stream.indirect.gather [hbm4b:s1+s7], $0x80, s19, s7, $0xb8;
	[tilespmem:$0x1F000] =	vst v63  }
0x298: {  	_ =	swait.ge [sflag:s20], $0x1400  }
0x299: {  	[sflag:s20] =	ssyncset.done $0x0  }
0x29a: {  	s11 =	simm.s32 $0x1C00;
	[sflag:s20] =	ssyncadd.s32 $0xFFFFEC00  }
0x29b: {  	[spmem:s2] =	stream.indirect.scatter.add.f32 [tilespmem:s8], [sflag:$0x8], $0x80, s11, s7, $0xb8;
	[tilespmem:$0x1F000] =	vst v63  }
0x29c: {  	_ =	swait.ge [sflag:s21], $0x1400  }
0x29d: {  	[sflag:s21] =	ssyncset.done $0x0  }
0x29e: {  	s9 =	simm.s32 $0x1C80;
	[sflag:s21] =	ssyncadd.s32 $0xFFFFEC00  }
0x29f: {  	[spmem:s2] =	stream.indirect.scatter.add.f32 [tilespmem:s10], [sflag:$0x9], $0x80, s9, s7, $0xb8;
	[tilespmem:$0x1F000] =	vst v63  }
0x2a0: {  	_ =	swait.ge [sflag:s22], $0x1400  }
0x2a1: {  	[sflag:s22] =	ssyncset.done $0x0  }
0x2a2: {  	s11 =	simm.s32 $0x1D00;
	[sflag:s22] =	ssyncadd.s32 $0xFFFFEC00  }
0x2a3: {  	[spmem:s2] =	stream.indirect.scatter.add.f32 [tilespmem:s12], [sflag:$0xA], $0x80, s11, s7, $0xb8;
	[tilespmem:$0x1F000] =	vst v63  }
0x2a4: {  	_ =	swait.ge [sflag:s23], $0x1400  }
0x2a5: {  	[sflag:s23] =	ssyncset.done $0x0  }
0x2a6: {  	s9 =	simm.s32 $0x1D80;
	[sflag:s23] =	ssyncadd.s32 $0xFFFFEC00  }
0x2a7: {  	[spmem:s2] =	stream.indirect.scatter.add.f32 [tilespmem:s14], [sflag:$0xB], $0x80, s9, s7, $0xb8;
	[tilespmem:$0x1F000] =	vst v63  }
0x2a8: {  	_ =	swait.ge [sflag:s24], $0x1400  }
0x2a9: {  	[sflag:s24] =	ssyncset.done $0x0  }
0x2aa: {  	s11 =	simm.s32 $0x1E00;
	[sflag:s24] =	ssyncadd.s32 $0xFFFFEC00  }
0x2ab: {  	[spmem:s2] =	stream.indirect.scatter.add.f32 [tilespmem:s17], [sflag:$0xC], $0x80, s11, s7, $0xb8;
	[tilespmem:$0x1F000] =	vst v63  }
0x2ac: {  	_ =	swait.ge [sflag:s25], $0x1400  }
0x2ad: {  	[sflag:s25] =	ssyncset.done $0x0  }
0x2ae: {  	s9 =	simm.s32 $0x1E80;
	[sflag:s25] =	ssyncadd.s32 $0xFFFFEC00  }
0x2af: {  	[spmem:s2] =	stream.indirect.scatter.add.f32 [tilespmem:s18], [sflag:$0x7], $0x80, s9, s7, $0xb8;
	[tilespmem:$0x1F000] =	vst v63  }
0x2b0: {  	_ =	swait.ge [sflag:s26], $0x1400  }
0x2b1: {  	[sflag:s26] =	ssyncset.done $0x0  }
0x2b2: {  	s11 =	simm.s32 $0x300;
	[sflag:s26] =	ssyncadd.s32 $0xFFFFEC00  }
0x2b3: {  	[tilespmem:s8], [sflag:$0x2] =	stream.indirect.gather [hbm4b:s1+s7], $0x80, s11, s7, $0xb8;
	[tilespmem:$0x1F000] =	vst v63  }
0x2b4: {  	_ =	swait.ge [sflag:s28], $0x1400  }
0x2b5: {  	[sflag:s28] =	ssyncset.done $0x0  }
0x2b6: {  	s9 =	simm.s32 $0x380;
	[sflag:s28] =	ssyncadd.s32 $0xFFFFEC00  }
0x2b7: {  	[tilespmem:s10], [sflag:$0x3] =	stream.indirect.gather [hbm4b:s1+s7], $0x80, s9, s7, $0xb8;
	[tilespmem:$0x1F000] =	vst v63  }
0x2b8: {  	_ =	swait.ge [sflag:s29], $0x1400  }
0x2b9: {  	[sflag:s29] =	ssyncset.done $0x0  }
0x2ba: {  	s11 =	simm.s32 $0x400;
	[sflag:s29] =	ssyncadd.s32 $0xFFFFEC00  }
0x2bb: {  	[tilespmem:s12], [sflag:$0x4] =	stream.indirect.gather [hbm4b:s1+s7], $0x80, s11, s7, $0xb8;
	[tilespmem:$0x1F000] =	vst v63  }
0x2bc: {  	_ =	swait.ge [sflag:s30], $0x1400  }
0x2bd: {  	[sflag:s30] =	ssyncset.done $0x0  }
0x2be: {  	s9 =	simm.s32 $0x480;
	[sflag:s30] =	ssyncadd.s32 $0xFFFFEC00  }
0x2bf: {  	[tilespmem:s14], [sflag:$0x5] =	stream.indirect.gather [hbm4b:s1+s7], $0x80, s9, s7, $0xb8;
	[tilespmem:$0x1F000] =	vst v63  }
0x2c0: {  	_ =	swait.ge [sflag:s31], $0x1400  }
0x2c1: {  	[sflag:s31] =	ssyncset.done $0x0  }
0x2c2: {  	s11 =	simm.s32 $0x500;
	[sflag:s31] =	ssyncadd.s32 $0xFFFFEC00  }
0x2c3: {  	[tilespmem:s17], [sflag:$0x6] =	stream.indirect.gather [hbm4b:s1+s7], $0x80, s11, s7, $0xb8;
	[tilespmem:$0x1F000] =	vst v63  }
0x2c4: {  	_ =	swait.ge [sflag:s0], $0x1400  }
0x2c5: {  	[sflag:s0] =	ssyncset.done $0x0  }
0x2c6: {  	s6 =	simm.s32 $0xC00;
	s9 =	simm.s32 $0x580;
	[sflag:s0] =	ssyncadd.s32 $0xFFFFEC00  }
.LBB2_10:
0x2c7: {  	[tilespmem:s18], [sflag:$0x1] =	stream.indirect.gather [hbm4b:s1+s7], $0x80, s9, s7, $0xb8;
	[tilespmem:$0x1F000] =	vst v63  }
0x2c8: {  	s9 =	smov.u32 s6;
	s6 =	sadd.s32 $0xC00, s6;
	_ =	swait.ge [sflag:s20], $0x1400  }
0x2c9: {  	s9 =	sshra.s32 s9, $0x2;
	p0 =	sne.s32 s6, $0x5400;
	[sflag:s20] =	ssyncset.done $0x0  }
0x2ca: {  	s11 =	sadd.s32 $0x1C00, s9;
	[sflag:s20] =	ssyncadd.s32 $0xFFFFEC00  }
0x2cb: {  	[spmem:s2] =	stream.indirect.scatter.add.f32 [tilespmem:s8], [sflag:$0x8], $0x80, s11, s7, $0xb8;
	[tilespmem:$0x1F000] =	vst v63  }
0x2cc: {  	_ =	swait.ge [sflag:s21], $0x1400  }
0x2cd: {  	[sflag:s21] =	ssyncset.done $0x0  }
0x2ce: {  	s11 =	sadd.s32 $0x1C80, s9;
	[sflag:s21] =	ssyncadd.s32 $0xFFFFEC00  }
0x2cf: {  	[spmem:s2] =	stream.indirect.scatter.add.f32 [tilespmem:s10], [sflag:$0x9], $0x80, s11, s7, $0xb8;
	[tilespmem:$0x1F000] =	vst v63  }
0x2d0: {  	_ =	swait.ge [sflag:s22], $0x1400  }
0x2d1: {  	[sflag:s22] =	ssyncset.done $0x0  }
0x2d2: {  	s11 =	sadd.s32 $0x1D00, s9;
	[sflag:s22] =	ssyncadd.s32 $0xFFFFEC00  }
0x2d3: {  	[spmem:s2] =	stream.indirect.scatter.add.f32 [tilespmem:s12], [sflag:$0xA], $0x80, s11, s7, $0xb8;
	[tilespmem:$0x1F000] =	vst v63  }
0x2d4: {  	_ =	swait.ge [sflag:s23], $0x1400  }
0x2d5: {  	[sflag:s23] =	ssyncset.done $0x0  }
0x2d6: {  	s11 =	sadd.s32 $0x1D80, s9;
	[sflag:s23] =	ssyncadd.s32 $0xFFFFEC00  }
0x2d7: {  	[spmem:s2] =	stream.indirect.scatter.add.f32 [tilespmem:s14], [sflag:$0xB], $0x80, s11, s7, $0xb8;
	[tilespmem:$0x1F000] =	vst v63  }
0x2d8: {  	_ =	swait.ge [sflag:s24], $0x1400  }
0x2d9: {  	[sflag:s24] =	ssyncset.done $0x0  }
0x2da: {  	s11 =	sadd.s32 $0x1E00, s9;
	[sflag:s24] =	ssyncadd.s32 $0xFFFFEC00  }
0x2db: {  	[spmem:s2] =	stream.indirect.scatter.add.f32 [tilespmem:s17], [sflag:$0xC], $0x80, s11, s7, $0xb8;
	[tilespmem:$0x1F000] =	vst v63  }
0x2dc: {  	_ =	swait.ge [sflag:s25], $0x1400  }
0x2dd: {  	[sflag:s25] =	ssyncset.done $0x0  }
0x2de: {  	s11 =	sadd.s32 $0x1E80, s9;
	[sflag:s25] =	ssyncadd.s32 $0xFFFFEC00  }
0x2df: {  	[spmem:s2] =	stream.indirect.scatter.add.f32 [tilespmem:s18], [sflag:$0x7], $0x80, s11, s7, $0xb8;
	[tilespmem:$0x1F000] =	vst v63  }
0x2e0: {  	_ =	swait.ge [sflag:s26], $0x1400  }
0x2e1: {  	[sflag:s26] =	ssyncset.done $0x0  }
0x2e2: {  	s11 =	sadd.s32 $0x300, s9;
	[sflag:s26] =	ssyncadd.s32 $0xFFFFEC00  }
0x2e3: {  	[tilespmem:s8], [sflag:$0x2] =	stream.indirect.gather [hbm4b:s1+s7], $0x80, s11, s7, $0xb8;
	[tilespmem:$0x1F000] =	vst v63  }
0x2e4: {  	_ =	swait.ge [sflag:s28], $0x1400  }
0x2e5: {  	[sflag:s28] =	ssyncset.done $0x0  }
0x2e6: {  	s11 =	sadd.s32 $0x380, s9;
	[sflag:s28] =	ssyncadd.s32 $0xFFFFEC00  }
0x2e7: {  	[tilespmem:s10], [sflag:$0x3] =	stream.indirect.gather [hbm4b:s1+s7], $0x80, s11, s7, $0xb8;
	[tilespmem:$0x1F000] =	vst v63  }
0x2e8: {  	_ =	swait.ge [sflag:s29], $0x1400  }
0x2e9: {  	[sflag:s29] =	ssyncset.done $0x0  }
0x2ea: {  	s11 =	sadd.s32 $0x400, s9;
	[sflag:s29] =	ssyncadd.s32 $0xFFFFEC00  }
0x2eb: {  	[tilespmem:s12], [sflag:$0x4] =	stream.indirect.gather [hbm4b:s1+s7], $0x80, s11, s7, $0xb8;
	[tilespmem:$0x1F000] =	vst v63  }
0x2ec: {  	_ =	swait.ge [sflag:s30], $0x1400  }
0x2ed: {  	[sflag:s30] =	ssyncset.done $0x0  }
0x2ee: {  	s11 =	sadd.s32 $0x480, s9;
	[sflag:s30] =	ssyncadd.s32 $0xFFFFEC00  }
0x2ef: {  	[tilespmem:s14], [sflag:$0x5] =	stream.indirect.gather [hbm4b:s1+s7], $0x80, s11, s7, $0xb8;
	[tilespmem:$0x1F000] =	vst v63  }
0x2f0: {  	_ =	swait.ge [sflag:s31], $0x1400  }
0x2f1: {  	[sflag:s31] =	ssyncset.done $0x0  }
.Ltmp4:
0x2f2: {  	s11 =	sadd.s32 $0x500, s9;
	[sflag:s31] =	ssyncadd.s32 $0xFFFFEC00;
	(pc) =	sbr.rel @p0 .LBB2_10-.Ltmp4, $4  }
0x2f3: {  	[tilespmem:s17], [sflag:$0x6] =	stream.indirect.gather [hbm4b:s1+s7], $0x80, s11, s7, $0xb8;
	[tilespmem:$0x1F000] =	vst v63  }
0x2f4: {  	_ =	swait.ge [sflag:s0], $0x1400  }
0x2f5: {  	[sflag:s0] =	ssyncset.done $0x0  }
0x2f6: {  	s9 =	sadd.s32 $0x580, s9;
	[sflag:s0] =	ssyncadd.s32 $0xFFFFEC00  }
0x2f7: {  	[tilespmem:s18], [sflag:$0x1] =	stream.indirect.gather [hbm4b:s1+s7], $0x80, s9, s7, $0xb8;
	[tilespmem:$0x1F000] =	vst v63  }
0x2f8: {  	_ =	swait.ge [sflag:s20], $0x1400  }
0x2f9: {  	s6 =	sshra.s32 s6, $0x2;
	[sflag:s20] =	ssyncset.done $0x0  }
0x2fa: {  	s11 =	sadd.s32 $0x1C00, s6;
	[sflag:s20] =	ssyncadd.s32 $0xFFFFEC00  }
0x2fb: {  	[spmem:s2] =	stream.indirect.scatter.add.f32 [tilespmem:s8], [sflag:$0x8], $0x80, s11, s7, $0xb8;
	[tilespmem:$0x1F000] =	vst v63  }
0x2fc: {  	_ =	swait.ge [sflag:s21], $0x1400  }
0x2fd: {  	[sflag:s21] =	ssyncset.done $0x0  }
0x2fe: {  	s11 =	sadd.s32 $0x1C80, s6;
	[sflag:s21] =	ssyncadd.s32 $0xFFFFEC00  }
0x2ff: {  	[spmem:s2] =	stream.indirect.scatter.add.f32 [tilespmem:s10], [sflag:$0x9], $0x80, s11, s7, $0xb8;
	[tilespmem:$0x1F000] =	vst v63  }
0x300: {  	_ =	swait.ge [sflag:s22], $0x1400  }
0x301: {  	[sflag:s22] =	ssyncset.done $0x0  }
0x302: {  	s11 =	sadd.s32 $0x1D00, s6;
	[sflag:s22] =	ssyncadd.s32 $0xFFFFEC00  }
0x303: {  	[spmem:s2] =	stream.indirect.scatter.add.f32 [tilespmem:s12], [sflag:$0xA], $0x80, s11, s7, $0xb8;
	[tilespmem:$0x1F000] =	vst v63  }
0x304: {  	_ =	swait.ge [sflag:s23], $0x1400  }
0x305: {  	[sflag:s23] =	ssyncset.done $0x0  }
0x306: {  	s11 =	sadd.s32 $0x1D80, s6;
	[sflag:s23] =	ssyncadd.s32 $0xFFFFEC00  }
0x307: {  	[spmem:s2] =	stream.indirect.scatter.add.f32 [tilespmem:s14], [sflag:$0xB], $0x80, s11, s7, $0xb8;
	[tilespmem:$0x1F000] =	vst v63  }
0x308: {  	_ =	swait.ge [sflag:s24], $0x1400  }
0x309: {  	[sflag:s24] =	ssyncset.done $0x0  }
0x30a: {  	s11 =	sadd.s32 $0x1E00, s6;
	[sflag:s24] =	ssyncadd.s32 $0xFFFFEC00  }
0x30b: {  	[spmem:s2] =	stream.indirect.scatter.add.f32 [tilespmem:s17], [sflag:$0xC], $0x80, s11, s7, $0xb8;
	[tilespmem:$0x1F000] =	vst v63  }
0x30c: {  	_ =	swait.ge [sflag:s25], $0x1400  }
0x30d: {  	[sflag:s25] =	ssyncset.done $0x0  }
0x30e: {  	s11 =	sadd.s32 $0x1E80, s6;
	[sflag:s25] =	ssyncadd.s32 $0xFFFFEC00  }
0x30f: {  	[spmem:s2] =	stream.indirect.scatter.add.f32 [tilespmem:s18], [sflag:$0x7], $0x80, s11, s7, $0xb8;
	[tilespmem:$0x1F000] =	vst v63  }
0x310: {  	_ =	swait.ge [sflag:s26], $0x1400  }
0x311: {  	[sflag:s26] =	ssyncset.done $0x0  }
0x312: {  	s11 =	sadd.s32 $0x300, s6;
	[sflag:s26] =	ssyncadd.s32 $0xFFFFEC00  }
0x313: {  	[tilespmem:s8], [sflag:$0x2] =	stream.indirect.gather [hbm4b:s1+s7], $0x80, s11, s7, $0xb8;
	[tilespmem:$0x1F000] =	vst v63  }
0x314: {  	_ =	swait.ge [sflag:s28], $0x1400  }
0x315: {  	[sflag:s28] =	ssyncset.done $0x0  }
0x316: {  	s6 =	sadd.s32 $0x380, s6;
	[sflag:s28] =	ssyncadd.s32 $0xFFFFEC00  }
0x317: {  	[tilespmem:s10], [sflag:$0x3] =	stream.indirect.gather [hbm4b:s1+s7], $0x80, s6, s7, $0xb8;
	[tilespmem:$0x1F000] =	vst v63  }
0x318: {  	_ =	swait.ge [sflag:s20], $0x1400  }
0x319: {  	[sflag:s20] =	ssyncset.done $0x0  }
0x31a: {  	[sflag:s20] =	ssyncadd.s32 $0xFFFFEC00  }
0x31b: {  	[spmem:s2] =	stream.indirect.scatter.add.f32 [tilespmem:s8], [sflag:$0x8], $0x80, s3, s7, $0xb8;
	[tilespmem:$0x1F000] =	vst v63  }
0x31c: {  	_ =	swait.ge [sflag:s21], $0x1400  }
0x31d: {  	[sflag:s21] =	ssyncset.done $0x0  }
0x31e: {  	[sflag:s21] =	ssyncadd.s32 $0xFFFFEC00  }
0x31f: {  	[spmem:s2] =	stream.indirect.scatter.add.f32 [tilespmem:s10], [sflag:$0x9], $0x80, s4, s7, $0xb8;
	[tilespmem:$0x1F000] =	vst v63  }
0x320: {  	_ =	swait.ge [sflag:s26], $0x1400  }
0x321: {  	[sflag:s26] =	ssyncset.done $0x0  }
0x322: {  	[sflag:s26] =	ssyncadd.s32 $0xFFFFEC00  }
0x323: {  	_ =	swait.ge [sflag:s28], $0x1400  }
0x324: {  	[sflag:s28] =	ssyncset.done $0x0  }
0x325: {  	[sflag:s28] =	ssyncadd.s32 $0xFFFFEC00  }
0x326: {  	_ =	swait.ge [sflag:s29], $0x1400  }
0x327: {  	[sflag:s29] =	ssyncset.done $0x0  }
0x328: {  	[sflag:s29] =	ssyncadd.s32 $0xFFFFEC00  }
0x329: {  	_ =	swait.ge [sflag:s30], $0x1400  }
0x32a: {  	[sflag:s30] =	ssyncset.done $0x0  }
0x32b: {  	[sflag:s30] =	ssyncadd.s32 $0xFFFFEC00  }
0x32c: {  	_ =	swait.ge [sflag:s31], $0x1400  }
0x32d: {  	[sflag:s31] =	ssyncset.done $0x0  }
0x32e: {  	[sflag:s31] =	ssyncadd.s32 $0xFFFFEC00  }
0x32f: {  	_ =	swait.ge [sflag:s0], $0x1400  }
0x330: {  	[sflag:s0] =	ssyncset.done $0x0  }
0x331: {  	s6 =	simm.s32 $0x0;
	s11 =	rddreg [dreg:$0xd];
	[sflag:s0] =	ssyncadd.s32 $0xFFFFEC00  }
0x332: {  	[tilespmem:s6], [sflag:$0xD] =	stream.linear.gather [hbm4b:s11+s6], $0x1900, $0x38;
	[tilespmem:$0x1F000] =	vst v63  }
0x333: {  	_ =	swait.ge [sflag:s5], $0x1900  }
0x334: {  	[sflag:s5] =	ssyncset.done $0x0  }
0x335: {  	s11 =	simm.s32 $0x1C00;
	s9 =	rddreg [dreg:$0xe];
	[sflag:s5] =	ssyncadd.s32 $0xFFFFE700  }
0x336: {  	[tilespmem:s11], [sflag:$0xD] =	stream.linear.gather [hbm4b:s9+s6], $0x1900, $0x38;
	[tilespmem:$0x1F000] =	vst v63  }
0x337: {  	_ =	swait.ge [sflag:s5], $0x1900  }
0x338: {  	[sflag:s5] =	ssyncset.done $0x0  }
0x339: {  	[sflag:s5] =	ssyncadd.s32 $0xFFFFE700  }
0x33a: {  	[tilespmem:s8], [sflag:$0x2] =	stream.indirect.gather [hbm4b:s1+s7], $0x80, s6, s7, $0xb8;
	[tilespmem:$0x1F000] =	vst v63  }
0x33b: {  	s11 =	simm.s32 $0x80  }
0x33c: {  	[tilespmem:s10], [sflag:$0x3] =	stream.indirect.gather [hbm4b:s1+s7], $0x80, s11, s7, $0xb8;
	[tilespmem:$0x1F000] =	vst v63  }
0x33d: {  	s9 =	simm.s32 $0x100  }
0x33e: {  	[tilespmem:s12], [sflag:$0x4] =	stream.indirect.gather [hbm4b:s1+s7], $0x80, s9, s7, $0xb8;
	[tilespmem:$0x1F000] =	vst v63  }
0x33f: {  	_ = 	snop  }
0x340: {  	[tilespmem:s14], [sflag:$0x5] =	stream.indirect.gather [hbm4b:s1+s7], $0x80, s13, s7, $0xb8;
	[tilespmem:$0x1F000] =	vst v63  }
0x341: {  	_ = 	snop  }
0x342: {  	[tilespmem:s17], [sflag:$0x6] =	stream.indirect.gather [hbm4b:s1+s7], $0x80, s15, s7, $0xb8;
	[tilespmem:$0x1F000] =	vst v63  }
0x343: {  	_ = 	snop  }
0x344: {  	[tilespmem:s18], [sflag:$0x1] =	stream.indirect.gather [hbm4b:s1+s7], $0x80, s19, s7, $0xb8;
	[tilespmem:$0x1F000] =	vst v63  }
0x345: {  	_ =	swait.ge [sflag:s20], $0x1400  }
0x346: {  	[sflag:s20] =	ssyncset.done $0x0  }
0x347: {  	s11 =	simm.s32 $0x1C00;
	[sflag:s20] =	ssyncadd.s32 $0xFFFFEC00  }
0x348: {  	[spmem:s2] =	stream.indirect.scatter.add.f32 [tilespmem:s8], [sflag:$0x8], $0x80, s11, s7, $0xb8;
	[tilespmem:$0x1F000] =	vst v63  }
0x349: {  	_ =	swait.ge [sflag:s21], $0x1400  }
0x34a: {  	[sflag:s21] =	ssyncset.done $0x0  }
0x34b: {  	s9 =	simm.s32 $0x1C80;
	[sflag:s21] =	ssyncadd.s32 $0xFFFFEC00  }
0x34c: {  	[spmem:s2] =	stream.indirect.scatter.add.f32 [tilespmem:s10], [sflag:$0x9], $0x80, s9, s7, $0xb8;
	[tilespmem:$0x1F000] =	vst v63  }
0x34d: {  	_ =	swait.ge [sflag:s22], $0x1400  }
0x34e: {  	[sflag:s22] =	ssyncset.done $0x0  }
0x34f: {  	s11 =	simm.s32 $0x1D00;
	[sflag:s22] =	ssyncadd.s32 $0xFFFFEC00  }
0x350: {  	[spmem:s2] =	stream.indirect.scatter.add.f32 [tilespmem:s12], [sflag:$0xA], $0x80, s11, s7, $0xb8;
	[tilespmem:$0x1F000] =	vst v63  }
0x351: {  	_ =	swait.ge [sflag:s23], $0x1400  }
0x352: {  	[sflag:s23] =	ssyncset.done $0x0  }
0x353: {  	s9 =	simm.s32 $0x1D80;
	[sflag:s23] =	ssyncadd.s32 $0xFFFFEC00  }
0x354: {  	[spmem:s2] =	stream.indirect.scatter.add.f32 [tilespmem:s14], [sflag:$0xB], $0x80, s9, s7, $0xb8;
	[tilespmem:$0x1F000] =	vst v63  }
0x355: {  	_ =	swait.ge [sflag:s24], $0x1400  }
0x356: {  	[sflag:s24] =	ssyncset.done $0x0  }
0x357: {  	s11 =	simm.s32 $0x1E00;
	[sflag:s24] =	ssyncadd.s32 $0xFFFFEC00  }
0x358: {  	[spmem:s2] =	stream.indirect.scatter.add.f32 [tilespmem:s17], [sflag:$0xC], $0x80, s11, s7, $0xb8;
	[tilespmem:$0x1F000] =	vst v63  }
0x359: {  	_ =	swait.ge [sflag:s25], $0x1400  }
0x35a: {  	[sflag:s25] =	ssyncset.done $0x0  }
0x35b: {  	s9 =	simm.s32 $0x1E80;
	[sflag:s25] =	ssyncadd.s32 $0xFFFFEC00  }
0x35c: {  	[spmem:s2] =	stream.indirect.scatter.add.f32 [tilespmem:s18], [sflag:$0x7], $0x80, s9, s7, $0xb8;
	[tilespmem:$0x1F000] =	vst v63  }
0x35d: {  	_ =	swait.ge [sflag:s26], $0x1400  }
0x35e: {  	[sflag:s26] =	ssyncset.done $0x0  }
0x35f: {  	s11 =	simm.s32 $0x300;
	[sflag:s26] =	ssyncadd.s32 $0xFFFFEC00  }
0x360: {  	[tilespmem:s8], [sflag:$0x2] =	stream.indirect.gather [hbm4b:s1+s7], $0x80, s11, s7, $0xb8;
	[tilespmem:$0x1F000] =	vst v63  }
0x361: {  	_ =	swait.ge [sflag:s28], $0x1400  }
0x362: {  	[sflag:s28] =	ssyncset.done $0x0  }
0x363: {  	s9 =	simm.s32 $0x380;
	[sflag:s28] =	ssyncadd.s32 $0xFFFFEC00  }
0x364: {  	[tilespmem:s10], [sflag:$0x3] =	stream.indirect.gather [hbm4b:s1+s7], $0x80, s9, s7, $0xb8;
	[tilespmem:$0x1F000] =	vst v63  }
0x365: {  	_ =	swait.ge [sflag:s29], $0x1400  }
0x366: {  	[sflag:s29] =	ssyncset.done $0x0  }
0x367: {  	s11 =	simm.s32 $0x400;
	[sflag:s29] =	ssyncadd.s32 $0xFFFFEC00  }
0x368: {  	[tilespmem:s12], [sflag:$0x4] =	stream.indirect.gather [hbm4b:s1+s7], $0x80, s11, s7, $0xb8;
	[tilespmem:$0x1F000] =	vst v63  }
0x369: {  	_ =	swait.ge [sflag:s30], $0x1400  }
0x36a: {  	[sflag:s30] =	ssyncset.done $0x0  }
0x36b: {  	s9 =	simm.s32 $0x480;
	[sflag:s30] =	ssyncadd.s32 $0xFFFFEC00  }
0x36c: {  	[tilespmem:s14], [sflag:$0x5] =	stream.indirect.gather [hbm4b:s1+s7], $0x80, s9, s7, $0xb8;
	[tilespmem:$0x1F000] =	vst v63  }
0x36d: {  	_ =	swait.ge [sflag:s31], $0x1400  }
0x36e: {  	[sflag:s31] =	ssyncset.done $0x0  }
0x36f: {  	s11 =	simm.s32 $0x500;
	[sflag:s31] =	ssyncadd.s32 $0xFFFFEC00  }
0x370: {  	[tilespmem:s17], [sflag:$0x6] =	stream.indirect.gather [hbm4b:s1+s7], $0x80, s11, s7, $0xb8;
	[tilespmem:$0x1F000] =	vst v63  }
0x371: {  	_ =	swait.ge [sflag:s0], $0x1400  }
0x372: {  	[sflag:s0] =	ssyncset.done $0x0  }
0x373: {  	s6 =	simm.s32 $0xC00;
	s9 =	simm.s32 $0x580;
	[sflag:s0] =	ssyncadd.s32 $0xFFFFEC00  }
.LBB2_12:
0x374: {  	[tilespmem:s18], [sflag:$0x1] =	stream.indirect.gather [hbm4b:s1+s7], $0x80, s9, s7, $0xb8;
	[tilespmem:$0x1F000] =	vst v63  }
0x375: {  	s9 =	smov.u32 s6;
	s6 =	sadd.s32 $0xC00, s6;
	_ =	swait.ge [sflag:s20], $0x1400  }
0x376: {  	s9 =	sshra.s32 s9, $0x2;
	p0 =	sne.s32 s6, $0x5400;
	[sflag:s20] =	ssyncset.done $0x0  }
0x377: {  	s11 =	sadd.s32 $0x1C00, s9;
	[sflag:s20] =	ssyncadd.s32 $0xFFFFEC00  }
0x378: {  	[spmem:s2] =	stream.indirect.scatter.add.f32 [tilespmem:s8], [sflag:$0x8], $0x80, s11, s7, $0xb8;
	[tilespmem:$0x1F000] =	vst v63  }
0x379: {  	_ =	swait.ge [sflag:s21], $0x1400  }
0x37a: {  	[sflag:s21] =	ssyncset.done $0x0  }
0x37b: {  	s11 =	sadd.s32 $0x1C80, s9;
	[sflag:s21] =	ssyncadd.s32 $0xFFFFEC00  }
0x37c: {  	[spmem:s2] =	stream.indirect.scatter.add.f32 [tilespmem:s10], [sflag:$0x9], $0x80, s11, s7, $0xb8;
	[tilespmem:$0x1F000] =	vst v63  }
0x37d: {  	_ =	swait.ge [sflag:s22], $0x1400  }
0x37e: {  	[sflag:s22] =	ssyncset.done $0x0  }
0x37f: {  	s11 =	sadd.s32 $0x1D00, s9;
	[sflag:s22] =	ssyncadd.s32 $0xFFFFEC00  }
0x380: {  	[spmem:s2] =	stream.indirect.scatter.add.f32 [tilespmem:s12], [sflag:$0xA], $0x80, s11, s7, $0xb8;
	[tilespmem:$0x1F000] =	vst v63  }
0x381: {  	_ =	swait.ge [sflag:s23], $0x1400  }
0x382: {  	[sflag:s23] =	ssyncset.done $0x0  }
0x383: {  	s11 =	sadd.s32 $0x1D80, s9;
	[sflag:s23] =	ssyncadd.s32 $0xFFFFEC00  }
0x384: {  	[spmem:s2] =	stream.indirect.scatter.add.f32 [tilespmem:s14], [sflag:$0xB], $0x80, s11, s7, $0xb8;
	[tilespmem:$0x1F000] =	vst v63  }
0x385: {  	_ =	swait.ge [sflag:s24], $0x1400  }
0x386: {  	[sflag:s24] =	ssyncset.done $0x0  }
0x387: {  	s11 =	sadd.s32 $0x1E00, s9;
	[sflag:s24] =	ssyncadd.s32 $0xFFFFEC00  }
0x388: {  	[spmem:s2] =	stream.indirect.scatter.add.f32 [tilespmem:s17], [sflag:$0xC], $0x80, s11, s7, $0xb8;
	[tilespmem:$0x1F000] =	vst v63  }
0x389: {  	_ =	swait.ge [sflag:s25], $0x1400  }
0x38a: {  	[sflag:s25] =	ssyncset.done $0x0  }
0x38b: {  	s11 =	sadd.s32 $0x1E80, s9;
	[sflag:s25] =	ssyncadd.s32 $0xFFFFEC00  }
0x38c: {  	[spmem:s2] =	stream.indirect.scatter.add.f32 [tilespmem:s18], [sflag:$0x7], $0x80, s11, s7, $0xb8;
	[tilespmem:$0x1F000] =	vst v63  }
0x38d: {  	_ =	swait.ge [sflag:s26], $0x1400  }
0x38e: {  	[sflag:s26] =	ssyncset.done $0x0  }
0x38f: {  	s11 =	sadd.s32 $0x300, s9;
	[sflag:s26] =	ssyncadd.s32 $0xFFFFEC00  }
0x390: {  	[tilespmem:s8], [sflag:$0x2] =	stream.indirect.gather [hbm4b:s1+s7], $0x80, s11, s7, $0xb8;
	[tilespmem:$0x1F000] =	vst v63  }
0x391: {  	_ =	swait.ge [sflag:s28], $0x1400  }
0x392: {  	[sflag:s28] =	ssyncset.done $0x0  }
0x393: {  	s11 =	sadd.s32 $0x380, s9;
	[sflag:s28] =	ssyncadd.s32 $0xFFFFEC00  }
0x394: {  	[tilespmem:s10], [sflag:$0x3] =	stream.indirect.gather [hbm4b:s1+s7], $0x80, s11, s7, $0xb8;
	[tilespmem:$0x1F000] =	vst v63  }
0x395: {  	_ =	swait.ge [sflag:s29], $0x1400  }
0x396: {  	[sflag:s29] =	ssyncset.done $0x0  }
0x397: {  	s11 =	sadd.s32 $0x400, s9;
	[sflag:s29] =	ssyncadd.s32 $0xFFFFEC00  }
0x398: {  	[tilespmem:s12], [sflag:$0x4] =	stream.indirect.gather [hbm4b:s1+s7], $0x80, s11, s7, $0xb8;
	[tilespmem:$0x1F000] =	vst v63  }
0x399: {  	_ =	swait.ge [sflag:s30], $0x1400  }
0x39a: {  	[sflag:s30] =	ssyncset.done $0x0  }
0x39b: {  	s11 =	sadd.s32 $0x480, s9;
	[sflag:s30] =	ssyncadd.s32 $0xFFFFEC00  }
0x39c: {  	[tilespmem:s14], [sflag:$0x5] =	stream.indirect.gather [hbm4b:s1+s7], $0x80, s11, s7, $0xb8;
	[tilespmem:$0x1F000] =	vst v63  }
0x39d: {  	_ =	swait.ge [sflag:s31], $0x1400  }
0x39e: {  	[sflag:s31] =	ssyncset.done $0x0  }
.Ltmp5:
0x39f: {  	s11 =	sadd.s32 $0x500, s9;
	[sflag:s31] =	ssyncadd.s32 $0xFFFFEC00;
	(pc) =	sbr.rel @p0 .LBB2_12-.Ltmp5, $4  }
0x3a0: {  	[tilespmem:s17], [sflag:$0x6] =	stream.indirect.gather [hbm4b:s1+s7], $0x80, s11, s7, $0xb8;
	[tilespmem:$0x1F000] =	vst v63  }
0x3a1: {  	_ =	swait.ge [sflag:s0], $0x1400  }
0x3a2: {  	[sflag:s0] =	ssyncset.done $0x0  }
0x3a3: {  	s9 =	sadd.s32 $0x580, s9;
	[sflag:s0] =	ssyncadd.s32 $0xFFFFEC00  }
0x3a4: {  	[tilespmem:s18], [sflag:$0x1] =	stream.indirect.gather [hbm4b:s1+s7], $0x80, s9, s7, $0xb8;
	[tilespmem:$0x1F000] =	vst v63  }
0x3a5: {  	_ =	swait.ge [sflag:s20], $0x1400  }
0x3a6: {  	s6 =	sshra.s32 s6, $0x2;
	[sflag:s20] =	ssyncset.done $0x0  }
0x3a7: {  	s11 =	sadd.s32 $0x1C00, s6;
	[sflag:s20] =	ssyncadd.s32 $0xFFFFEC00  }
0x3a8: {  	[spmem:s2] =	stream.indirect.scatter.add.f32 [tilespmem:s8], [sflag:$0x8], $0x80, s11, s7, $0xb8;
	[tilespmem:$0x1F000] =	vst v63  }
0x3a9: {  	_ =	swait.ge [sflag:s21], $0x1400  }
0x3aa: {  	[sflag:s21] =	ssyncset.done $0x0  }
0x3ab: {  	s11 =	sadd.s32 $0x1C80, s6;
	[sflag:s21] =	ssyncadd.s32 $0xFFFFEC00  }
0x3ac: {  	[spmem:s2] =	stream.indirect.scatter.add.f32 [tilespmem:s10], [sflag:$0x9], $0x80, s11, s7, $0xb8;
	[tilespmem:$0x1F000] =	vst v63  }
0x3ad: {  	_ =	swait.ge [sflag:s22], $0x1400  }
0x3ae: {  	[sflag:s22] =	ssyncset.done $0x0  }
0x3af: {  	s11 =	sadd.s32 $0x1D00, s6;
	[sflag:s22] =	ssyncadd.s32 $0xFFFFEC00  }
0x3b0: {  	[spmem:s2] =	stream.indirect.scatter.add.f32 [tilespmem:s12], [sflag:$0xA], $0x80, s11, s7, $0xb8;
	[tilespmem:$0x1F000] =	vst v63  }
0x3b1: {  	_ =	swait.ge [sflag:s23], $0x1400  }
0x3b2: {  	[sflag:s23] =	ssyncset.done $0x0  }
0x3b3: {  	s11 =	sadd.s32 $0x1D80, s6;
	[sflag:s23] =	ssyncadd.s32 $0xFFFFEC00  }
0x3b4: {  	[spmem:s2] =	stream.indirect.scatter.add.f32 [tilespmem:s14], [sflag:$0xB], $0x80, s11, s7, $0xb8;
	[tilespmem:$0x1F000] =	vst v63  }
0x3b5: {  	_ =	swait.ge [sflag:s24], $0x1400  }
0x3b6: {  	[sflag:s24] =	ssyncset.done $0x0  }
0x3b7: {  	s11 =	sadd.s32 $0x1E00, s6;
	[sflag:s24] =	ssyncadd.s32 $0xFFFFEC00  }
0x3b8: {  	[spmem:s2] =	stream.indirect.scatter.add.f32 [tilespmem:s17], [sflag:$0xC], $0x80, s11, s7, $0xb8;
	[tilespmem:$0x1F000] =	vst v63  }
0x3b9: {  	_ =	swait.ge [sflag:s25], $0x1400  }
0x3ba: {  	[sflag:s25] =	ssyncset.done $0x0  }
0x3bb: {  	s11 =	sadd.s32 $0x1E80, s6;
	[sflag:s25] =	ssyncadd.s32 $0xFFFFEC00  }
0x3bc: {  	[spmem:s2] =	stream.indirect.scatter.add.f32 [tilespmem:s18], [sflag:$0x7], $0x80, s11, s7, $0xb8;
	[tilespmem:$0x1F000] =	vst v63  }
0x3bd: {  	_ =	swait.ge [sflag:s26], $0x1400  }
0x3be: {  	[sflag:s26] =	ssyncset.done $0x0  }
0x3bf: {  	s11 =	sadd.s32 $0x300, s6;
	[sflag:s26] =	ssyncadd.s32 $0xFFFFEC00  }
0x3c0: {  	[tilespmem:s8], [sflag:$0x2] =	stream.indirect.gather [hbm4b:s1+s7], $0x80, s11, s7, $0xb8;
	[tilespmem:$0x1F000] =	vst v63  }
0x3c1: {  	_ =	swait.ge [sflag:s28], $0x1400  }
0x3c2: {  	[sflag:s28] =	ssyncset.done $0x0  }
0x3c3: {  	s6 =	sadd.s32 $0x380, s6;
	[sflag:s28] =	ssyncadd.s32 $0xFFFFEC00  }
0x3c4: {  	[tilespmem:s10], [sflag:$0x3] =	stream.indirect.gather [hbm4b:s1+s7], $0x80, s6, s7, $0xb8;
	[tilespmem:$0x1F000] =	vst v63  }
0x3c5: {  	_ =	swait.ge [sflag:s20], $0x1400  }
0x3c6: {  	[sflag:s20] =	ssyncset.done $0x0  }
0x3c7: {  	[sflag:s20] =	ssyncadd.s32 $0xFFFFEC00  }
0x3c8: {  	[spmem:s2] =	stream.indirect.scatter.add.f32 [tilespmem:s8], [sflag:$0x8], $0x80, s3, s7, $0xb8;
	[tilespmem:$0x1F000] =	vst v63  }
0x3c9: {  	_ =	swait.ge [sflag:s21], $0x1400  }
0x3ca: {  	[sflag:s21] =	ssyncset.done $0x0  }
0x3cb: {  	[sflag:s21] =	ssyncadd.s32 $0xFFFFEC00  }
0x3cc: {  	[spmem:s2] =	stream.indirect.scatter.add.f32 [tilespmem:s10], [sflag:$0x9], $0x80, s4, s7, $0xb8;
	[tilespmem:$0x1F000] =	vst v63  }
0x3cd: {  	_ =	swait.ge [sflag:s26], $0x1400  }
0x3ce: {  	[sflag:s26] =	ssyncset.done $0x0  }
0x3cf: {  	[sflag:s26] =	ssyncadd.s32 $0xFFFFEC00  }
0x3d0: {  	_ =	swait.ge [sflag:s28], $0x1400  }
0x3d1: {  	[sflag:s28] =	ssyncset.done $0x0  }
0x3d2: {  	[sflag:s28] =	ssyncadd.s32 $0xFFFFEC00  }
0x3d3: {  	_ =	swait.ge [sflag:s29], $0x1400  }
0x3d4: {  	[sflag:s29] =	ssyncset.done $0x0  }
0x3d5: {  	[sflag:s29] =	ssyncadd.s32 $0xFFFFEC00  }
0x3d6: {  	_ =	swait.ge [sflag:s30], $0x1400  }
0x3d7: {  	[sflag:s30] =	ssyncset.done $0x0  }
0x3d8: {  	[sflag:s30] =	ssyncadd.s32 $0xFFFFEC00  }
0x3d9: {  	_ =	swait.ge [sflag:s31], $0x1400  }
0x3da: {  	[sflag:s31] =	ssyncset.done $0x0  }
0x3db: {  	[sflag:s31] =	ssyncadd.s32 $0xFFFFEC00  }
0x3dc: {  	_ =	swait.ge [sflag:s0], $0x1400  }
0x3dd: {  	[sflag:s0] =	ssyncset.done $0x0  }
0x3de: {  	[sflag:s0] =	ssyncadd.s32 $0xFFFFEC00  }
0x3df: {  	s9 =	stileid.u32;
	[bflag:$0x0] =	sbarrier.arrive $0xFFFF  }
0x3e0: {  	s6 =	sshll.u32 s9, $0x6;
	s11 =	rddreg [dreg:$0x10]  }
0x3e1: {  	s6 =	sor.u32 $0x1C0D, s6;
	s9 =	sshrl.u32 s11, $0x3;
	s11 =	rddreg [dreg:$0xf]  }
0x3e2: {  	[hbm:s11], [sflag:s6] =	dma.local [spmem:s9], $0x2800  }
0x3e3: {  	_ =	swait.ge [sflag:s5], $0x2800  }
0x3e4: {  	s16 =	sadd.s32 $0x1, s16;
	s11 =	rddreg [dreg:$0x11]  }
0x3e5: {  	p0 =	sne.s32 s16, s11  }
.Ltmp6:
0x3e6: {  	_ = 	snop;
	(pc) =	sbr.rel @p0 .LBB2_1-.Ltmp6, $3  }
0x3e7: {  	_ =	sdelay $0x1  }
0x3e8: {  	[sflag:s5] =	ssyncset.done $0x0  }
0x3e9: {  	[sflag:s5] =	ssyncadd.s32 $0xFFFFD800  }
0x3ea: {  	_ =	sfence.sel $0x180000  }
0x3eb: {  	[bflag:$0x0] =	sbarrier.arrive $0xFFFF  }
0x3ec: {  	_ =	strace $0x90000047  }
0x3ed: {  	s0 =	stileid.u32;
	[bflag:$0x2] =	sbarrier.arrive $0xFFFF  }
0x3ee: {  	p0 =	sne.s32 s0, $0x0;
	s0 =	rddreg [dreg:$0x4]  }
0x3ef: {  	s0 =	sadd.s32 @!p0 $0x100000, s0  }
0x3f0: {  	[sflag:s0] =	ssyncadd.tile.s32 @!p0 $0x1;
	_ =	shalt  }
.Lfunc_end2:
_tile_overlayer_lowered:
.L_overlay_start_2:
0x3f1: {  	(tag) =	ssettag $0x2  }
0x3f2: {  	s0 =	rddreg [dreg:$0x0];
	s2 =	stileid.u32  }
0x3f3: {  	s1 =	rddreg [dreg:$0x1];
	p0 =	sne.s32 s2, $0x0  }
0x3f4: {  	s3 =	rddreg [dreg:$0x2];
	[bflag:$0x3] =	sbarrier.arrive $0xFFFF;
	s2 =	simm.s32 @!p0 $0x1C0D  }
0x3f5: {  	[timem:s3], [sflag:s2] =	dma.local @!p0 [hbm:s0], s1  }
0x3f6: {  	s0 =	simm.s32 @!p0 $0xD  }
0x3f7: {  	_ =	swait.ge @!p0 [sflag:s0], s1  }
0x3f8: {  	s1 =	ssub.s32 @!p0 $0x0, s1;
	[sflag:s0] =	ssyncset.done @!p0 $0x0  }
0x3f9: {  	[sflag:s0] =	ssyncadd.s32 @!p0 s1  }
0x3fa: {  	[bflag:$0x3] =	sbarrier.arrive $0xFFFF  }
0x3fb: {  	_ =	shalt  }

</sc_bundles>
